<compile_context>
chip_gen: v7x
topology: tpu7x:2x2x1
jax: 0.10.2.dev20260603
libtpu: 0.0.44.dev20260713+nightly
codegen_flags: <defaults>
</compile_context>

<pallas_src>
import jax
import jax.numpy as jnp
from jax import lax
from jax.experimental import pallas as pl
from jax.experimental.pallas import tpu as pltpu
from jax.experimental.pallas import tpu_sc as plsc

N = 10000
E = 320000
D = 128
G = 64

NC = 2
NS = 16
NW = NC * NS
EPW = 10240
E_PAD = NW * EPW
K = 128
CHUNKS = EPW // K
NP = 10240
RPT = NP // NS
ZR = 32

_mesh = plsc.VectorSubcoreMesh(
    core_axis_name="c", subcore_axis_name="s", num_cores=NC, num_subcores=NS)


def _fill_const(ref, rows, width, val):
    def body(i, _):
        r = i // (width // 16)
        c = (i % (width // 16)) * 16
        ref[r, pl.ds(c, 16)] = jnp.full((16,), val, jnp.float32)
        return 0
    lax.fori_loop(0, rows * (width // 16), body, 0)


_DEG_KERNEL_ARGS = dict(
    out_type=jax.ShapeDtypeStruct((NC * NP,), jnp.float32),
    mesh=_mesh,
    compiler_params=pltpu.CompilerParams(needs_layout_passes=False),
    scratch_types=[
        pltpu.VMEM((CHUNKS, K), jnp.int32),
        pltpu.VMEM((NP,), jnp.float32),
        pltpu.VMEM((NS, RPT), jnp.float32),
        pltpu.VMEM((RPT,), jnp.float32),
        pltpu.VMEM_SHARED((NS, NP), jnp.float32),
        pltpu.SemaphoreType.DMA,
    ],
)


def _deg_body(col3_hbm, out_hbm, colb, hist, redbuf, sums, shr, sem):
    cid = lax.axis_index("c")
    sid = lax.axis_index("s")
    wid = cid * NS + sid

    idx_cp = pltpu.async_copy(col3_hbm.at[wid], colb, sem)

    def zero(i, _):
        hist[pl.ds(i * 16, 16)] = jnp.zeros((16,), jnp.float32)
        return 0
    lax.fori_loop(0, NP // 16, zero, 0)
    idx_cp.wait()

    ones16 = jnp.ones((16,), jnp.float32)
    GPC = K // 16

    def scat(it, _):
        g = it // GPC
        j = it % GPC
        idx = colb[g, pl.ds(j * 16, 16)]
        plsc.addupdate_scatter(hist, [idx], ones16)
        return 0
    lax.fori_loop(0, CHUNKS * GPC, scat, 0)

    pltpu.sync_copy(hist, shr.at[sid])
    plsc.subcore_barrier()

    for r in range(NS):
        pltpu.sync_copy(shr.at[r, pl.ds(sid * RPT, RPT)], redbuf.at[r])

    def red(i, _):
        acc = jnp.zeros((16,), jnp.float32)
        for r in range(NS):
            acc = acc + redbuf[r, pl.ds(i * 16, 16)]
        sums[pl.ds(i * 16, 16)] = acc
        return 0
    lax.fori_loop(0, RPT // 16, red, 0)

    pltpu.sync_copy(sums, out_hbm.at[pl.ds(cid * NP + sid * RPT, RPT)])


_deg_kernel = pl.kernel(_deg_body, **_DEG_KERNEL_ARGS)


_CONV_KERNEL_ARGS = dict(
    out_type=jax.ShapeDtypeStruct((NC * NP, D), jnp.float32),
    mesh=_mesh,
    scratch_types=[
        pltpu.VMEM((K,), jnp.int32),
        pltpu.VMEM((K,), jnp.int32),
        pltpu.VMEM((CHUNKS, K), jnp.int32),
        pltpu.VMEM((K, D), jnp.float32),
        pltpu.VMEM((K, D), jnp.float32),
        pltpu.VMEM((ZR, D), jnp.float32),
        pltpu.VMEM_SHARED((NP, D), jnp.float32),
        pltpu.SemaphoreType.DMA,
        pltpu.SemaphoreType.DMA,
        pltpu.SemaphoreType.DMA,
        pltpu.SemaphoreType.DMA,
    ],
)


def _conv_body(u_hbm, row_hbm, col3_hbm, out_hbm,
               ri0, ri1, colb, r0_v, r1_v, zbuf_v, acc_sh,
               si0, si1, sg0, sg1):
    cid = lax.axis_index("c")
    sid = lax.axis_index("s")
    wid = cid * NS + sid
    ebase = wid * EPW

    col_cp = pltpu.async_copy(col3_hbm.at[wid], colb, sg1)

    @pl.when(cid == 0)
    def _():
        @pl.when(sid < NS - 1)
        def _():
            pltpu.sync_copy(u_hbm.at[pl.ds(sid * RPT, RPT)],
                            acc_sh.at[pl.ds(sid * RPT, RPT)])

        @pl.when(sid == NS - 1)
        def _():
            pltpu.sync_copy(u_hbm.at[pl.ds((NS - 1) * RPT, N - (NS - 1) * RPT)],
                            acc_sh.at[pl.ds((NS - 1) * RPT, N - (NS - 1) * RPT)])

    @pl.when(cid == 1)
    def _():
        _fill_const(zbuf_v, ZR, D, 0.0)
        for z in range(RPT // ZR):
            pltpu.sync_copy(zbuf_v, acc_sh.at[pl.ds(sid * RPT + z * ZR, ZR)])
    col_cp.wait()
    plsc.subcore_barrier()

    def idx_load(g, buf, sem):
        return pltpu.async_copy(row_hbm.at[pl.ds(ebase + g * K, K)], buf, sem)

    def idx_wait(buf, sem):
        pltpu.make_async_copy(row_hbm.at[pl.ds(0, K)], buf, sem).wait()

    def gather(ibuf, buf, sem):
        return pltpu.async_copy(u_hbm.at[ibuf], buf, sem)

    def gwait(buf, sem):
        pltpu.make_async_copy(u_hbm.at[ri0], buf, sem).wait()

    def scatter(g, buf):
        pltpu.sync_copy(buf, acc_sh.at[colb.at[g]], add=True)

    idx_load(0, ri0, si0)
    idx_wait(ri0, si0)
    gather(ri0, r0_v, sg0)
    idx_load(1, ri1, si1)

    def body(i, _):
        a = 2 * i
        idx_wait(ri1, si1)
        gather(ri1, r1_v, sg1)
        gwait(r0_v, sg0)

        @pl.when(a + 2 < CHUNKS)
        def _():
            idx_load(a + 2, ri0, si0)
        scatter(a, r0_v)

        @pl.when(a + 2 < CHUNKS)
        def _():
            idx_wait(ri0, si0)
            gather(ri0, r0_v, sg0)
        gwait(r1_v, sg1)

        @pl.when(a + 3 < CHUNKS)
        def _():
            idx_load(a + 3, ri1, si1)
        scatter(a + 1, r1_v)
        return 0
    lax.fori_loop(0, CHUNKS // 2, body, 0)

    plsc.subcore_barrier()
    pltpu.sync_copy(acc_sh.at[pl.ds(sid * RPT, RPT)],
                    out_hbm.at[pl.ds(cid * NP + sid * RPT, RPT)])


_conv_kernel = pl.kernel(_conv_body, **_CONV_KERNEL_ARGS)


def _tc1_body(x_ref, fcwt_ref, fcb_ref, w1t_ref, degp_ref, u1_ref, dis_ref):
    deg = degp_ref[0, 0:N, :] + degp_ref[1, 0:N, :] + 1.0
    dis = lax.rsqrt(deg)
    dis_ref[...] = dis
    h0 = jnp.dot(x_ref[...], fcwt_ref[...],
                 preferred_element_type=jnp.float32) + fcb_ref[...]
    t1 = jnp.dot(h0, w1t_ref[...], preferred_element_type=jnp.float32)
    u1_ref[...] = t1 * dis


def _tc2_body(acc_ref, dis_ref, b_ref, wt_ref, uo_ref):
    s = acc_ref[0, 0:N, :] + acc_ref[1, 0:N, :]
    dis = dis_ref[...]
    h = jnp.maximum(s * dis + b_ref[...], 0.0)
    t = jnp.dot(h, wt_ref[...], preferred_element_type=jnp.float32)
    uo_ref[...] = t * dis


def _tc3_body(acc_ref, dis_ref, b_ref, batch_ref, out_ref):
    s = acc_ref[0, 0:N, :] + acc_ref[1, 0:N, :]
    h = jnp.maximum(s * dis_ref[...] + b_ref[...], 0.0)
    seg = lax.broadcasted_iota(jnp.int32, (G, N), 0)
    onehot = (seg == jnp.broadcast_to(batch_ref[...], (G, N))
              ).astype(jnp.float32)
    sums = jnp.dot(onehot, h, preferred_element_type=jnp.float32)
    counts = jnp.sum(onehot, axis=1, keepdims=True)
    out_ref[...] = sums / jnp.maximum(counts, 1.0)


_tc1 = pl.pallas_call(
    _tc1_body,
    out_shape=(jax.ShapeDtypeStruct((N, D), jnp.float32),
               jax.ShapeDtypeStruct((N, 1), jnp.float32)))

_tc2 = pl.pallas_call(
    _tc2_body, out_shape=jax.ShapeDtypeStruct((N, D), jnp.float32))

_tc3 = pl.pallas_call(
    _tc3_body, out_shape=jax.ShapeDtypeStruct((G, D), jnp.float32))


def kernel(x, edge_index, batch, fc_W, fc_b, W1, b1, W2, b2):
    pad = E_PAD - E
    row1 = jnp.concatenate(
        [edge_index[0], (jnp.arange(pad, dtype=jnp.int32) % N)])
    col3 = jnp.concatenate(
        [edge_index[1],
         N + (jnp.arange(pad, dtype=jnp.int32) % (NP - N))]).reshape(NW, CHUNKS, K)

    degp = _deg_kernel(col3).reshape(NC, NP, 1)
    u1, dis = _tc1(x, fc_W.T, fc_b.reshape(1, D), W1.T, degp)

    acc1 = _conv_kernel(u1, row1, col3).reshape(NC, NP, D)
    u2 = _tc2(acc1, dis, b1.reshape(1, D), W2.T)

    acc2 = _conv_kernel(u2, row1, col3).reshape(NC, NP, D)
    out = _tc3(acc2, dis, b2.reshape(1, D), batch.reshape(1, N))
    return out

# --- scband reference (transcript-rebuilt; emitter-appended) ---
"""Pipeline reference for scband-gcnnet-36189394437068 (READ-ONLY COPY).

The authoritative reference and input builder live on the scoring server;
editing this copy changes nothing except your own understanding.
"""

import jax, jax.numpy as jnp
import numpy as np

N = 10000
E = 320000
D = 128
G = 64


def setup_inputs(seed: int = 0) -> dict:
    key = jax.random.key(seed)
    ks = jax.random.split(key, 10)
    x = jax.random.normal(ks[0], (N, D), dtype=jnp.float32)
    edge_index = jax.random.randint(ks[1], (2, E), 0, N, dtype=jnp.int32)
    batch = jnp.sort(jax.random.randint(ks[2], (N,), 0, G, dtype=jnp.int32))
    fc_W = jax.random.normal(ks[3], (D, D), dtype=jnp.float32) * (1.0 / np.sqrt(D))
    fc_b = jnp.zeros((D,), dtype=jnp.float32)
    W1 = jax.random.normal(ks[4], (D, D), dtype=jnp.float32) * (1.0 / np.sqrt(D))
    b1 = jnp.zeros((D,), dtype=jnp.float32)
    W2 = jax.random.normal(ks[5], (D, D), dtype=jnp.float32) * (1.0 / np.sqrt(D))
    b2 = jnp.zeros((D,), dtype=jnp.float32)
    return {"x": x, "edge_index": edge_index, "batch": batch,
            "fc_W": fc_W, "fc_b": fc_b, "W1": W1, "b1": b1, "W2": W2, "b2": b2}


def gcn_conv(h, edge_index, W, b):
    # Faithful PyG GCNConv: linear (no bias), add self-loops, symmetric norm,
    # scatter-add aggregation to dst nodes, then add bias.
    n = h.shape[0]
    h = h @ W.T
    loop = jnp.arange(n, dtype=edge_index.dtype)
    row = jnp.concatenate([edge_index[0], loop])
    col = jnp.concatenate([edge_index[1], loop])
    ew = jnp.ones(row.shape[0], dtype=h.dtype)
    deg = jnp.zeros((n,), dtype=h.dtype).at[col].add(ew)
    deg_inv_sqrt = deg ** -0.5  # deg >= 1 thanks to self-loops
    norm = deg_inv_sqrt[row] * ew * deg_inv_sqrt[col]
    msg = h[row] * norm[:, None]
    out = jnp.zeros_like(h).at[col].add(msg)
    return out + b


def reference(x, edge_index, batch, fc_W, fc_b, W1, b1, W2, b2):
    # Dropout is identity in eval mode.
    h = x @ fc_W.T + fc_b
    h = gcn_conv(h, edge_index, W1, b1)
    h = jax.nn.relu(h)
    h = gcn_conv(h, edge_index, W2, b2)
    h = jax.nn.relu(h)
    sums = jax.ops.segment_sum(h, batch, num_segments=G)
    counts = jax.ops.segment_sum(jnp.ones((h.shape[0],), dtype=h.dtype), batch, num_segments=G)
    return sums / jnp.maximum(counts, 1.0)[:, None]

if __name__ == "__main__":
    import jax
    _d = setup_inputs()
    print(jax.jit(kernel)(*tuple(_d.values())))

</pallas_src>

<mosaic_0001>
#map = affine_map<(d0, d1) -> (0, 0)>
#map1 = affine_map<(d0, d1) -> (0)>
#map2 = affine_map<(d0, d1) -> (0, 0, 0)>
module attributes {stable_mosaic.version = 14 : i64} {
  func.func @_conv_body(%arg0: i32, %arg1: i32, %arg2: memref<10000x128xf32, #tpu.memory_space<hbm>>, %arg3: memref<327680xi32, #tpu.memory_space<hbm>>, %arg4: memref<32x80x128xi32, #tpu.memory_space<hbm>>, %arg5: memref<20480x128xf32, #tpu.memory_space<hbm>>, %arg6: memref<128xi32, #tpu.memory_space<vmem>>, %arg7: memref<128xi32, #tpu.memory_space<vmem>>, %arg8: memref<80x128xi32, #tpu.memory_space<vmem>>, %arg9: memref<128x128xf32, #tpu.memory_space<vmem>>, %arg10: memref<128x128xf32, #tpu.memory_space<vmem>>, %arg11: memref<32x128xf32, #tpu.memory_space<vmem>>, %arg12: memref<10240x128xf32, #tpu.memory_space<vmem_shared>>, %arg13: memref<!tpu.dma_semaphore, #tpu.memory_space<semaphore_mem>>, %arg14: memref<!tpu.dma_semaphore, #tpu.memory_space<semaphore_mem>>, %arg15: memref<!tpu.dma_semaphore, #tpu.memory_space<semaphore_mem>>, %arg16: memref<!tpu.dma_semaphore, #tpu.memory_space<semaphore_mem>>) attributes {dimension_semantics = [#tpu.dimension_semantics<core_parallel>, #tpu.dimension_semantics<subcore_parallel>], iteration_bounds = array<i64: 2, 16>, scalar_prefetch = 0 : i64, scratch_operands = 11 : i64, tpu.core_type = #tpu.core_type<sc_vector_subcore>, window_params = [{transform_indices = #map}, {transform_indices = #map1}, {transform_indices = #map2}, {transform_indices = #map}]} {
    %mul3A = arith.constant 16 : i32
    %mul3A_0 = arith.muli %arg0, %mul3A : i32
    %add3A = arith.addi %mul3A_0, %arg1 : i32
    %mul3A_1 = arith.constant 10240 : i32
    %mul3A_2 = arith.muli %add3A, %mul3A_1 : i32
    %dma_start3A = arith.constant 0 : i32
    %dma_start3A_3 = arith.constant 0 : i32
    %dma_start3A_4 = tpu.memref_slice %arg4[%add3A, %dma_start3A, %dma_start3A_3] : memref<32x80x128xi32, #tpu.memory_space<hbm>> -> memref<1x80x128xi32, #tpu.memory_space<hbm>>
    %dma_start3A_5 = tpu.memref_squeeze %dma_start3A_4 : memref<1x80x128xi32, #tpu.memory_space<hbm>> -> memref<80x128xi32, #tpu.memory_space<hbm>>
    %dma_start3A_6 = arith.constant 0 : i32
    %dma_start3A_7 = arith.constant 0 : i32
    %dma_start3A_8 = tpu.memref_slice %arg4[%add3A, %dma_start3A_6, %dma_start3A_7] : memref<32x80x128xi32, #tpu.memory_space<hbm>> -> memref<1x80x128xi32, #tpu.memory_space<hbm>>
    %dma_start3A_9 = tpu.memref_squeeze %dma_start3A_8 : memref<1x80x128xi32, #tpu.memory_space<hbm>> -> memref<80x128xi32, #tpu.memory_space<hbm>>
    tpu.enqueue_dma source(%dma_start3A_9 : memref<80x128xi32, #tpu.memory_space<hbm>>) target(%arg8 : memref<80x128xi32, #tpu.memory_space<vmem>>) target_semaphore(%arg16 : memref<!tpu.dma_semaphore, #tpu.memory_space<semaphore_mem>>)
    %eq3A = arith.constant 0 : i32
    %eq3A_10 = arith.cmpi eq, %arg0, %eq3A : i32
    %convert_element_type3A = arith.extui %eq3A_10 : i1 to i32
    %cond3A = arith.constant 0 : i32
    %cond3A_11 = arith.cmpi ne, %convert_element_type3A, %cond3A : i32
    scf.if %cond3A_11 {
      %lt3A = arith.constant 15 : i32
      %lt3A_53 = arith.cmpi slt, %arg1, %lt3A : i32
      %convert_element_type3A_54 = arith.extui %lt3A_53 : i1 to i32
      %cond3A_55 = arith.constant 0 : i32
      %cond3A_56 = arith.cmpi ne, %convert_element_type3A_54, %cond3A_55 : i32
      scf.if %cond3A_56 {
        %mul3A_62 = arith.constant 640 : i32
        %mul3A_63 = arith.muli %arg1, %mul3A_62 : i32
        %mul3A_64 = arith.constant 640 : i32
        %mul3A_65 = arith.muli %arg1, %mul3A_64 : i32
        "tpu.region"() ({
          %run_scoped3A = tpu.sem_alloc : memref<!tpu.dma_semaphore, #tpu.memory_space<semaphore_mem>>
          %dma_start3A_66 = arith.constant 0 : i32
          %dma_start3A_67 = tpu.memref_slice %arg12[%mul3A_65, %dma_start3A_66] : memref<10240x128xf32, #tpu.memory_space<vmem_shared>> -> memref<640x128xf32, #tpu.memory_space<vmem_shared>>
          %dma_start3A_68 = arith.constant 0 : i32
          %dma_start3A_69 = tpu.memref_slice %arg2[%mul3A_63, %dma_start3A_68] : memref<10000x128xf32, #tpu.memory_space<hbm>> -> memref<640x128xf32, #tpu.memory_space<hbm>>
          tpu.enqueue_dma source(%dma_start3A_69 : memref<640x128xf32, #tpu.memory_space<hbm>>) target(%dma_start3A_67 : memref<640x128xf32, #tpu.memory_space<vmem_shared>>) target_semaphore(%run_scoped3A : memref<!tpu.dma_semaphore, #tpu.memory_space<semaphore_mem>>)
          %dma_wait3A_70 = arith.constant 0 : i32
          %dma_wait3A_71 = tpu.memref_slice %arg12[%mul3A_65, %dma_wait3A_70] : memref<10240x128xf32, #tpu.memory_space<vmem_shared>> -> memref<640x128xf32, #tpu.memory_space<vmem_shared>>
          %dma_wait3A_72 = arith.constant 0 : i32
          %dma_wait3A_73 = tpu.memref_slice %arg2[%mul3A_63, %dma_wait3A_72] : memref<10000x128xf32, #tpu.memory_space<hbm>> -> memref<640x128xf32, #tpu.memory_space<hbm>>
          tpu.wait_dma2 semaphore(%run_scoped3A : memref<!tpu.dma_semaphore, #tpu.memory_space<semaphore_mem>>) src(%dma_wait3A_73 : memref<640x128xf32, #tpu.memory_space<hbm>>) dst(%dma_wait3A_71 : memref<640x128xf32, #tpu.memory_space<vmem_shared>>)
          tpu.yield
        }) : () -> ()
      } else {
      }
      %eq3A_57 = arith.constant 15 : i32
      %eq3A_58 = arith.cmpi eq, %arg1, %eq3A_57 : i32
      %convert_element_type3A_59 = arith.extui %eq3A_58 : i1 to i32
      %cond3A_60 = arith.constant 0 : i32
      %cond3A_61 = arith.cmpi ne, %convert_element_type3A_59, %cond3A_60 : i32
      scf.if %cond3A_61 {
        "tpu.region"() ({
          %run_scoped3A = tpu.sem_alloc : memref<!tpu.dma_semaphore, #tpu.memory_space<semaphore_mem>>
          %dma_start3A_62 = arith.constant 9600 : i32
          %dma_start3A_63 = arith.constant 0 : i32
          %dma_start3A_64 = tpu.memref_slice %arg12[%dma_start3A_62, %dma_start3A_63] : memref<10240x128xf32, #tpu.memory_space<vmem_shared>> -> memref<400x128xf32, #tpu.memory_space<vmem_shared>>
          %dma_start3A_65 = arith.constant 9600 : i32
          %dma_start3A_66 = arith.constant 0 : i32
          %dma_start3A_67 = tpu.memref_slice %arg2[%dma_start3A_65, %dma_start3A_66] : memref<10000x128xf32, #tpu.memory_space<hbm>> -> memref<400x128xf32, #tpu.memory_space<hbm>>
          tpu.enqueue_dma source(%dma_start3A_67 : memref<400x128xf32, #tpu.memory_space<hbm>>) target(%dma_start3A_64 : memref<400x128xf32, #tpu.memory_space<vmem_shared>>) target_semaphore(%run_scoped3A : memref<!tpu.dma_semaphore, #tpu.memory_space<semaphore_mem>>)
          %dma_wait3A_68 = arith.constant 9600 : i32
          %dma_wait3A_69 = arith.constant 0 : i32
          %dma_wait3A_70 = tpu.memref_slice %arg12[%dma_wait3A_68, %dma_wait3A_69] : memref<10240x128xf32, #tpu.memory_space<vmem_shared>> -> memref<400x128xf32, #tpu.memory_space<vmem_shared>>
          %dma_wait3A_71 = arith.constant 9600 : i32
          %dma_wait3A_72 = arith.constant 0 : i32
          %dma_wait3A_73 = tpu.memref_slice %arg2[%dma_wait3A_71, %dma_wait3A_72] : memref<10000x128xf32, #tpu.memory_space<hbm>> -> memref<400x128xf32, #tpu.memory_space<hbm>>
          tpu.wait_dma2 semaphore(%run_scoped3A : memref<!tpu.dma_semaphore, #tpu.memory_space<semaphore_mem>>) src(%dma_wait3A_73 : memref<400x128xf32, #tpu.memory_space<hbm>>) dst(%dma_wait3A_70 : memref<400x128xf32, #tpu.memory_space<vmem_shared>>)
          tpu.yield
        }) : () -> ()
      } else {
      }
    } else {
    }
    %eq3A_12 = arith.constant 1 : i32
    %eq3A_13 = arith.cmpi eq, %arg0, %eq3A_12 : i32
    %convert_element_type3A_14 = arith.extui %eq3A_13 : i1 to i32
    %cond3A_15 = arith.constant 0 : i32
    %cond3A_16 = arith.cmpi ne, %convert_element_type3A_14, %cond3A_15 : i32
    scf.if %cond3A_16 {
      %scan3A_53 = arith.constant 0 : i32
      %scan3A_54 = arith.constant 0 : i32
      %scan3A_55 = arith.constant 256 : i32
      %scan3A_56 = arith.addi %scan3A_54, %scan3A_55 : i32
      %scan3A_57 = arith.constant 1 : i32
      %scan3A_58 = scf.for %scan3A_140 = %scan3A_54 to %scan3A_56 step %scan3A_57 iter_args(%scan3A_141 = %scan3A_53) -> (i32)  : i32 {
        %jit3A = arith.constant 8 : i32
        %div3A = arith.divsi %scan3A_140, %jit3A : i32
        %sign3A = arith.constant 0 : i32
        %sign3A_142 = arith.cmpi sgt, %scan3A_140, %sign3A : i32
        %sign3A_143 = arith.extui %sign3A_142 : i1 to i32
        %sign3A_144 = arith.constant 0 : i32
        %sign3A_145 = arith.cmpi slt, %scan3A_140, %sign3A_144 : i32
        %sign3A_146 = arith.extui %sign3A_145 : i1 to i32
        %sign3A_147 = arith.subi %sign3A_143, %sign3A_146 : i32
        %sign3A_148 = arith.constant 0 : i32
        %sign3A_149 = arith.cmpi sgt, %jit3A, %sign3A_148 : i32
        %sign3A_150 = arith.extui %sign3A_149 : i1 to i32
        %sign3A_151 = arith.constant 0 : i32
        %sign3A_152 = arith.cmpi slt, %jit3A, %sign3A_151 : i32
        %sign3A_153 = arith.extui %sign3A_152 : i1 to i32
        %sign3A_154 = arith.subi %sign3A_150, %sign3A_153 : i32
        %ne3A = arith.cmpi ne, %sign3A_147, %sign3A_154 : i32
        %rem3A = arith.remsi %scan3A_140, %jit3A : i32
        %ne3A_155 = arith.constant 0 : i32
        %ne3A_156 = arith.cmpi ne, %rem3A, %ne3A_155 : i32
        %and3A = arith.andi %ne3A, %ne3A_156 : i1
        %sub3A = arith.constant 1 : i32
        %sub3A_157 = arith.subi %div3A, %sub3A : i32
        %select_n3A = arith.select %and3A, %sub3A_157, %div3A : i32
        %jit3A_158 = arith.constant 8 : i32
        %eq3A_159 = arith.constant 0 : i32
        %eq3A_160 = arith.cmpi eq, %jit3A_158, %eq3A_159 : i32
        %jit3A_161 = arith.constant 1 : i32
        %select_n3A_162 = arith.select %eq3A_160, %jit3A_161, %jit3A_158 : i32
        %rem3A_163 = arith.remsi %scan3A_140, %select_n3A_162 : i32
        %ne3A_164 = arith.constant 0 : i32
        %ne3A_165 = arith.cmpi ne, %rem3A_163, %ne3A_164 : i32
        %lt3A = arith.constant 0 : i32
        %lt3A_166 = arith.cmpi slt, %rem3A_163, %lt3A : i32
        %lt3A_167 = arith.constant 0 : i32
        %lt3A_168 = arith.cmpi slt, %select_n3A_162, %lt3A_167 : i32
        %ne3A_169 = arith.xori %lt3A_166, %lt3A_168 : i1
        %and3A_170 = arith.andi %ne3A_169, %ne3A_165 : i1
        %add3A_171 = arith.addi %rem3A_163, %select_n3A_162 : i32
        %select_n3A_172 = arith.select %and3A_170, %add3A_171, %rem3A_163 : i32
        %mul3A_173 = arith.constant 16 : i32
        %mul3A_174 = arith.muli %select_n3A_172, %mul3A_173 : i32
        %broadcast_in_dim3A = arith.constant 0.000000e+00 : f32
        %broadcast_in_dim3A_175 = vector.broadcast %broadcast_in_dim3A : f32 to vector<16xf32>
        %swap3A = arith.index_cast %select_n3A : i32 to index
        %swap3A_176 = arith.index_cast %mul3A_174 : i32 to index
        %swap3A_177 = tpu.vector_load %arg11[%swap3A, %swap3A_176] {strides = array<i32>} : memref<32x128xf32, #tpu.memory_space<vmem>>, vector<1x16xf32>,
        %swap3A_178 = vector.shape_cast %swap3A_177 : vector<1x16xf32> to vector<16xf32>
        %swap3A_179 = vector.shape_cast %broadcast_in_dim3A_175 : vector<16xf32> to vector<1x16xf32>
        tpu.vector_store %arg11[%swap3A, %swap3A_176], %swap3A_179 {strides = array<i32>} : memref<32x128xf32, #tpu.memory_space<vmem>>, vector<1x16xf32>,
        %scan3A_180 = arith.constant 0 : i32
        scf.yield %scan3A_180 : i32
      }
      %scan3A_59 = arith.constant 256 : i32
      %mul3A_60 = arith.constant 640 : i32
      %mul3A_61 = arith.muli %arg1, %mul3A_60 : i32
      %add3A_62 = arith.constant 0 : i32
      %add3A_63 = arith.addi %mul3A_61, %add3A_62 : i32
      "tpu.region"() ({
        %run_scoped3A = tpu.sem_alloc : memref<!tpu.dma_semaphore, #tpu.memory_space<semaphore_mem>>
        %dma_start3A_140 = arith.constant 0 : i32
        %dma_start3A_141 = tpu.memref_slice %arg12[%add3A_63, %dma_start3A_140] : memref<10240x128xf32, #tpu.memory_space<vmem_shared>> -> memref<32x128xf32, #tpu.memory_space<vmem_shared>>
        %dma_start3A_142 = arith.constant 0 : i32
        %dma_start3A_143 = tpu.memref_slice %arg12[%add3A_63, %dma_start3A_142] : memref<10240x128xf32, #tpu.memory_space<vmem_shared>> -> memref<32x128xf32, #tpu.memory_space<vmem_shared>>
        tpu.enqueue_dma source(%arg11 : memref<32x128xf32, #tpu.memory_space<vmem>>) target(%dma_start3A_143 : memref<32x128xf32, #tpu.memory_space<vmem_shared>>) target_semaphore(%run_scoped3A : memref<!tpu.dma_semaphore, #tpu.memory_space<semaphore_mem>>)
        %dma_wait3A_144 = arith.constant 0 : i32
        %dma_wait3A_145 = tpu.memref_slice %arg12[%add3A_63, %dma_wait3A_144] : memref<10240x128xf32, #tpu.memory_space<vmem_shared>> -> memref<32x128xf32, #tpu.memory_space<vmem_shared>>
        %dma_wait3A_146 = arith.constant 0 : i32
        %dma_wait3A_147 = tpu.memref_slice %arg12[%add3A_63, %dma_wait3A_146] : memref<10240x128xf32, #tpu.memory_space<vmem_shared>> -> memref<32x128xf32, #tpu.memory_space<vmem_shared>>
        tpu.wait_dma2 semaphore(%run_scoped3A : memref<!tpu.dma_semaphore, #tpu.memory_space<semaphore_mem>>) src(%arg11 : memref<32x128xf32, #tpu.memory_space<vmem>>) dst(%dma_wait3A_147 : memref<32x128xf32, #tpu.memory_space<vmem_shared>>)
        tpu.yield
      }) : () -> ()
      %mul3A_64 = arith.constant 640 : i32
      %mul3A_65 = arith.muli %arg1, %mul3A_64 : i32
      %add3A_66 = arith.constant 32 : i32
      %add3A_67 = arith.addi %mul3A_65, %add3A_66 : i32
      "tpu.region"() ({
        %run_scoped3A = tpu.sem_alloc : memref<!tpu.dma_semaphore, #tpu.memory_space<semaphore_mem>>
        %dma_start3A_140 = arith.constant 0 : i32
        %dma_start3A_141 = tpu.memref_slice %arg12[%add3A_67, %dma_start3A_140] : memref<10240x128xf32, #tpu.memory_space<vmem_shared>> -> memref<32x128xf32, #tpu.memory_space<vmem_shared>>
        %dma_start3A_142 = arith.constant 0 : i32
        %dma_start3A_143 = tpu.memref_slice %arg12[%add3A_67, %dma_start3A_142] : memref<10240x128xf32, #tpu.memory_space<vmem_shared>> -> memref<32x128xf32, #tpu.memory_space<vmem_shared>>
        tpu.enqueue_dma source(%arg11 : memref<32x128xf32, #tpu.memory_space<vmem>>) target(%dma_start3A_143 : memref<32x128xf32, #tpu.memory_space<vmem_shared>>) target_semaphore(%run_scoped3A : memref<!tpu.dma_semaphore, #tpu.memory_space<semaphore_mem>>)
        %dma_wait3A_144 = arith.constant 0 : i32
        %dma_wait3A_145 = tpu.memref_slice %arg12[%add3A_67, %dma_wait3A_144] : memref<10240x128xf32, #tpu.memory_space<vmem_shared>> -> memref<32x128xf32, #tpu.memory_space<vmem_shared>>
        %dma_wait3A_146 = arith.constant 0 : i32
        %dma_wait3A_147 = tpu.memref_slice %arg12[%add3A_67, %dma_wait3A_146] : memref<10240x128xf32, #tpu.memory_space<vmem_shared>> -> memref<32x128xf32, #tpu.memory_space<vmem_shared>>
        tpu.wait_dma2 semaphore(%run_scoped3A : memref<!tpu.dma_semaphore, #tpu.memory_space<semaphore_mem>>) src(%arg11 : memref<32x128xf32, #tpu.memory_space<vmem>>) dst(%dma_wait3A_147 : memref<32x128xf32, #tpu.memory_space<vmem_shared>>)
        tpu.yield
      }) : () -> ()
      %mul3A_68 = arith.constant 640 : i32
      %mul3A_69 = arith.muli %arg1, %mul3A_68 : i32
      %add3A_70 = arith.constant 64 : i32
      %add3A_71 = arith.addi %mul3A_69, %add3A_70 : i32
      "tpu.region"() ({
        %run_scoped3A = tpu.sem_alloc : memref<!tpu.dma_semaphore, #tpu.memory_space<semaphore_mem>>
        %dma_start3A_140 = arith.constant 0 : i32
        %dma_start3A_141 = tpu.memref_slice %arg12[%add3A_71, %dma_start3A_140] : memref<10240x128xf32, #tpu.memory_space<vmem_shared>> -> memref<32x128xf32, #tpu.memory_space<vmem_shared>>
        %dma_start3A_142 = arith.constant 0 : i32
        %dma_start3A_143 = tpu.memref_slice %arg12[%add3A_71, %dma_start3A_142] : memref<10240x128xf32, #tpu.memory_space<vmem_shared>> -> memref<32x128xf32, #tpu.memory_space<vmem_shared>>
        tpu.enqueue_dma source(%arg11 : memref<32x128xf32, #tpu.memory_space<vmem>>) target(%dma_start3A_143 : memref<32x128xf32, #tpu.memory_space<vmem_shared>>) target_semaphore(%run_scoped3A : memref<!tpu.dma_semaphore, #tpu.memory_space<semaphore_mem>>)
        %dma_wait3A_144 = arith.constant 0 : i32
        %dma_wait3A_145 = tpu.memref_slice %arg12[%add3A_71, %dma_wait3A_144] : memref<10240x128xf32, #tpu.memory_space<vmem_shared>> -> memref<32x128xf32, #tpu.memory_space<vmem_shared>>
        %dma_wait3A_146 = arith.constant 0 : i32
        %dma_wait3A_147 = tpu.memref_slice %arg12[%add3A_71, %dma_wait3A_146] : memref<10240x128xf32, #tpu.memory_space<vmem_shared>> -> memref<32x128xf32, #tpu.memory_space<vmem_shared>>
        tpu.wait_dma2 semaphore(%run_scoped3A : memref<!tpu.dma_semaphore, #tpu.memory_space<semaphore_mem>>) src(%arg11 : memref<32x128xf32, #tpu.memory_space<vmem>>) dst(%dma_wait3A_147 : memref<32x128xf32, #tpu.memory_space<vmem_shared>>)
        tpu.yield
      }) : () -> ()
      %mul3A_72 = arith.constant 640 : i32
      %mul3A_73 = arith.muli %arg1, %mul3A_72 : i32
      %add3A_74 = arith.constant 96 : i32
      %add3A_75 = arith.addi %mul3A_73, %add3A_74 : i32
      "tpu.region"() ({
        %run_scoped3A = tpu.sem_alloc : memref<!tpu.dma_semaphore, #tpu.memory_space<semaphore_mem>>
        %dma_start3A_140 = arith.constant 0 : i32
        %dma_start3A_141 = tpu.memref_slice %arg12[%add3A_75, %dma_start3A_140] : memref<10240x128xf32, #tpu.memory_space<vmem_shared>> -> memref<32x128xf32, #tpu.memory_space<vmem_shared>>
        %dma_start3A_142 = arith.constant 0 : i32
        %dma_start3A_143 = tpu.memref_slice %arg12[%add3A_75, %dma_start3A_142] : memref<10240x128xf32, #tpu.memory_space<vmem_shared>> -> memref<32x128xf32, #tpu.memory_space<vmem_shared>>
        tpu.enqueue_dma source(%arg11 : memref<32x128xf32, #tpu.memory_space<vmem>>) target(%dma_start3A_143 : memref<32x128xf32, #tpu.memory_space<vmem_shared>>) target_semaphore(%run_scoped3A : memref<!tpu.dma_semaphore, #tpu.memory_space<semaphore_mem>>)
        %dma_wait3A_144 = arith.constant 0 : i32
        %dma_wait3A_145 = tpu.memref_slice %arg12[%add3A_75, %dma_wait3A_144] : memref<10240x128xf32, #tpu.memory_space<vmem_shared>> -> memref<32x128xf32, #tpu.memory_space<vmem_shared>>
        %dma_wait3A_146 = arith.constant 0 : i32
        %dma_wait3A_147 = tpu.memref_slice %arg12[%add3A_75, %dma_wait3A_146] : memref<10240x128xf32, #tpu.memory_space<vmem_shared>> -> memref<32x128xf32, #tpu.memory_space<vmem_shared>>
        tpu.wait_dma2 semaphore(%run_scoped3A : memref<!tpu.dma_semaphore, #tpu.memory_space<semaphore_mem>>) src(%arg11 : memref<32x128xf32, #tpu.memory_space<vmem>>) dst(%dma_wait3A_147 : memref<32x128xf32, #tpu.memory_space<vmem_shared>>)
        tpu.yield
      }) : () -> ()
      %mul3A_76 = arith.constant 640 : i32
      %mul3A_77 = arith.muli %arg1, %mul3A_76 : i32
      %add3A_78 = arith.constant 128 : i32
      %add3A_79 = arith.addi %mul3A_77, %add3A_78 : i32
      "tpu.region"() ({
        %run_scoped3A = tpu.sem_alloc : memref<!tpu.dma_semaphore, #tpu.memory_space<semaphore_mem>>
        %dma_start3A_140 = arith.constant 0 : i32
        %dma_start3A_141 = tpu.memref_slice %arg12[%add3A_79, %dma_start3A_140] : memref<10240x128xf32, #tpu.memory_space<vmem_shared>> -> memref<32x128xf32, #tpu.memory_space<vmem_shared>>
        %dma_start3A_142 = arith.constant 0 : i32
        %dma_start3A_143 = tpu.memref_slice %arg12[%add3A_79, %dma_start3A_142] : memref<10240x128xf32, #tpu.memory_space<vmem_shared>> -> memref<32x128xf32, #tpu.memory_space<vmem_shared>>
        tpu.enqueue_dma source(%arg11 : memref<32x128xf32, #tpu.memory_space<vmem>>) target(%dma_start3A_143 : memref<32x128xf32, #tpu.memory_space<vmem_shared>>) target_semaphore(%run_scoped3A : memref<!tpu.dma_semaphore, #tpu.memory_space<semaphore_mem>>)
        %dma_wait3A_144 = arith.constant 0 : i32
        %dma_wait3A_145 = tpu.memref_slice %arg12[%add3A_79, %dma_wait3A_144] : memref<10240x128xf32, #tpu.memory_space<vmem_shared>> -> memref<32x128xf32, #tpu.memory_space<vmem_shared>>
        %dma_wait3A_146 = arith.constant 0 : i32
        %dma_wait3A_147 = tpu.memref_slice %arg12[%add3A_79, %dma_wait3A_146] : memref<10240x128xf32, #tpu.memory_space<vmem_shared>> -> memref<32x128xf32, #tpu.memory_space<vmem_shared>>
        tpu.wait_dma2 semaphore(%run_scoped3A : memref<!tpu.dma_semaphore, #tpu.memory_space<semaphore_mem>>) src(%arg11 : memref<32x128xf32, #tpu.memory_space<vmem>>) dst(%dma_wait3A_147 : memref<32x128xf32, #tpu.memory_space<vmem_shared>>)
        tpu.yield
      }) : () -> ()
      %mul3A_80 = arith.constant 640 : i32
      %mul3A_81 = arith.muli %arg1, %mul3A_80 : i32
      %add3A_82 = arith.constant 160 : i32
      %add3A_83 = arith.addi %mul3A_81, %add3A_82 : i32
      "tpu.region"() ({
        %run_scoped3A = tpu.sem_alloc : memref<!tpu.dma_semaphore, #tpu.memory_space<semaphore_mem>>
        %dma_start3A_140 = arith.constant 0 : i32
        %dma_start3A_141 = tpu.memref_slice %arg12[%add3A_83, %dma_start3A_140] : memref<10240x128xf32, #tpu.memory_space<vmem_shared>> -> memref<32x128xf32, #tpu.memory_space<vmem_shared>>
        %dma_start3A_142 = arith.constant 0 : i32
        %dma_start3A_143 = tpu.memref_slice %arg12[%add3A_83, %dma_start3A_142] : memref<10240x128xf32, #tpu.memory_space<vmem_shared>> -> memref<32x128xf32, #tpu.memory_space<vmem_shared>>
        tpu.enqueue_dma source(%arg11 : memref<32x128xf32, #tpu.memory_space<vmem>>) target(%dma_start3A_143 : memref<32x128xf32, #tpu.memory_space<vmem_shared>>) target_semaphore(%run_scoped3A : memref<!tpu.dma_semaphore, #tpu.memory_space<semaphore_mem>>)
        %dma_wait3A_144 = arith.constant 0 : i32
        %dma_wait3A_145 = tpu.memref_slice %arg12[%add3A_83, %dma_wait3A_144] : memref<10240x128xf32, #tpu.memory_space<vmem_shared>> -> memref<32x128xf32, #tpu.memory_space<vmem_shared>>
        %dma_wait3A_146 = arith.constant 0 : i32
        %dma_wait3A_147 = tpu.memref_slice %arg12[%add3A_83, %dma_wait3A_146] : memref<10240x128xf32, #tpu.memory_space<vmem_shared>> -> memref<32x128xf32, #tpu.memory_space<vmem_shared>>
        tpu.wait_dma2 semaphore(%run_scoped3A : memref<!tpu.dma_semaphore, #tpu.memory_space<semaphore_mem>>) src(%arg11 : memref<32x128xf32, #tpu.memory_space<vmem>>) dst(%dma_wait3A_147 : memref<32x128xf32, #tpu.memory_space<vmem_shared>>)
        tpu.yield
      }) : () -> ()
      %mul3A_84 = arith.constant 640 : i32
      %mul3A_85 = arith.muli %arg1, %mul3A_84 : i32
      %add3A_86 = arith.constant 192 : i32
      %add3A_87 = arith.addi %mul3A_85, %add3A_86 : i32
      "tpu.region"() ({
        %run_scoped3A = tpu.sem_alloc : memref<!tpu.dma_semaphore, #tpu.memory_space<semaphore_mem>>
        %dma_start3A_140 = arith.constant 0 : i32
        %dma_start3A_141 = tpu.memref_slice %arg12[%add3A_87, %dma_start3A_140] : memref<10240x128xf32, #tpu.memory_space<vmem_shared>> -> memref<32x128xf32, #tpu.memory_space<vmem_shared>>
        %dma_start3A_142 = arith.constant 0 : i32
        %dma_start3A_143 = tpu.memref_slice %arg12[%add3A_87, %dma_start3A_142] : memref<10240x128xf32, #tpu.memory_space<vmem_shared>> -> memref<32x128xf32, #tpu.memory_space<vmem_shared>>
        tpu.enqueue_dma source(%arg11 : memref<32x128xf32, #tpu.memory_space<vmem>>) target(%dma_start3A_143 : memref<32x128xf32, #tpu.memory_space<vmem_shared>>) target_semaphore(%run_scoped3A : memref<!tpu.dma_semaphore, #tpu.memory_space<semaphore_mem>>)
        %dma_wait3A_144 = arith.constant 0 : i32
        %dma_wait3A_145 = tpu.memref_slice %arg12[%add3A_87, %dma_wait3A_144] : memref<10240x128xf32, #tpu.memory_space<vmem_shared>> -> memref<32x128xf32, #tpu.memory_space<vmem_shared>>
        %dma_wait3A_146 = arith.constant 0 : i32
        %dma_wait3A_147 = tpu.memref_slice %arg12[%add3A_87, %dma_wait3A_146] : memref<10240x128xf32, #tpu.memory_space<vmem_shared>> -> memref<32x128xf32, #tpu.memory_space<vmem_shared>>
        tpu.wait_dma2 semaphore(%run_scoped3A : memref<!tpu.dma_semaphore, #tpu.memory_space<semaphore_mem>>) src(%arg11 : memref<32x128xf32, #tpu.memory_space<vmem>>) dst(%dma_wait3A_147 : memref<32x128xf32, #tpu.memory_space<vmem_shared>>)
        tpu.yield
      }) : () -> ()
      %mul3A_88 = arith.constant 640 : i32
      %mul3A_89 = arith.muli %arg1, %mul3A_88 : i32
      %add3A_90 = arith.constant 224 : i32
      %add3A_91 = arith.addi %mul3A_89, %add3A_90 : i32
      "tpu.region"() ({
        %run_scoped3A = tpu.sem_alloc : memref<!tpu.dma_semaphore, #tpu.memory_space<semaphore_mem>>
        %dma_start3A_140 = arith.constant 0 : i32
        %dma_start3A_141 = tpu.memref_slice %arg12[%add3A_91, %dma_start3A_140] : memref<10240x128xf32, #tpu.memory_space<vmem_shared>> -> memref<32x128xf32, #tpu.memory_space<vmem_shared>>
        %dma_start3A_142 = arith.constant 0 : i32
        %dma_start3A_143 = tpu.memref_slice %arg12[%add3A_91, %dma_start3A_142] : memref<10240x128xf32, #tpu.memory_space<vmem_shared>> -> memref<32x128xf32, #tpu.memory_space<vmem_shared>>
        tpu.enqueue_dma source(%arg11 : memref<32x128xf32, #tpu.memory_space<vmem>>) target(%dma_start3A_143 : memref<32x128xf32, #tpu.memory_space<vmem_shared>>) target_semaphore(%run_scoped3A : memref<!tpu.dma_semaphore, #tpu.memory_space<semaphore_mem>>)
        %dma_wait3A_144 = arith.constant 0 : i32
        %dma_wait3A_145 = tpu.memref_slice %arg12[%add3A_91, %dma_wait3A_144] : memref<10240x128xf32, #tpu.memory_space<vmem_shared>> -> memref<32x128xf32, #tpu.memory_space<vmem_shared>>
        %dma_wait3A_146 = arith.constant 0 : i32
        %dma_wait3A_147 = tpu.memref_slice %arg12[%add3A_91, %dma_wait3A_146] : memref<10240x128xf32, #tpu.memory_space<vmem_shared>> -> memref<32x128xf32, #tpu.memory_space<vmem_shared>>
        tpu.wait_dma2 semaphore(%run_scoped3A : memref<!tpu.dma_semaphore, #tpu.memory_space<semaphore_mem>>) src(%arg11 : memref<32x128xf32, #tpu.memory_space<vmem>>) dst(%dma_wait3A_147 : memref<32x128xf32, #tpu.memory_space<vmem_shared>>)
        tpu.yield
      }) : () -> ()
      %mul3A_92 = arith.constant 640 : i32
      %mul3A_93 = arith.muli %arg1, %mul3A_92 : i32
      %add3A_94 = arith.constant 256 : i32
      %add3A_95 = arith.addi %mul3A_93, %add3A_94 : i32
      "tpu.region"() ({
        %run_scoped3A = tpu.sem_alloc : memref<!tpu.dma_semaphore, #tpu.memory_space<semaphore_mem>>
        %dma_start3A_140 = arith.constant 0 : i32
        %dma_start3A_141 = tpu.memref_slice %arg12[%add3A_95, %dma_start3A_140] : memref<10240x128xf32, #tpu.memory_space<vmem_shared>> -> memref<32x128xf32, #tpu.memory_space<vmem_shared>>
        %dma_start3A_142 = arith.constant 0 : i32
        %dma_start3A_143 = tpu.memref_slice %arg12[%add3A_95, %dma_start3A_142] : memref<10240x128xf32, #tpu.memory_space<vmem_shared>> -> memref<32x128xf32, #tpu.memory_space<vmem_shared>>
        tpu.enqueue_dma source(%arg11 : memref<32x128xf32, #tpu.memory_space<vmem>>) target(%dma_start3A_143 : memref<32x128xf32, #tpu.memory_space<vmem_shared>>) target_semaphore(%run_scoped3A : memref<!tpu.dma_semaphore, #tpu.memory_space<semaphore_mem>>)
        %dma_wait3A_144 = arith.constant 0 : i32
        %dma_wait3A_145 = tpu.memref_slice %arg12[%add3A_95, %dma_wait3A_144] : memref<10240x128xf32, #tpu.memory_space<vmem_shared>> -> memref<32x128xf32, #tpu.memory_space<vmem_shared>>
        %dma_wait3A_146 = arith.constant 0 : i32
        %dma_wait3A_147 = tpu.memref_slice %arg12[%add3A_95, %dma_wait3A_146] : memref<10240x128xf32, #tpu.memory_space<vmem_shared>> -> memref<32x128xf32, #tpu.memory_space<vmem_shared>>
        tpu.wait_dma2 semaphore(%run_scoped3A : memref<!tpu.dma_semaphore, #tpu.memory_space<semaphore_mem>>) src(%arg11 : memref<32x128xf32, #tpu.memory_space<vmem>>) dst(%dma_wait3A_147 : memref<32x128xf32, #tpu.memory_space<vmem_shared>>)
        tpu.yield
      }) : () -> ()
      %mul3A_96 = arith.constant 640 : i32
      %mul3A_97 = arith.muli %arg1, %mul3A_96 : i32
      %add3A_98 = arith.constant 288 : i32
      %add3A_99 = arith.addi %mul3A_97, %add3A_98 : i32
      "tpu.region"() ({
        %run_scoped3A = tpu.sem_alloc : memref<!tpu.dma_semaphore, #tpu.memory_space<semaphore_mem>>
        %dma_start3A_140 = arith.constant 0 : i32
        %dma_start3A_141 = tpu.memref_slice %arg12[%add3A_99, %dma_start3A_140] : memref<10240x128xf32, #tpu.memory_space<vmem_shared>> -> memref<32x128xf32, #tpu.memory_space<vmem_shared>>
        %dma_start3A_142 = arith.constant 0 : i32
        %dma_start3A_143 = tpu.memref_slice %arg12[%add3A_99, %dma_start3A_142] : memref<10240x128xf32, #tpu.memory_space<vmem_shared>> -> memref<32x128xf32, #tpu.memory_space<vmem_shared>>
        tpu.enqueue_dma source(%arg11 : memref<32x128xf32, #tpu.memory_space<vmem>>) target(%dma_start3A_143 : memref<32x128xf32, #tpu.memory_space<vmem_shared>>) target_semaphore(%run_scoped3A : memref<!tpu.dma_semaphore, #tpu.memory_space<semaphore_mem>>)
        %dma_wait3A_144 = arith.constant 0 : i32
        %dma_wait3A_145 = tpu.memref_slice %arg12[%add3A_99, %dma_wait3A_144] : memref<10240x128xf32, #tpu.memory_space<vmem_shared>> -> memref<32x128xf32, #tpu.memory_space<vmem_shared>>
        %dma_wait3A_146 = arith.constant 0 : i32
        %dma_wait3A_147 = tpu.memref_slice %arg12[%add3A_99, %dma_wait3A_146] : memref<10240x128xf32, #tpu.memory_space<vmem_shared>> -> memref<32x128xf32, #tpu.memory_space<vmem_shared>>
        tpu.wait_dma2 semaphore(%run_scoped3A : memref<!tpu.dma_semaphore, #tpu.memory_space<semaphore_mem>>) src(%arg11 : memref<32x128xf32, #tpu.memory_space<vmem>>) dst(%dma_wait3A_147 : memref<32x128xf32, #tpu.memory_space<vmem_shared>>)
        tpu.yield
      }) : () -> ()
      %mul3A_100 = arith.constant 640 : i32
      %mul3A_101 = arith.muli %arg1, %mul3A_100 : i32
      %add3A_102 = arith.constant 320 : i32
      %add3A_103 = arith.addi %mul3A_101, %add3A_102 : i32
      "tpu.region"() ({
        %run_scoped3A = tpu.sem_alloc : memref<!tpu.dma_semaphore, #tpu.memory_space<semaphore_mem>>
        %dma_start3A_140 = arith.constant 0 : i32
        %dma_start3A_141 = tpu.memref_slice %arg12[%add3A_103, %dma_start3A_140] : memref<10240x128xf32, #tpu.memory_space<vmem_shared>> -> memref<32x128xf32, #tpu.memory_space<vmem_shared>>
        %dma_start3A_142 = arith.constant 0 : i32
        %dma_start3A_143 = tpu.memref_slice %arg12[%add3A_103, %dma_start3A_142] : memref<10240x128xf32, #tpu.memory_space<vmem_shared>> -> memref<32x128xf32, #tpu.memory_space<vmem_shared>>
        tpu.enqueue_dma source(%arg11 : memref<32x128xf32, #tpu.memory_space<vmem>>) target(%dma_start3A_143 : memref<32x128xf32, #tpu.memory_space<vmem_shared>>) target_semaphore(%run_scoped3A : memref<!tpu.dma_semaphore, #tpu.memory_space<semaphore_mem>>)
        %dma_wait3A_144 = arith.constant 0 : i32
        %dma_wait3A_145 = tpu.memref_slice %arg12[%add3A_103, %dma_wait3A_144] : memref<10240x128xf32, #tpu.memory_space<vmem_shared>> -> memref<32x128xf32, #tpu.memory_space<vmem_shared>>
        %dma_wait3A_146 = arith.constant 0 : i32
        %dma_wait3A_147 = tpu.memref_slice %arg12[%add3A_103, %dma_wait3A_146] : memref<10240x128xf32, #tpu.memory_space<vmem_shared>> -> memref<32x128xf32, #tpu.memory_space<vmem_shared>>
        tpu.wait_dma2 semaphore(%run_scoped3A : memref<!tpu.dma_semaphore, #tpu.memory_space<semaphore_mem>>) src(%arg11 : memref<32x128xf32, #tpu.memory_space<vmem>>) dst(%dma_wait3A_147 : memref<32x128xf32, #tpu.memory_space<vmem_shared>>)
        tpu.yield
      }) : () -> ()
      %mul3A_104 = arith.constant 640 : i32
      %mul3A_105 = arith.muli %arg1, %mul3A_104 : i32
      %add3A_106 = arith.constant 352 : i32
      %add3A_107 = arith.addi %mul3A_105, %add3A_106 : i32
      "tpu.region"() ({
        %run_scoped3A = tpu.sem_alloc : memref<!tpu.dma_semaphore, #tpu.memory_space<semaphore_mem>>
        %dma_start3A_140 = arith.constant 0 : i32
        %dma_start3A_141 = tpu.memref_slice %arg12[%add3A_107, %dma_start3A_140] : memref<10240x128xf32, #tpu.memory_space<vmem_shared>> -> memref<32x128xf32, #tpu.memory_space<vmem_shared>>
        %dma_start3A_142 = arith.constant 0 : i32
        %dma_start3A_143 = tpu.memref_slice %arg12[%add3A_107, %dma_start3A_142] : memref<10240x128xf32, #tpu.memory_space<vmem_shared>> -> memref<32x128xf32, #tpu.memory_space<vmem_shared>>
        tpu.enqueue_dma source(%arg11 : memref<32x128xf32, #tpu.memory_space<vmem>>) target(%dma_start3A_143 : memref<32x128xf32, #tpu.memory_space<vmem_shared>>) target_semaphore(%run_scoped3A : memref<!tpu.dma_semaphore, #tpu.memory_space<semaphore_mem>>)
        %dma_wait3A_144 = arith.constant 0 : i32
        %dma_wait3A_145 = tpu.memref_slice %arg12[%add3A_107, %dma_wait3A_144] : memref<10240x128xf32, #tpu.memory_space<vmem_shared>> -> memref<32x128xf32, #tpu.memory_space<vmem_shared>>
        %dma_wait3A_146 = arith.constant 0 : i32
        %dma_wait3A_147 = tpu.memref_slice %arg12[%add3A_107, %dma_wait3A_146] : memref<10240x128xf32, #tpu.memory_space<vmem_shared>> -> memref<32x128xf32, #tpu.memory_space<vmem_shared>>
        tpu.wait_dma2 semaphore(%run_scoped3A : memref<!tpu.dma_semaphore, #tpu.memory_space<semaphore_mem>>) src(%arg11 : memref<32x128xf32, #tpu.memory_space<vmem>>) dst(%dma_wait3A_147 : memref<32x128xf32, #tpu.memory_space<vmem_shared>>)
        tpu.yield
      }) : () -> ()
      %mul3A_108 = arith.constant 640 : i32
      %mul3A_109 = arith.muli %arg1, %mul3A_108 : i32
      %add3A_110 = arith.constant 384 : i32
      %add3A_111 = arith.addi %mul3A_109, %add3A_110 : i32
      "tpu.region"() ({
        %run_scoped3A = tpu.sem_alloc : memref<!tpu.dma_semaphore, #tpu.memory_space<semaphore_mem>>
        %dma_start3A_140 = arith.constant 0 : i32
        %dma_start3A_141 = tpu.memref_slice %arg12[%add3A_111, %dma_start3A_140] : memref<10240x128xf32, #tpu.memory_space<vmem_shared>> -> memref<32x128xf32, #tpu.memory_space<vmem_shared>>
        %dma_start3A_142 = arith.constant 0 : i32
        %dma_start3A_143 = tpu.memref_slice %arg12[%add3A_111, %dma_start3A_142] : memref<10240x128xf32, #tpu.memory_space<vmem_shared>> -> memref<32x128xf32, #tpu.memory_space<vmem_shared>>
        tpu.enqueue_dma source(%arg11 : memref<32x128xf32, #tpu.memory_space<vmem>>) target(%dma_start3A_143 : memref<32x128xf32, #tpu.memory_space<vmem_shared>>) target_semaphore(%run_scoped3A : memref<!tpu.dma_semaphore, #tpu.memory_space<semaphore_mem>>)
        %dma_wait3A_144 = arith.constant 0 : i32
        %dma_wait3A_145 = tpu.memref_slice %arg12[%add3A_111, %dma_wait3A_144] : memref<10240x128xf32, #tpu.memory_space<vmem_shared>> -> memref<32x128xf32, #tpu.memory_space<vmem_shared>>
        %dma_wait3A_146 = arith.constant 0 : i32
        %dma_wait3A_147 = tpu.memref_slice %arg12[%add3A_111, %dma_wait3A_146] : memref<10240x128xf32, #tpu.memory_space<vmem_shared>> -> memref<32x128xf32, #tpu.memory_space<vmem_shared>>
        tpu.wait_dma2 semaphore(%run_scoped3A : memref<!tpu.dma_semaphore, #tpu.memory_space<semaphore_mem>>) src(%arg11 : memref<32x128xf32, #tpu.memory_space<vmem>>) dst(%dma_wait3A_147 : memref<32x128xf32, #tpu.memory_space<vmem_shared>>)
        tpu.yield
      }) : () -> ()
      %mul3A_112 = arith.constant 640 : i32
      %mul3A_113 = arith.muli %arg1, %mul3A_112 : i32
      %add3A_114 = arith.constant 416 : i32
      %add3A_115 = arith.addi %mul3A_113, %add3A_114 : i32
      "tpu.region"() ({
        %run_scoped3A = tpu.sem_alloc : memref<!tpu.dma_semaphore, #tpu.memory_space<semaphore_mem>>
        %dma_start3A_140 = arith.constant 0 : i32
        %dma_start3A_141 = tpu.memref_slice %arg12[%add3A_115, %dma_start3A_140] : memref<10240x128xf32, #tpu.memory_space<vmem_shared>> -> memref<32x128xf32, #tpu.memory_space<vmem_shared>>
        %dma_start3A_142 = arith.constant 0 : i32
        %dma_start3A_143 = tpu.memref_slice %arg12[%add3A_115, %dma_start3A_142] : memref<10240x128xf32, #tpu.memory_space<vmem_shared>> -> memref<32x128xf32, #tpu.memory_space<vmem_shared>>
        tpu.enqueue_dma source(%arg11 : memref<32x128xf32, #tpu.memory_space<vmem>>) target(%dma_start3A_143 : memref<32x128xf32, #tpu.memory_space<vmem_shared>>) target_semaphore(%run_scoped3A : memref<!tpu.dma_semaphore, #tpu.memory_space<semaphore_mem>>)
        %dma_wait3A_144 = arith.constant 0 : i32
        %dma_wait3A_145 = tpu.memref_slice %arg12[%add3A_115, %dma_wait3A_144] : memref<10240x128xf32, #tpu.memory_space<vmem_shared>> -> memref<32x128xf32, #tpu.memory_space<vmem_shared>>
        %dma_wait3A_146 = arith.constant 0 : i32
        %dma_wait3A_147 = tpu.memref_slice %arg12[%add3A_115, %dma_wait3A_146] : memref<10240x128xf32, #tpu.memory_space<vmem_shared>> -> memref<32x128xf32, #tpu.memory_space<vmem_shared>>
        tpu.wait_dma2 semaphore(%run_scoped3A : memref<!tpu.dma_semaphore, #tpu.memory_space<semaphore_mem>>) src(%arg11 : memref<32x128xf32, #tpu.memory_space<vmem>>) dst(%dma_wait3A_147 : memref<32x128xf32, #tpu.memory_space<vmem_shared>>)
        tpu.yield
      }) : () -> ()
      %mul3A_116 = arith.constant 640 : i32
      %mul3A_117 = arith.muli %arg1, %mul3A_116 : i32
      %add3A_118 = arith.constant 448 : i32
      %add3A_119 = arith.addi %mul3A_117, %add3A_118 : i32
      "tpu.region"() ({
        %run_scoped3A = tpu.sem_alloc : memref<!tpu.dma_semaphore, #tpu.memory_space<semaphore_mem>>
        %dma_start3A_140 = arith.constant 0 : i32
        %dma_start3A_141 = tpu.memref_slice %arg12[%add3A_119, %dma_start3A_140] : memref<10240x128xf32, #tpu.memory_space<vmem_shared>> -> memref<32x128xf32, #tpu.memory_space<vmem_shared>>
        %dma_start3A_142 = arith.constant 0 : i32
        %dma_start3A_143 = tpu.memref_slice %arg12[%add3A_119, %dma_start3A_142] : memref<10240x128xf32, #tpu.memory_space<vmem_shared>> -> memref<32x128xf32, #tpu.memory_space<vmem_shared>>
        tpu.enqueue_dma source(%arg11 : memref<32x128xf32, #tpu.memory_space<vmem>>) target(%dma_start3A_143 : memref<32x128xf32, #tpu.memory_space<vmem_shared>>) target_semaphore(%run_scoped3A : memref<!tpu.dma_semaphore, #tpu.memory_space<semaphore_mem>>)
        %dma_wait3A_144 = arith.constant 0 : i32
        %dma_wait3A_145 = tpu.memref_slice %arg12[%add3A_119, %dma_wait3A_144] : memref<10240x128xf32, #tpu.memory_space<vmem_shared>> -> memref<32x128xf32, #tpu.memory_space<vmem_shared>>
        %dma_wait3A_146 = arith.constant 0 : i32
        %dma_wait3A_147 = tpu.memref_slice %arg12[%add3A_119, %dma_wait3A_146] : memref<10240x128xf32, #tpu.memory_space<vmem_shared>> -> memref<32x128xf32, #tpu.memory_space<vmem_shared>>
        tpu.wait_dma2 semaphore(%run_scoped3A : memref<!tpu.dma_semaphore, #tpu.memory_space<semaphore_mem>>) src(%arg11 : memref<32x128xf32, #tpu.memory_space<vmem>>) dst(%dma_wait3A_147 : memref<32x128xf32, #tpu.memory_space<vmem_shared>>)
        tpu.yield
      }) : () -> ()
      %mul3A_120 = arith.constant 640 : i32
      %mul3A_121 = arith.muli %arg1, %mul3A_120 : i32
      %add3A_122 = arith.constant 480 : i32
      %add3A_123 = arith.addi %mul3A_121, %add3A_122 : i32
      "tpu.region"() ({
        %run_scoped3A = tpu.sem_alloc : memref<!tpu.dma_semaphore, #tpu.memory_space<semaphore_mem>>
        %dma_start3A_140 = arith.constant 0 : i32
        %dma_start3A_141 = tpu.memref_slice %arg12[%add3A_123, %dma_start3A_140] : memref<10240x128xf32, #tpu.memory_space<vmem_shared>> -> memref<32x128xf32, #tpu.memory_space<vmem_shared>>
        %dma_start3A_142 = arith.constant 0 : i32
        %dma_start3A_143 = tpu.memref_slice %arg12[%add3A_123, %dma_start3A_142] : memref<10240x128xf32, #tpu.memory_space<vmem_shared>> -> memref<32x128xf32, #tpu.memory_space<vmem_shared>>
        tpu.enqueue_dma source(%arg11 : memref<32x128xf32, #tpu.memory_space<vmem>>) target(%dma_start3A_143 : memref<32x128xf32, #tpu.memory_space<vmem_shared>>) target_semaphore(%run_scoped3A : memref<!tpu.dma_semaphore, #tpu.memory_space<semaphore_mem>>)
        %dma_wait3A_144 = arith.constant 0 : i32
        %dma_wait3A_145 = tpu.memref_slice %arg12[%add3A_123, %dma_wait3A_144] : memref<10240x128xf32, #tpu.memory_space<vmem_shared>> -> memref<32x128xf32, #tpu.memory_space<vmem_shared>>
        %dma_wait3A_146 = arith.constant 0 : i32
        %dma_wait3A_147 = tpu.memref_slice %arg12[%add3A_123, %dma_wait3A_146] : memref<10240x128xf32, #tpu.memory_space<vmem_shared>> -> memref<32x128xf32, #tpu.memory_space<vmem_shared>>
        tpu.wait_dma2 semaphore(%run_scoped3A : memref<!tpu.dma_semaphore, #tpu.memory_space<semaphore_mem>>) src(%arg11 : memref<32x128xf32, #tpu.memory_space<vmem>>) dst(%dma_wait3A_147 : memref<32x128xf32, #tpu.memory_space<vmem_shared>>)
        tpu.yield
      }) : () -> ()
      %mul3A_124 = arith.constant 640 : i32
      %mul3A_125 = arith.muli %arg1, %mul3A_124 : i32
      %add3A_126 = arith.constant 512 : i32
      %add3A_127 = arith.addi %mul3A_125, %add3A_126 : i32
      "tpu.region"() ({
        %run_scoped3A = tpu.sem_alloc : memref<!tpu.dma_semaphore, #tpu.memory_space<semaphore_mem>>
        %dma_start3A_140 = arith.constant 0 : i32
        %dma_start3A_141 = tpu.memref_slice %arg12[%add3A_127, %dma_start3A_140] : memref<10240x128xf32, #tpu.memory_space<vmem_shared>> -> memref<32x128xf32, #tpu.memory_space<vmem_shared>>
        %dma_start3A_142 = arith.constant 0 : i32
        %dma_start3A_143 = tpu.memref_slice %arg12[%add3A_127, %dma_start3A_142] : memref<10240x128xf32, #tpu.memory_space<vmem_shared>> -> memref<32x128xf32, #tpu.memory_space<vmem_shared>>
        tpu.enqueue_dma source(%arg11 : memref<32x128xf32, #tpu.memory_space<vmem>>) target(%dma_start3A_143 : memref<32x128xf32, #tpu.memory_space<vmem_shared>>) target_semaphore(%run_scoped3A : memref<!tpu.dma_semaphore, #tpu.memory_space<semaphore_mem>>)
        %dma_wait3A_144 = arith.constant 0 : i32
        %dma_wait3A_145 = tpu.memref_slice %arg12[%add3A_127, %dma_wait3A_144] : memref<10240x128xf32, #tpu.memory_space<vmem_shared>> -> memref<32x128xf32, #tpu.memory_space<vmem_shared>>
        %dma_wait3A_146 = arith.constant 0 : i32
        %dma_wait3A_147 = tpu.memref_slice %arg12[%add3A_127, %dma_wait3A_146] : memref<10240x128xf32, #tpu.memory_space<vmem_shared>> -> memref<32x128xf32, #tpu.memory_space<vmem_shared>>
        tpu.wait_dma2 semaphore(%run_scoped3A : memref<!tpu.dma_semaphore, #tpu.memory_space<semaphore_mem>>) src(%arg11 : memref<32x128xf32, #tpu.memory_space<vmem>>) dst(%dma_wait3A_147 : memref<32x128xf32, #tpu.memory_space<vmem_shared>>)
        tpu.yield
      }) : () -> ()
      %mul3A_128 = arith.constant 640 : i32
      %mul3A_129 = arith.muli %arg1, %mul3A_128 : i32
      %add3A_130 = arith.constant 544 : i32
      %add3A_131 = arith.addi %mul3A_129, %add3A_130 : i32
      "tpu.region"() ({
        %run_scoped3A = tpu.sem_alloc : memref<!tpu.dma_semaphore, #tpu.memory_space<semaphore_mem>>
        %dma_start3A_140 = arith.constant 0 : i32
        %dma_start3A_141 = tpu.memref_slice %arg12[%add3A_131, %dma_start3A_140] : memref<10240x128xf32, #tpu.memory_space<vmem_shared>> -> memref<32x128xf32, #tpu.memory_space<vmem_shared>>
        %dma_start3A_142 = arith.constant 0 : i32
        %dma_start3A_143 = tpu.memref_slice %arg12[%add3A_131, %dma_start3A_142] : memref<10240x128xf32, #tpu.memory_space<vmem_shared>> -> memref<32x128xf32, #tpu.memory_space<vmem_shared>>
        tpu.enqueue_dma source(%arg11 : memref<32x128xf32, #tpu.memory_space<vmem>>) target(%dma_start3A_143 : memref<32x128xf32, #tpu.memory_space<vmem_shared>>) target_semaphore(%run_scoped3A : memref<!tpu.dma_semaphore, #tpu.memory_space<semaphore_mem>>)
        %dma_wait3A_144 = arith.constant 0 : i32
        %dma_wait3A_145 = tpu.memref_slice %arg12[%add3A_131, %dma_wait3A_144] : memref<10240x128xf32, #tpu.memory_space<vmem_shared>> -> memref<32x128xf32, #tpu.memory_space<vmem_shared>>
        %dma_wait3A_146 = arith.constant 0 : i32
        %dma_wait3A_147 = tpu.memref_slice %arg12[%add3A_131, %dma_wait3A_146] : memref<10240x128xf32, #tpu.memory_space<vmem_shared>> -> memref<32x128xf32, #tpu.memory_space<vmem_shared>>
        tpu.wait_dma2 semaphore(%run_scoped3A : memref<!tpu.dma_semaphore, #tpu.memory_space<semaphore_mem>>) src(%arg11 : memref<32x128xf32, #tpu.memory_space<vmem>>) dst(%dma_wait3A_147 : memref<32x128xf32, #tpu.memory_space<vmem_shared>>)
        tpu.yield
      }) : () -> ()
      %mul3A_132 = arith.constant 640 : i32
      %mul3A_133 = arith.muli %arg1, %mul3A_132 : i32
      %add3A_134 = arith.constant 576 : i32
      %add3A_135 = arith.addi %mul3A_133, %add3A_134 : i32
      "tpu.region"() ({
        %run_scoped3A = tpu.sem_alloc : memref<!tpu.dma_semaphore, #tpu.memory_space<semaphore_mem>>
        %dma_start3A_140 = arith.constant 0 : i32
        %dma_start3A_141 = tpu.memref_slice %arg12[%add3A_135, %dma_start3A_140] : memref<10240x128xf32, #tpu.memory_space<vmem_shared>> -> memref<32x128xf32, #tpu.memory_space<vmem_shared>>
        %dma_start3A_142 = arith.constant 0 : i32
        %dma_start3A_143 = tpu.memref_slice %arg12[%add3A_135, %dma_start3A_142] : memref<10240x128xf32, #tpu.memory_space<vmem_shared>> -> memref<32x128xf32, #tpu.memory_space<vmem_shared>>
        tpu.enqueue_dma source(%arg11 : memref<32x128xf32, #tpu.memory_space<vmem>>) target(%dma_start3A_143 : memref<32x128xf32, #tpu.memory_space<vmem_shared>>) target_semaphore(%run_scoped3A : memref<!tpu.dma_semaphore, #tpu.memory_space<semaphore_mem>>)
        %dma_wait3A_144 = arith.constant 0 : i32
        %dma_wait3A_145 = tpu.memref_slice %arg12[%add3A_135, %dma_wait3A_144] : memref<10240x128xf32, #tpu.memory_space<vmem_shared>> -> memref<32x128xf32, #tpu.memory_space<vmem_shared>>
        %dma_wait3A_146 = arith.constant 0 : i32
        %dma_wait3A_147 = tpu.memref_slice %arg12[%add3A_135, %dma_wait3A_146] : memref<10240x128xf32, #tpu.memory_space<vmem_shared>> -> memref<32x128xf32, #tpu.memory_space<vmem_shared>>
        tpu.wait_dma2 semaphore(%run_scoped3A : memref<!tpu.dma_semaphore, #tpu.memory_space<semaphore_mem>>) src(%arg11 : memref<32x128xf32, #tpu.memory_space<vmem>>) dst(%dma_wait3A_147 : memref<32x128xf32, #tpu.memory_space<vmem_shared>>)
        tpu.yield
      }) : () -> ()
      %mul3A_136 = arith.constant 640 : i32
      %mul3A_137 = arith.muli %arg1, %mul3A_136 : i32
      %add3A_138 = arith.constant 608 : i32
      %add3A_139 = arith.addi %mul3A_137, %add3A_138 : i32
      "tpu.region"() ({
        %run_scoped3A = tpu.sem_alloc : memref<!tpu.dma_semaphore, #tpu.memory_space<semaphore_mem>>
        %dma_start3A_140 = arith.constant 0 : i32
        %dma_start3A_141 = tpu.memref_slice %arg12[%add3A_139, %dma_start3A_140] : memref<10240x128xf32, #tpu.memory_space<vmem_shared>> -> memref<32x128xf32, #tpu.memory_space<vmem_shared>>
        %dma_start3A_142 = arith.constant 0 : i32
        %dma_start3A_143 = tpu.memref_slice %arg12[%add3A_139, %dma_start3A_142] : memref<10240x128xf32, #tpu.memory_space<vmem_shared>> -> memref<32x128xf32, #tpu.memory_space<vmem_shared>>
        tpu.enqueue_dma source(%arg11 : memref<32x128xf32, #tpu.memory_space<vmem>>) target(%dma_start3A_143 : memref<32x128xf32, #tpu.memory_space<vmem_shared>>) target_semaphore(%run_scoped3A : memref<!tpu.dma_semaphore, #tpu.memory_space<semaphore_mem>>)
        %dma_wait3A_144 = arith.constant 0 : i32
        %dma_wait3A_145 = tpu.memref_slice %arg12[%add3A_139, %dma_wait3A_144] : memref<10240x128xf32, #tpu.memory_space<vmem_shared>> -> memref<32x128xf32, #tpu.memory_space<vmem_shared>>
        %dma_wait3A_146 = arith.constant 0 : i32
        %dma_wait3A_147 = tpu.memref_slice %arg12[%add3A_139, %dma_wait3A_146] : memref<10240x128xf32, #tpu.memory_space<vmem_shared>> -> memref<32x128xf32, #tpu.memory_space<vmem_shared>>
        tpu.wait_dma2 semaphore(%run_scoped3A : memref<!tpu.dma_semaphore, #tpu.memory_space<semaphore_mem>>) src(%arg11 : memref<32x128xf32, #tpu.memory_space<vmem>>) dst(%dma_wait3A_147 : memref<32x128xf32, #tpu.memory_space<vmem_shared>>)
        tpu.yield
      }) : () -> ()
    } else {
    }
    %dma_wait3A = arith.constant 0 : i32
    %dma_wait3A_17 = arith.constant 0 : i32
    %dma_wait3A_18 = tpu.memref_slice %arg4[%add3A, %dma_wait3A, %dma_wait3A_17] : memref<32x80x128xi32, #tpu.memory_space<hbm>> -> memref<1x80x128xi32, #tpu.memory_space<hbm>>
    %dma_wait3A_19 = tpu.memref_squeeze %dma_wait3A_18 : memref<1x80x128xi32, #tpu.memory_space<hbm>> -> memref<80x128xi32, #tpu.memory_space<hbm>>
    %dma_wait3A_20 = arith.constant 0 : i32
    %dma_wait3A_21 = arith.constant 0 : i32
    %dma_wait3A_22 = tpu.memref_slice %arg4[%add3A, %dma_wait3A_20, %dma_wait3A_21] : memref<32x80x128xi32, #tpu.memory_space<hbm>> -> memref<1x80x128xi32, #tpu.memory_space<hbm>>
    %dma_wait3A_23 = tpu.memref_squeeze %dma_wait3A_22 : memref<1x80x128xi32, #tpu.memory_space<hbm>> -> memref<80x128xi32, #tpu.memory_space<hbm>>
    tpu.wait_dma2 semaphore(%arg16 : memref<!tpu.dma_semaphore, #tpu.memory_space<semaphore_mem>>) src(%dma_wait3A_23 : memref<80x128xi32, #tpu.memory_space<hbm>>) dst(%arg8 : memref<80x128xi32, #tpu.memory_space<vmem>>)
    %barrier3A = arith.constant 0 : index
    tpu.barrier barrier_id(%barrier3A)
    %add3A_24 = arith.constant 0 : i32
    %add3A_25 = arith.addi %mul3A_2, %add3A_24 : i32
    %dma_start3A_26 = tpu.memref_slice %arg3[%add3A_25] : memref<327680xi32, #tpu.memory_space<hbm>> -> memref<128xi32, #tpu.memory_space<hbm>>
    %dma_start3A_27 = tpu.memref_slice %arg3[%add3A_25] : memref<327680xi32, #tpu.memory_space<hbm>> -> memref<128xi32, #tpu.memory_space<hbm>>
    tpu.enqueue_dma source(%dma_start3A_27 : memref<128xi32, #tpu.memory_space<hbm>>) target(%arg6 : memref<128xi32, #tpu.memory_space<vmem>>) target_semaphore(%arg13 : memref<!tpu.dma_semaphore, #tpu.memory_space<semaphore_mem>>)
    %dma_wait3A_28 = arith.constant 0 : i32
    %dma_wait3A_29 = tpu.memref_slice %arg3[%dma_wait3A_28] : memref<327680xi32, #tpu.memory_space<hbm>> -> memref<128xi32, #tpu.memory_space<hbm>>
    %dma_wait3A_30 = arith.constant 0 : i32
    %dma_wait3A_31 = tpu.memref_slice %arg3[%dma_wait3A_30] : memref<327680xi32, #tpu.memory_space<hbm>> -> memref<128xi32, #tpu.memory_space<hbm>>
    tpu.wait_dma2 semaphore(%arg13 : memref<!tpu.dma_semaphore, #tpu.memory_space<semaphore_mem>>) src(%dma_wait3A_31 : memref<128xi32, #tpu.memory_space<hbm>>) dst(%arg6 : memref<128xi32, #tpu.memory_space<vmem>>)
    %dma_start3A_32 = arith.constant 0 : i32
    %dma_start3A_33 = arith.constant 0 : i32
    %dma_start3A_34 = tpu.memref_slice %arg2[%dma_start3A_32, %dma_start3A_33] : memref<10000x128xf32, #tpu.memory_space<hbm>> -> memref<10000x128xf32, #tpu.memory_space<hbm>>
    tpu.enqueue_indirect_dma source(%dma_start3A_34 : memref<10000x128xf32, #tpu.memory_space<hbm>>) target(%arg9 : memref<128x128xf32, #tpu.memory_space<vmem>>) offsets(%arg6 : memref<128xi32, #tpu.memory_space<vmem>>) semaphore(%arg15 : memref<!tpu.dma_semaphore, #tpu.memory_space<semaphore_mem>>)
    %add3A_35 = arith.constant 128 : i32
    %add3A_36 = arith.addi %mul3A_2, %add3A_35 : i32
    %dma_start3A_37 = tpu.memref_slice %arg3[%add3A_36] : memref<327680xi32, #tpu.memory_space<hbm>> -> memref<128xi32, #tpu.memory_space<hbm>>
    %dma_start3A_38 = tpu.memref_slice %arg3[%add3A_36] : memref<327680xi32, #tpu.memory_space<hbm>> -> memref<128xi32, #tpu.memory_space<hbm>>
    tpu.enqueue_dma source(%dma_start3A_38 : memref<128xi32, #tpu.memory_space<hbm>>) target(%arg7 : memref<128xi32, #tpu.memory_space<vmem>>) target_semaphore(%arg14 : memref<!tpu.dma_semaphore, #tpu.memory_space<semaphore_mem>>)
    %scan3A = arith.constant 0 : i32
    %scan3A_39 = arith.constant 0 : i32
    %scan3A_40 = arith.constant 40 : i32
    %scan3A_41 = arith.addi %scan3A_39, %scan3A_40 : i32
    %scan3A_42 = arith.constant 1 : i32
    %scan3A_43 = scf.for %scan3A_53 = %scan3A_39 to %scan3A_41 step %scan3A_42 iter_args(%scan3A_54 = %scan3A) -> (i32)  : i32 {
      %mul3A_55 = arith.constant 2 : i32
      %mul3A_56 = arith.muli %mul3A_55, %scan3A_53 : i32
      %dma_wait3A_57 = arith.constant 0 : i32
      %dma_wait3A_58 = tpu.memref_slice %arg3[%dma_wait3A_57] : memref<327680xi32, #tpu.memory_space<hbm>> -> memref<128xi32, #tpu.memory_space<hbm>>
      %dma_wait3A_59 = arith.constant 0 : i32
      %dma_wait3A_60 = tpu.memref_slice %arg3[%dma_wait3A_59] : memref<327680xi32, #tpu.memory_space<hbm>> -> memref<128xi32, #tpu.memory_space<hbm>>
      tpu.wait_dma2 semaphore(%arg14 : memref<!tpu.dma_semaphore, #tpu.memory_space<semaphore_mem>>) src(%dma_wait3A_60 : memref<128xi32, #tpu.memory_space<hbm>>) dst(%arg7 : memref<128xi32, #tpu.memory_space<vmem>>)
      %dma_start3A_61 = arith.constant 0 : i32
      %dma_start3A_62 = arith.constant 0 : i32
      %dma_start3A_63 = tpu.memref_slice %arg2[%dma_start3A_61, %dma_start3A_62] : memref<10000x128xf32, #tpu.memory_space<hbm>> -> memref<10000x128xf32, #tpu.memory_space<hbm>>
      tpu.enqueue_indirect_dma source(%dma_start3A_63 : memref<10000x128xf32, #tpu.memory_space<hbm>>) target(%arg10 : memref<128x128xf32, #tpu.memory_space<vmem>>) offsets(%arg7 : memref<128xi32, #tpu.memory_space<vmem>>) semaphore(%arg16 : memref<!tpu.dma_semaphore, #tpu.memory_space<semaphore_mem>>)
      %dma_wait3A_64 = arith.constant 0 : i32
      %dma_wait3A_65 = arith.constant 0 : i32
      %dma_wait3A_66 = tpu.memref_slice %arg2[%dma_wait3A_64, %dma_wait3A_65] : memref<10000x128xf32, #tpu.memory_space<hbm>> -> memref<10000x128xf32, #tpu.memory_space<hbm>>
      tpu.wait_indirect_dma semaphore(%arg15 : memref<!tpu.dma_semaphore, #tpu.memory_space<semaphore_mem>>) src(%dma_wait3A_66 : memref<10000x128xf32, #tpu.memory_space<hbm>>) dst(%arg9 : memref<128x128xf32, #tpu.memory_space<vmem>>)
      %add3A_67 = arith.constant 2 : i32
      %add3A_68 = arith.addi %mul3A_56, %add3A_67 : i32
      %lt3A = arith.constant 80 : i32
      %lt3A_69 = arith.cmpi slt, %add3A_68, %lt3A : i32
      %convert_element_type3A_70 = arith.extui %lt3A_69 : i1 to i32
      %cond3A_71 = arith.constant 0 : i32
      %cond3A_72 = arith.cmpi ne, %convert_element_type3A_70, %cond3A_71 : i32
      scf.if %cond3A_72 {
        %add3A_93 = arith.constant 2 : i32
        %add3A_94 = arith.addi %mul3A_56, %add3A_93 : i32
        %mul3A_95 = arith.constant 128 : i32
        %mul3A_96 = arith.muli %add3A_94, %mul3A_95 : i32
        %add3A_97 = arith.addi %mul3A_2, %mul3A_96 : i32
        %dma_start3A_98 = tpu.memref_slice %arg3[%add3A_97] : memref<327680xi32, #tpu.memory_space<hbm>> -> memref<128xi32, #tpu.memory_space<hbm>>
        %dma_start3A_99 = tpu.memref_slice %arg3[%add3A_97] : memref<327680xi32, #tpu.memory_space<hbm>> -> memref<128xi32, #tpu.memory_space<hbm>>
        tpu.enqueue_dma source(%dma_start3A_99 : memref<128xi32, #tpu.memory_space<hbm>>) target(%arg6 : memref<128xi32, #tpu.memory_space<vmem>>) target_semaphore(%arg13 : memref<!tpu.dma_semaphore, #tpu.memory_space<semaphore_mem>>)
      } else {
      }
      "tpu.region"() ({
        %run_scoped3A = tpu.sem_alloc : memref<!tpu.dma_semaphore, #tpu.memory_space<semaphore_mem>>
        %dma_start3A_93 = arith.constant 0 : i32
        %dma_start3A_94 = tpu.memref_slice %arg8[%mul3A_56, %dma_start3A_93] : memref<80x128xi32, #tpu.memory_space<vmem>> -> memref<1x128xi32, #tpu.memory_space<vmem>>
        %dma_start3A_95 = tpu.memref_squeeze %dma_start3A_94 : memref<1x128xi32, #tpu.memory_space<vmem>> -> memref<128xi32, #tpu.memory_space<vmem>>
        %dma_start3A_96 = arith.constant 0 : i32
        %dma_start3A_97 = arith.constant 0 : i32
        %dma_start3A_98 = tpu.memref_slice %arg12[%dma_start3A_96, %dma_start3A_97] : memref<10240x128xf32, #tpu.memory_space<vmem_shared>> -> memref<10240x128xf32, #tpu.memory_space<vmem_shared>>
        tpu.enqueue_indirect_dma source(%arg9 : memref<128x128xf32, #tpu.memory_space<vmem>>) target(%dma_start3A_98 : memref<10240x128xf32, #tpu.memory_space<vmem_shared>>) offsets(%dma_start3A_95 : memref<128xi32, #tpu.memory_space<vmem>>) semaphore(%run_scoped3A : memref<!tpu.dma_semaphore, #tpu.memory_space<semaphore_mem>>) {add = true}
        %dma_wait3A_99 = arith.constant 0 : i32
        %dma_wait3A_100 = tpu.memref_slice %arg8[%mul3A_56, %dma_wait3A_99] : memref<80x128xi32, #tpu.memory_space<vmem>> -> memref<1x128xi32, #tpu.memory_space<vmem>>
        %dma_wait3A_101 = tpu.memref_squeeze %dma_wait3A_100 : memref<1x128xi32, #tpu.memory_space<vmem>> -> memref<128xi32, #tpu.memory_space<vmem>>
        %dma_wait3A_102 = arith.constant 0 : i32
        %dma_wait3A_103 = arith.constant 0 : i32
        %dma_wait3A_104 = tpu.memref_slice %arg12[%dma_wait3A_102, %dma_wait3A_103] : memref<10240x128xf32, #tpu.memory_space<vmem_shared>> -> memref<10240x128xf32, #tpu.memory_space<vmem_shared>>
        tpu.wait_indirect_dma semaphore(%run_scoped3A : memref<!tpu.dma_semaphore, #tpu.memory_space<semaphore_mem>>) src(%arg9 : memref<128x128xf32, #tpu.memory_space<vmem>>) dst(%dma_wait3A_104 : memref<10240x128xf32, #tpu.memory_space<vmem_shared>>)
        tpu.yield
      }) : () -> ()
      %add3A_73 = arith.constant 2 : i32
      %add3A_74 = arith.addi %mul3A_56, %add3A_73 : i32
      %lt3A_75 = arith.constant 80 : i32
      %lt3A_76 = arith.cmpi slt, %add3A_74, %lt3A_75 : i32
      %convert_element_type3A_77 = arith.extui %lt3A_76 : i1 to i32
      %cond3A_78 = arith.constant 0 : i32
      %cond3A_79 = arith.cmpi ne, %convert_element_type3A_77, %cond3A_78 : i32
      scf.if %cond3A_79 {
        %dma_wait3A_93 = arith.constant 0 : i32
        %dma_wait3A_94 = tpu.memref_slice %arg3[%dma_wait3A_93] : memref<327680xi32, #tpu.memory_space<hbm>> -> memref<128xi32, #tpu.memory_space<hbm>>
        %dma_wait3A_95 = arith.constant 0 : i32
        %dma_wait3A_96 = tpu.memref_slice %arg3[%dma_wait3A_95] : memref<327680xi32, #tpu.memory_space<hbm>> -> memref<128xi32, #tpu.memory_space<hbm>>
        tpu.wait_dma2 semaphore(%arg13 : memref<!tpu.dma_semaphore, #tpu.memory_space<semaphore_mem>>) src(%dma_wait3A_96 : memref<128xi32, #tpu.memory_space<hbm>>) dst(%arg6 : memref<128xi32, #tpu.memory_space<vmem>>)
        %dma_start3A_97 = arith.constant 0 : i32
        %dma_start3A_98 = arith.constant 0 : i32
        %dma_start3A_99 = tpu.memref_slice %arg2[%dma_start3A_97, %dma_start3A_98] : memref<10000x128xf32, #tpu.memory_space<hbm>> -> memref<10000x128xf32, #tpu.memory_space<hbm>>
        tpu.enqueue_indirect_dma source(%dma_start3A_99 : memref<10000x128xf32, #tpu.memory_space<hbm>>) target(%arg9 : memref<128x128xf32, #tpu.memory_space<vmem>>) offsets(%arg6 : memref<128xi32, #tpu.memory_space<vmem>>) semaphore(%arg15 : memref<!tpu.dma_semaphore, #tpu.memory_space<semaphore_mem>>)
      } else {
      }
      %dma_wait3A_80 = arith.constant 0 : i32
      %dma_wait3A_81 = arith.constant 0 : i32
      %dma_wait3A_82 = tpu.memref_slice %arg2[%dma_wait3A_80, %dma_wait3A_81] : memref<10000x128xf32, #tpu.memory_space<hbm>> -> memref<10000x128xf32, #tpu.memory_space<hbm>>
      tpu.wait_indirect_dma semaphore(%arg16 : memref<!tpu.dma_semaphore, #tpu.memory_space<semaphore_mem>>) src(%dma_wait3A_82 : memref<10000x128xf32, #tpu.memory_space<hbm>>) dst(%arg10 : memref<128x128xf32, #tpu.memory_space<vmem>>)
      %add3A_83 = arith.constant 3 : i32
      %add3A_84 = arith.addi %mul3A_56, %add3A_83 : i32
      %lt3A_85 = arith.constant 80 : i32
      %lt3A_86 = arith.cmpi slt, %add3A_84, %lt3A_85 : i32
      %convert_element_type3A_87 = arith.extui %lt3A_86 : i1 to i32
      %cond3A_88 = arith.constant 0 : i32
      %cond3A_89 = arith.cmpi ne, %convert_element_type3A_87, %cond3A_88 : i32
      scf.if %cond3A_89 {
        %add3A_93 = arith.constant 3 : i32
        %add3A_94 = arith.addi %mul3A_56, %add3A_93 : i32
        %mul3A_95 = arith.constant 128 : i32
        %mul3A_96 = arith.muli %add3A_94, %mul3A_95 : i32
        %add3A_97 = arith.addi %mul3A_2, %mul3A_96 : i32
        %dma_start3A_98 = tpu.memref_slice %arg3[%add3A_97] : memref<327680xi32, #tpu.memory_space<hbm>> -> memref<128xi32, #tpu.memory_space<hbm>>
        %dma_start3A_99 = tpu.memref_slice %arg3[%add3A_97] : memref<327680xi32, #tpu.memory_space<hbm>> -> memref<128xi32, #tpu.memory_space<hbm>>
        tpu.enqueue_dma source(%dma_start3A_99 : memref<128xi32, #tpu.memory_space<hbm>>) target(%arg7 : memref<128xi32, #tpu.memory_space<vmem>>) target_semaphore(%arg14 : memref<!tpu.dma_semaphore, #tpu.memory_space<semaphore_mem>>)
      } else {
      }
      %add3A_90 = arith.constant 1 : i32
      %add3A_91 = arith.addi %mul3A_56, %add3A_90 : i32
      "tpu.region"() ({
        %run_scoped3A = tpu.sem_alloc : memref<!tpu.dma_semaphore, #tpu.memory_space<semaphore_mem>>
        %dma_start3A_93 = arith.constant 0 : i32
        %dma_start3A_94 = tpu.memref_slice %arg8[%add3A_91, %dma_start3A_93] : memref<80x128xi32, #tpu.memory_space<vmem>> -> memref<1x128xi32, #tpu.memory_space<vmem>>
        %dma_start3A_95 = tpu.memref_squeeze %dma_start3A_94 : memref<1x128xi32, #tpu.memory_space<vmem>> -> memref<128xi32, #tpu.memory_space<vmem>>
        %dma_start3A_96 = arith.constant 0 : i32
        %dma_start3A_97 = arith.constant 0 : i32
        %dma_start3A_98 = tpu.memref_slice %arg12[%dma_start3A_96, %dma_start3A_97] : memref<10240x128xf32, #tpu.memory_space<vmem_shared>> -> memref<10240x128xf32, #tpu.memory_space<vmem_shared>>
        tpu.enqueue_indirect_dma source(%arg10 : memref<128x128xf32, #tpu.memory_space<vmem>>) target(%dma_start3A_98 : memref<10240x128xf32, #tpu.memory_space<vmem_shared>>) offsets(%dma_start3A_95 : memref<128xi32, #tpu.memory_space<vmem>>) semaphore(%run_scoped3A : memref<!tpu.dma_semaphore, #tpu.memory_space<semaphore_mem>>) {add = true}
        %dma_wait3A_99 = arith.constant 0 : i32
        %dma_wait3A_100 = tpu.memref_slice %arg8[%add3A_91, %dma_wait3A_99] : memref<80x128xi32, #tpu.memory_space<vmem>> -> memref<1x128xi32, #tpu.memory_space<vmem>>
        %dma_wait3A_101 = tpu.memref_squeeze %dma_wait3A_100 : memref<1x128xi32, #tpu.memory_space<vmem>> -> memref<128xi32, #tpu.memory_space<vmem>>
        %dma_wait3A_102 = arith.constant 0 : i32
        %dma_wait3A_103 = arith.constant 0 : i32
        %dma_wait3A_104 = tpu.memref_slice %arg12[%dma_wait3A_102, %dma_wait3A_103] : memref<10240x128xf32, #tpu.memory_space<vmem_shared>> -> memref<10240x128xf32, #tpu.memory_space<vmem_shared>>
        tpu.wait_indirect_dma semaphore(%run_scoped3A : memref<!tpu.dma_semaphore, #tpu.memory_space<semaphore_mem>>) src(%arg10 : memref<128x128xf32, #tpu.memory_space<vmem>>) dst(%dma_wait3A_104 : memref<10240x128xf32, #tpu.memory_space<vmem_shared>>)
        tpu.yield
      }) : () -> ()
      %scan3A_92 = arith.constant 0 : i32
      scf.yield %scan3A_92 : i32
    }
    %scan3A_44 = arith.constant 40 : i32
    %barrier3A_45 = arith.constant 0 : index
    tpu.barrier barrier_id(%barrier3A_45)
    %mul3A_46 = arith.constant 640 : i32
    %mul3A_47 = arith.muli %arg1, %mul3A_46 : i32
    %mul3A_48 = arith.constant 10240 : i32
    %mul3A_49 = arith.muli %arg0, %mul3A_48 : i32
    %mul3A_50 = arith.constant 640 : i32
    %mul3A_51 = arith.muli %arg1, %mul3A_50 : i32
    %add3A_52 = arith.addi %mul3A_49, %mul3A_51 : i32
    "tpu.region"() ({
      %run_scoped3A = tpu.sem_alloc : memref<!tpu.dma_semaphore, #tpu.memory_space<semaphore_mem>>
      %dma_start3A_53 = arith.constant 0 : i32
      %dma_start3A_54 = tpu.memref_slice %arg5[%add3A_52, %dma_start3A_53] : memref<20480x128xf32, #tpu.memory_space<hbm>> -> memref<640x128xf32, #tpu.memory_space<hbm>>
      %dma_start3A_55 = arith.constant 0 : i32
      %dma_start3A_56 = tpu.memref_slice %arg12[%mul3A_47, %dma_start3A_55] : memref<10240x128xf32, #tpu.memory_space<vmem_shared>> -> memref<640x128xf32, #tpu.memory_space<vmem_shared>>
      tpu.enqueue_dma source(%dma_start3A_56 : memref<640x128xf32, #tpu.memory_space<vmem_shared>>) target(%dma_start3A_54 : memref<640x128xf32, #tpu.memory_space<hbm>>) target_semaphore(%run_scoped3A : memref<!tpu.dma_semaphore, #tpu.memory_space<semaphore_mem>>)
      %dma_wait3A_57 = arith.constant 0 : i32
      %dma_wait3A_58 = tpu.memref_slice %arg5[%add3A_52, %dma_wait3A_57] : memref<20480x128xf32, #tpu.memory_space<hbm>> -> memref<640x128xf32, #tpu.memory_space<hbm>>
      %dma_wait3A_59 = arith.constant 0 : i32
      %dma_wait3A_60 = tpu.memref_slice %arg12[%mul3A_47, %dma_wait3A_59] : memref<10240x128xf32, #tpu.memory_space<vmem_shared>> -> memref<640x128xf32, #tpu.memory_space<vmem_shared>>
      tpu.wait_dma2 semaphore(%run_scoped3A : memref<!tpu.dma_semaphore, #tpu.memory_space<semaphore_mem>>) src(%dma_wait3A_60 : memref<640x128xf32, #tpu.memory_space<vmem_shared>>) dst(%dma_wait3A_58 : memref<640x128xf32, #tpu.memory_space<hbm>>)
      tpu.yield
    }) : () -> ()
    return
  }
}

#map = affine_map<(d0, d1) -> (0, 0, 0)>
#map1 = affine_map<(d0, d1) -> (0)>
module attributes {stable_mosaic.version = 14 : i64} {
  func.func @_deg_body(%arg0: i32, %arg1: i32, %arg2: memref<32x80x128xi32, #tpu.memory_space<hbm>>, %arg3: memref<20480xf32, #tpu.memory_space<hbm>>, %arg4: memref<80x128xi32, #tpu.memory_space<vmem>>, %arg5: memref<10240xf32, #tpu.memory_space<vmem>>, %arg6: memref<16x640xf32, #tpu.memory_space<vmem>>, %arg7: memref<640xf32, #tpu.memory_space<vmem>>, %arg8: memref<16x10240xf32, #tpu.memory_space<vmem_shared>>, %arg9: memref<!tpu.dma_semaphore, #tpu.memory_space<semaphore_mem>>) attributes {dimension_semantics = [#tpu.dimension_semantics<core_parallel>, #tpu.dimension_semantics<subcore_parallel>], iteration_bounds = array<i64: 2, 16>, scalar_prefetch = 0 : i64, scratch_operands = 6 : i64, tpu.core_type = #tpu.core_type<sc_vector_subcore>, window_params = [{transform_indices = #map}, {transform_indices = #map1}]} {
    %mul3A = arith.constant 16 : i32
    %mul3A_0 = arith.muli %arg0, %mul3A : i32
    %add3A = arith.addi %mul3A_0, %arg1 : i32
    %dma_start3A = arith.constant 0 : i32
    %dma_start3A_1 = arith.constant 0 : i32
    %dma_start3A_2 = tpu.memref_slice %arg2[%add3A, %dma_start3A, %dma_start3A_1] : memref<32x80x128xi32, #tpu.memory_space<hbm>> -> memref<1x80x128xi32, #tpu.memory_space<hbm>>
    %dma_start3A_3 = tpu.memref_squeeze %dma_start3A_2 : memref<1x80x128xi32, #tpu.memory_space<hbm>> -> memref<80x128xi32, #tpu.memory_space<hbm>>
    %dma_start3A_4 = arith.constant 0 : i32
    %dma_start3A_5 = arith.constant 0 : i32
    %dma_start3A_6 = tpu.memref_slice %arg2[%add3A, %dma_start3A_4, %dma_start3A_5] : memref<32x80x128xi32, #tpu.memory_space<hbm>> -> memref<1x80x128xi32, #tpu.memory_space<hbm>>
    %dma_start3A_7 = tpu.memref_squeeze %dma_start3A_6 : memref<1x80x128xi32, #tpu.memory_space<hbm>> -> memref<80x128xi32, #tpu.memory_space<hbm>>
    tpu.enqueue_dma source(%dma_start3A_7 : memref<80x128xi32, #tpu.memory_space<hbm>>) target(%arg4 : memref<80x128xi32, #tpu.memory_space<vmem>>) target_semaphore(%arg9 : memref<!tpu.dma_semaphore, #tpu.memory_space<semaphore_mem>>)
    %scan3A = arith.constant 0 : i32
    %scan3A_8 = arith.constant 0 : i32
    %scan3A_9 = arith.constant 640 : i32
    %scan3A_10 = arith.addi %scan3A_8, %scan3A_9 : i32
    %scan3A_11 = arith.constant 1 : i32
    %scan3A_12 = scf.for %scan3A_104 = %scan3A_8 to %scan3A_10 step %scan3A_11 iter_args(%scan3A_105 = %scan3A) -> (i32)  : i32 {
      %broadcast_in_dim3A_106 = arith.constant 0.000000e+00 : f32
      %broadcast_in_dim3A_107 = vector.broadcast %broadcast_in_dim3A_106 : f32 to vector<16xf32>
      %mul3A_108 = arith.constant 16 : i32
      %mul3A_109 = arith.muli %scan3A_104, %mul3A_108 : i32
      %swap3A = arith.index_cast %mul3A_109 : i32 to index
      %swap3A_110 = tpu.vector_load %arg5[%swap3A] {strides = array<i32>} : memref<10240xf32, #tpu.memory_space<vmem>>, vector<16xf32>,
      tpu.vector_store %arg5[%swap3A], %broadcast_in_dim3A_107 {strides = array<i32>} : memref<10240xf32, #tpu.memory_space<vmem>>, vector<16xf32>,
      %scan3A_111 = arith.constant 0 : i32
      scf.yield %scan3A_111 : i32
    }
    %scan3A_13 = arith.constant 640 : i32
    %dma_wait3A = arith.constant 0 : i32
    %dma_wait3A_14 = arith.constant 0 : i32
    %dma_wait3A_15 = tpu.memref_slice %arg2[%add3A, %dma_wait3A, %dma_wait3A_14] : memref<32x80x128xi32, #tpu.memory_space<hbm>> -> memref<1x80x128xi32, #tpu.memory_space<hbm>>
    %dma_wait3A_16 = tpu.memref_squeeze %dma_wait3A_15 : memref<1x80x128xi32, #tpu.memory_space<hbm>> -> memref<80x128xi32, #tpu.memory_space<hbm>>
    %dma_wait3A_17 = arith.constant 0 : i32
    %dma_wait3A_18 = arith.constant 0 : i32
    %dma_wait3A_19 = tpu.memref_slice %arg2[%add3A, %dma_wait3A_17, %dma_wait3A_18] : memref<32x80x128xi32, #tpu.memory_space<hbm>> -> memref<1x80x128xi32, #tpu.memory_space<hbm>>
    %dma_wait3A_20 = tpu.memref_squeeze %dma_wait3A_19 : memref<1x80x128xi32, #tpu.memory_space<hbm>> -> memref<80x128xi32, #tpu.memory_space<hbm>>
    tpu.wait_dma2 semaphore(%arg9 : memref<!tpu.dma_semaphore, #tpu.memory_space<semaphore_mem>>) src(%dma_wait3A_20 : memref<80x128xi32, #tpu.memory_space<hbm>>) dst(%arg4 : memref<80x128xi32, #tpu.memory_space<vmem>>)
    %broadcast_in_dim3A = arith.constant 1.000000e+00 : f32
    %broadcast_in_dim3A_21 = vector.broadcast %broadcast_in_dim3A : f32 to vector<16xf32>
    %scan3A_22 = arith.constant 0 : i32
    %scan3A_23 = arith.constant 0 : i32
    %scan3A_24 = arith.constant 640 : i32
    %scan3A_25 = arith.addi %scan3A_23, %scan3A_24 : i32
    %scan3A_26 = arith.constant 1 : i32
    %scan3A_27 = scf.for %scan3A_104 = %scan3A_23 to %scan3A_25 step %scan3A_26 iter_args(%scan3A_105 = %scan3A_22) -> (i32)  : i32 {
      %jit3A = arith.constant 8 : i32
      %div3A = arith.divsi %scan3A_104, %jit3A : i32
      %sign3A = arith.constant 0 : i32
      %sign3A_106 = arith.cmpi sgt, %scan3A_104, %sign3A : i32
      %sign3A_107 = arith.extui %sign3A_106 : i1 to i32
      %sign3A_108 = arith.constant 0 : i32
      %sign3A_109 = arith.cmpi slt, %scan3A_104, %sign3A_108 : i32
      %sign3A_110 = arith.extui %sign3A_109 : i1 to i32
      %sign3A_111 = arith.subi %sign3A_107, %sign3A_110 : i32
      %sign3A_112 = arith.constant 0 : i32
      %sign3A_113 = arith.cmpi sgt, %jit3A, %sign3A_112 : i32
      %sign3A_114 = arith.extui %sign3A_113 : i1 to i32
      %sign3A_115 = arith.constant 0 : i32
      %sign3A_116 = arith.cmpi slt, %jit3A, %sign3A_115 : i32
      %sign3A_117 = arith.extui %sign3A_116 : i1 to i32
      %sign3A_118 = arith.subi %sign3A_114, %sign3A_117 : i32
      %ne3A = arith.cmpi ne, %sign3A_111, %sign3A_118 : i32
      %rem3A = arith.remsi %scan3A_104, %jit3A : i32
      %ne3A_119 = arith.constant 0 : i32
      %ne3A_120 = arith.cmpi ne, %rem3A, %ne3A_119 : i32
      %and3A = arith.andi %ne3A, %ne3A_120 : i1
      %sub3A = arith.constant 1 : i32
      %sub3A_121 = arith.subi %div3A, %sub3A : i32
      %select_n3A = arith.select %and3A, %sub3A_121, %div3A : i32
      %jit3A_122 = arith.constant 8 : i32
      %eq3A = arith.constant 0 : i32
      %eq3A_123 = arith.cmpi eq, %jit3A_122, %eq3A : i32
      %jit3A_124 = arith.constant 1 : i32
      %select_n3A_125 = arith.select %eq3A_123, %jit3A_124, %jit3A_122 : i32
      %rem3A_126 = arith.remsi %scan3A_104, %select_n3A_125 : i32
      %ne3A_127 = arith.constant 0 : i32
      %ne3A_128 = arith.cmpi ne, %rem3A_126, %ne3A_127 : i32
      %lt3A = arith.constant 0 : i32
      %lt3A_129 = arith.cmpi slt, %rem3A_126, %lt3A : i32
      %lt3A_130 = arith.constant 0 : i32
      %lt3A_131 = arith.cmpi slt, %select_n3A_125, %lt3A_130 : i32
      %ne3A_132 = arith.xori %lt3A_129, %lt3A_131 : i1
      %and3A_133 = arith.andi %ne3A_132, %ne3A_128 : i1
      %add3A_134 = arith.addi %rem3A_126, %select_n3A_125 : i32
      %select_n3A_135 = arith.select %and3A_133, %add3A_134, %rem3A_126 : i32
      %mul3A_136 = arith.constant 16 : i32
      %mul3A_137 = arith.muli %select_n3A_135, %mul3A_136 : i32
      %get3A = arith.index_cast %select_n3A : i32 to index
      %get3A_138 = arith.index_cast %mul3A_137 : i32 to index
      %get3A_139 = tpu.vector_load %arg4[%get3A, %get3A_138] {strides = array<i32>} : memref<80x128xi32, #tpu.memory_space<vmem>>, vector<16xi32>,
      tpu.vector_store_idx %arg5[%get3A_139], %broadcast_in_dim3A_21 {add = true} : memref<10240xf32, #tpu.memory_space<vmem>>[vector<16xi32>], vector<16xf32>,
      %scan3A_140 = arith.constant 0 : i32
      scf.yield %scan3A_140 : i32
    }
    %scan3A_28 = arith.constant 640 : i32
    "tpu.region"() ({
      %run_scoped3A_104 = tpu.sem_alloc : memref<!tpu.dma_semaphore, #tpu.memory_space<semaphore_mem>>
      %dma_start3A_105 = arith.constant 0 : i32
      %dma_start3A_106 = tpu.memref_slice %arg8[%arg1, %dma_start3A_105] : memref<16x10240xf32, #tpu.memory_space<vmem_shared>> -> memref<1x10240xf32, #tpu.memory_space<vmem_shared>>
      %dma_start3A_107 = tpu.memref_squeeze %dma_start3A_106 : memref<1x10240xf32, #tpu.memory_space<vmem_shared>> -> memref<10240xf32, #tpu.memory_space<vmem_shared>>
      %dma_start3A_108 = arith.constant 0 : i32
      %dma_start3A_109 = tpu.memref_slice %arg8[%arg1, %dma_start3A_108] : memref<16x10240xf32, #tpu.memory_space<vmem_shared>> -> memref<1x10240xf32, #tpu.memory_space<vmem_shared>>
      %dma_start3A_110 = tpu.memref_squeeze %dma_start3A_109 : memref<1x10240xf32, #tpu.memory_space<vmem_shared>> -> memref<10240xf32, #tpu.memory_space<vmem_shared>>
      tpu.enqueue_dma source(%arg5 : memref<10240xf32, #tpu.memory_space<vmem>>) target(%dma_start3A_110 : memref<10240xf32, #tpu.memory_space<vmem_shared>>) target_semaphore(%run_scoped3A_104 : memref<!tpu.dma_semaphore, #tpu.memory_space<semaphore_mem>>)
      %dma_wait3A_111 = arith.constant 0 : i32
      %dma_wait3A_112 = tpu.memref_slice %arg8[%arg1, %dma_wait3A_111] : memref<16x10240xf32, #tpu.memory_space<vmem_shared>> -> memref<1x10240xf32, #tpu.memory_space<vmem_shared>>
      %dma_wait3A_113 = tpu.memref_squeeze %dma_wait3A_112 : memref<1x10240xf32, #tpu.memory_space<vmem_shared>> -> memref<10240xf32, #tpu.memory_space<vmem_shared>>
      %dma_wait3A_114 = arith.constant 0 : i32
      %dma_wait3A_115 = tpu.memref_slice %arg8[%arg1, %dma_wait3A_114] : memref<16x10240xf32, #tpu.memory_space<vmem_shared>> -> memref<1x10240xf32, #tpu.memory_space<vmem_shared>>
      %dma_wait3A_116 = tpu.memref_squeeze %dma_wait3A_115 : memref<1x10240xf32, #tpu.memory_space<vmem_shared>> -> memref<10240xf32, #tpu.memory_space<vmem_shared>>
      tpu.wait_dma2 semaphore(%run_scoped3A_104 : memref<!tpu.dma_semaphore, #tpu.memory_space<semaphore_mem>>) src(%arg5 : memref<10240xf32, #tpu.memory_space<vmem>>) dst(%dma_wait3A_116 : memref<10240xf32, #tpu.memory_space<vmem_shared>>)
      tpu.yield
    }) : () -> ()
    %barrier3A = arith.constant 0 : index
    tpu.barrier barrier_id(%barrier3A)
    %mul3A_29 = arith.constant 640 : i32
    %mul3A_30 = arith.muli %arg1, %mul3A_29 : i32
    %run_scoped3A = arith.constant 0 : i32
    %run_scoped3A_31 = arith.constant 0 : i32
    "tpu.region"() ({
      %run_scoped3A_104 = tpu.sem_alloc : memref<!tpu.dma_semaphore, #tpu.memory_space<semaphore_mem>>
      %dma_start3A_105 = arith.constant 0 : i32
      %dma_start3A_106 = tpu.memref_slice %arg6[%run_scoped3A_31, %dma_start3A_105] : memref<16x640xf32, #tpu.memory_space<vmem>> -> memref<1x640xf32, #tpu.memory_space<vmem>>
      %dma_start3A_107 = tpu.memref_squeeze %dma_start3A_106 : memref<1x640xf32, #tpu.memory_space<vmem>> -> memref<640xf32, #tpu.memory_space<vmem>>
      %dma_start3A_108 = tpu.memref_slice %arg8[%run_scoped3A, %mul3A_30] : memref<16x10240xf32, #tpu.memory_space<vmem_shared>> -> memref<1x640xf32, #tpu.memory_space<vmem_shared>>
      %dma_start3A_109 = tpu.memref_squeeze %dma_start3A_108 : memref<1x640xf32, #tpu.memory_space<vmem_shared>> -> memref<640xf32, #tpu.memory_space<vmem_shared>>
      %dma_start3A_110 = arith.constant 0 : i32
      %dma_start3A_111 = tpu.memref_slice %arg6[%run_scoped3A_31, %dma_start3A_110] : memref<16x640xf32, #tpu.memory_space<vmem>> -> memref<1x640xf32, #tpu.memory_space<vmem>>
      %dma_start3A_112 = tpu.memref_squeeze %dma_start3A_111 : memref<1x640xf32, #tpu.memory_space<vmem>> -> memref<640xf32, #tpu.memory_space<vmem>>
      %dma_start3A_113 = tpu.memref_slice %arg8[%run_scoped3A, %mul3A_30] : memref<16x10240xf32, #tpu.memory_space<vmem_shared>> -> memref<1x640xf32, #tpu.memory_space<vmem_shared>>
      %dma_start3A_114 = tpu.memref_squeeze %dma_start3A_113 : memref<1x640xf32, #tpu.memory_space<vmem_shared>> -> memref<640xf32, #tpu.memory_space<vmem_shared>>
      tpu.enqueue_dma source(%dma_start3A_114 : memref<640xf32, #tpu.memory_space<vmem_shared>>) target(%dma_start3A_112 : memref<640xf32, #tpu.memory_space<vmem>>) target_semaphore(%run_scoped3A_104 : memref<!tpu.dma_semaphore, #tpu.memory_space<semaphore_mem>>)
      %dma_wait3A_115 = arith.constant 0 : i32
      %dma_wait3A_116 = tpu.memref_slice %arg6[%run_scoped3A_31, %dma_wait3A_115] : memref<16x640xf32, #tpu.memory_space<vmem>> -> memref<1x640xf32, #tpu.memory_space<vmem>>
      %dma_wait3A_117 = tpu.memref_squeeze %dma_wait3A_116 : memref<1x640xf32, #tpu.memory_space<vmem>> -> memref<640xf32, #tpu.memory_space<vmem>>
      %dma_wait3A_118 = tpu.memref_slice %arg8[%run_scoped3A, %mul3A_30] : memref<16x10240xf32, #tpu.memory_space<vmem_shared>> -> memref<1x640xf32, #tpu.memory_space<vmem_shared>>
      %dma_wait3A_119 = tpu.memref_squeeze %dma_wait3A_118 : memref<1x640xf32, #tpu.memory_space<vmem_shared>> -> memref<640xf32, #tpu.memory_space<vmem_shared>>
      %dma_wait3A_120 = arith.constant 0 : i32
      %dma_wait3A_121 = tpu.memref_slice %arg6[%run_scoped3A_31, %dma_wait3A_120] : memref<16x640xf32, #tpu.memory_space<vmem>> -> memref<1x640xf32, #tpu.memory_space<vmem>>
      %dma_wait3A_122 = tpu.memref_squeeze %dma_wait3A_121 : memref<1x640xf32, #tpu.memory_space<vmem>> -> memref<640xf32, #tpu.memory_space<vmem>>
      %dma_wait3A_123 = tpu.memref_slice %arg8[%run_scoped3A, %mul3A_30] : memref<16x10240xf32, #tpu.memory_space<vmem_shared>> -> memref<1x640xf32, #tpu.memory_space<vmem_shared>>
      %dma_wait3A_124 = tpu.memref_squeeze %dma_wait3A_123 : memref<1x640xf32, #tpu.memory_space<vmem_shared>> -> memref<640xf32, #tpu.memory_space<vmem_shared>>
      tpu.wait_dma2 semaphore(%run_scoped3A_104 : memref<!tpu.dma_semaphore, #tpu.memory_space<semaphore_mem>>) src(%dma_wait3A_124 : memref<640xf32, #tpu.memory_space<vmem_shared>>) dst(%dma_wait3A_122 : memref<640xf32, #tpu.memory_space<vmem>>)
      tpu.yield
    }) : () -> ()
    %mul3A_32 = arith.constant 640 : i32
    %mul3A_33 = arith.muli %arg1, %mul3A_32 : i32
    %run_scoped3A_34 = arith.constant 1 : i32
    %run_scoped3A_35 = arith.constant 1 : i32
    "tpu.region"() ({
      %run_scoped3A_104 = tpu.sem_alloc : memref<!tpu.dma_semaphore, #tpu.memory_space<semaphore_mem>>
      %dma_start3A_105 = arith.constant 0 : i32
      %dma_start3A_106 = tpu.memref_slice %arg6[%run_scoped3A_35, %dma_start3A_105] : memref<16x640xf32, #tpu.memory_space<vmem>> -> memref<1x640xf32, #tpu.memory_space<vmem>>
      %dma_start3A_107 = tpu.memref_squeeze %dma_start3A_106 : memref<1x640xf32, #tpu.memory_space<vmem>> -> memref<640xf32, #tpu.memory_space<vmem>>
      %dma_start3A_108 = tpu.memref_slice %arg8[%run_scoped3A_34, %mul3A_33] : memref<16x10240xf32, #tpu.memory_space<vmem_shared>> -> memref<1x640xf32, #tpu.memory_space<vmem_shared>>
      %dma_start3A_109 = tpu.memref_squeeze %dma_start3A_108 : memref<1x640xf32, #tpu.memory_space<vmem_shared>> -> memref<640xf32, #tpu.memory_space<vmem_shared>>
      %dma_start3A_110 = arith.constant 0 : i32
      %dma_start3A_111 = tpu.memref_slice %arg6[%run_scoped3A_35, %dma_start3A_110] : memref<16x640xf32, #tpu.memory_space<vmem>> -> memref<1x640xf32, #tpu.memory_space<vmem>>
      %dma_start3A_112 = tpu.memref_squeeze %dma_start3A_111 : memref<1x640xf32, #tpu.memory_space<vmem>> -> memref<640xf32, #tpu.memory_space<vmem>>
      %dma_start3A_113 = tpu.memref_slice %arg8[%run_scoped3A_34, %mul3A_33] : memref<16x10240xf32, #tpu.memory_space<vmem_shared>> -> memref<1x640xf32, #tpu.memory_space<vmem_shared>>
      %dma_start3A_114 = tpu.memref_squeeze %dma_start3A_113 : memref<1x640xf32, #tpu.memory_space<vmem_shared>> -> memref<640xf32, #tpu.memory_space<vmem_shared>>
      tpu.enqueue_dma source(%dma_start3A_114 : memref<640xf32, #tpu.memory_space<vmem_shared>>) target(%dma_start3A_112 : memref<640xf32, #tpu.memory_space<vmem>>) target_semaphore(%run_scoped3A_104 : memref<!tpu.dma_semaphore, #tpu.memory_space<semaphore_mem>>)
      %dma_wait3A_115 = arith.constant 0 : i32
      %dma_wait3A_116 = tpu.memref_slice %arg6[%run_scoped3A_35, %dma_wait3A_115] : memref<16x640xf32, #tpu.memory_space<vmem>> -> memref<1x640xf32, #tpu.memory_space<vmem>>
      %dma_wait3A_117 = tpu.memref_squeeze %dma_wait3A_116 : memref<1x640xf32, #tpu.memory_space<vmem>> -> memref<640xf32, #tpu.memory_space<vmem>>
      %dma_wait3A_118 = tpu.memref_slice %arg8[%run_scoped3A_34, %mul3A_33] : memref<16x10240xf32, #tpu.memory_space<vmem_shared>> -> memref<1x640xf32, #tpu.memory_space<vmem_shared>>
      %dma_wait3A_119 = tpu.memref_squeeze %dma_wait3A_118 : memref<1x640xf32, #tpu.memory_space<vmem_shared>> -> memref<640xf32, #tpu.memory_space<vmem_shared>>
      %dma_wait3A_120 = arith.constant 0 : i32
      %dma_wait3A_121 = tpu.memref_slice %arg6[%run_scoped3A_35, %dma_wait3A_120] : memref<16x640xf32, #tpu.memory_space<vmem>> -> memref<1x640xf32, #tpu.memory_space<vmem>>
      %dma_wait3A_122 = tpu.memref_squeeze %dma_wait3A_121 : memref<1x640xf32, #tpu.memory_space<vmem>> -> memref<640xf32, #tpu.memory_space<vmem>>
      %dma_wait3A_123 = tpu.memref_slice %arg8[%run_scoped3A_34, %mul3A_33] : memref<16x10240xf32, #tpu.memory_space<vmem_shared>> -> memref<1x640xf32, #tpu.memory_space<vmem_shared>>
      %dma_wait3A_124 = tpu.memref_squeeze %dma_wait3A_123 : memref<1x640xf32, #tpu.memory_space<vmem_shared>> -> memref<640xf32, #tpu.memory_space<vmem_shared>>
      tpu.wait_dma2 semaphore(%run_scoped3A_104 : memref<!tpu.dma_semaphore, #tpu.memory_space<semaphore_mem>>) src(%dma_wait3A_124 : memref<640xf32, #tpu.memory_space<vmem_shared>>) dst(%dma_wait3A_122 : memref<640xf32, #tpu.memory_space<vmem>>)
      tpu.yield
    }) : () -> ()
    %mul3A_36 = arith.constant 640 : i32
    %mul3A_37 = arith.muli %arg1, %mul3A_36 : i32
    %run_scoped3A_38 = arith.constant 2 : i32
    %run_scoped3A_39 = arith.constant 2 : i32
    "tpu.region"() ({
      %run_scoped3A_104 = tpu.sem_alloc : memref<!tpu.dma_semaphore, #tpu.memory_space<semaphore_mem>>
      %dma_start3A_105 = arith.constant 0 : i32
      %dma_start3A_106 = tpu.memref_slice %arg6[%run_scoped3A_39, %dma_start3A_105] : memref<16x640xf32, #tpu.memory_space<vmem>> -> memref<1x640xf32, #tpu.memory_space<vmem>>
      %dma_start3A_107 = tpu.memref_squeeze %dma_start3A_106 : memref<1x640xf32, #tpu.memory_space<vmem>> -> memref<640xf32, #tpu.memory_space<vmem>>
      %dma_start3A_108 = tpu.memref_slice %arg8[%run_scoped3A_38, %mul3A_37] : memref<16x10240xf32, #tpu.memory_space<vmem_shared>> -> memref<1x640xf32, #tpu.memory_space<vmem_shared>>
      %dma_start3A_109 = tpu.memref_squeeze %dma_start3A_108 : memref<1x640xf32, #tpu.memory_space<vmem_shared>> -> memref<640xf32, #tpu.memory_space<vmem_shared>>
      %dma_start3A_110 = arith.constant 0 : i32
      %dma_start3A_111 = tpu.memref_slice %arg6[%run_scoped3A_39, %dma_start3A_110] : memref<16x640xf32, #tpu.memory_space<vmem>> -> memref<1x640xf32, #tpu.memory_space<vmem>>
      %dma_start3A_112 = tpu.memref_squeeze %dma_start3A_111 : memref<1x640xf32, #tpu.memory_space<vmem>> -> memref<640xf32, #tpu.memory_space<vmem>>
      %dma_start3A_113 = tpu.memref_slice %arg8[%run_scoped3A_38, %mul3A_37] : memref<16x10240xf32, #tpu.memory_space<vmem_shared>> -> memref<1x640xf32, #tpu.memory_space<vmem_shared>>
      %dma_start3A_114 = tpu.memref_squeeze %dma_start3A_113 : memref<1x640xf32, #tpu.memory_space<vmem_shared>> -> memref<640xf32, #tpu.memory_space<vmem_shared>>
      tpu.enqueue_dma source(%dma_start3A_114 : memref<640xf32, #tpu.memory_space<vmem_shared>>) target(%dma_start3A_112 : memref<640xf32, #tpu.memory_space<vmem>>) target_semaphore(%run_scoped3A_104 : memref<!tpu.dma_semaphore, #tpu.memory_space<semaphore_mem>>)
      %dma_wait3A_115 = arith.constant 0 : i32
      %dma_wait3A_116 = tpu.memref_slice %arg6[%run_scoped3A_39, %dma_wait3A_115] : memref<16x640xf32, #tpu.memory_space<vmem>> -> memref<1x640xf32, #tpu.memory_space<vmem>>
      %dma_wait3A_117 = tpu.memref_squeeze %dma_wait3A_116 : memref<1x640xf32, #tpu.memory_space<vmem>> -> memref<640xf32, #tpu.memory_space<vmem>>
      %dma_wait3A_118 = tpu.memref_slice %arg8[%run_scoped3A_38, %mul3A_37] : memref<16x10240xf32, #tpu.memory_space<vmem_shared>> -> memref<1x640xf32, #tpu.memory_space<vmem_shared>>
      %dma_wait3A_119 = tpu.memref_squeeze %dma_wait3A_118 : memref<1x640xf32, #tpu.memory_space<vmem_shared>> -> memref<640xf32, #tpu.memory_space<vmem_shared>>
      %dma_wait3A_120 = arith.constant 0 : i32
      %dma_wait3A_121 = tpu.memref_slice %arg6[%run_scoped3A_39, %dma_wait3A_120] : memref<16x640xf32, #tpu.memory_space<vmem>> -> memref<1x640xf32, #tpu.memory_space<vmem>>
      %dma_wait3A_122 = tpu.memref_squeeze %dma_wait3A_121 : memref<1x640xf32, #tpu.memory_space<vmem>> -> memref<640xf32, #tpu.memory_space<vmem>>
      %dma_wait3A_123 = tpu.memref_slice %arg8[%run_scoped3A_38, %mul3A_37] : memref<16x10240xf32, #tpu.memory_space<vmem_shared>> -> memref<1x640xf32, #tpu.memory_space<vmem_shared>>
      %dma_wait3A_124 = tpu.memref_squeeze %dma_wait3A_123 : memref<1x640xf32, #tpu.memory_space<vmem_shared>> -> memref<640xf32, #tpu.memory_space<vmem_shared>>
      tpu.wait_dma2 semaphore(%run_scoped3A_104 : memref<!tpu.dma_semaphore, #tpu.memory_space<semaphore_mem>>) src(%dma_wait3A_124 : memref<640xf32, #tpu.memory_space<vmem_shared>>) dst(%dma_wait3A_122 : memref<640xf32, #tpu.memory_space<vmem>>)
      tpu.yield
    }) : () -> ()
    %mul3A_40 = arith.constant 640 : i32
    %mul3A_41 = arith.muli %arg1, %mul3A_40 : i32
    %run_scoped3A_42 = arith.constant 3 : i32
    %run_scoped3A_43 = arith.constant 3 : i32
    "tpu.region"() ({
      %run_scoped3A_104 = tpu.sem_alloc : memref<!tpu.dma_semaphore, #tpu.memory_space<semaphore_mem>>
      %dma_start3A_105 = arith.constant 0 : i32
      %dma_start3A_106 = tpu.memref_slice %arg6[%run_scoped3A_43, %dma_start3A_105] : memref<16x640xf32, #tpu.memory_space<vmem>> -> memref<1x640xf32, #tpu.memory_space<vmem>>
      %dma_start3A_107 = tpu.memref_squeeze %dma_start3A_106 : memref<1x640xf32, #tpu.memory_space<vmem>> -> memref<640xf32, #tpu.memory_space<vmem>>
      %dma_start3A_108 = tpu.memref_slice %arg8[%run_scoped3A_42, %mul3A_41] : memref<16x10240xf32, #tpu.memory_space<vmem_shared>> -> memref<1x640xf32, #tpu.memory_space<vmem_shared>>
      %dma_start3A_109 = tpu.memref_squeeze %dma_start3A_108 : memref<1x640xf32, #tpu.memory_space<vmem_shared>> -> memref<640xf32, #tpu.memory_space<vmem_shared>>
      %dma_start3A_110 = arith.constant 0 : i32
      %dma_start3A_111 = tpu.memref_slice %arg6[%run_scoped3A_43, %dma_start3A_110] : memref<16x640xf32, #tpu.memory_space<vmem>> -> memref<1x640xf32, #tpu.memory_space<vmem>>
      %dma_start3A_112 = tpu.memref_squeeze %dma_start3A_111 : memref<1x640xf32, #tpu.memory_space<vmem>> -> memref<640xf32, #tpu.memory_space<vmem>>
      %dma_start3A_113 = tpu.memref_slice %arg8[%run_scoped3A_42, %mul3A_41] : memref<16x10240xf32, #tpu.memory_space<vmem_shared>> -> memref<1x640xf32, #tpu.memory_space<vmem_shared>>
      %dma_start3A_114 = tpu.memref_squeeze %dma_start3A_113 : memref<1x640xf32, #tpu.memory_space<vmem_shared>> -> memref<640xf32, #tpu.memory_space<vmem_shared>>
      tpu.enqueue_dma source(%dma_start3A_114 : memref<640xf32, #tpu.memory_space<vmem_shared>>) target(%dma_start3A_112 : memref<640xf32, #tpu.memory_space<vmem>>) target_semaphore(%run_scoped3A_104 : memref<!tpu.dma_semaphore, #tpu.memory_space<semaphore_mem>>)
      %dma_wait3A_115 = arith.constant 0 : i32
      %dma_wait3A_116 = tpu.memref_slice %arg6[%run_scoped3A_43, %dma_wait3A_115] : memref<16x640xf32, #tpu.memory_space<vmem>> -> memref<1x640xf32, #tpu.memory_space<vmem>>
      %dma_wait3A_117 = tpu.memref_squeeze %dma_wait3A_116 : memref<1x640xf32, #tpu.memory_space<vmem>> -> memref<640xf32, #tpu.memory_space<vmem>>
      %dma_wait3A_118 = tpu.memref_slice %arg8[%run_scoped3A_42, %mul3A_41] : memref<16x10240xf32, #tpu.memory_space<vmem_shared>> -> memref<1x640xf32, #tpu.memory_space<vmem_shared>>
      %dma_wait3A_119 = tpu.memref_squeeze %dma_wait3A_118 : memref<1x640xf32, #tpu.memory_space<vmem_shared>> -> memref<640xf32, #tpu.memory_space<vmem_shared>>
      %dma_wait3A_120 = arith.constant 0 : i32
      %dma_wait3A_121 = tpu.memref_slice %arg6[%run_scoped3A_43, %dma_wait3A_120] : memref<16x640xf32, #tpu.memory_space<vmem>> -> memref<1x640xf32, #tpu.memory_space<vmem>>
      %dma_wait3A_122 = tpu.memref_squeeze %dma_wait3A_121 : memref<1x640xf32, #tpu.memory_space<vmem>> -> memref<640xf32, #tpu.memory_space<vmem>>
      %dma_wait3A_123 = tpu.memref_slice %arg8[%run_scoped3A_42, %mul3A_41] : memref<16x10240xf32, #tpu.memory_space<vmem_shared>> -> memref<1x640xf32, #tpu.memory_space<vmem_shared>>
      %dma_wait3A_124 = tpu.memref_squeeze %dma_wait3A_123 : memref<1x640xf32, #tpu.memory_space<vmem_shared>> -> memref<640xf32, #tpu.memory_space<vmem_shared>>
      tpu.wait_dma2 semaphore(%run_scoped3A_104 : memref<!tpu.dma_semaphore, #tpu.memory_space<semaphore_mem>>) src(%dma_wait3A_124 : memref<640xf32, #tpu.memory_space<vmem_shared>>) dst(%dma_wait3A_122 : memref<640xf32, #tpu.memory_space<vmem>>)
      tpu.yield
    }) : () -> ()
    %mul3A_44 = arith.constant 640 : i32
    %mul3A_45 = arith.muli %arg1, %mul3A_44 : i32
    %run_scoped3A_46 = arith.constant 4 : i32
    %run_scoped3A_47 = arith.constant 4 : i32
    "tpu.region"() ({
      %run_scoped3A_104 = tpu.sem_alloc : memref<!tpu.dma_semaphore, #tpu.memory_space<semaphore_mem>>
      %dma_start3A_105 = arith.constant 0 : i32
      %dma_start3A_106 = tpu.memref_slice %arg6[%run_scoped3A_47, %dma_start3A_105] : memref<16x640xf32, #tpu.memory_space<vmem>> -> memref<1x640xf32, #tpu.memory_space<vmem>>
      %dma_start3A_107 = tpu.memref_squeeze %dma_start3A_106 : memref<1x640xf32, #tpu.memory_space<vmem>> -> memref<640xf32, #tpu.memory_space<vmem>>
      %dma_start3A_108 = tpu.memref_slice %arg8[%run_scoped3A_46, %mul3A_45] : memref<16x10240xf32, #tpu.memory_space<vmem_shared>> -> memref<1x640xf32, #tpu.memory_space<vmem_shared>>
      %dma_start3A_109 = tpu.memref_squeeze %dma_start3A_108 : memref<1x640xf32, #tpu.memory_space<vmem_shared>> -> memref<640xf32, #tpu.memory_space<vmem_shared>>
      %dma_start3A_110 = arith.constant 0 : i32
      %dma_start3A_111 = tpu.memref_slice %arg6[%run_scoped3A_47, %dma_start3A_110] : memref<16x640xf32, #tpu.memory_space<vmem>> -> memref<1x640xf32, #tpu.memory_space<vmem>>
      %dma_start3A_112 = tpu.memref_squeeze %dma_start3A_111 : memref<1x640xf32, #tpu.memory_space<vmem>> -> memref<640xf32, #tpu.memory_space<vmem>>
      %dma_start3A_113 = tpu.memref_slice %arg8[%run_scoped3A_46, %mul3A_45] : memref<16x10240xf32, #tpu.memory_space<vmem_shared>> -> memref<1x640xf32, #tpu.memory_space<vmem_shared>>
      %dma_start3A_114 = tpu.memref_squeeze %dma_start3A_113 : memref<1x640xf32, #tpu.memory_space<vmem_shared>> -> memref<640xf32, #tpu.memory_space<vmem_shared>>
      tpu.enqueue_dma source(%dma_start3A_114 : memref<640xf32, #tpu.memory_space<vmem_shared>>) target(%dma_start3A_112 : memref<640xf32, #tpu.memory_space<vmem>>) target_semaphore(%run_scoped3A_104 : memref<!tpu.dma_semaphore, #tpu.memory_space<semaphore_mem>>)
      %dma_wait3A_115 = arith.constant 0 : i32
      %dma_wait3A_116 = tpu.memref_slice %arg6[%run_scoped3A_47, %dma_wait3A_115] : memref<16x640xf32, #tpu.memory_space<vmem>> -> memref<1x640xf32, #tpu.memory_space<vmem>>
      %dma_wait3A_117 = tpu.memref_squeeze %dma_wait3A_116 : memref<1x640xf32, #tpu.memory_space<vmem>> -> memref<640xf32, #tpu.memory_space<vmem>>
      %dma_wait3A_118 = tpu.memref_slice %arg8[%run_scoped3A_46, %mul3A_45] : memref<16x10240xf32, #tpu.memory_space<vmem_shared>> -> memref<1x640xf32, #tpu.memory_space<vmem_shared>>
      %dma_wait3A_119 = tpu.memref_squeeze %dma_wait3A_118 : memref<1x640xf32, #tpu.memory_space<vmem_shared>> -> memref<640xf32, #tpu.memory_space<vmem_shared>>
      %dma_wait3A_120 = arith.constant 0 : i32
      %dma_wait3A_121 = tpu.memref_slice %arg6[%run_scoped3A_47, %dma_wait3A_120] : memref<16x640xf32, #tpu.memory_space<vmem>> -> memref<1x640xf32, #tpu.memory_space<vmem>>
      %dma_wait3A_122 = tpu.memref_squeeze %dma_wait3A_121 : memref<1x640xf32, #tpu.memory_space<vmem>> -> memref<640xf32, #tpu.memory_space<vmem>>
      %dma_wait3A_123 = tpu.memref_slice %arg8[%run_scoped3A_46, %mul3A_45] : memref<16x10240xf32, #tpu.memory_space<vmem_shared>> -> memref<1x640xf32, #tpu.memory_space<vmem_shared>>
      %dma_wait3A_124 = tpu.memref_squeeze %dma_wait3A_123 : memref<1x640xf32, #tpu.memory_space<vmem_shared>> -> memref<640xf32, #tpu.memory_space<vmem_shared>>
      tpu.wait_dma2 semaphore(%run_scoped3A_104 : memref<!tpu.dma_semaphore, #tpu.memory_space<semaphore_mem>>) src(%dma_wait3A_124 : memref<640xf32, #tpu.memory_space<vmem_shared>>) dst(%dma_wait3A_122 : memref<640xf32, #tpu.memory_space<vmem>>)
      tpu.yield
    }) : () -> ()
    %mul3A_48 = arith.constant 640 : i32
    %mul3A_49 = arith.muli %arg1, %mul3A_48 : i32
    %run_scoped3A_50 = arith.constant 5 : i32
    %run_scoped3A_51 = arith.constant 5 : i32
    "tpu.region"() ({
      %run_scoped3A_104 = tpu.sem_alloc : memref<!tpu.dma_semaphore, #tpu.memory_space<semaphore_mem>>
      %dma_start3A_105 = arith.constant 0 : i32
      %dma_start3A_106 = tpu.memref_slice %arg6[%run_scoped3A_51, %dma_start3A_105] : memref<16x640xf32, #tpu.memory_space<vmem>> -> memref<1x640xf32, #tpu.memory_space<vmem>>
      %dma_start3A_107 = tpu.memref_squeeze %dma_start3A_106 : memref<1x640xf32, #tpu.memory_space<vmem>> -> memref<640xf32, #tpu.memory_space<vmem>>
      %dma_start3A_108 = tpu.memref_slice %arg8[%run_scoped3A_50, %mul3A_49] : memref<16x10240xf32, #tpu.memory_space<vmem_shared>> -> memref<1x640xf32, #tpu.memory_space<vmem_shared>>
      %dma_start3A_109 = tpu.memref_squeeze %dma_start3A_108 : memref<1x640xf32, #tpu.memory_space<vmem_shared>> -> memref<640xf32, #tpu.memory_space<vmem_shared>>
      %dma_start3A_110 = arith.constant 0 : i32
      %dma_start3A_111 = tpu.memref_slice %arg6[%run_scoped3A_51, %dma_start3A_110] : memref<16x640xf32, #tpu.memory_space<vmem>> -> memref<1x640xf32, #tpu.memory_space<vmem>>
      %dma_start3A_112 = tpu.memref_squeeze %dma_start3A_111 : memref<1x640xf32, #tpu.memory_space<vmem>> -> memref<640xf32, #tpu.memory_space<vmem>>
      %dma_start3A_113 = tpu.memref_slice %arg8[%run_scoped3A_50, %mul3A_49] : memref<16x10240xf32, #tpu.memory_space<vmem_shared>> -> memref<1x640xf32, #tpu.memory_space<vmem_shared>>
      %dma_start3A_114 = tpu.memref_squeeze %dma_start3A_113 : memref<1x640xf32, #tpu.memory_space<vmem_shared>> -> memref<640xf32, #tpu.memory_space<vmem_shared>>
      tpu.enqueue_dma source(%dma_start3A_114 : memref<640xf32, #tpu.memory_space<vmem_shared>>) target(%dma_start3A_112 : memref<640xf32, #tpu.memory_space<vmem>>) target_semaphore(%run_scoped3A_104 : memref<!tpu.dma_semaphore, #tpu.memory_space<semaphore_mem>>)
      %dma_wait3A_115 = arith.constant 0 : i32
      %dma_wait3A_116 = tpu.memref_slice %arg6[%run_scoped3A_51, %dma_wait3A_115] : memref<16x640xf32, #tpu.memory_space<vmem>> -> memref<1x640xf32, #tpu.memory_space<vmem>>
      %dma_wait3A_117 = tpu.memref_squeeze %dma_wait3A_116 : memref<1x640xf32, #tpu.memory_space<vmem>> -> memref<640xf32, #tpu.memory_space<vmem>>
      %dma_wait3A_118 = tpu.memref_slice %arg8[%run_scoped3A_50, %mul3A_49] : memref<16x10240xf32, #tpu.memory_space<vmem_shared>> -> memref<1x640xf32, #tpu.memory_space<vmem_shared>>
      %dma_wait3A_119 = tpu.memref_squeeze %dma_wait3A_118 : memref<1x640xf32, #tpu.memory_space<vmem_shared>> -> memref<640xf32, #tpu.memory_space<vmem_shared>>
      %dma_wait3A_120 = arith.constant 0 : i32
      %dma_wait3A_121 = tpu.memref_slice %arg6[%run_scoped3A_51, %dma_wait3A_120] : memref<16x640xf32, #tpu.memory_space<vmem>> -> memref<1x640xf32, #tpu.memory_space<vmem>>
      %dma_wait3A_122 = tpu.memref_squeeze %dma_wait3A_121 : memref<1x640xf32, #tpu.memory_space<vmem>> -> memref<640xf32, #tpu.memory_space<vmem>>
      %dma_wait3A_123 = tpu.memref_slice %arg8[%run_scoped3A_50, %mul3A_49] : memref<16x10240xf32, #tpu.memory_space<vmem_shared>> -> memref<1x640xf32, #tpu.memory_space<vmem_shared>>
      %dma_wait3A_124 = tpu.memref_squeeze %dma_wait3A_123 : memref<1x640xf32, #tpu.memory_space<vmem_shared>> -> memref<640xf32, #tpu.memory_space<vmem_shared>>
      tpu.wait_dma2 semaphore(%run_scoped3A_104 : memref<!tpu.dma_semaphore, #tpu.memory_space<semaphore_mem>>) src(%dma_wait3A_124 : memref<640xf32, #tpu.memory_space<vmem_shared>>) dst(%dma_wait3A_122 : memref<640xf32, #tpu.memory_space<vmem>>)
      tpu.yield
    }) : () -> ()
    %mul3A_52 = arith.constant 640 : i32
    %mul3A_53 = arith.muli %arg1, %mul3A_52 : i32
    %run_scoped3A_54 = arith.constant 6 : i32
    %run_scoped3A_55 = arith.constant 6 : i32
    "tpu.region"() ({
      %run_scoped3A_104 = tpu.sem_alloc : memref<!tpu.dma_semaphore, #tpu.memory_space<semaphore_mem>>
      %dma_start3A_105 = arith.constant 0 : i32
      %dma_start3A_106 = tpu.memref_slice %arg6[%run_scoped3A_55, %dma_start3A_105] : memref<16x640xf32, #tpu.memory_space<vmem>> -> memref<1x640xf32, #tpu.memory_space<vmem>>
      %dma_start3A_107 = tpu.memref_squeeze %dma_start3A_106 : memref<1x640xf32, #tpu.memory_space<vmem>> -> memref<640xf32, #tpu.memory_space<vmem>>
      %dma_start3A_108 = tpu.memref_slice %arg8[%run_scoped3A_54, %mul3A_53] : memref<16x10240xf32, #tpu.memory_space<vmem_shared>> -> memref<1x640xf32, #tpu.memory_space<vmem_shared>>
      %dma_start3A_109 = tpu.memref_squeeze %dma_start3A_108 : memref<1x640xf32, #tpu.memory_space<vmem_shared>> -> memref<640xf32, #tpu.memory_space<vmem_shared>>
      %dma_start3A_110 = arith.constant 0 : i32
      %dma_start3A_111 = tpu.memref_slice %arg6[%run_scoped3A_55, %dma_start3A_110] : memref<16x640xf32, #tpu.memory_space<vmem>> -> memref<1x640xf32, #tpu.memory_space<vmem>>
      %dma_start3A_112 = tpu.memref_squeeze %dma_start3A_111 : memref<1x640xf32, #tpu.memory_space<vmem>> -> memref<640xf32, #tpu.memory_space<vmem>>
      %dma_start3A_113 = tpu.memref_slice %arg8[%run_scoped3A_54, %mul3A_53] : memref<16x10240xf32, #tpu.memory_space<vmem_shared>> -> memref<1x640xf32, #tpu.memory_space<vmem_shared>>
      %dma_start3A_114 = tpu.memref_squeeze %dma_start3A_113 : memref<1x640xf32, #tpu.memory_space<vmem_shared>> -> memref<640xf32, #tpu.memory_space<vmem_shared>>
      tpu.enqueue_dma source(%dma_start3A_114 : memref<640xf32, #tpu.memory_space<vmem_shared>>) target(%dma_start3A_112 : memref<640xf32, #tpu.memory_space<vmem>>) target_semaphore(%run_scoped3A_104 : memref<!tpu.dma_semaphore, #tpu.memory_space<semaphore_mem>>)
      %dma_wait3A_115 = arith.constant 0 : i32
      %dma_wait3A_116 = tpu.memref_slice %arg6[%run_scoped3A_55, %dma_wait3A_115] : memref<16x640xf32, #tpu.memory_space<vmem>> -> memref<1x640xf32, #tpu.memory_space<vmem>>
      %dma_wait3A_117 = tpu.memref_squeeze %dma_wait3A_116 : memref<1x640xf32, #tpu.memory_space<vmem>> -> memref<640xf32, #tpu.memory_space<vmem>>
      %dma_wait3A_118 = tpu.memref_slice %arg8[%run_scoped3A_54, %mul3A_53] : memref<16x10240xf32, #tpu.memory_space<vmem_shared>> -> memref<1x640xf32, #tpu.memory_space<vmem_shared>>
      %dma_wait3A_119 = tpu.memref_squeeze %dma_wait3A_118 : memref<1x640xf32, #tpu.memory_space<vmem_shared>> -> memref<640xf32, #tpu.memory_space<vmem_shared>>
      %dma_wait3A_120 = arith.constant 0 : i32
      %dma_wait3A_121 = tpu.memref_slice %arg6[%run_scoped3A_55, %dma_wait3A_120] : memref<16x640xf32, #tpu.memory_space<vmem>> -> memref<1x640xf32, #tpu.memory_space<vmem>>
      %dma_wait3A_122 = tpu.memref_squeeze %dma_wait3A_121 : memref<1x640xf32, #tpu.memory_space<vmem>> -> memref<640xf32, #tpu.memory_space<vmem>>
      %dma_wait3A_123 = tpu.memref_slice %arg8[%run_scoped3A_54, %mul3A_53] : memref<16x10240xf32, #tpu.memory_space<vmem_shared>> -> memref<1x640xf32, #tpu.memory_space<vmem_shared>>
      %dma_wait3A_124 = tpu.memref_squeeze %dma_wait3A_123 : memref<1x640xf32, #tpu.memory_space<vmem_shared>> -> memref<640xf32, #tpu.memory_space<vmem_shared>>
      tpu.wait_dma2 semaphore(%run_scoped3A_104 : memref<!tpu.dma_semaphore, #tpu.memory_space<semaphore_mem>>) src(%dma_wait3A_124 : memref<640xf32, #tpu.memory_space<vmem_shared>>) dst(%dma_wait3A_122 : memref<640xf32, #tpu.memory_space<vmem>>)
      tpu.yield
    }) : () -> ()
    %mul3A_56 = arith.constant 640 : i32
    %mul3A_57 = arith.muli %arg1, %mul3A_56 : i32
    %run_scoped3A_58 = arith.constant 7 : i32
    %run_scoped3A_59 = arith.constant 7 : i32
    "tpu.region"() ({
      %run_scoped3A_104 = tpu.sem_alloc : memref<!tpu.dma_semaphore, #tpu.memory_space<semaphore_mem>>
      %dma_start3A_105 = arith.constant 0 : i32
      %dma_start3A_106 = tpu.memref_slice %arg6[%run_scoped3A_59, %dma_start3A_105] : memref<16x640xf32, #tpu.memory_space<vmem>> -> memref<1x640xf32, #tpu.memory_space<vmem>>
      %dma_start3A_107 = tpu.memref_squeeze %dma_start3A_106 : memref<1x640xf32, #tpu.memory_space<vmem>> -> memref<640xf32, #tpu.memory_space<vmem>>
      %dma_start3A_108 = tpu.memref_slice %arg8[%run_scoped3A_58, %mul3A_57] : memref<16x10240xf32, #tpu.memory_space<vmem_shared>> -> memref<1x640xf32, #tpu.memory_space<vmem_shared>>
      %dma_start3A_109 = tpu.memref_squeeze %dma_start3A_108 : memref<1x640xf32, #tpu.memory_space<vmem_shared>> -> memref<640xf32, #tpu.memory_space<vmem_shared>>
      %dma_start3A_110 = arith.constant 0 : i32
      %dma_start3A_111 = tpu.memref_slice %arg6[%run_scoped3A_59, %dma_start3A_110] : memref<16x640xf32, #tpu.memory_space<vmem>> -> memref<1x640xf32, #tpu.memory_space<vmem>>
      %dma_start3A_112 = tpu.memref_squeeze %dma_start3A_111 : memref<1x640xf32, #tpu.memory_space<vmem>> -> memref<640xf32, #tpu.memory_space<vmem>>
      %dma_start3A_113 = tpu.memref_slice %arg8[%run_scoped3A_58, %mul3A_57] : memref<16x10240xf32, #tpu.memory_space<vmem_shared>> -> memref<1x640xf32, #tpu.memory_space<vmem_shared>>
      %dma_start3A_114 = tpu.memref_squeeze %dma_start3A_113 : memref<1x640xf32, #tpu.memory_space<vmem_shared>> -> memref<640xf32, #tpu.memory_space<vmem_shared>>
      tpu.enqueue_dma source(%dma_start3A_114 : memref<640xf32, #tpu.memory_space<vmem_shared>>) target(%dma_start3A_112 : memref<640xf32, #tpu.memory_space<vmem>>) target_semaphore(%run_scoped3A_104 : memref<!tpu.dma_semaphore, #tpu.memory_space<semaphore_mem>>)
      %dma_wait3A_115 = arith.constant 0 : i32
      %dma_wait3A_116 = tpu.memref_slice %arg6[%run_scoped3A_59, %dma_wait3A_115] : memref<16x640xf32, #tpu.memory_space<vmem>> -> memref<1x640xf32, #tpu.memory_space<vmem>>
      %dma_wait3A_117 = tpu.memref_squeeze %dma_wait3A_116 : memref<1x640xf32, #tpu.memory_space<vmem>> -> memref<640xf32, #tpu.memory_space<vmem>>
      %dma_wait3A_118 = tpu.memref_slice %arg8[%run_scoped3A_58, %mul3A_57] : memref<16x10240xf32, #tpu.memory_space<vmem_shared>> -> memref<1x640xf32, #tpu.memory_space<vmem_shared>>
      %dma_wait3A_119 = tpu.memref_squeeze %dma_wait3A_118 : memref<1x640xf32, #tpu.memory_space<vmem_shared>> -> memref<640xf32, #tpu.memory_space<vmem_shared>>
      %dma_wait3A_120 = arith.constant 0 : i32
      %dma_wait3A_121 = tpu.memref_slice %arg6[%run_scoped3A_59, %dma_wait3A_120] : memref<16x640xf32, #tpu.memory_space<vmem>> -> memref<1x640xf32, #tpu.memory_space<vmem>>
      %dma_wait3A_122 = tpu.memref_squeeze %dma_wait3A_121 : memref<1x640xf32, #tpu.memory_space<vmem>> -> memref<640xf32, #tpu.memory_space<vmem>>
      %dma_wait3A_123 = tpu.memref_slice %arg8[%run_scoped3A_58, %mul3A_57] : memref<16x10240xf32, #tpu.memory_space<vmem_shared>> -> memref<1x640xf32, #tpu.memory_space<vmem_shared>>
      %dma_wait3A_124 = tpu.memref_squeeze %dma_wait3A_123 : memref<1x640xf32, #tpu.memory_space<vmem_shared>> -> memref<640xf32, #tpu.memory_space<vmem_shared>>
      tpu.wait_dma2 semaphore(%run_scoped3A_104 : memref<!tpu.dma_semaphore, #tpu.memory_space<semaphore_mem>>) src(%dma_wait3A_124 : memref<640xf32, #tpu.memory_space<vmem_shared>>) dst(%dma_wait3A_122 : memref<640xf32, #tpu.memory_space<vmem>>)
      tpu.yield
    }) : () -> ()
    %mul3A_60 = arith.constant 640 : i32
    %mul3A_61 = arith.muli %arg1, %mul3A_60 : i32
    %run_scoped3A_62 = arith.constant 8 : i32
    %run_scoped3A_63 = arith.constant 8 : i32
    "tpu.region"() ({
      %run_scoped3A_104 = tpu.sem_alloc : memref<!tpu.dma_semaphore, #tpu.memory_space<semaphore_mem>>
      %dma_start3A_105 = arith.constant 0 : i32
      %dma_start3A_106 = tpu.memref_slice %arg6[%run_scoped3A_63, %dma_start3A_105] : memref<16x640xf32, #tpu.memory_space<vmem>> -> memref<1x640xf32, #tpu.memory_space<vmem>>
      %dma_start3A_107 = tpu.memref_squeeze %dma_start3A_106 : memref<1x640xf32, #tpu.memory_space<vmem>> -> memref<640xf32, #tpu.memory_space<vmem>>
      %dma_start3A_108 = tpu.memref_slice %arg8[%run_scoped3A_62, %mul3A_61] : memref<16x10240xf32, #tpu.memory_space<vmem_shared>> -> memref<1x640xf32, #tpu.memory_space<vmem_shared>>
      %dma_start3A_109 = tpu.memref_squeeze %dma_start3A_108 : memref<1x640xf32, #tpu.memory_space<vmem_shared>> -> memref<640xf32, #tpu.memory_space<vmem_shared>>
      %dma_start3A_110 = arith.constant 0 : i32
      %dma_start3A_111 = tpu.memref_slice %arg6[%run_scoped3A_63, %dma_start3A_110] : memref<16x640xf32, #tpu.memory_space<vmem>> -> memref<1x640xf32, #tpu.memory_space<vmem>>
      %dma_start3A_112 = tpu.memref_squeeze %dma_start3A_111 : memref<1x640xf32, #tpu.memory_space<vmem>> -> memref<640xf32, #tpu.memory_space<vmem>>
      %dma_start3A_113 = tpu.memref_slice %arg8[%run_scoped3A_62, %mul3A_61] : memref<16x10240xf32, #tpu.memory_space<vmem_shared>> -> memref<1x640xf32, #tpu.memory_space<vmem_shared>>
      %dma_start3A_114 = tpu.memref_squeeze %dma_start3A_113 : memref<1x640xf32, #tpu.memory_space<vmem_shared>> -> memref<640xf32, #tpu.memory_space<vmem_shared>>
      tpu.enqueue_dma source(%dma_start3A_114 : memref<640xf32, #tpu.memory_space<vmem_shared>>) target(%dma_start3A_112 : memref<640xf32, #tpu.memory_space<vmem>>) target_semaphore(%run_scoped3A_104 : memref<!tpu.dma_semaphore, #tpu.memory_space<semaphore_mem>>)
      %dma_wait3A_115 = arith.constant 0 : i32
      %dma_wait3A_116 = tpu.memref_slice %arg6[%run_scoped3A_63, %dma_wait3A_115] : memref<16x640xf32, #tpu.memory_space<vmem>> -> memref<1x640xf32, #tpu.memory_space<vmem>>
      %dma_wait3A_117 = tpu.memref_squeeze %dma_wait3A_116 : memref<1x640xf32, #tpu.memory_space<vmem>> -> memref<640xf32, #tpu.memory_space<vmem>>
      %dma_wait3A_118 = tpu.memref_slice %arg8[%run_scoped3A_62, %mul3A_61] : memref<16x10240xf32, #tpu.memory_space<vmem_shared>> -> memref<1x640xf32, #tpu.memory_space<vmem_shared>>
      %dma_wait3A_119 = tpu.memref_squeeze %dma_wait3A_118 : memref<1x640xf32, #tpu.memory_space<vmem_shared>> -> memref<640xf32, #tpu.memory_space<vmem_shared>>
      %dma_wait3A_120 = arith.constant 0 : i32
      %dma_wait3A_121 = tpu.memref_slice %arg6[%run_scoped3A_63, %dma_wait3A_120] : memref<16x640xf32, #tpu.memory_space<vmem>> -> memref<1x640xf32, #tpu.memory_space<vmem>>
      %dma_wait3A_122 = tpu.memref_squeeze %dma_wait3A_121 : memref<1x640xf32, #tpu.memory_space<vmem>> -> memref<640xf32, #tpu.memory_space<vmem>>
      %dma_wait3A_123 = tpu.memref_slice %arg8[%run_scoped3A_62, %mul3A_61] : memref<16x10240xf32, #tpu.memory_space<vmem_shared>> -> memref<1x640xf32, #tpu.memory_space<vmem_shared>>
      %dma_wait3A_124 = tpu.memref_squeeze %dma_wait3A_123 : memref<1x640xf32, #tpu.memory_space<vmem_shared>> -> memref<640xf32, #tpu.memory_space<vmem_shared>>
      tpu.wait_dma2 semaphore(%run_scoped3A_104 : memref<!tpu.dma_semaphore, #tpu.memory_space<semaphore_mem>>) src(%dma_wait3A_124 : memref<640xf32, #tpu.memory_space<vmem_shared>>) dst(%dma_wait3A_122 : memref<640xf32, #tpu.memory_space<vmem>>)
      tpu.yield
    }) : () -> ()
    %mul3A_64 = arith.constant 640 : i32
    %mul3A_65 = arith.muli %arg1, %mul3A_64 : i32
    %run_scoped3A_66 = arith.constant 9 : i32
    %run_scoped3A_67 = arith.constant 9 : i32
    "tpu.region"() ({
      %run_scoped3A_104 = tpu.sem_alloc : memref<!tpu.dma_semaphore, #tpu.memory_space<semaphore_mem>>
      %dma_start3A_105 = arith.constant 0 : i32
      %dma_start3A_106 = tpu.memref_slice %arg6[%run_scoped3A_67, %dma_start3A_105] : memref<16x640xf32, #tpu.memory_space<vmem>> -> memref<1x640xf32, #tpu.memory_space<vmem>>
      %dma_start3A_107 = tpu.memref_squeeze %dma_start3A_106 : memref<1x640xf32, #tpu.memory_space<vmem>> -> memref<640xf32, #tpu.memory_space<vmem>>
      %dma_start3A_108 = tpu.memref_slice %arg8[%run_scoped3A_66, %mul3A_65] : memref<16x10240xf32, #tpu.memory_space<vmem_shared>> -> memref<1x640xf32, #tpu.memory_space<vmem_shared>>
      %dma_start3A_109 = tpu.memref_squeeze %dma_start3A_108 : memref<1x640xf32, #tpu.memory_space<vmem_shared>> -> memref<640xf32, #tpu.memory_space<vmem_shared>>
      %dma_start3A_110 = arith.constant 0 : i32
      %dma_start3A_111 = tpu.memref_slice %arg6[%run_scoped3A_67, %dma_start3A_110] : memref<16x640xf32, #tpu.memory_space<vmem>> -> memref<1x640xf32, #tpu.memory_space<vmem>>
      %dma_start3A_112 = tpu.memref_squeeze %dma_start3A_111 : memref<1x640xf32, #tpu.memory_space<vmem>> -> memref<640xf32, #tpu.memory_space<vmem>>
      %dma_start3A_113 = tpu.memref_slice %arg8[%run_scoped3A_66, %mul3A_65] : memref<16x10240xf32, #tpu.memory_space<vmem_shared>> -> memref<1x640xf32, #tpu.memory_space<vmem_shared>>
      %dma_start3A_114 = tpu.memref_squeeze %dma_start3A_113 : memref<1x640xf32, #tpu.memory_space<vmem_shared>> -> memref<640xf32, #tpu.memory_space<vmem_shared>>
      tpu.enqueue_dma source(%dma_start3A_114 : memref<640xf32, #tpu.memory_space<vmem_shared>>) target(%dma_start3A_112 : memref<640xf32, #tpu.memory_space<vmem>>) target_semaphore(%run_scoped3A_104 : memref<!tpu.dma_semaphore, #tpu.memory_space<semaphore_mem>>)
      %dma_wait3A_115 = arith.constant 0 : i32
      %dma_wait3A_116 = tpu.memref_slice %arg6[%run_scoped3A_67, %dma_wait3A_115] : memref<16x640xf32, #tpu.memory_space<vmem>> -> memref<1x640xf32, #tpu.memory_space<vmem>>
      %dma_wait3A_117 = tpu.memref_squeeze %dma_wait3A_116 : memref<1x640xf32, #tpu.memory_space<vmem>> -> memref<640xf32, #tpu.memory_space<vmem>>
      %dma_wait3A_118 = tpu.memref_slice %arg8[%run_scoped3A_66, %mul3A_65] : memref<16x10240xf32, #tpu.memory_space<vmem_shared>> -> memref<1x640xf32, #tpu.memory_space<vmem_shared>>
      %dma_wait3A_119 = tpu.memref_squeeze %dma_wait3A_118 : memref<1x640xf32, #tpu.memory_space<vmem_shared>> -> memref<640xf32, #tpu.memory_space<vmem_shared>>
      %dma_wait3A_120 = arith.constant 0 : i32
      %dma_wait3A_121 = tpu.memref_slice %arg6[%run_scoped3A_67, %dma_wait3A_120] : memref<16x640xf32, #tpu.memory_space<vmem>> -> memref<1x640xf32, #tpu.memory_space<vmem>>
      %dma_wait3A_122 = tpu.memref_squeeze %dma_wait3A_121 : memref<1x640xf32, #tpu.memory_space<vmem>> -> memref<640xf32, #tpu.memory_space<vmem>>
      %dma_wait3A_123 = tpu.memref_slice %arg8[%run_scoped3A_66, %mul3A_65] : memref<16x10240xf32, #tpu.memory_space<vmem_shared>> -> memref<1x640xf32, #tpu.memory_space<vmem_shared>>
      %dma_wait3A_124 = tpu.memref_squeeze %dma_wait3A_123 : memref<1x640xf32, #tpu.memory_space<vmem_shared>> -> memref<640xf32, #tpu.memory_space<vmem_shared>>
      tpu.wait_dma2 semaphore(%run_scoped3A_104 : memref<!tpu.dma_semaphore, #tpu.memory_space<semaphore_mem>>) src(%dma_wait3A_124 : memref<640xf32, #tpu.memory_space<vmem_shared>>) dst(%dma_wait3A_122 : memref<640xf32, #tpu.memory_space<vmem>>)
      tpu.yield
    }) : () -> ()
    %mul3A_68 = arith.constant 640 : i32
    %mul3A_69 = arith.muli %arg1, %mul3A_68 : i32
    %run_scoped3A_70 = arith.constant 10 : i32
    %run_scoped3A_71 = arith.constant 10 : i32
    "tpu.region"() ({
      %run_scoped3A_104 = tpu.sem_alloc : memref<!tpu.dma_semaphore, #tpu.memory_space<semaphore_mem>>
      %dma_start3A_105 = arith.constant 0 : i32
      %dma_start3A_106 = tpu.memref_slice %arg6[%run_scoped3A_71, %dma_start3A_105] : memref<16x640xf32, #tpu.memory_space<vmem>> -> memref<1x640xf32, #tpu.memory_space<vmem>>
      %dma_start3A_107 = tpu.memref_squeeze %dma_start3A_106 : memref<1x640xf32, #tpu.memory_space<vmem>> -> memref<640xf32, #tpu.memory_space<vmem>>
      %dma_start3A_108 = tpu.memref_slice %arg8[%run_scoped3A_70, %mul3A_69] : memref<16x10240xf32, #tpu.memory_space<vmem_shared>> -> memref<1x640xf32, #tpu.memory_space<vmem_shared>>
      %dma_start3A_109 = tpu.memref_squeeze %dma_start3A_108 : memref<1x640xf32, #tpu.memory_space<vmem_shared>> -> memref<640xf32, #tpu.memory_space<vmem_shared>>
      %dma_start3A_110 = arith.constant 0 : i32
      %dma_start3A_111 = tpu.memref_slice %arg6[%run_scoped3A_71, %dma_start3A_110] : memref<16x640xf32, #tpu.memory_space<vmem>> -> memref<1x640xf32, #tpu.memory_space<vmem>>
      %dma_start3A_112 = tpu.memref_squeeze %dma_start3A_111 : memref<1x640xf32, #tpu.memory_space<vmem>> -> memref<640xf32, #tpu.memory_space<vmem>>
      %dma_start3A_113 = tpu.memref_slice %arg8[%run_scoped3A_70, %mul3A_69] : memref<16x10240xf32, #tpu.memory_space<vmem_shared>> -> memref<1x640xf32, #tpu.memory_space<vmem_shared>>
      %dma_start3A_114 = tpu.memref_squeeze %dma_start3A_113 : memref<1x640xf32, #tpu.memory_space<vmem_shared>> -> memref<640xf32, #tpu.memory_space<vmem_shared>>
      tpu.enqueue_dma source(%dma_start3A_114 : memref<640xf32, #tpu.memory_space<vmem_shared>>) target(%dma_start3A_112 : memref<640xf32, #tpu.memory_space<vmem>>) target_semaphore(%run_scoped3A_104 : memref<!tpu.dma_semaphore, #tpu.memory_space<semaphore_mem>>)
      %dma_wait3A_115 = arith.constant 0 : i32
      %dma_wait3A_116 = tpu.memref_slice %arg6[%run_scoped3A_71, %dma_wait3A_115] : memref<16x640xf32, #tpu.memory_space<vmem>> -> memref<1x640xf32, #tpu.memory_space<vmem>>
      %dma_wait3A_117 = tpu.memref_squeeze %dma_wait3A_116 : memref<1x640xf32, #tpu.memory_space<vmem>> -> memref<640xf32, #tpu.memory_space<vmem>>
      %dma_wait3A_118 = tpu.memref_slice %arg8[%run_scoped3A_70, %mul3A_69] : memref<16x10240xf32, #tpu.memory_space<vmem_shared>> -> memref<1x640xf32, #tpu.memory_space<vmem_shared>>
      %dma_wait3A_119 = tpu.memref_squeeze %dma_wait3A_118 : memref<1x640xf32, #tpu.memory_space<vmem_shared>> -> memref<640xf32, #tpu.memory_space<vmem_shared>>
      %dma_wait3A_120 = arith.constant 0 : i32
      %dma_wait3A_121 = tpu.memref_slice %arg6[%run_scoped3A_71, %dma_wait3A_120] : memref<16x640xf32, #tpu.memory_space<vmem>> -> memref<1x640xf32, #tpu.memory_space<vmem>>
      %dma_wait3A_122 = tpu.memref_squeeze %dma_wait3A_121 : memref<1x640xf32, #tpu.memory_space<vmem>> -> memref<640xf32, #tpu.memory_space<vmem>>
      %dma_wait3A_123 = tpu.memref_slice %arg8[%run_scoped3A_70, %mul3A_69] : memref<16x10240xf32, #tpu.memory_space<vmem_shared>> -> memref<1x640xf32, #tpu.memory_space<vmem_shared>>
      %dma_wait3A_124 = tpu.memref_squeeze %dma_wait3A_123 : memref<1x640xf32, #tpu.memory_space<vmem_shared>> -> memref<640xf32, #tpu.memory_space<vmem_shared>>
      tpu.wait_dma2 semaphore(%run_scoped3A_104 : memref<!tpu.dma_semaphore, #tpu.memory_space<semaphore_mem>>) src(%dma_wait3A_124 : memref<640xf32, #tpu.memory_space<vmem_shared>>) dst(%dma_wait3A_122 : memref<640xf32, #tpu.memory_space<vmem>>)
      tpu.yield
    }) : () -> ()
    %mul3A_72 = arith.constant 640 : i32
    %mul3A_73 = arith.muli %arg1, %mul3A_72 : i32
    %run_scoped3A_74 = arith.constant 11 : i32
    %run_scoped3A_75 = arith.constant 11 : i32
    "tpu.region"() ({
      %run_scoped3A_104 = tpu.sem_alloc : memref<!tpu.dma_semaphore, #tpu.memory_space<semaphore_mem>>
      %dma_start3A_105 = arith.constant 0 : i32
      %dma_start3A_106 = tpu.memref_slice %arg6[%run_scoped3A_75, %dma_start3A_105] : memref<16x640xf32, #tpu.memory_space<vmem>> -> memref<1x640xf32, #tpu.memory_space<vmem>>
      %dma_start3A_107 = tpu.memref_squeeze %dma_start3A_106 : memref<1x640xf32, #tpu.memory_space<vmem>> -> memref<640xf32, #tpu.memory_space<vmem>>
      %dma_start3A_108 = tpu.memref_slice %arg8[%run_scoped3A_74, %mul3A_73] : memref<16x10240xf32, #tpu.memory_space<vmem_shared>> -> memref<1x640xf32, #tpu.memory_space<vmem_shared>>
      %dma_start3A_109 = tpu.memref_squeeze %dma_start3A_108 : memref<1x640xf32, #tpu.memory_space<vmem_shared>> -> memref<640xf32, #tpu.memory_space<vmem_shared>>
      %dma_start3A_110 = arith.constant 0 : i32
      %dma_start3A_111 = tpu.memref_slice %arg6[%run_scoped3A_75, %dma_start3A_110] : memref<16x640xf32, #tpu.memory_space<vmem>> -> memref<1x640xf32, #tpu.memory_space<vmem>>
      %dma_start3A_112 = tpu.memref_squeeze %dma_start3A_111 : memref<1x640xf32, #tpu.memory_space<vmem>> -> memref<640xf32, #tpu.memory_space<vmem>>
      %dma_start3A_113 = tpu.memref_slice %arg8[%run_scoped3A_74, %mul3A_73] : memref<16x10240xf32, #tpu.memory_space<vmem_shared>> -> memref<1x640xf32, #tpu.memory_space<vmem_shared>>
      %dma_start3A_114 = tpu.memref_squeeze %dma_start3A_113 : memref<1x640xf32, #tpu.memory_space<vmem_shared>> -> memref<640xf32, #tpu.memory_space<vmem_shared>>
      tpu.enqueue_dma source(%dma_start3A_114 : memref<640xf32, #tpu.memory_space<vmem_shared>>) target(%dma_start3A_112 : memref<640xf32, #tpu.memory_space<vmem>>) target_semaphore(%run_scoped3A_104 : memref<!tpu.dma_semaphore, #tpu.memory_space<semaphore_mem>>)
      %dma_wait3A_115 = arith.constant 0 : i32
      %dma_wait3A_116 = tpu.memref_slice %arg6[%run_scoped3A_75, %dma_wait3A_115] : memref<16x640xf32, #tpu.memory_space<vmem>> -> memref<1x640xf32, #tpu.memory_space<vmem>>
      %dma_wait3A_117 = tpu.memref_squeeze %dma_wait3A_116 : memref<1x640xf32, #tpu.memory_space<vmem>> -> memref<640xf32, #tpu.memory_space<vmem>>
      %dma_wait3A_118 = tpu.memref_slice %arg8[%run_scoped3A_74, %mul3A_73] : memref<16x10240xf32, #tpu.memory_space<vmem_shared>> -> memref<1x640xf32, #tpu.memory_space<vmem_shared>>
      %dma_wait3A_119 = tpu.memref_squeeze %dma_wait3A_118 : memref<1x640xf32, #tpu.memory_space<vmem_shared>> -> memref<640xf32, #tpu.memory_space<vmem_shared>>
      %dma_wait3A_120 = arith.constant 0 : i32
      %dma_wait3A_121 = tpu.memref_slice %arg6[%run_scoped3A_75, %dma_wait3A_120] : memref<16x640xf32, #tpu.memory_space<vmem>> -> memref<1x640xf32, #tpu.memory_space<vmem>>
      %dma_wait3A_122 = tpu.memref_squeeze %dma_wait3A_121 : memref<1x640xf32, #tpu.memory_space<vmem>> -> memref<640xf32, #tpu.memory_space<vmem>>
      %dma_wait3A_123 = tpu.memref_slice %arg8[%run_scoped3A_74, %mul3A_73] : memref<16x10240xf32, #tpu.memory_space<vmem_shared>> -> memref<1x640xf32, #tpu.memory_space<vmem_shared>>
      %dma_wait3A_124 = tpu.memref_squeeze %dma_wait3A_123 : memref<1x640xf32, #tpu.memory_space<vmem_shared>> -> memref<640xf32, #tpu.memory_space<vmem_shared>>
      tpu.wait_dma2 semaphore(%run_scoped3A_104 : memref<!tpu.dma_semaphore, #tpu.memory_space<semaphore_mem>>) src(%dma_wait3A_124 : memref<640xf32, #tpu.memory_space<vmem_shared>>) dst(%dma_wait3A_122 : memref<640xf32, #tpu.memory_space<vmem>>)
      tpu.yield
    }) : () -> ()
    %mul3A_76 = arith.constant 640 : i32
    %mul3A_77 = arith.muli %arg1, %mul3A_76 : i32
    %run_scoped3A_78 = arith.constant 12 : i32
    %run_scoped3A_79 = arith.constant 12 : i32
    "tpu.region"() ({
      %run_scoped3A_104 = tpu.sem_alloc : memref<!tpu.dma_semaphore, #tpu.memory_space<semaphore_mem>>
      %dma_start3A_105 = arith.constant 0 : i32
      %dma_start3A_106 = tpu.memref_slice %arg6[%run_scoped3A_79, %dma_start3A_105] : memref<16x640xf32, #tpu.memory_space<vmem>> -> memref<1x640xf32, #tpu.memory_space<vmem>>
      %dma_start3A_107 = tpu.memref_squeeze %dma_start3A_106 : memref<1x640xf32, #tpu.memory_space<vmem>> -> memref<640xf32, #tpu.memory_space<vmem>>
      %dma_start3A_108 = tpu.memref_slice %arg8[%run_scoped3A_78, %mul3A_77] : memref<16x10240xf32, #tpu.memory_space<vmem_shared>> -> memref<1x640xf32, #tpu.memory_space<vmem_shared>>
      %dma_start3A_109 = tpu.memref_squeeze %dma_start3A_108 : memref<1x640xf32, #tpu.memory_space<vmem_shared>> -> memref<640xf32, #tpu.memory_space<vmem_shared>>
      %dma_start3A_110 = arith.constant 0 : i32
      %dma_start3A_111 = tpu.memref_slice %arg6[%run_scoped3A_79, %dma_start3A_110] : memref<16x640xf32, #tpu.memory_space<vmem>> -> memref<1x640xf32, #tpu.memory_space<vmem>>
      %dma_start3A_112 = tpu.memref_squeeze %dma_start3A_111 : memref<1x640xf32, #tpu.memory_space<vmem>> -> memref<640xf32, #tpu.memory_space<vmem>>
      %dma_start3A_113 = tpu.memref_slice %arg8[%run_scoped3A_78, %mul3A_77] : memref<16x10240xf32, #tpu.memory_space<vmem_shared>> -> memref<1x640xf32, #tpu.memory_space<vmem_shared>>
      %dma_start3A_114 = tpu.memref_squeeze %dma_start3A_113 : memref<1x640xf32, #tpu.memory_space<vmem_shared>> -> memref<640xf32, #tpu.memory_space<vmem_shared>>
      tpu.enqueue_dma source(%dma_start3A_114 : memref<640xf32, #tpu.memory_space<vmem_shared>>) target(%dma_start3A_112 : memref<640xf32, #tpu.memory_space<vmem>>) target_semaphore(%run_scoped3A_104 : memref<!tpu.dma_semaphore, #tpu.memory_space<semaphore_mem>>)
      %dma_wait3A_115 = arith.constant 0 : i32
      %dma_wait3A_116 = tpu.memref_slice %arg6[%run_scoped3A_79, %dma_wait3A_115] : memref<16x640xf32, #tpu.memory_space<vmem>> -> memref<1x640xf32, #tpu.memory_space<vmem>>
      %dma_wait3A_117 = tpu.memref_squeeze %dma_wait3A_116 : memref<1x640xf32, #tpu.memory_space<vmem>> -> memref<640xf32, #tpu.memory_space<vmem>>
      %dma_wait3A_118 = tpu.memref_slice %arg8[%run_scoped3A_78, %mul3A_77] : memref<16x10240xf32, #tpu.memory_space<vmem_shared>> -> memref<1x640xf32, #tpu.memory_space<vmem_shared>>
      %dma_wait3A_119 = tpu.memref_squeeze %dma_wait3A_118 : memref<1x640xf32, #tpu.memory_space<vmem_shared>> -> memref<640xf32, #tpu.memory_space<vmem_shared>>
      %dma_wait3A_120 = arith.constant 0 : i32
      %dma_wait3A_121 = tpu.memref_slice %arg6[%run_scoped3A_79, %dma_wait3A_120] : memref<16x640xf32, #tpu.memory_space<vmem>> -> memref<1x640xf32, #tpu.memory_space<vmem>>
      %dma_wait3A_122 = tpu.memref_squeeze %dma_wait3A_121 : memref<1x640xf32, #tpu.memory_space<vmem>> -> memref<640xf32, #tpu.memory_space<vmem>>
      %dma_wait3A_123 = tpu.memref_slice %arg8[%run_scoped3A_78, %mul3A_77] : memref<16x10240xf32, #tpu.memory_space<vmem_shared>> -> memref<1x640xf32, #tpu.memory_space<vmem_shared>>
      %dma_wait3A_124 = tpu.memref_squeeze %dma_wait3A_123 : memref<1x640xf32, #tpu.memory_space<vmem_shared>> -> memref<640xf32, #tpu.memory_space<vmem_shared>>
      tpu.wait_dma2 semaphore(%run_scoped3A_104 : memref<!tpu.dma_semaphore, #tpu.memory_space<semaphore_mem>>) src(%dma_wait3A_124 : memref<640xf32, #tpu.memory_space<vmem_shared>>) dst(%dma_wait3A_122 : memref<640xf32, #tpu.memory_space<vmem>>)
      tpu.yield
    }) : () -> ()
    %mul3A_80 = arith.constant 640 : i32
    %mul3A_81 = arith.muli %arg1, %mul3A_80 : i32
    %run_scoped3A_82 = arith.constant 13 : i32
    %run_scoped3A_83 = arith.constant 13 : i32
    "tpu.region"() ({
      %run_scoped3A_104 = tpu.sem_alloc : memref<!tpu.dma_semaphore, #tpu.memory_space<semaphore_mem>>
      %dma_start3A_105 = arith.constant 0 : i32
      %dma_start3A_106 = tpu.memref_slice %arg6[%run_scoped3A_83, %dma_start3A_105] : memref<16x640xf32, #tpu.memory_space<vmem>> -> memref<1x640xf32, #tpu.memory_space<vmem>>
      %dma_start3A_107 = tpu.memref_squeeze %dma_start3A_106 : memref<1x640xf32, #tpu.memory_space<vmem>> -> memref<640xf32, #tpu.memory_space<vmem>>
      %dma_start3A_108 = tpu.memref_slice %arg8[%run_scoped3A_82, %mul3A_81] : memref<16x10240xf32, #tpu.memory_space<vmem_shared>> -> memref<1x640xf32, #tpu.memory_space<vmem_shared>>
      %dma_start3A_109 = tpu.memref_squeeze %dma_start3A_108 : memref<1x640xf32, #tpu.memory_space<vmem_shared>> -> memref<640xf32, #tpu.memory_space<vmem_shared>>
      %dma_start3A_110 = arith.constant 0 : i32
      %dma_start3A_111 = tpu.memref_slice %arg6[%run_scoped3A_83, %dma_start3A_110] : memref<16x640xf32, #tpu.memory_space<vmem>> -> memref<1x640xf32, #tpu.memory_space<vmem>>
      %dma_start3A_112 = tpu.memref_squeeze %dma_start3A_111 : memref<1x640xf32, #tpu.memory_space<vmem>> -> memref<640xf32, #tpu.memory_space<vmem>>
      %dma_start3A_113 = tpu.memref_slice %arg8[%run_scoped3A_82, %mul3A_81] : memref<16x10240xf32, #tpu.memory_space<vmem_shared>> -> memref<1x640xf32, #tpu.memory_space<vmem_shared>>
      %dma_start3A_114 = tpu.memref_squeeze %dma_start3A_113 : memref<1x640xf32, #tpu.memory_space<vmem_shared>> -> memref<640xf32, #tpu.memory_space<vmem_shared>>
      tpu.enqueue_dma source(%dma_start3A_114 : memref<640xf32, #tpu.memory_space<vmem_shared>>) target(%dma_start3A_112 : memref<640xf32, #tpu.memory_space<vmem>>) target_semaphore(%run_scoped3A_104 : memref<!tpu.dma_semaphore, #tpu.memory_space<semaphore_mem>>)
      %dma_wait3A_115 = arith.constant 0 : i32
      %dma_wait3A_116 = tpu.memref_slice %arg6[%run_scoped3A_83, %dma_wait3A_115] : memref<16x640xf32, #tpu.memory_space<vmem>> -> memref<1x640xf32, #tpu.memory_space<vmem>>
      %dma_wait3A_117 = tpu.memref_squeeze %dma_wait3A_116 : memref<1x640xf32, #tpu.memory_space<vmem>> -> memref<640xf32, #tpu.memory_space<vmem>>
      %dma_wait3A_118 = tpu.memref_slice %arg8[%run_scoped3A_82, %mul3A_81] : memref<16x10240xf32, #tpu.memory_space<vmem_shared>> -> memref<1x640xf32, #tpu.memory_space<vmem_shared>>
      %dma_wait3A_119 = tpu.memref_squeeze %dma_wait3A_118 : memref<1x640xf32, #tpu.memory_space<vmem_shared>> -> memref<640xf32, #tpu.memory_space<vmem_shared>>
      %dma_wait3A_120 = arith.constant 0 : i32
      %dma_wait3A_121 = tpu.memref_slice %arg6[%run_scoped3A_83, %dma_wait3A_120] : memref<16x640xf32, #tpu.memory_space<vmem>> -> memref<1x640xf32, #tpu.memory_space<vmem>>
      %dma_wait3A_122 = tpu.memref_squeeze %dma_wait3A_121 : memref<1x640xf32, #tpu.memory_space<vmem>> -> memref<640xf32, #tpu.memory_space<vmem>>
      %dma_wait3A_123 = tpu.memref_slice %arg8[%run_scoped3A_82, %mul3A_81] : memref<16x10240xf32, #tpu.memory_space<vmem_shared>> -> memref<1x640xf32, #tpu.memory_space<vmem_shared>>
      %dma_wait3A_124 = tpu.memref_squeeze %dma_wait3A_123 : memref<1x640xf32, #tpu.memory_space<vmem_shared>> -> memref<640xf32, #tpu.memory_space<vmem_shared>>
      tpu.wait_dma2 semaphore(%run_scoped3A_104 : memref<!tpu.dma_semaphore, #tpu.memory_space<semaphore_mem>>) src(%dma_wait3A_124 : memref<640xf32, #tpu.memory_space<vmem_shared>>) dst(%dma_wait3A_122 : memref<640xf32, #tpu.memory_space<vmem>>)
      tpu.yield
    }) : () -> ()
    %mul3A_84 = arith.constant 640 : i32
    %mul3A_85 = arith.muli %arg1, %mul3A_84 : i32
    %run_scoped3A_86 = arith.constant 14 : i32
    %run_scoped3A_87 = arith.constant 14 : i32
    "tpu.region"() ({
      %run_scoped3A_104 = tpu.sem_alloc : memref<!tpu.dma_semaphore, #tpu.memory_space<semaphore_mem>>
      %dma_start3A_105 = arith.constant 0 : i32
      %dma_start3A_106 = tpu.memref_slice %arg6[%run_scoped3A_87, %dma_start3A_105] : memref<16x640xf32, #tpu.memory_space<vmem>> -> memref<1x640xf32, #tpu.memory_space<vmem>>
      %dma_start3A_107 = tpu.memref_squeeze %dma_start3A_106 : memref<1x640xf32, #tpu.memory_space<vmem>> -> memref<640xf32, #tpu.memory_space<vmem>>
      %dma_start3A_108 = tpu.memref_slice %arg8[%run_scoped3A_86, %mul3A_85] : memref<16x10240xf32, #tpu.memory_space<vmem_shared>> -> memref<1x640xf32, #tpu.memory_space<vmem_shared>>
      %dma_start3A_109 = tpu.memref_squeeze %dma_start3A_108 : memref<1x640xf32, #tpu.memory_space<vmem_shared>> -> memref<640xf32, #tpu.memory_space<vmem_shared>>
      %dma_start3A_110 = arith.constant 0 : i32
      %dma_start3A_111 = tpu.memref_slice %arg6[%run_scoped3A_87, %dma_start3A_110] : memref<16x640xf32, #tpu.memory_space<vmem>> -> memref<1x640xf32, #tpu.memory_space<vmem>>
      %dma_start3A_112 = tpu.memref_squeeze %dma_start3A_111 : memref<1x640xf32, #tpu.memory_space<vmem>> -> memref<640xf32, #tpu.memory_space<vmem>>
      %dma_start3A_113 = tpu.memref_slice %arg8[%run_scoped3A_86, %mul3A_85] : memref<16x10240xf32, #tpu.memory_space<vmem_shared>> -> memref<1x640xf32, #tpu.memory_space<vmem_shared>>
      %dma_start3A_114 = tpu.memref_squeeze %dma_start3A_113 : memref<1x640xf32, #tpu.memory_space<vmem_shared>> -> memref<640xf32, #tpu.memory_space<vmem_shared>>
      tpu.enqueue_dma source(%dma_start3A_114 : memref<640xf32, #tpu.memory_space<vmem_shared>>) target(%dma_start3A_112 : memref<640xf32, #tpu.memory_space<vmem>>) target_semaphore(%run_scoped3A_104 : memref<!tpu.dma_semaphore, #tpu.memory_space<semaphore_mem>>)
      %dma_wait3A_115 = arith.constant 0 : i32
      %dma_wait3A_116 = tpu.memref_slice %arg6[%run_scoped3A_87, %dma_wait3A_115] : memref<16x640xf32, #tpu.memory_space<vmem>> -> memref<1x640xf32, #tpu.memory_space<vmem>>
      %dma_wait3A_117 = tpu.memref_squeeze %dma_wait3A_116 : memref<1x640xf32, #tpu.memory_space<vmem>> -> memref<640xf32, #tpu.memory_space<vmem>>
      %dma_wait3A_118 = tpu.memref_slice %arg8[%run_scoped3A_86, %mul3A_85] : memref<16x10240xf32, #tpu.memory_space<vmem_shared>> -> memref<1x640xf32, #tpu.memory_space<vmem_shared>>
      %dma_wait3A_119 = tpu.memref_squeeze %dma_wait3A_118 : memref<1x640xf32, #tpu.memory_space<vmem_shared>> -> memref<640xf32, #tpu.memory_space<vmem_shared>>
      %dma_wait3A_120 = arith.constant 0 : i32
      %dma_wait3A_121 = tpu.memref_slice %arg6[%run_scoped3A_87, %dma_wait3A_120] : memref<16x640xf32, #tpu.memory_space<vmem>> -> memref<1x640xf32, #tpu.memory_space<vmem>>
      %dma_wait3A_122 = tpu.memref_squeeze %dma_wait3A_121 : memref<1x640xf32, #tpu.memory_space<vmem>> -> memref<640xf32, #tpu.memory_space<vmem>>
      %dma_wait3A_123 = tpu.memref_slice %arg8[%run_scoped3A_86, %mul3A_85] : memref<16x10240xf32, #tpu.memory_space<vmem_shared>> -> memref<1x640xf32, #tpu.memory_space<vmem_shared>>
      %dma_wait3A_124 = tpu.memref_squeeze %dma_wait3A_123 : memref<1x640xf32, #tpu.memory_space<vmem_shared>> -> memref<640xf32, #tpu.memory_space<vmem_shared>>
      tpu.wait_dma2 semaphore(%run_scoped3A_104 : memref<!tpu.dma_semaphore, #tpu.memory_space<semaphore_mem>>) src(%dma_wait3A_124 : memref<640xf32, #tpu.memory_space<vmem_shared>>) dst(%dma_wait3A_122 : memref<640xf32, #tpu.memory_space<vmem>>)
      tpu.yield
    }) : () -> ()
    %mul3A_88 = arith.constant 640 : i32
    %mul3A_89 = arith.muli %arg1, %mul3A_88 : i32
    %run_scoped3A_90 = arith.constant 15 : i32
    %run_scoped3A_91 = arith.constant 15 : i32
    "tpu.region"() ({
      %run_scoped3A_104 = tpu.sem_alloc : memref<!tpu.dma_semaphore, #tpu.memory_space<semaphore_mem>>
      %dma_start3A_105 = arith.constant 0 : i32
      %dma_start3A_106 = tpu.memref_slice %arg6[%run_scoped3A_91, %dma_start3A_105] : memref<16x640xf32, #tpu.memory_space<vmem>> -> memref<1x640xf32, #tpu.memory_space<vmem>>
      %dma_start3A_107 = tpu.memref_squeeze %dma_start3A_106 : memref<1x640xf32, #tpu.memory_space<vmem>> -> memref<640xf32, #tpu.memory_space<vmem>>
      %dma_start3A_108 = tpu.memref_slice %arg8[%run_scoped3A_90, %mul3A_89] : memref<16x10240xf32, #tpu.memory_space<vmem_shared>> -> memref<1x640xf32, #tpu.memory_space<vmem_shared>>
      %dma_start3A_109 = tpu.memref_squeeze %dma_start3A_108 : memref<1x640xf32, #tpu.memory_space<vmem_shared>> -> memref<640xf32, #tpu.memory_space<vmem_shared>>
      %dma_start3A_110 = arith.constant 0 : i32
      %dma_start3A_111 = tpu.memref_slice %arg6[%run_scoped3A_91, %dma_start3A_110] : memref<16x640xf32, #tpu.memory_space<vmem>> -> memref<1x640xf32, #tpu.memory_space<vmem>>
      %dma_start3A_112 = tpu.memref_squeeze %dma_start3A_111 : memref<1x640xf32, #tpu.memory_space<vmem>> -> memref<640xf32, #tpu.memory_space<vmem>>
      %dma_start3A_113 = tpu.memref_slice %arg8[%run_scoped3A_90, %mul3A_89] : memref<16x10240xf32, #tpu.memory_space<vmem_shared>> -> memref<1x640xf32, #tpu.memory_space<vmem_shared>>
      %dma_start3A_114 = tpu.memref_squeeze %dma_start3A_113 : memref<1x640xf32, #tpu.memory_space<vmem_shared>> -> memref<640xf32, #tpu.memory_space<vmem_shared>>
      tpu.enqueue_dma source(%dma_start3A_114 : memref<640xf32, #tpu.memory_space<vmem_shared>>) target(%dma_start3A_112 : memref<640xf32, #tpu.memory_space<vmem>>) target_semaphore(%run_scoped3A_104 : memref<!tpu.dma_semaphore, #tpu.memory_space<semaphore_mem>>)
      %dma_wait3A_115 = arith.constant 0 : i32
      %dma_wait3A_116 = tpu.memref_slice %arg6[%run_scoped3A_91, %dma_wait3A_115] : memref<16x640xf32, #tpu.memory_space<vmem>> -> memref<1x640xf32, #tpu.memory_space<vmem>>
      %dma_wait3A_117 = tpu.memref_squeeze %dma_wait3A_116 : memref<1x640xf32, #tpu.memory_space<vmem>> -> memref<640xf32, #tpu.memory_space<vmem>>
      %dma_wait3A_118 = tpu.memref_slice %arg8[%run_scoped3A_90, %mul3A_89] : memref<16x10240xf32, #tpu.memory_space<vmem_shared>> -> memref<1x640xf32, #tpu.memory_space<vmem_shared>>
      %dma_wait3A_119 = tpu.memref_squeeze %dma_wait3A_118 : memref<1x640xf32, #tpu.memory_space<vmem_shared>> -> memref<640xf32, #tpu.memory_space<vmem_shared>>
      %dma_wait3A_120 = arith.constant 0 : i32
      %dma_wait3A_121 = tpu.memref_slice %arg6[%run_scoped3A_91, %dma_wait3A_120] : memref<16x640xf32, #tpu.memory_space<vmem>> -> memref<1x640xf32, #tpu.memory_space<vmem>>
      %dma_wait3A_122 = tpu.memref_squeeze %dma_wait3A_121 : memref<1x640xf32, #tpu.memory_space<vmem>> -> memref<640xf32, #tpu.memory_space<vmem>>
      %dma_wait3A_123 = tpu.memref_slice %arg8[%run_scoped3A_90, %mul3A_89] : memref<16x10240xf32, #tpu.memory_space<vmem_shared>> -> memref<1x640xf32, #tpu.memory_space<vmem_shared>>
      %dma_wait3A_124 = tpu.memref_squeeze %dma_wait3A_123 : memref<1x640xf32, #tpu.memory_space<vmem_shared>> -> memref<640xf32, #tpu.memory_space<vmem_shared>>
      tpu.wait_dma2 semaphore(%run_scoped3A_104 : memref<!tpu.dma_semaphore, #tpu.memory_space<semaphore_mem>>) src(%dma_wait3A_124 : memref<640xf32, #tpu.memory_space<vmem_shared>>) dst(%dma_wait3A_122 : memref<640xf32, #tpu.memory_space<vmem>>)
      tpu.yield
    }) : () -> ()
    %scan3A_92 = arith.constant 0 : i32
    %scan3A_93 = arith.constant 0 : i32
    %scan3A_94 = arith.constant 40 : i32
    %scan3A_95 = arith.addi %scan3A_93, %scan3A_94 : i32
    %scan3A_96 = arith.constant 1 : i32
    %scan3A_97 = scf.for %scan3A_104 = %scan3A_93 to %scan3A_95 step %scan3A_96 iter_args(%scan3A_105 = %scan3A_92) -> (i32)  : i32 {
      %broadcast_in_dim3A_106 = arith.constant 0.000000e+00 : f32
      %broadcast_in_dim3A_107 = vector.broadcast %broadcast_in_dim3A_106 : f32 to vector<16xf32>
      %mul3A_108 = arith.constant 16 : i32
      %mul3A_109 = arith.muli %scan3A_104, %mul3A_108 : i32
      %get3A = arith.constant 0 : i32
      %get3A_110 = arith.index_cast %get3A : i32 to index
      %get3A_111 = arith.index_cast %mul3A_109 : i32 to index
      %get3A_112 = tpu.vector_load %arg6[%get3A_110, %get3A_111] {strides = array<i32>} : memref<16x640xf32, #tpu.memory_space<vmem>>, vector<16xf32>,
      %add3A_113 = arith.addf %broadcast_in_dim3A_107, %get3A_112 : vector<16xf32>
      %mul3A_114 = arith.constant 16 : i32
      %mul3A_115 = arith.muli %scan3A_104, %mul3A_114 : i32
      %get3A_116 = arith.constant 1 : i32
      %get3A_117 = arith.index_cast %get3A_116 : i32 to index
      %get3A_118 = arith.index_cast %mul3A_115 : i32 to index
      %get3A_119 = tpu.vector_load %arg6[%get3A_117, %get3A_118] {strides = array<i32>} : memref<16x640xf32, #tpu.memory_space<vmem>>, vector<16xf32>,
      %add3A_120 = arith.addf %add3A_113, %get3A_119 : vector<16xf32>
      %mul3A_121 = arith.constant 16 : i32
      %mul3A_122 = arith.muli %scan3A_104, %mul3A_121 : i32
      %get3A_123 = arith.constant 2 : i32
      %get3A_124 = arith.index_cast %get3A_123 : i32 to index
      %get3A_125 = arith.index_cast %mul3A_122 : i32 to index
      %get3A_126 = tpu.vector_load %arg6[%get3A_124, %get3A_125] {strides = array<i32>} : memref<16x640xf32, #tpu.memory_space<vmem>>, vector<16xf32>,
      %add3A_127 = arith.addf %add3A_120, %get3A_126 : vector<16xf32>
      %mul3A_128 = arith.constant 16 : i32
      %mul3A_129 = arith.muli %scan3A_104, %mul3A_128 : i32
      %get3A_130 = arith.constant 3 : i32
      %get3A_131 = arith.index_cast %get3A_130 : i32 to index
      %get3A_132 = arith.index_cast %mul3A_129 : i32 to index
      %get3A_133 = tpu.vector_load %arg6[%get3A_131, %get3A_132] {strides = array<i32>} : memref<16x640xf32, #tpu.memory_space<vmem>>, vector<16xf32>,
      %add3A_134 = arith.addf %add3A_127, %get3A_133 : vector<16xf32>
      %mul3A_135 = arith.constant 16 : i32
      %mul3A_136 = arith.muli %scan3A_104, %mul3A_135 : i32
      %get3A_137 = arith.constant 4 : i32
      %get3A_138 = arith.index_cast %get3A_137 : i32 to index
      %get3A_139 = arith.index_cast %mul3A_136 : i32 to index
      %get3A_140 = tpu.vector_load %arg6[%get3A_138, %get3A_139] {strides = array<i32>} : memref<16x640xf32, #tpu.memory_space<vmem>>, vector<16xf32>,
      %add3A_141 = arith.addf %add3A_134, %get3A_140 : vector<16xf32>
      %mul3A_142 = arith.constant 16 : i32
      %mul3A_143 = arith.muli %scan3A_104, %mul3A_142 : i32
      %get3A_144 = arith.constant 5 : i32
      %get3A_145 = arith.index_cast %get3A_144 : i32 to index
      %get3A_146 = arith.index_cast %mul3A_143 : i32 to index
      %get3A_147 = tpu.vector_load %arg6[%get3A_145, %get3A_146] {strides = array<i32>} : memref<16x640xf32, #tpu.memory_space<vmem>>, vector<16xf32>,
      %add3A_148 = arith.addf %add3A_141, %get3A_147 : vector<16xf32>
      %mul3A_149 = arith.constant 16 : i32
      %mul3A_150 = arith.muli %scan3A_104, %mul3A_149 : i32
      %get3A_151 = arith.constant 6 : i32
      %get3A_152 = arith.index_cast %get3A_151 : i32 to index
      %get3A_153 = arith.index_cast %mul3A_150 : i32 to index
      %get3A_154 = tpu.vector_load %arg6[%get3A_152, %get3A_153] {strides = array<i32>} : memref<16x640xf32, #tpu.memory_space<vmem>>, vector<16xf32>,
      %add3A_155 = arith.addf %add3A_148, %get3A_154 : vector<16xf32>
      %mul3A_156 = arith.constant 16 : i32
      %mul3A_157 = arith.muli %scan3A_104, %mul3A_156 : i32
      %get3A_158 = arith.constant 7 : i32
      %get3A_159 = arith.index_cast %get3A_158 : i32 to index
      %get3A_160 = arith.index_cast %mul3A_157 : i32 to index
      %get3A_161 = tpu.vector_load %arg6[%get3A_159, %get3A_160] {strides = array<i32>} : memref<16x640xf32, #tpu.memory_space<vmem>>, vector<16xf32>,
      %add3A_162 = arith.addf %add3A_155, %get3A_161 : vector<16xf32>
      %mul3A_163 = arith.constant 16 : i32
      %mul3A_164 = arith.muli %scan3A_104, %mul3A_163 : i32
      %get3A_165 = arith.constant 8 : i32
      %get3A_166 = arith.index_cast %get3A_165 : i32 to index
      %get3A_167 = arith.index_cast %mul3A_164 : i32 to index
      %get3A_168 = tpu.vector_load %arg6[%get3A_166, %get3A_167] {strides = array<i32>} : memref<16x640xf32, #tpu.memory_space<vmem>>, vector<16xf32>,
      %add3A_169 = arith.addf %add3A_162, %get3A_168 : vector<16xf32>
      %mul3A_170 = arith.constant 16 : i32
      %mul3A_171 = arith.muli %scan3A_104, %mul3A_170 : i32
      %get3A_172 = arith.constant 9 : i32
      %get3A_173 = arith.index_cast %get3A_172 : i32 to index
      %get3A_174 = arith.index_cast %mul3A_171 : i32 to index
      %get3A_175 = tpu.vector_load %arg6[%get3A_173, %get3A_174] {strides = array<i32>} : memref<16x640xf32, #tpu.memory_space<vmem>>, vector<16xf32>,
      %add3A_176 = arith.addf %add3A_169, %get3A_175 : vector<16xf32>
      %mul3A_177 = arith.constant 16 : i32
      %mul3A_178 = arith.muli %scan3A_104, %mul3A_177 : i32
      %get3A_179 = arith.constant 10 : i32
      %get3A_180 = arith.index_cast %get3A_179 : i32 to index
      %get3A_181 = arith.index_cast %mul3A_178 : i32 to index
      %get3A_182 = tpu.vector_load %arg6[%get3A_180, %get3A_181] {strides = array<i32>} : memref<16x640xf32, #tpu.memory_space<vmem>>, vector<16xf32>,
      %add3A_183 = arith.addf %add3A_176, %get3A_182 : vector<16xf32>
      %mul3A_184 = arith.constant 16 : i32
      %mul3A_185 = arith.muli %scan3A_104, %mul3A_184 : i32
      %get3A_186 = arith.constant 11 : i32
      %get3A_187 = arith.index_cast %get3A_186 : i32 to index
      %get3A_188 = arith.index_cast %mul3A_185 : i32 to index
      %get3A_189 = tpu.vector_load %arg6[%get3A_187, %get3A_188] {strides = array<i32>} : memref<16x640xf32, #tpu.memory_space<vmem>>, vector<16xf32>,
      %add3A_190 = arith.addf %add3A_183, %get3A_189 : vector<16xf32>
      %mul3A_191 = arith.constant 16 : i32
      %mul3A_192 = arith.muli %scan3A_104, %mul3A_191 : i32
      %get3A_193 = arith.constant 12 : i32
      %get3A_194 = arith.index_cast %get3A_193 : i32 to index
      %get3A_195 = arith.index_cast %mul3A_192 : i32 to index
      %get3A_196 = tpu.vector_load %arg6[%get3A_194, %get3A_195] {strides = array<i32>} : memref<16x640xf32, #tpu.memory_space<vmem>>, vector<16xf32>,
      %add3A_197 = arith.addf %add3A_190, %get3A_196 : vector<16xf32>
      %mul3A_198 = arith.constant 16 : i32
      %mul3A_199 = arith.muli %scan3A_104, %mul3A_198 : i32
      %get3A_200 = arith.constant 13 : i32
      %get3A_201 = arith.index_cast %get3A_200 : i32 to index
      %get3A_202 = arith.index_cast %mul3A_199 : i32 to index
      %get3A_203 = tpu.vector_load %arg6[%get3A_201, %get3A_202] {strides = array<i32>} : memref<16x640xf32, #tpu.memory_space<vmem>>, vector<16xf32>,
      %add3A_204 = arith.addf %add3A_197, %get3A_203 : vector<16xf32>
      %mul3A_205 = arith.constant 16 : i32
      %mul3A_206 = arith.muli %scan3A_104, %mul3A_205 : i32
      %get3A_207 = arith.constant 14 : i32
      %get3A_208 = arith.index_cast %get3A_207 : i32 to index
      %get3A_209 = arith.index_cast %mul3A_206 : i32 to index
      %get3A_210 = tpu.vector_load %arg6[%get3A_208, %get3A_209] {strides = array<i32>} : memref<16x640xf32, #tpu.memory_space<vmem>>, vector<16xf32>,
      %add3A_211 = arith.addf %add3A_204, %get3A_210 : vector<16xf32>
      %mul3A_212 = arith.constant 16 : i32
      %mul3A_213 = arith.muli %scan3A_104, %mul3A_212 : i32
      %get3A_214 = arith.constant 15 : i32
      %get3A_215 = arith.index_cast %get3A_214 : i32 to index
      %get3A_216 = arith.index_cast %mul3A_213 : i32 to index
      %get3A_217 = tpu.vector_load %arg6[%get3A_215, %get3A_216] {strides = array<i32>} : memref<16x640xf32, #tpu.memory_space<vmem>>, vector<16xf32>,
      %add3A_218 = arith.addf %add3A_211, %get3A_217 : vector<16xf32>
      %mul3A_219 = arith.constant 16 : i32
      %mul3A_220 = arith.muli %scan3A_104, %mul3A_219 : i32
      %swap3A = arith.index_cast %mul3A_220 : i32 to index
      %swap3A_221 = tpu.vector_load %arg7[%swap3A] {strides = array<i32>} : memref<640xf32, #tpu.memory_space<vmem>>, vector<16xf32>,
      tpu.vector_store %arg7[%swap3A], %add3A_218 {strides = array<i32>} : memref<640xf32, #tpu.memory_space<vmem>>, vector<16xf32>,
      %scan3A_222 = arith.constant 0 : i32
      scf.yield %scan3A_222 : i32
    }
    %scan3A_98 = arith.constant 40 : i32
    %mul3A_99 = arith.constant 10240 : i32
    %mul3A_100 = arith.muli %arg0, %mul3A_99 : i32
    %mul3A_101 = arith.constant 640 : i32
    %mul3A_102 = arith.muli %arg1, %mul3A_101 : i32
    %add3A_103 = arith.addi %mul3A_100, %mul3A_102 : i32
    "tpu.region"() ({
      %run_scoped3A_104 = tpu.sem_alloc : memref<!tpu.dma_semaphore, #tpu.memory_space<semaphore_mem>>
      %dma_start3A_105 = tpu.memref_slice %arg3[%add3A_103] : memref<20480xf32, #tpu.memory_space<hbm>> -> memref<640xf32, #tpu.memory_space<hbm>>
      %dma_start3A_106 = tpu.memref_slice %arg3[%add3A_103] : memref<20480xf32, #tpu.memory_space<hbm>> -> memref<640xf32, #tpu.memory_space<hbm>>
      tpu.enqueue_dma source(%arg7 : memref<640xf32, #tpu.memory_space<vmem>>) target(%dma_start3A_106 : memref<640xf32, #tpu.memory_space<hbm>>) target_semaphore(%run_scoped3A_104 : memref<!tpu.dma_semaphore, #tpu.memory_space<semaphore_mem>>)
      %dma_wait3A_107 = tpu.memref_slice %arg3[%add3A_103] : memref<20480xf32, #tpu.memory_space<hbm>> -> memref<640xf32, #tpu.memory_space<hbm>>
      %dma_wait3A_108 = tpu.memref_slice %arg3[%add3A_103] : memref<20480xf32, #tpu.memory_space<hbm>> -> memref<640xf32, #tpu.memory_space<hbm>>
      tpu.wait_dma2 semaphore(%run_scoped3A_104 : memref<!tpu.dma_semaphore, #tpu.memory_space<semaphore_mem>>) src(%arg7 : memref<640xf32, #tpu.memory_space<vmem>>) dst(%dma_wait3A_108 : memref<640xf32, #tpu.memory_space<hbm>>)
      tpu.yield
    }) : () -> ()
    return
  }
}

#map = affine_map<(d0, d1) -> (0, 0)>
#map1 = affine_map<(d0, d1) -> (0)>
#map2 = affine_map<(d0, d1) -> (0, 0, 0)>
module attributes {stable_mosaic.version = 14 : i64} {
  func.func @_conv_body(%arg0: i32, %arg1: i32, %arg2: memref<10000x128xf32, #tpu.memory_space<hbm>>, %arg3: memref<327680xi32, #tpu.memory_space<hbm>>, %arg4: memref<32x80x128xi32, #tpu.memory_space<hbm>>, %arg5: memref<20480x128xf32, #tpu.memory_space<hbm>>, %arg6: memref<128xi32, #tpu.memory_space<vmem>>, %arg7: memref<128xi32, #tpu.memory_space<vmem>>, %arg8: memref<80x128xi32, #tpu.memory_space<vmem>>, %arg9: memref<128x128xf32, #tpu.memory_space<vmem>>, %arg10: memref<128x128xf32, #tpu.memory_space<vmem>>, %arg11: memref<32x128xf32, #tpu.memory_space<vmem>>, %arg12: memref<10240x128xf32, #tpu.memory_space<vmem_shared>>, %arg13: memref<!tpu.dma_semaphore, #tpu.memory_space<semaphore_mem>>, %arg14: memref<!tpu.dma_semaphore, #tpu.memory_space<semaphore_mem>>, %arg15: memref<!tpu.dma_semaphore, #tpu.memory_space<semaphore_mem>>, %arg16: memref<!tpu.dma_semaphore, #tpu.memory_space<semaphore_mem>>) attributes {dimension_semantics = [#tpu.dimension_semantics<core_parallel>, #tpu.dimension_semantics<subcore_parallel>], iteration_bounds = array<i64: 2, 16>, scalar_prefetch = 0 : i64, scratch_operands = 11 : i64, tpu.core_type = #tpu.core_type<sc_vector_subcore>, window_params = [{transform_indices = #map}, {transform_indices = #map1}, {transform_indices = #map2}, {transform_indices = #map}]} {
    %mul3A = arith.constant 16 : i32
    %mul3A_0 = arith.muli %arg0, %mul3A : i32
    %add3A = arith.addi %mul3A_0, %arg1 : i32
    %mul3A_1 = arith.constant 10240 : i32
    %mul3A_2 = arith.muli %add3A, %mul3A_1 : i32
    %dma_start3A = arith.constant 0 : i32
    %dma_start3A_3 = arith.constant 0 : i32
    %dma_start3A_4 = tpu.memref_slice %arg4[%add3A, %dma_start3A, %dma_start3A_3] : memref<32x80x128xi32, #tpu.memory_space<hbm>> -> memref<1x80x128xi32, #tpu.memory_space<hbm>>
    %dma_start3A_5 = tpu.memref_squeeze %dma_start3A_4 : memref<1x80x128xi32, #tpu.memory_space<hbm>> -> memref<80x128xi32, #tpu.memory_space<hbm>>
    %dma_start3A_6 = arith.constant 0 : i32
    %dma_start3A_7 = arith.constant 0 : i32
    %dma_start3A_8 = tpu.memref_slice %arg4[%add3A, %dma_start3A_6, %dma_start3A_7] : memref<32x80x128xi32, #tpu.memory_space<hbm>> -> memref<1x80x128xi32, #tpu.memory_space<hbm>>
    %dma_start3A_9 = tpu.memref_squeeze %dma_start3A_8 : memref<1x80x128xi32, #tpu.memory_space<hbm>> -> memref<80x128xi32, #tpu.memory_space<hbm>>
    tpu.enqueue_dma source(%dma_start3A_9 : memref<80x128xi32, #tpu.memory_space<hbm>>) target(%arg8 : memref<80x128xi32, #tpu.memory_space<vmem>>) target_semaphore(%arg16 : memref<!tpu.dma_semaphore, #tpu.memory_space<semaphore_mem>>)
    %eq3A = arith.constant 0 : i32
    %eq3A_10 = arith.cmpi eq, %arg0, %eq3A : i32
    %convert_element_type3A = arith.extui %eq3A_10 : i1 to i32
    %cond3A = arith.constant 0 : i32
    %cond3A_11 = arith.cmpi ne, %convert_element_type3A, %cond3A : i32
    scf.if %cond3A_11 {
      %lt3A = arith.constant 15 : i32
      %lt3A_53 = arith.cmpi slt, %arg1, %lt3A : i32
      %convert_element_type3A_54 = arith.extui %lt3A_53 : i1 to i32
      %cond3A_55 = arith.constant 0 : i32
      %cond3A_56 = arith.cmpi ne, %convert_element_type3A_54, %cond3A_55 : i32
      scf.if %cond3A_56 {
        %mul3A_62 = arith.constant 640 : i32
        %mul3A_63 = arith.muli %arg1, %mul3A_62 : i32
        %mul3A_64 = arith.constant 640 : i32
        %mul3A_65 = arith.muli %arg1, %mul3A_64 : i32
        "tpu.region"() ({
          %run_scoped3A = tpu.sem_alloc : memref<!tpu.dma_semaphore, #tpu.memory_space<semaphore_mem>>
          %dma_start3A_66 = arith.constant 0 : i32
          %dma_start3A_67 = tpu.memref_slice %arg12[%mul3A_65, %dma_start3A_66] : memref<10240x128xf32, #tpu.memory_space<vmem_shared>> -> memref<640x128xf32, #tpu.memory_space<vmem_shared>>
          %dma_start3A_68 = arith.constant 0 : i32
          %dma_start3A_69 = tpu.memref_slice %arg2[%mul3A_63, %dma_start3A_68] : memref<10000x128xf32, #tpu.memory_space<hbm>> -> memref<640x128xf32, #tpu.memory_space<hbm>>
          tpu.enqueue_dma source(%dma_start3A_69 : memref<640x128xf32, #tpu.memory_space<hbm>>) target(%dma_start3A_67 : memref<640x128xf32, #tpu.memory_space<vmem_shared>>) target_semaphore(%run_scoped3A : memref<!tpu.dma_semaphore, #tpu.memory_space<semaphore_mem>>)
          %dma_wait3A_70 = arith.constant 0 : i32
          %dma_wait3A_71 = tpu.memref_slice %arg12[%mul3A_65, %dma_wait3A_70] : memref<10240x128xf32, #tpu.memory_space<vmem_shared>> -> memref<640x128xf32, #tpu.memory_space<vmem_shared>>
          %dma_wait3A_72 = arith.constant 0 : i32
          %dma_wait3A_73 = tpu.memref_slice %arg2[%mul3A_63, %dma_wait3A_72] : memref<10000x128xf32, #tpu.memory_space<hbm>> -> memref<640x128xf32, #tpu.memory_space<hbm>>
          tpu.wait_dma2 semaphore(%run_scoped3A : memref<!tpu.dma_semaphore, #tpu.memory_space<semaphore_mem>>) src(%dma_wait3A_73 : memref<640x128xf32, #tpu.memory_space<hbm>>) dst(%dma_wait3A_71 : memref<640x128xf32, #tpu.memory_space<vmem_shared>>)
          tpu.yield
        }) : () -> ()
      } else {
      }
      %eq3A_57 = arith.constant 15 : i32
      %eq3A_58 = arith.cmpi eq, %arg1, %eq3A_57 : i32
      %convert_element_type3A_59 = arith.extui %eq3A_58 : i1 to i32
      %cond3A_60 = arith.constant 0 : i32
      %cond3A_61 = arith.cmpi ne, %convert_element_type3A_59, %cond3A_60 : i32
      scf.if %cond3A_61 {
        "tpu.region"() ({
          %run_scoped3A = tpu.sem_alloc : memref<!tpu.dma_semaphore, #tpu.memory_space<semaphore_mem>>
          %dma_start3A_62 = arith.constant 9600 : i32
          %dma_start3A_63 = arith.constant 0 : i32
          %dma_start3A_64 = tpu.memref_slice %arg12[%dma_start3A_62, %dma_start3A_63] : memref<10240x128xf32, #tpu.memory_space<vmem_shared>> -> memref<400x128xf32, #tpu.memory_space<vmem_shared>>
          %dma_start3A_65 = arith.constant 9600 : i32
          %dma_start3A_66 = arith.constant 0 : i32
          %dma_start3A_67 = tpu.memref_slice %arg2[%dma_start3A_65, %dma_start3A_66] : memref<10000x128xf32, #tpu.memory_space<hbm>> -> memref<400x128xf32, #tpu.memory_space<hbm>>
          tpu.enqueue_dma source(%dma_start3A_67 : memref<400x128xf32, #tpu.memory_space<hbm>>) target(%dma_start3A_64 : memref<400x128xf32, #tpu.memory_space<vmem_shared>>) target_semaphore(%run_scoped3A : memref<!tpu.dma_semaphore, #tpu.memory_space<semaphore_mem>>)
          %dma_wait3A_68 = arith.constant 9600 : i32
          %dma_wait3A_69 = arith.constant 0 : i32
          %dma_wait3A_70 = tpu.memref_slice %arg12[%dma_wait3A_68, %dma_wait3A_69] : memref<10240x128xf32, #tpu.memory_space<vmem_shared>> -> memref<400x128xf32, #tpu.memory_space<vmem_shared>>
          %dma_wait3A_71 = arith.constant 9600 : i32
          %dma_wait3A_72 = arith.constant 0 : i32
          %dma_wait3A_73 = tpu.memref_slice %arg2[%dma_wait3A_71, %dma_wait3A_72] : memref<10000x128xf32, #tpu.memory_space<hbm>> -> memref<400x128xf32, #tpu.memory_space<hbm>>
          tpu.wait_dma2 semaphore(%run_scoped3A : memref<!tpu.dma_semaphore, #tpu.memory_space<semaphore_mem>>) src(%dma_wait3A_73 : memref<400x128xf32, #tpu.memory_space<hbm>>) dst(%dma_wait3A_70 : memref<400x128xf32, #tpu.memory_space<vmem_shared>>)
          tpu.yield
        }) : () -> ()
      } else {
      }
    } else {
    }
    %eq3A_12 = arith.constant 1 : i32
    %eq3A_13 = arith.cmpi eq, %arg0, %eq3A_12 : i32
    %convert_element_type3A_14 = arith.extui %eq3A_13 : i1 to i32
    %cond3A_15 = arith.constant 0 : i32
    %cond3A_16 = arith.cmpi ne, %convert_element_type3A_14, %cond3A_15 : i32
    scf.if %cond3A_16 {
      %scan3A_53 = arith.constant 0 : i32
      %scan3A_54 = arith.constant 0 : i32
      %scan3A_55 = arith.constant 256 : i32
      %scan3A_56 = arith.addi %scan3A_54, %scan3A_55 : i32
      %scan3A_57 = arith.constant 1 : i32
      %scan3A_58 = scf.for %scan3A_140 = %scan3A_54 to %scan3A_56 step %scan3A_57 iter_args(%scan3A_141 = %scan3A_53) -> (i32)  : i32 {
        %jit3A = arith.constant 8 : i32
        %div3A = arith.divsi %scan3A_140, %jit3A : i32
        %sign3A = arith.constant 0 : i32
        %sign3A_142 = arith.cmpi sgt, %scan3A_140, %sign3A : i32
        %sign3A_143 = arith.extui %sign3A_142 : i1 to i32
        %sign3A_144 = arith.constant 0 : i32
        %sign3A_145 = arith.cmpi slt, %scan3A_140, %sign3A_144 : i32
        %sign3A_146 = arith.extui %sign3A_145 : i1 to i32
        %sign3A_147 = arith.subi %sign3A_143, %sign3A_146 : i32
        %sign3A_148 = arith.constant 0 : i32
        %sign3A_149 = arith.cmpi sgt, %jit3A, %sign3A_148 : i32
        %sign3A_150 = arith.extui %sign3A_149 : i1 to i32
        %sign3A_151 = arith.constant 0 : i32
        %sign3A_152 = arith.cmpi slt, %jit3A, %sign3A_151 : i32
        %sign3A_153 = arith.extui %sign3A_152 : i1 to i32
        %sign3A_154 = arith.subi %sign3A_150, %sign3A_153 : i32
        %ne3A = arith.cmpi ne, %sign3A_147, %sign3A_154 : i32
        %rem3A = arith.remsi %scan3A_140, %jit3A : i32
        %ne3A_155 = arith.constant 0 : i32
        %ne3A_156 = arith.cmpi ne, %rem3A, %ne3A_155 : i32
        %and3A = arith.andi %ne3A, %ne3A_156 : i1
        %sub3A = arith.constant 1 : i32
        %sub3A_157 = arith.subi %div3A, %sub3A : i32
        %select_n3A = arith.select %and3A, %sub3A_157, %div3A : i32
        %jit3A_158 = arith.constant 8 : i32
        %eq3A_159 = arith.constant 0 : i32
        %eq3A_160 = arith.cmpi eq, %jit3A_158, %eq3A_159 : i32
        %jit3A_161 = arith.constant 1 : i32
        %select_n3A_162 = arith.select %eq3A_160, %jit3A_161, %jit3A_158 : i32
        %rem3A_163 = arith.remsi %scan3A_140, %select_n3A_162 : i32
        %ne3A_164 = arith.constant 0 : i32
        %ne3A_165 = arith.cmpi ne, %rem3A_163, %ne3A_164 : i32
        %lt3A = arith.constant 0 : i32
        %lt3A_166 = arith.cmpi slt, %rem3A_163, %lt3A : i32
        %lt3A_167 = arith.constant 0 : i32
        %lt3A_168 = arith.cmpi slt, %select_n3A_162, %lt3A_167 : i32
        %ne3A_169 = arith.xori %lt3A_166, %lt3A_168 : i1
        %and3A_170 = arith.andi %ne3A_169, %ne3A_165 : i1
        %add3A_171 = arith.addi %rem3A_163, %select_n3A_162 : i32
        %select_n3A_172 = arith.select %and3A_170, %add3A_171, %rem3A_163 : i32
        %mul3A_173 = arith.constant 16 : i32
        %mul3A_174 = arith.muli %select_n3A_172, %mul3A_173 : i32
        %broadcast_in_dim3A = arith.constant 0.000000e+00 : f32
        %broadcast_in_dim3A_175 = vector.broadcast %broadcast_in_dim3A : f32 to vector<16xf32>
        %swap3A = arith.index_cast %select_n3A : i32 to index
        %swap3A_176 = arith.index_cast %mul3A_174 : i32 to index
        %swap3A_177 = tpu.vector_load %arg11[%swap3A, %swap3A_176] {strides = array<i32>} : memref<32x128xf32, #tpu.memory_space<vmem>>, vector<1x16xf32>,
        %swap3A_178 = vector.shape_cast %swap3A_177 : vector<1x16xf32> to vector<16xf32>
        %swap3A_179 = vector.shape_cast %broadcast_in_dim3A_175 : vector<16xf32> to vector<1x16xf32>
        tpu.vector_store %arg11[%swap3A, %swap3A_176], %swap3A_179 {strides = array<i32>} : memref<32x128xf32, #tpu.memory_space<vmem>>, vector<1x16xf32>,
        %scan3A_180 = arith.constant 0 : i32
        scf.yield %scan3A_180 : i32
      }
      %scan3A_59 = arith.constant 256 : i32
      %mul3A_60 = arith.constant 640 : i32
      %mul3A_61 = arith.muli %arg1, %mul3A_60 : i32
      %add3A_62 = arith.constant 0 : i32
      %add3A_63 = arith.addi %mul3A_61, %add3A_62 : i32
      "tpu.region"() ({
        %run_scoped3A = tpu.sem_alloc : memref<!tpu.dma_semaphore, #tpu.memory_space<semaphore_mem>>
        %dma_start3A_140 = arith.constant 0 : i32
        %dma_start3A_141 = tpu.memref_slice %arg12[%add3A_63, %dma_start3A_140] : memref<10240x128xf32, #tpu.memory_space<vmem_shared>> -> memref<32x128xf32, #tpu.memory_space<vmem_shared>>
        %dma_start3A_142 = arith.constant 0 : i32
        %dma_start3A_143 = tpu.memref_slice %arg12[%add3A_63, %dma_start3A_142] : memref<10240x128xf32, #tpu.memory_space<vmem_shared>> -> memref<32x128xf32, #tpu.memory_space<vmem_shared>>
        tpu.enqueue_dma source(%arg11 : memref<32x128xf32, #tpu.memory_space<vmem>>) target(%dma_start3A_143 : memref<32x128xf32, #tpu.memory_space<vmem_shared>>) target_semaphore(%run_scoped3A : memref<!tpu.dma_semaphore, #tpu.memory_space<semaphore_mem>>)
        %dma_wait3A_144 = arith.constant 0 : i32
        %dma_wait3A_145 = tpu.memref_slice %arg12[%add3A_63, %dma_wait3A_144] : memref<10240x128xf32, #tpu.memory_space<vmem_shared>> -> memref<32x128xf32, #tpu.memory_space<vmem_shared>>
        %dma_wait3A_146 = arith.constant 0 : i32
        %dma_wait3A_147 = tpu.memref_slice %arg12[%add3A_63, %dma_wait3A_146] : memref<10240x128xf32, #tpu.memory_space<vmem_shared>> -> memref<32x128xf32, #tpu.memory_space<vmem_shared>>
        tpu.wait_dma2 semaphore(%run_scoped3A : memref<!tpu.dma_semaphore, #tpu.memory_space<semaphore_mem>>) src(%arg11 : memref<32x128xf32, #tpu.memory_space<vmem>>) dst(%dma_wait3A_147 : memref<32x128xf32, #tpu.memory_space<vmem_shared>>)
        tpu.yield
      }) : () -> ()
      %mul3A_64 = arith.constant 640 : i32
      %mul3A_65 = arith.muli %arg1, %mul3A_64 : i32
      %add3A_66 = arith.constant 32 : i32
      %add3A_67 = arith.addi %mul3A_65, %add3A_66 : i32
      "tpu.region"() ({
        %run_scoped3A = tpu.sem_alloc : memref<!tpu.dma_semaphore, #tpu.memory_space<semaphore_mem>>
        %dma_start3A_140 = arith.constant 0 : i32
        %dma_start3A_141 = tpu.memref_slice %arg12[%add3A_67, %dma_start3A_140] : memref<10240x128xf32, #tpu.memory_space<vmem_shared>> -> memref<32x128xf32, #tpu.memory_space<vmem_shared>>
        %dma_start3A_142 = arith.constant 0 : i32
        %dma_start3A_143 = tpu.memref_slice %arg12[%add3A_67, %dma_start3A_142] : memref<10240x128xf32, #tpu.memory_space<vmem_shared>> -> memref<32x128xf32, #tpu.memory_space<vmem_shared>>
        tpu.enqueue_dma source(%arg11 : memref<32x128xf32, #tpu.memory_space<vmem>>) target(%dma_start3A_143 : memref<32x128xf32, #tpu.memory_space<vmem_shared>>) target_semaphore(%run_scoped3A : memref<!tpu.dma_semaphore, #tpu.memory_space<semaphore_mem>>)
        %dma_wait3A_144 = arith.constant 0 : i32
        %dma_wait3A_145 = tpu.memref_slice %arg12[%add3A_67, %dma_wait3A_144] : memref<10240x128xf32, #tpu.memory_space<vmem_shared>> -> memref<32x128xf32, #tpu.memory_space<vmem_shared>>
        %dma_wait3A_146 = arith.constant 0 : i32
        %dma_wait3A_147 = tpu.memref_slice %arg12[%add3A_67, %dma_wait3A_146] : memref<10240x128xf32, #tpu.memory_space<vmem_shared>> -> memref<32x128xf32, #tpu.memory_space<vmem_shared>>
        tpu.wait_dma2 semaphore(%run_scoped3A : memref<!tpu.dma_semaphore, #tpu.memory_space<semaphore_mem>>) src(%arg11 : memref<32x128xf32, #tpu.memory_space<vmem>>) dst(%dma_wait3A_147 : memref<32x128xf32, #tpu.memory_space<vmem_shared>>)
        tpu.yield
      }) : () -> ()
      %mul3A_68 = arith.constant 640 : i32
      %mul3A_69 = arith.muli %arg1, %mul3A_68 : i32
      %add3A_70 = arith.constant 64 : i32
      %add3A_71 = arith.addi %mul3A_69, %add3A_70 : i32
      "tpu.region"() ({
        %run_scoped3A = tpu.sem_alloc : memref<!tpu.dma_semaphore, #tpu.memory_space<semaphore_mem>>
        %dma_start3A_140 = arith.constant 0 : i32
        %dma_start3A_141 = tpu.memref_slice %arg12[%add3A_71, %dma_start3A_140] : memref<10240x128xf32, #tpu.memory_space<vmem_shared>> -> memref<32x128xf32, #tpu.memory_space<vmem_shared>>
        %dma_start3A_142 = arith.constant 0 : i32
        %dma_start3A_143 = tpu.memref_slice %arg12[%add3A_71, %dma_start3A_142] : memref<10240x128xf32, #tpu.memory_space<vmem_shared>> -> memref<32x128xf32, #tpu.memory_space<vmem_shared>>
        tpu.enqueue_dma source(%arg11 : memref<32x128xf32, #tpu.memory_space<vmem>>) target(%dma_start3A_143 : memref<32x128xf32, #tpu.memory_space<vmem_shared>>) target_semaphore(%run_scoped3A : memref<!tpu.dma_semaphore, #tpu.memory_space<semaphore_mem>>)
        %dma_wait3A_144 = arith.constant 0 : i32
        %dma_wait3A_145 = tpu.memref_slice %arg12[%add3A_71, %dma_wait3A_144] : memref<10240x128xf32, #tpu.memory_space<vmem_shared>> -> memref<32x128xf32, #tpu.memory_space<vmem_shared>>
        %dma_wait3A_146 = arith.constant 0 : i32
        %dma_wait3A_147 = tpu.memref_slice %arg12[%add3A_71, %dma_wait3A_146] : memref<10240x128xf32, #tpu.memory_space<vmem_shared>> -> memref<32x128xf32, #tpu.memory_space<vmem_shared>>
        tpu.wait_dma2 semaphore(%run_scoped3A : memref<!tpu.dma_semaphore, #tpu.memory_space<semaphore_mem>>) src(%arg11 : memref<32x128xf32, #tpu.memory_space<vmem>>) dst(%dma_wait3A_147 : memref<32x128xf32, #tpu.memory_space<vmem_shared>>)
        tpu.yield
      }) : () -> ()
      %mul3A_72 = arith.constant 640 : i32
      %mul3A_73 = arith.muli %arg1, %mul3A_72 : i32
      %add3A_74 = arith.constant 96 : i32
      %add3A_75 = arith.addi %mul3A_73, %add3A_74 : i32
      "tpu.region"() ({
        %run_scoped3A = tpu.sem_alloc : memref<!tpu.dma_semaphore, #tpu.memory_space<semaphore_mem>>
        %dma_start3A_140 = arith.constant 0 : i32
        %dma_start3A_141 = tpu.memref_slice %arg12[%add3A_75, %dma_start3A_140] : memref<10240x128xf32, #tpu.memory_space<vmem_shared>> -> memref<32x128xf32, #tpu.memory_space<vmem_shared>>
        %dma_start3A_142 = arith.constant 0 : i32
        %dma_start3A_143 = tpu.memref_slice %arg12[%add3A_75, %dma_start3A_142] : memref<10240x128xf32, #tpu.memory_space<vmem_shared>> -> memref<32x128xf32, #tpu.memory_space<vmem_shared>>
        tpu.enqueue_dma source(%arg11 : memref<32x128xf32, #tpu.memory_space<vmem>>) target(%dma_start3A_143 : memref<32x128xf32, #tpu.memory_space<vmem_shared>>) target_semaphore(%run_scoped3A : memref<!tpu.dma_semaphore, #tpu.memory_space<semaphore_mem>>)
        %dma_wait3A_144 = arith.constant 0 : i32
        %dma_wait3A_145 = tpu.memref_slice %arg12[%add3A_75, %dma_wait3A_144] : memref<10240x128xf32, #tpu.memory_space<vmem_shared>> -> memref<32x128xf32, #tpu.memory_space<vmem_shared>>
        %dma_wait3A_146 = arith.constant 0 : i32
        %dma_wait3A_147 = tpu.memref_slice %arg12[%add3A_75, %dma_wait3A_146] : memref<10240x128xf32, #tpu.memory_space<vmem_shared>> -> memref<32x128xf32, #tpu.memory_space<vmem_shared>>
        tpu.wait_dma2 semaphore(%run_scoped3A : memref<!tpu.dma_semaphore, #tpu.memory_space<semaphore_mem>>) src(%arg11 : memref<32x128xf32, #tpu.memory_space<vmem>>) dst(%dma_wait3A_147 : memref<32x128xf32, #tpu.memory_space<vmem_shared>>)
        tpu.yield
      }) : () -> ()
      %mul3A_76 = arith.constant 640 : i32
      %mul3A_77 = arith.muli %arg1, %mul3A_76 : i32
      %add3A_78 = arith.constant 128 : i32
      %add3A_79 = arith.addi %mul3A_77, %add3A_78 : i32
      "tpu.region"() ({
        %run_scoped3A = tpu.sem_alloc : memref<!tpu.dma_semaphore, #tpu.memory_space<semaphore_mem>>
        %dma_start3A_140 = arith.constant 0 : i32
        %dma_start3A_141 = tpu.memref_slice %arg12[%add3A_79, %dma_start3A_140] : memref<10240x128xf32, #tpu.memory_space<vmem_shared>> -> memref<32x128xf32, #tpu.memory_space<vmem_shared>>
        %dma_start3A_142 = arith.constant 0 : i32
        %dma_start3A_143 = tpu.memref_slice %arg12[%add3A_79, %dma_start3A_142] : memref<10240x128xf32, #tpu.memory_space<vmem_shared>> -> memref<32x128xf32, #tpu.memory_space<vmem_shared>>
        tpu.enqueue_dma source(%arg11 : memref<32x128xf32, #tpu.memory_space<vmem>>) target(%dma_start3A_143 : memref<32x128xf32, #tpu.memory_space<vmem_shared>>) target_semaphore(%run_scoped3A : memref<!tpu.dma_semaphore, #tpu.memory_space<semaphore_mem>>)
        %dma_wait3A_144 = arith.constant 0 : i32
        %dma_wait3A_145 = tpu.memref_slice %arg12[%add3A_79, %dma_wait3A_144] : memref<10240x128xf32, #tpu.memory_space<vmem_shared>> -> memref<32x128xf32, #tpu.memory_space<vmem_shared>>
        %dma_wait3A_146 = arith.constant 0 : i32
        %dma_wait3A_147 = tpu.memref_slice %arg12[%add3A_79, %dma_wait3A_146] : memref<10240x128xf32, #tpu.memory_space<vmem_shared>> -> memref<32x128xf32, #tpu.memory_space<vmem_shared>>
        tpu.wait_dma2 semaphore(%run_scoped3A : memref<!tpu.dma_semaphore, #tpu.memory_space<semaphore_mem>>) src(%arg11 : memref<32x128xf32, #tpu.memory_space<vmem>>) dst(%dma_wait3A_147 : memref<32x128xf32, #tpu.memory_space<vmem_shared>>)
        tpu.yield
      }) : () -> ()
      %mul3A_80 = arith.constant 640 : i32
      %mul3A_81 = arith.muli %arg1, %mul3A_80 : i32
      %add3A_82 = arith.constant 160 : i32
      %add3A_83 = arith.addi %mul3A_81, %add3A_82 : i32
      "tpu.region"() ({
        %run_scoped3A = tpu.sem_alloc : memref<!tpu.dma_semaphore, #tpu.memory_space<semaphore_mem>>
        %dma_start3A_140 = arith.constant 0 : i32
        %dma_start3A_141 = tpu.memref_slice %arg12[%add3A_83, %dma_start3A_140] : memref<10240x128xf32, #tpu.memory_space<vmem_shared>> -> memref<32x128xf32, #tpu.memory_space<vmem_shared>>
        %dma_start3A_142 = arith.constant 0 : i32
        %dma_start3A_143 = tpu.memref_slice %arg12[%add3A_83, %dma_start3A_142] : memref<10240x128xf32, #tpu.memory_space<vmem_shared>> -> memref<32x128xf32, #tpu.memory_space<vmem_shared>>
        tpu.enqueue_dma source(%arg11 : memref<32x128xf32, #tpu.memory_space<vmem>>) target(%dma_start3A_143 : memref<32x128xf32, #tpu.memory_space<vmem_shared>>) target_semaphore(%run_scoped3A : memref<!tpu.dma_semaphore, #tpu.memory_space<semaphore_mem>>)
        %dma_wait3A_144 = arith.constant 0 : i32
        %dma_wait3A_145 = tpu.memref_slice %arg12[%add3A_83, %dma_wait3A_144] : memref<10240x128xf32, #tpu.memory_space<vmem_shared>> -> memref<32x128xf32, #tpu.memory_space<vmem_shared>>
        %dma_wait3A_146 = arith.constant 0 : i32
        %dma_wait3A_147 = tpu.memref_slice %arg12[%add3A_83, %dma_wait3A_146] : memref<10240x128xf32, #tpu.memory_space<vmem_shared>> -> memref<32x128xf32, #tpu.memory_space<vmem_shared>>
        tpu.wait_dma2 semaphore(%run_scoped3A : memref<!tpu.dma_semaphore, #tpu.memory_space<semaphore_mem>>) src(%arg11 : memref<32x128xf32, #tpu.memory_space<vmem>>) dst(%dma_wait3A_147 : memref<32x128xf32, #tpu.memory_space<vmem_shared>>)
        tpu.yield
      }) : () -> ()
      %mul3A_84 = arith.constant 640 : i32
      %mul3A_85 = arith.muli %arg1, %mul3A_84 : i32
      %add3A_86 = arith.constant 192 : i32
      %add3A_87 = arith.addi %mul3A_85, %add3A_86 : i32
      "tpu.region"() ({
        %run_scoped3A = tpu.sem_alloc : memref<!tpu.dma_semaphore, #tpu.memory_space<semaphore_mem>>
        %dma_start3A_140 = arith.constant 0 : i32
        %dma_start3A_141 = tpu.memref_slice %arg12[%add3A_87, %dma_start3A_140] : memref<10240x128xf32, #tpu.memory_space<vmem_shared>> -> memref<32x128xf32, #tpu.memory_space<vmem_shared>>
        %dma_start3A_142 = arith.constant 0 : i32
        %dma_start3A_143 = tpu.memref_slice %arg12[%add3A_87, %dma_start3A_142] : memref<10240x128xf32, #tpu.memory_space<vmem_shared>> -> memref<32x128xf32, #tpu.memory_space<vmem_shared>>
        tpu.enqueue_dma source(%arg11 : memref<32x128xf32, #tpu.memory_space<vmem>>) target(%dma_start3A_143 : memref<32x128xf32, #tpu.memory_space<vmem_shared>>) target_semaphore(%run_scoped3A : memref<!tpu.dma_semaphore, #tpu.memory_space<semaphore_mem>>)
        %dma_wait3A_144 = arith.constant 0 : i32
        %dma_wait3A_145 = tpu.memref_slice %arg12[%add3A_87, %dma_wait3A_144] : memref<10240x128xf32, #tpu.memory_space<vmem_shared>> -> memref<32x128xf32, #tpu.memory_space<vmem_shared>>
        %dma_wait3A_146 = arith.constant 0 : i32
        %dma_wait3A_147 = tpu.memref_slice %arg12[%add3A_87, %dma_wait3A_146] : memref<10240x128xf32, #tpu.memory_space<vmem_shared>> -> memref<32x128xf32, #tpu.memory_space<vmem_shared>>
        tpu.wait_dma2 semaphore(%run_scoped3A : memref<!tpu.dma_semaphore, #tpu.memory_space<semaphore_mem>>) src(%arg11 : memref<32x128xf32, #tpu.memory_space<vmem>>) dst(%dma_wait3A_147 : memref<32x128xf32, #tpu.memory_space<vmem_shared>>)
        tpu.yield
      }) : () -> ()
      %mul3A_88 = arith.constant 640 : i32
      %mul3A_89 = arith.muli %arg1, %mul3A_88 : i32
      %add3A_90 = arith.constant 224 : i32
      %add3A_91 = arith.addi %mul3A_89, %add3A_90 : i32
      "tpu.region"() ({
        %run_scoped3A = tpu.sem_alloc : memref<!tpu.dma_semaphore, #tpu.memory_space<semaphore_mem>>
        %dma_start3A_140 = arith.constant 0 : i32
        %dma_start3A_141 = tpu.memref_slice %arg12[%add3A_91, %dma_start3A_140] : memref<10240x128xf32, #tpu.memory_space<vmem_shared>> -> memref<32x128xf32, #tpu.memory_space<vmem_shared>>
        %dma_start3A_142 = arith.constant 0 : i32
        %dma_start3A_143 = tpu.memref_slice %arg12[%add3A_91, %dma_start3A_142] : memref<10240x128xf32, #tpu.memory_space<vmem_shared>> -> memref<32x128xf32, #tpu.memory_space<vmem_shared>>
        tpu.enqueue_dma source(%arg11 : memref<32x128xf32, #tpu.memory_space<vmem>>) target(%dma_start3A_143 : memref<32x128xf32, #tpu.memory_space<vmem_shared>>) target_semaphore(%run_scoped3A : memref<!tpu.dma_semaphore, #tpu.memory_space<semaphore_mem>>)
        %dma_wait3A_144 = arith.constant 0 : i32
        %dma_wait3A_145 = tpu.memref_slice %arg12[%add3A_91, %dma_wait3A_144] : memref<10240x128xf32, #tpu.memory_space<vmem_shared>> -> memref<32x128xf32, #tpu.memory_space<vmem_shared>>
        %dma_wait3A_146 = arith.constant 0 : i32
        %dma_wait3A_147 = tpu.memref_slice %arg12[%add3A_91, %dma_wait3A_146] : memref<10240x128xf32, #tpu.memory_space<vmem_shared>> -> memref<32x128xf32, #tpu.memory_space<vmem_shared>>
        tpu.wait_dma2 semaphore(%run_scoped3A : memref<!tpu.dma_semaphore, #tpu.memory_space<semaphore_mem>>) src(%arg11 : memref<32x128xf32, #tpu.memory_space<vmem>>) dst(%dma_wait3A_147 : memref<32x128xf32, #tpu.memory_space<vmem_shared>>)
        tpu.yield
      }) : () -> ()
      %mul3A_92 = arith.constant 640 : i32
      %mul3A_93 = arith.muli %arg1, %mul3A_92 : i32
      %add3A_94 = arith.constant 256 : i32
      %add3A_95 = arith.addi %mul3A_93, %add3A_94 : i32
      "tpu.region"() ({
        %run_scoped3A = tpu.sem_alloc : memref<!tpu.dma_semaphore, #tpu.memory_space<semaphore_mem>>
        %dma_start3A_140 = arith.constant 0 : i32
        %dma_start3A_141 = tpu.memref_slice %arg12[%add3A_95, %dma_start3A_140] : memref<10240x128xf32, #tpu.memory_space<vmem_shared>> -> memref<32x128xf32, #tpu.memory_space<vmem_shared>>
        %dma_start3A_142 = arith.constant 0 : i32
        %dma_start3A_143 = tpu.memref_slice %arg12[%add3A_95, %dma_start3A_142] : memref<10240x128xf32, #tpu.memory_space<vmem_shared>> -> memref<32x128xf32, #tpu.memory_space<vmem_shared>>
        tpu.enqueue_dma source(%arg11 : memref<32x128xf32, #tpu.memory_space<vmem>>) target(%dma_start3A_143 : memref<32x128xf32, #tpu.memory_space<vmem_shared>>) target_semaphore(%run_scoped3A : memref<!tpu.dma_semaphore, #tpu.memory_space<semaphore_mem>>)
        %dma_wait3A_144 = arith.constant 0 : i32
        %dma_wait3A_145 = tpu.memref_slice %arg12[%add3A_95, %dma_wait3A_144] : memref<10240x128xf32, #tpu.memory_space<vmem_shared>> -> memref<32x128xf32, #tpu.memory_space<vmem_shared>>
        %dma_wait3A_146 = arith.constant 0 : i32
        %dma_wait3A_147 = tpu.memref_slice %arg12[%add3A_95, %dma_wait3A_146] : memref<10240x128xf32, #tpu.memory_space<vmem_shared>> -> memref<32x128xf32, #tpu.memory_space<vmem_shared>>
        tpu.wait_dma2 semaphore(%run_scoped3A : memref<!tpu.dma_semaphore, #tpu.memory_space<semaphore_mem>>) src(%arg11 : memref<32x128xf32, #tpu.memory_space<vmem>>) dst(%dma_wait3A_147 : memref<32x128xf32, #tpu.memory_space<vmem_shared>>)
        tpu.yield
      }) : () -> ()
      %mul3A_96 = arith.constant 640 : i32
      %mul3A_97 = arith.muli %arg1, %mul3A_96 : i32
      %add3A_98 = arith.constant 288 : i32
      %add3A_99 = arith.addi %mul3A_97, %add3A_98 : i32
      "tpu.region"() ({
        %run_scoped3A = tpu.sem_alloc : memref<!tpu.dma_semaphore, #tpu.memory_space<semaphore_mem>>
        %dma_start3A_140 = arith.constant 0 : i32
        %dma_start3A_141 = tpu.memref_slice %arg12[%add3A_99, %dma_start3A_140] : memref<10240x128xf32, #tpu.memory_space<vmem_shared>> -> memref<32x128xf32, #tpu.memory_space<vmem_shared>>
        %dma_start3A_142 = arith.constant 0 : i32
        %dma_start3A_143 = tpu.memref_slice %arg12[%add3A_99, %dma_start3A_142] : memref<10240x128xf32, #tpu.memory_space<vmem_shared>> -> memref<32x128xf32, #tpu.memory_space<vmem_shared>>
        tpu.enqueue_dma source(%arg11 : memref<32x128xf32, #tpu.memory_space<vmem>>) target(%dma_start3A_143 : memref<32x128xf32, #tpu.memory_space<vmem_shared>>) target_semaphore(%run_scoped3A : memref<!tpu.dma_semaphore, #tpu.memory_space<semaphore_mem>>)
        %dma_wait3A_144 = arith.constant 0 : i32
        %dma_wait3A_145 = tpu.memref_slice %arg12[%add3A_99, %dma_wait3A_144] : memref<10240x128xf32, #tpu.memory_space<vmem_shared>> -> memref<32x128xf32, #tpu.memory_space<vmem_shared>>
        %dma_wait3A_146 = arith.constant 0 : i32
        %dma_wait3A_147 = tpu.memref_slice %arg12[%add3A_99, %dma_wait3A_146] : memref<10240x128xf32, #tpu.memory_space<vmem_shared>> -> memref<32x128xf32, #tpu.memory_space<vmem_shared>>
        tpu.wait_dma2 semaphore(%run_scoped3A : memref<!tpu.dma_semaphore, #tpu.memory_space<semaphore_mem>>) src(%arg11 : memref<32x128xf32, #tpu.memory_space<vmem>>) dst(%dma_wait3A_147 : memref<32x128xf32, #tpu.memory_space<vmem_shared>>)
        tpu.yield
      }) : () -> ()
      %mul3A_100 = arith.constant 640 : i32
      %mul3A_101 = arith.muli %arg1, %mul3A_100 : i32
      %add3A_102 = arith.constant 320 : i32
      %add3A_103 = arith.addi %mul3A_101, %add3A_102 : i32
      "tpu.region"() ({
        %run_scoped3A = tpu.sem_alloc : memref<!tpu.dma_semaphore, #tpu.memory_space<semaphore_mem>>
        %dma_start3A_140 = arith.constant 0 : i32
        %dma_start3A_141 = tpu.memref_slice %arg12[%add3A_103, %dma_start3A_140] : memref<10240x128xf32, #tpu.memory_space<vmem_shared>> -> memref<32x128xf32, #tpu.memory_space<vmem_shared>>
        %dma_start3A_142 = arith.constant 0 : i32
        %dma_start3A_143 = tpu.memref_slice %arg12[%add3A_103, %dma_start3A_142] : memref<10240x128xf32, #tpu.memory_space<vmem_shared>> -> memref<32x128xf32, #tpu.memory_space<vmem_shared>>
        tpu.enqueue_dma source(%arg11 : memref<32x128xf32, #tpu.memory_space<vmem>>) target(%dma_start3A_143 : memref<32x128xf32, #tpu.memory_space<vmem_shared>>) target_semaphore(%run_scoped3A : memref<!tpu.dma_semaphore, #tpu.memory_space<semaphore_mem>>)
        %dma_wait3A_144 = arith.constant 0 : i32
        %dma_wait3A_145 = tpu.memref_slice %arg12[%add3A_103, %dma_wait3A_144] : memref<10240x128xf32, #tpu.memory_space<vmem_shared>> -> memref<32x128xf32, #tpu.memory_space<vmem_shared>>
        %dma_wait3A_146 = arith.constant 0 : i32
        %dma_wait3A_147 = tpu.memref_slice %arg12[%add3A_103, %dma_wait3A_146] : memref<10240x128xf32, #tpu.memory_space<vmem_shared>> -> memref<32x128xf32, #tpu.memory_space<vmem_shared>>
        tpu.wait_dma2 semaphore(%run_scoped3A : memref<!tpu.dma_semaphore, #tpu.memory_space<semaphore_mem>>) src(%arg11 : memref<32x128xf32, #tpu.memory_space<vmem>>) dst(%dma_wait3A_147 : memref<32x128xf32, #tpu.memory_space<vmem_shared>>)
        tpu.yield
      }) : () -> ()
      %mul3A_104 = arith.constant 640 : i32
      %mul3A_105 = arith.muli %arg1, %mul3A_104 : i32
      %add3A_106 = arith.constant 352 : i32
      %add3A_107 = arith.addi %mul3A_105, %add3A_106 : i32
      "tpu.region"() ({
        %run_scoped3A = tpu.sem_alloc : memref<!tpu.dma_semaphore, #tpu.memory_space<semaphore_mem>>
        %dma_start3A_140 = arith.constant 0 : i32
        %dma_start3A_141 = tpu.memref_slice %arg12[%add3A_107, %dma_start3A_140] : memref<10240x128xf32, #tpu.memory_space<vmem_shared>> -> memref<32x128xf32, #tpu.memory_space<vmem_shared>>
        %dma_start3A_142 = arith.constant 0 : i32
        %dma_start3A_143 = tpu.memref_slice %arg12[%add3A_107, %dma_start3A_142] : memref<10240x128xf32, #tpu.memory_space<vmem_shared>> -> memref<32x128xf32, #tpu.memory_space<vmem_shared>>
        tpu.enqueue_dma source(%arg11 : memref<32x128xf32, #tpu.memory_space<vmem>>) target(%dma_start3A_143 : memref<32x128xf32, #tpu.memory_space<vmem_shared>>) target_semaphore(%run_scoped3A : memref<!tpu.dma_semaphore, #tpu.memory_space<semaphore_mem>>)
        %dma_wait3A_144 = arith.constant 0 : i32
        %dma_wait3A_145 = tpu.memref_slice %arg12[%add3A_107, %dma_wait3A_144] : memref<10240x128xf32, #tpu.memory_space<vmem_shared>> -> memref<32x128xf32, #tpu.memory_space<vmem_shared>>
        %dma_wait3A_146 = arith.constant 0 : i32
        %dma_wait3A_147 = tpu.memref_slice %arg12[%add3A_107, %dma_wait3A_146] : memref<10240x128xf32, #tpu.memory_space<vmem_shared>> -> memref<32x128xf32, #tpu.memory_space<vmem_shared>>
        tpu.wait_dma2 semaphore(%run_scoped3A : memref<!tpu.dma_semaphore, #tpu.memory_space<semaphore_mem>>) src(%arg11 : memref<32x128xf32, #tpu.memory_space<vmem>>) dst(%dma_wait3A_147 : memref<32x128xf32, #tpu.memory_space<vmem_shared>>)
        tpu.yield
      }) : () -> ()
      %mul3A_108 = arith.constant 640 : i32
      %mul3A_109 = arith.muli %arg1, %mul3A_108 : i32
      %add3A_110 = arith.constant 384 : i32
      %add3A_111 = arith.addi %mul3A_109, %add3A_110 : i32
      "tpu.region"() ({
        %run_scoped3A = tpu.sem_alloc : memref<!tpu.dma_semaphore, #tpu.memory_space<semaphore_mem>>
        %dma_start3A_140 = arith.constant 0 : i32
        %dma_start3A_141 = tpu.memref_slice %arg12[%add3A_111, %dma_start3A_140] : memref<10240x128xf32, #tpu.memory_space<vmem_shared>> -> memref<32x128xf32, #tpu.memory_space<vmem_shared>>
        %dma_start3A_142 = arith.constant 0 : i32
        %dma_start3A_143 = tpu.memref_slice %arg12[%add3A_111, %dma_start3A_142] : memref<10240x128xf32, #tpu.memory_space<vmem_shared>> -> memref<32x128xf32, #tpu.memory_space<vmem_shared>>
        tpu.enqueue_dma source(%arg11 : memref<32x128xf32, #tpu.memory_space<vmem>>) target(%dma_start3A_143 : memref<32x128xf32, #tpu.memory_space<vmem_shared>>) target_semaphore(%run_scoped3A : memref<!tpu.dma_semaphore, #tpu.memory_space<semaphore_mem>>)
        %dma_wait3A_144 = arith.constant 0 : i32
        %dma_wait3A_145 = tpu.memref_slice %arg12[%add3A_111, %dma_wait3A_144] : memref<10240x128xf32, #tpu.memory_space<vmem_shared>> -> memref<32x128xf32, #tpu.memory_space<vmem_shared>>
        %dma_wait3A_146 = arith.constant 0 : i32
        %dma_wait3A_147 = tpu.memref_slice %arg12[%add3A_111, %dma_wait3A_146] : memref<10240x128xf32, #tpu.memory_space<vmem_shared>> -> memref<32x128xf32, #tpu.memory_space<vmem_shared>>
        tpu.wait_dma2 semaphore(%run_scoped3A : memref<!tpu.dma_semaphore, #tpu.memory_space<semaphore_mem>>) src(%arg11 : memref<32x128xf32, #tpu.memory_space<vmem>>) dst(%dma_wait3A_147 : memref<32x128xf32, #tpu.memory_space<vmem_shared>>)
        tpu.yield
      }) : () -> ()
      %mul3A_112 = arith.constant 640 : i32
      %mul3A_113 = arith.muli %arg1, %mul3A_112 : i32
      %add3A_114 = arith.constant 416 : i32
      %add3A_115 = arith.addi %mul3A_113, %add3A_114 : i32
      "tpu.region"() ({
        %run_scoped3A = tpu.sem_alloc : memref<!tpu.dma_semaphore, #tpu.memory_space<semaphore_mem>>
        %dma_start3A_140 = arith.constant 0 : i32
        %dma_start3A_141 = tpu.memref_slice %arg12[%add3A_115, %dma_start3A_140] : memref<10240x128xf32, #tpu.memory_space<vmem_shared>> -> memref<32x128xf32, #tpu.memory_space<vmem_shared>>
        %dma_start3A_142 = arith.constant 0 : i32
        %dma_start3A_143 = tpu.memref_slice %arg12[%add3A_115, %dma_start3A_142] : memref<10240x128xf32, #tpu.memory_space<vmem_shared>> -> memref<32x128xf32, #tpu.memory_space<vmem_shared>>
        tpu.enqueue_dma source(%arg11 : memref<32x128xf32, #tpu.memory_space<vmem>>) target(%dma_start3A_143 : memref<32x128xf32, #tpu.memory_space<vmem_shared>>) target_semaphore(%run_scoped3A : memref<!tpu.dma_semaphore, #tpu.memory_space<semaphore_mem>>)
        %dma_wait3A_144 = arith.constant 0 : i32
        %dma_wait3A_145 = tpu.memref_slice %arg12[%add3A_115, %dma_wait3A_144] : memref<10240x128xf32, #tpu.memory_space<vmem_shared>> -> memref<32x128xf32, #tpu.memory_space<vmem_shared>>
        %dma_wait3A_146 = arith.constant 0 : i32
        %dma_wait3A_147 = tpu.memref_slice %arg12[%add3A_115, %dma_wait3A_146] : memref<10240x128xf32, #tpu.memory_space<vmem_shared>> -> memref<32x128xf32, #tpu.memory_space<vmem_shared>>
        tpu.wait_dma2 semaphore(%run_scoped3A : memref<!tpu.dma_semaphore, #tpu.memory_space<semaphore_mem>>) src(%arg11 : memref<32x128xf32, #tpu.memory_space<vmem>>) dst(%dma_wait3A_147 : memref<32x128xf32, #tpu.memory_space<vmem_shared>>)
        tpu.yield
      }) : () -> ()
      %mul3A_116 = arith.constant 640 : i32
      %mul3A_117 = arith.muli %arg1, %mul3A_116 : i32
      %add3A_118 = arith.constant 448 : i32
      %add3A_119 = arith.addi %mul3A_117, %add3A_118 : i32
      "tpu.region"() ({
        %run_scoped3A = tpu.sem_alloc : memref<!tpu.dma_semaphore, #tpu.memory_space<semaphore_mem>>
        %dma_start3A_140 = arith.constant 0 : i32
        %dma_start3A_141 = tpu.memref_slice %arg12[%add3A_119, %dma_start3A_140] : memref<10240x128xf32, #tpu.memory_space<vmem_shared>> -> memref<32x128xf32, #tpu.memory_space<vmem_shared>>
        %dma_start3A_142 = arith.constant 0 : i32
        %dma_start3A_143 = tpu.memref_slice %arg12[%add3A_119, %dma_start3A_142] : memref<10240x128xf32, #tpu.memory_space<vmem_shared>> -> memref<32x128xf32, #tpu.memory_space<vmem_shared>>
        tpu.enqueue_dma source(%arg11 : memref<32x128xf32, #tpu.memory_space<vmem>>) target(%dma_start3A_143 : memref<32x128xf32, #tpu.memory_space<vmem_shared>>) target_semaphore(%run_scoped3A : memref<!tpu.dma_semaphore, #tpu.memory_space<semaphore_mem>>)
        %dma_wait3A_144 = arith.constant 0 : i32
        %dma_wait3A_145 = tpu.memref_slice %arg12[%add3A_119, %dma_wait3A_144] : memref<10240x128xf32, #tpu.memory_space<vmem_shared>> -> memref<32x128xf32, #tpu.memory_space<vmem_shared>>
        %dma_wait3A_146 = arith.constant 0 : i32
        %dma_wait3A_147 = tpu.memref_slice %arg12[%add3A_119, %dma_wait3A_146] : memref<10240x128xf32, #tpu.memory_space<vmem_shared>> -> memref<32x128xf32, #tpu.memory_space<vmem_shared>>
        tpu.wait_dma2 semaphore(%run_scoped3A : memref<!tpu.dma_semaphore, #tpu.memory_space<semaphore_mem>>) src(%arg11 : memref<32x128xf32, #tpu.memory_space<vmem>>) dst(%dma_wait3A_147 : memref<32x128xf32, #tpu.memory_space<vmem_shared>>)
        tpu.yield
      }) : () -> ()
      %mul3A_120 = arith.constant 640 : i32
      %mul3A_121 = arith.muli %arg1, %mul3A_120 : i32
      %add3A_122 = arith.constant 480 : i32
      %add3A_123 = arith.addi %mul3A_121, %add3A_122 : i32
      "tpu.region"() ({
        %run_scoped3A = tpu.sem_alloc : memref<!tpu.dma_semaphore, #tpu.memory_space<semaphore_mem>>
        %dma_start3A_140 = arith.constant 0 : i32
        %dma_start3A_141 = tpu.memref_slice %arg12[%add3A_123, %dma_start3A_140] : memref<10240x128xf32, #tpu.memory_space<vmem_shared>> -> memref<32x128xf32, #tpu.memory_space<vmem_shared>>
        %dma_start3A_142 = arith.constant 0 : i32
        %dma_start3A_143 = tpu.memref_slice %arg12[%add3A_123, %dma_start3A_142] : memref<10240x128xf32, #tpu.memory_space<vmem_shared>> -> memref<32x128xf32, #tpu.memory_space<vmem_shared>>
        tpu.enqueue_dma source(%arg11 : memref<32x128xf32, #tpu.memory_space<vmem>>) target(%dma_start3A_143 : memref<32x128xf32, #tpu.memory_space<vmem_shared>>) target_semaphore(%run_scoped3A : memref<!tpu.dma_semaphore, #tpu.memory_space<semaphore_mem>>)
        %dma_wait3A_144 = arith.constant 0 : i32
        %dma_wait3A_145 = tpu.memref_slice %arg12[%add3A_123, %dma_wait3A_144] : memref<10240x128xf32, #tpu.memory_space<vmem_shared>> -> memref<32x128xf32, #tpu.memory_space<vmem_shared>>
        %dma_wait3A_146 = arith.constant 0 : i32
        %dma_wait3A_147 = tpu.memref_slice %arg12[%add3A_123, %dma_wait3A_146] : memref<10240x128xf32, #tpu.memory_space<vmem_shared>> -> memref<32x128xf32, #tpu.memory_space<vmem_shared>>
        tpu.wait_dma2 semaphore(%run_scoped3A : memref<!tpu.dma_semaphore, #tpu.memory_space<semaphore_mem>>) src(%arg11 : memref<32x128xf32, #tpu.memory_space<vmem>>) dst(%dma_wait3A_147 : memref<32x128xf32, #tpu.memory_space<vmem_shared>>)
        tpu.yield
      }) : () -> ()
      %mul3A_124 = arith.constant 640 : i32
      %mul3A_125 = arith.muli %arg1, %mul3A_124 : i32
      %add3A_126 = arith.constant 512 : i32
      %add3A_127 = arith.addi %mul3A_125, %add3A_126 : i32
      "tpu.region"() ({
        %run_scoped3A = tpu.sem_alloc : memref<!tpu.dma_semaphore, #tpu.memory_space<semaphore_mem>>
        %dma_start3A_140 = arith.constant 0 : i32
        %dma_start3A_141 = tpu.memref_slice %arg12[%add3A_127, %dma_start3A_140] : memref<10240x128xf32, #tpu.memory_space<vmem_shared>> -> memref<32x128xf32, #tpu.memory_space<vmem_shared>>
        %dma_start3A_142 = arith.constant 0 : i32
        %dma_start3A_143 = tpu.memref_slice %arg12[%add3A_127, %dma_start3A_142] : memref<10240x128xf32, #tpu.memory_space<vmem_shared>> -> memref<32x128xf32, #tpu.memory_space<vmem_shared>>
        tpu.enqueue_dma source(%arg11 : memref<32x128xf32, #tpu.memory_space<vmem>>) target(%dma_start3A_143 : memref<32x128xf32, #tpu.memory_space<vmem_shared>>) target_semaphore(%run_scoped3A : memref<!tpu.dma_semaphore, #tpu.memory_space<semaphore_mem>>)
        %dma_wait3A_144 = arith.constant 0 : i32
        %dma_wait3A_145 = tpu.memref_slice %arg12[%add3A_127, %dma_wait3A_144] : memref<10240x128xf32, #tpu.memory_space<vmem_shared>> -> memref<32x128xf32, #tpu.memory_space<vmem_shared>>
        %dma_wait3A_146 = arith.constant 0 : i32
        %dma_wait3A_147 = tpu.memref_slice %arg12[%add3A_127, %dma_wait3A_146] : memref<10240x128xf32, #tpu.memory_space<vmem_shared>> -> memref<32x128xf32, #tpu.memory_space<vmem_shared>>
        tpu.wait_dma2 semaphore(%run_scoped3A : memref<!tpu.dma_semaphore, #tpu.memory_space<semaphore_mem>>) src(%arg11 : memref<32x128xf32, #tpu.memory_space<vmem>>) dst(%dma_wait3A_147 : memref<32x128xf32, #tpu.memory_space<vmem_shared>>)
        tpu.yield
      }) : () -> ()
      %mul3A_128 = arith.constant 640 : i32
      %mul3A_129 = arith.muli %arg1, %mul3A_128 : i32
      %add3A_130 = arith.constant 544 : i32
      %add3A_131 = arith.addi %mul3A_129, %add3A_130 : i32
      "tpu.region"() ({
        %run_scoped3A = tpu.sem_alloc : memref<!tpu.dma_semaphore, #tpu.memory_space<semaphore_mem>>
        %dma_start3A_140 = arith.constant 0 : i32
        %dma_start3A_141 = tpu.memref_slice %arg12[%add3A_131, %dma_start3A_140] : memref<10240x128xf32, #tpu.memory_space<vmem_shared>> -> memref<32x128xf32, #tpu.memory_space<vmem_shared>>
        %dma_start3A_142 = arith.constant 0 : i32
        %dma_start3A_143 = tpu.memref_slice %arg12[%add3A_131, %dma_start3A_142] : memref<10240x128xf32, #tpu.memory_space<vmem_shared>> -> memref<32x128xf32, #tpu.memory_space<vmem_shared>>
        tpu.enqueue_dma source(%arg11 : memref<32x128xf32, #tpu.memory_space<vmem>>) target(%dma_start3A_143 : memref<32x128xf32, #tpu.memory_space<vmem_shared>>) target_semaphore(%run_scoped3A : memref<!tpu.dma_semaphore, #tpu.memory_space<semaphore_mem>>)
        %dma_wait3A_144 = arith.constant 0 : i32
        %dma_wait3A_145 = tpu.memref_slice %arg12[%add3A_131, %dma_wait3A_144] : memref<10240x128xf32, #tpu.memory_space<vmem_shared>> -> memref<32x128xf32, #tpu.memory_space<vmem_shared>>
        %dma_wait3A_146 = arith.constant 0 : i32
        %dma_wait3A_147 = tpu.memref_slice %arg12[%add3A_131, %dma_wait3A_146] : memref<10240x128xf32, #tpu.memory_space<vmem_shared>> -> memref<32x128xf32, #tpu.memory_space<vmem_shared>>
        tpu.wait_dma2 semaphore(%run_scoped3A : memref<!tpu.dma_semaphore, #tpu.memory_space<semaphore_mem>>) src(%arg11 : memref<32x128xf32, #tpu.memory_space<vmem>>) dst(%dma_wait3A_147 : memref<32x128xf32, #tpu.memory_space<vmem_shared>>)
        tpu.yield
      }) : () -> ()
      %mul3A_132 = arith.constant 640 : i32
      %mul3A_133 = arith.muli %arg1, %mul3A_132 : i32
      %add3A_134 = arith.constant 576 : i32
      %add3A_135 = arith.addi %mul3A_133, %add3A_134 : i32
      "tpu.region"() ({
        %run_scoped3A = tpu.sem_alloc : memref<!tpu.dma_semaphore, #tpu.memory_space<semaphore_mem>>
        %dma_start3A_140 = arith.constant 0 : i32
        %dma_start3A_141 = tpu.memref_slice %arg12[%add3A_135, %dma_start3A_140] : memref<10240x128xf32, #tpu.memory_space<vmem_shared>> -> memref<32x128xf32, #tpu.memory_space<vmem_shared>>
        %dma_start3A_142 = arith.constant 0 : i32
        %dma_start3A_143 = tpu.memref_slice %arg12[%add3A_135, %dma_start3A_142] : memref<10240x128xf32, #tpu.memory_space<vmem_shared>> -> memref<32x128xf32, #tpu.memory_space<vmem_shared>>
        tpu.enqueue_dma source(%arg11 : memref<32x128xf32, #tpu.memory_space<vmem>>) target(%dma_start3A_143 : memref<32x128xf32, #tpu.memory_space<vmem_shared>>) target_semaphore(%run_scoped3A : memref<!tpu.dma_semaphore, #tpu.memory_space<semaphore_mem>>)
        %dma_wait3A_144 = arith.constant 0 : i32
        %dma_wait3A_145 = tpu.memref_slice %arg12[%add3A_135, %dma_wait3A_144] : memref<10240x128xf32, #tpu.memory_space<vmem_shared>> -> memref<32x128xf32, #tpu.memory_space<vmem_shared>>
        %dma_wait3A_146 = arith.constant 0 : i32
        %dma_wait3A_147 = tpu.memref_slice %arg12[%add3A_135, %dma_wait3A_146] : memref<10240x128xf32, #tpu.memory_space<vmem_shared>> -> memref<32x128xf32, #tpu.memory_space<vmem_shared>>
        tpu.wait_dma2 semaphore(%run_scoped3A : memref<!tpu.dma_semaphore, #tpu.memory_space<semaphore_mem>>) src(%arg11 : memref<32x128xf32, #tpu.memory_space<vmem>>) dst(%dma_wait3A_147 : memref<32x128xf32, #tpu.memory_space<vmem_shared>>)
        tpu.yield
      }) : () -> ()
      %mul3A_136 = arith.constant 640 : i32
      %mul3A_137 = arith.muli %arg1, %mul3A_136 : i32
      %add3A_138 = arith.constant 608 : i32
      %add3A_139 = arith.addi %mul3A_137, %add3A_138 : i32
      "tpu.region"() ({
        %run_scoped3A = tpu.sem_alloc : memref<!tpu.dma_semaphore, #tpu.memory_space<semaphore_mem>>
        %dma_start3A_140 = arith.constant 0 : i32
        %dma_start3A_141 = tpu.memref_slice %arg12[%add3A_139, %dma_start3A_140] : memref<10240x128xf32, #tpu.memory_space<vmem_shared>> -> memref<32x128xf32, #tpu.memory_space<vmem_shared>>
        %dma_start3A_142 = arith.constant 0 : i32
        %dma_start3A_143 = tpu.memref_slice %arg12[%add3A_139, %dma_start3A_142] : memref<10240x128xf32, #tpu.memory_space<vmem_shared>> -> memref<32x128xf32, #tpu.memory_space<vmem_shared>>
        tpu.enqueue_dma source(%arg11 : memref<32x128xf32, #tpu.memory_space<vmem>>) target(%dma_start3A_143 : memref<32x128xf32, #tpu.memory_space<vmem_shared>>) target_semaphore(%run_scoped3A : memref<!tpu.dma_semaphore, #tpu.memory_space<semaphore_mem>>)
        %dma_wait3A_144 = arith.constant 0 : i32
        %dma_wait3A_145 = tpu.memref_slice %arg12[%add3A_139, %dma_wait3A_144] : memref<10240x128xf32, #tpu.memory_space<vmem_shared>> -> memref<32x128xf32, #tpu.memory_space<vmem_shared>>
        %dma_wait3A_146 = arith.constant 0 : i32
        %dma_wait3A_147 = tpu.memref_slice %arg12[%add3A_139, %dma_wait3A_146] : memref<10240x128xf32, #tpu.memory_space<vmem_shared>> -> memref<32x128xf32, #tpu.memory_space<vmem_shared>>
        tpu.wait_dma2 semaphore(%run_scoped3A : memref<!tpu.dma_semaphore, #tpu.memory_space<semaphore_mem>>) src(%arg11 : memref<32x128xf32, #tpu.memory_space<vmem>>) dst(%dma_wait3A_147 : memref<32x128xf32, #tpu.memory_space<vmem_shared>>)
        tpu.yield
      }) : () -> ()
    } else {
    }
    %dma_wait3A = arith.constant 0 : i32
    %dma_wait3A_17 = arith.constant 0 : i32
    %dma_wait3A_18 = tpu.memref_slice %arg4[%add3A, %dma_wait3A, %dma_wait3A_17] : memref<32x80x128xi32, #tpu.memory_space<hbm>> -> memref<1x80x128xi32, #tpu.memory_space<hbm>>
    %dma_wait3A_19 = tpu.memref_squeeze %dma_wait3A_18 : memref<1x80x128xi32, #tpu.memory_space<hbm>> -> memref<80x128xi32, #tpu.memory_space<hbm>>
    %dma_wait3A_20 = arith.constant 0 : i32
    %dma_wait3A_21 = arith.constant 0 : i32
    %dma_wait3A_22 = tpu.memref_slice %arg4[%add3A, %dma_wait3A_20, %dma_wait3A_21] : memref<32x80x128xi32, #tpu.memory_space<hbm>> -> memref<1x80x128xi32, #tpu.memory_space<hbm>>
    %dma_wait3A_23 = tpu.memref_squeeze %dma_wait3A_22 : memref<1x80x128xi32, #tpu.memory_space<hbm>> -> memref<80x128xi32, #tpu.memory_space<hbm>>
    tpu.wait_dma2 semaphore(%arg16 : memref<!tpu.dma_semaphore, #tpu.memory_space<semaphore_mem>>) src(%dma_wait3A_23 : memref<80x128xi32, #tpu.memory_space<hbm>>) dst(%arg8 : memref<80x128xi32, #tpu.memory_space<vmem>>)
    %barrier3A = arith.constant 0 : index
    tpu.barrier barrier_id(%barrier3A)
    %add3A_24 = arith.constant 0 : i32
    %add3A_25 = arith.addi %mul3A_2, %add3A_24 : i32
    %dma_start3A_26 = tpu.memref_slice %arg3[%add3A_25] : memref<327680xi32, #tpu.memory_space<hbm>> -> memref<128xi32, #tpu.memory_space<hbm>>
    %dma_start3A_27 = tpu.memref_slice %arg3[%add3A_25] : memref<327680xi32, #tpu.memory_space<hbm>> -> memref<128xi32, #tpu.memory_space<hbm>>
    tpu.enqueue_dma source(%dma_start3A_27 : memref<128xi32, #tpu.memory_space<hbm>>) target(%arg6 : memref<128xi32, #tpu.memory_space<vmem>>) target_semaphore(%arg13 : memref<!tpu.dma_semaphore, #tpu.memory_space<semaphore_mem>>)
    %dma_wait3A_28 = arith.constant 0 : i32
    %dma_wait3A_29 = tpu.memref_slice %arg3[%dma_wait3A_28] : memref<327680xi32, #tpu.memory_space<hbm>> -> memref<128xi32, #tpu.memory_space<hbm>>
    %dma_wait3A_30 = arith.constant 0 : i32
    %dma_wait3A_31 = tpu.memref_slice %arg3[%dma_wait3A_30] : memref<327680xi32, #tpu.memory_space<hbm>> -> memref<128xi32, #tpu.memory_space<hbm>>
    tpu.wait_dma2 semaphore(%arg13 : memref<!tpu.dma_semaphore, #tpu.memory_space<semaphore_mem>>) src(%dma_wait3A_31 : memref<128xi32, #tpu.memory_space<hbm>>) dst(%arg6 : memref<128xi32, #tpu.memory_space<vmem>>)
    %dma_start3A_32 = arith.constant 0 : i32
    %dma_start3A_33 = arith.constant 0 : i32
    %dma_start3A_34 = tpu.memref_slice %arg2[%dma_start3A_32, %dma_start3A_33] : memref<10000x128xf32, #tpu.memory_space<hbm>> -> memref<10000x128xf32, #tpu.memory_space<hbm>>
    tpu.enqueue_indirect_dma source(%dma_start3A_34 : memref<10000x128xf32, #tpu.memory_space<hbm>>) target(%arg9 : memref<128x128xf32, #tpu.memory_space<vmem>>) offsets(%arg6 : memref<128xi32, #tpu.memory_space<vmem>>) semaphore(%arg15 : memref<!tpu.dma_semaphore, #tpu.memory_space<semaphore_mem>>)
    %add3A_35 = arith.constant 128 : i32
    %add3A_36 = arith.addi %mul3A_2, %add3A_35 : i32
    %dma_start3A_37 = tpu.memref_slice %arg3[%add3A_36] : memref<327680xi32, #tpu.memory_space<hbm>> -> memref<128xi32, #tpu.memory_space<hbm>>
    %dma_start3A_38 = tpu.memref_slice %arg3[%add3A_36] : memref<327680xi32, #tpu.memory_space<hbm>> -> memref<128xi32, #tpu.memory_space<hbm>>
    tpu.enqueue_dma source(%dma_start3A_38 : memref<128xi32, #tpu.memory_space<hbm>>) target(%arg7 : memref<128xi32, #tpu.memory_space<vmem>>) target_semaphore(%arg14 : memref<!tpu.dma_semaphore, #tpu.memory_space<semaphore_mem>>)
    %scan3A = arith.constant 0 : i32
    %scan3A_39 = arith.constant 0 : i32
    %scan3A_40 = arith.constant 40 : i32
    %scan3A_41 = arith.addi %scan3A_39, %scan3A_40 : i32
    %scan3A_42 = arith.constant 1 : i32
    %scan3A_43 = scf.for %scan3A_53 = %scan3A_39 to %scan3A_41 step %scan3A_42 iter_args(%scan3A_54 = %scan3A) -> (i32)  : i32 {
      %mul3A_55 = arith.constant 2 : i32
      %mul3A_56 = arith.muli %mul3A_55, %scan3A_53 : i32
      %dma_wait3A_57 = arith.constant 0 : i32
      %dma_wait3A_58 = tpu.memref_slice %arg3[%dma_wait3A_57] : memref<327680xi32, #tpu.memory_space<hbm>> -> memref<128xi32, #tpu.memory_space<hbm>>
      %dma_wait3A_59 = arith.constant 0 : i32
      %dma_wait3A_60 = tpu.memref_slice %arg3[%dma_wait3A_59] : memref<327680xi32, #tpu.memory_space<hbm>> -> memref<128xi32, #tpu.memory_space<hbm>>
      tpu.wait_dma2 semaphore(%arg14 : memref<!tpu.dma_semaphore, #tpu.memory_space<semaphore_mem>>) src(%dma_wait3A_60 : memref<128xi32, #tpu.memory_space<hbm>>) dst(%arg7 : memref<128xi32, #tpu.memory_space<vmem>>)
      %dma_start3A_61 = arith.constant 0 : i32
      %dma_start3A_62 = arith.constant 0 : i32
      %dma_start3A_63 = tpu.memref_slice %arg2[%dma_start3A_61, %dma_start3A_62] : memref<10000x128xf32, #tpu.memory_space<hbm>> -> memref<10000x128xf32, #tpu.memory_space<hbm>>
      tpu.enqueue_indirect_dma source(%dma_start3A_63 : memref<10000x128xf32, #tpu.memory_space<hbm>>) target(%arg10 : memref<128x128xf32, #tpu.memory_space<vmem>>) offsets(%arg7 : memref<128xi32, #tpu.memory_space<vmem>>) semaphore(%arg16 : memref<!tpu.dma_semaphore, #tpu.memory_space<semaphore_mem>>)
      %dma_wait3A_64 = arith.constant 0 : i32
      %dma_wait3A_65 = arith.constant 0 : i32
      %dma_wait3A_66 = tpu.memref_slice %arg2[%dma_wait3A_64, %dma_wait3A_65] : memref<10000x128xf32, #tpu.memory_space<hbm>> -> memref<10000x128xf32, #tpu.memory_space<hbm>>
      tpu.wait_indirect_dma semaphore(%arg15 : memref<!tpu.dma_semaphore, #tpu.memory_space<semaphore_mem>>) src(%dma_wait3A_66 : memref<10000x128xf32, #tpu.memory_space<hbm>>) dst(%arg9 : memref<128x128xf32, #tpu.memory_space<vmem>>)
      %add3A_67 = arith.constant 2 : i32
      %add3A_68 = arith.addi %mul3A_56, %add3A_67 : i32
      %lt3A = arith.constant 80 : i32
      %lt3A_69 = arith.cmpi slt, %add3A_68, %lt3A : i32
      %convert_element_type3A_70 = arith.extui %lt3A_69 : i1 to i32
      %cond3A_71 = arith.constant 0 : i32
      %cond3A_72 = arith.cmpi ne, %convert_element_type3A_70, %cond3A_71 : i32
      scf.if %cond3A_72 {
        %add3A_93 = arith.constant 2 : i32
        %add3A_94 = arith.addi %mul3A_56, %add3A_93 : i32
        %mul3A_95 = arith.constant 128 : i32
        %mul3A_96 = arith.muli %add3A_94, %mul3A_95 : i32
        %add3A_97 = arith.addi %mul3A_2, %mul3A_96 : i32
        %dma_start3A_98 = tpu.memref_slice %arg3[%add3A_97] : memref<327680xi32, #tpu.memory_space<hbm>> -> memref<128xi32, #tpu.memory_space<hbm>>
        %dma_start3A_99 = tpu.memref_slice %arg3[%add3A_97] : memref<327680xi32, #tpu.memory_space<hbm>> -> memref<128xi32, #tpu.memory_space<hbm>>
        tpu.enqueue_dma source(%dma_start3A_99 : memref<128xi32, #tpu.memory_space<hbm>>) target(%arg6 : memref<128xi32, #tpu.memory_space<vmem>>) target_semaphore(%arg13 : memref<!tpu.dma_semaphore, #tpu.memory_space<semaphore_mem>>)
      } else {
      }
      "tpu.region"() ({
        %run_scoped3A = tpu.sem_alloc : memref<!tpu.dma_semaphore, #tpu.memory_space<semaphore_mem>>
        %dma_start3A_93 = arith.constant 0 : i32
        %dma_start3A_94 = tpu.memref_slice %arg8[%mul3A_56, %dma_start3A_93] : memref<80x128xi32, #tpu.memory_space<vmem>> -> memref<1x128xi32, #tpu.memory_space<vmem>>
        %dma_start3A_95 = tpu.memref_squeeze %dma_start3A_94 : memref<1x128xi32, #tpu.memory_space<vmem>> -> memref<128xi32, #tpu.memory_space<vmem>>
        %dma_start3A_96 = arith.constant 0 : i32
        %dma_start3A_97 = arith.constant 0 : i32
        %dma_start3A_98 = tpu.memref_slice %arg12[%dma_start3A_96, %dma_start3A_97] : memref<10240x128xf32, #tpu.memory_space<vmem_shared>> -> memref<10240x128xf32, #tpu.memory_space<vmem_shared>>
        tpu.enqueue_indirect_dma source(%arg9 : memref<128x128xf32, #tpu.memory_space<vmem>>) target(%dma_start3A_98 : memref<10240x128xf32, #tpu.memory_space<vmem_shared>>) offsets(%dma_start3A_95 : memref<128xi32, #tpu.memory_space<vmem>>) semaphore(%run_scoped3A : memref<!tpu.dma_semaphore, #tpu.memory_space<semaphore_mem>>) {add = true}
        %dma_wait3A_99 = arith.constant 0 : i32
        %dma_wait3A_100 = tpu.memref_slice %arg8[%mul3A_56, %dma_wait3A_99] : memref<80x128xi32, #tpu.memory_space<vmem>> -> memref<1x128xi32, #tpu.memory_space<vmem>>
        %dma_wait3A_101 = tpu.memref_squeeze %dma_wait3A_100 : memref<1x128xi32, #tpu.memory_space<vmem>> -> memref<128xi32, #tpu.memory_space<vmem>>
        %dma_wait3A_102 = arith.constant 0 : i32
        %dma_wait3A_103 = arith.constant 0 : i32
        %dma_wait3A_104 = tpu.memref_slice %arg12[%dma_wait3A_102, %dma_wait3A_103] : memref<10240x128xf32, #tpu.memory_space<vmem_shared>> -> memref<10240x128xf32, #tpu.memory_space<vmem_shared>>
        tpu.wait_indirect_dma semaphore(%run_scoped3A : memref<!tpu.dma_semaphore, #tpu.memory_space<semaphore_mem>>) src(%arg9 : memref<128x128xf32, #tpu.memory_space<vmem>>) dst(%dma_wait3A_104 : memref<10240x128xf32, #tpu.memory_space<vmem_shared>>)
        tpu.yield
      }) : () -> ()
      %add3A_73 = arith.constant 2 : i32
      %add3A_74 = arith.addi %mul3A_56, %add3A_73 : i32
      %lt3A_75 = arith.constant 80 : i32
      %lt3A_76 = arith.cmpi slt, %add3A_74, %lt3A_75 : i32
      %convert_element_type3A_77 = arith.extui %lt3A_76 : i1 to i32
      %cond3A_78 = arith.constant 0 : i32
      %cond3A_79 = arith.cmpi ne, %convert_element_type3A_77, %cond3A_78 : i32
      scf.if %cond3A_79 {
        %dma_wait3A_93 = arith.constant 0 : i32
        %dma_wait3A_94 = tpu.memref_slice %arg3[%dma_wait3A_93] : memref<327680xi32, #tpu.memory_space<hbm>> -> memref<128xi32, #tpu.memory_space<hbm>>
        %dma_wait3A_95 = arith.constant 0 : i32
        %dma_wait3A_96 = tpu.memref_slice %arg3[%dma_wait3A_95] : memref<327680xi32, #tpu.memory_space<hbm>> -> memref<128xi32, #tpu.memory_space<hbm>>
        tpu.wait_dma2 semaphore(%arg13 : memref<!tpu.dma_semaphore, #tpu.memory_space<semaphore_mem>>) src(%dma_wait3A_96 : memref<128xi32, #tpu.memory_space<hbm>>) dst(%arg6 : memref<128xi32, #tpu.memory_space<vmem>>)
        %dma_start3A_97 = arith.constant 0 : i32
        %dma_start3A_98 = arith.constant 0 : i32
        %dma_start3A_99 = tpu.memref_slice %arg2[%dma_start3A_97, %dma_start3A_98] : memref<10000x128xf32, #tpu.memory_space<hbm>> -> memref<10000x128xf32, #tpu.memory_space<hbm>>
        tpu.enqueue_indirect_dma source(%dma_start3A_99 : memref<10000x128xf32, #tpu.memory_space<hbm>>) target(%arg9 : memref<128x128xf32, #tpu.memory_space<vmem>>) offsets(%arg6 : memref<128xi32, #tpu.memory_space<vmem>>) semaphore(%arg15 : memref<!tpu.dma_semaphore, #tpu.memory_space<semaphore_mem>>)
      } else {
      }
      %dma_wait3A_80 = arith.constant 0 : i32
      %dma_wait3A_81 = arith.constant 0 : i32
      %dma_wait3A_82 = tpu.memref_slice %arg2[%dma_wait3A_80, %dma_wait3A_81] : memref<10000x128xf32, #tpu.memory_space<hbm>> -> memref<10000x128xf32, #tpu.memory_space<hbm>>
      tpu.wait_indirect_dma semaphore(%arg16 : memref<!tpu.dma_semaphore, #tpu.memory_space<semaphore_mem>>) src(%dma_wait3A_82 : memref<10000x128xf32, #tpu.memory_space<hbm>>) dst(%arg10 : memref<128x128xf32, #tpu.memory_space<vmem>>)
      %add3A_83 = arith.constant 3 : i32
      %add3A_84 = arith.addi %mul3A_56, %add3A_83 : i32
      %lt3A_85 = arith.constant 80 : i32
      %lt3A_86 = arith.cmpi slt, %add3A_84, %lt3A_85 : i32
      %convert_element_type3A_87 = arith.extui %lt3A_86 : i1 to i32
      %cond3A_88 = arith.constant 0 : i32
      %cond3A_89 = arith.cmpi ne, %convert_element_type3A_87, %cond3A_88 : i32
      scf.if %cond3A_89 {
        %add3A_93 = arith.constant 3 : i32
        %add3A_94 = arith.addi %mul3A_56, %add3A_93 : i32
        %mul3A_95 = arith.constant 128 : i32
        %mul3A_96 = arith.muli %add3A_94, %mul3A_95 : i32
        %add3A_97 = arith.addi %mul3A_2, %mul3A_96 : i32
        %dma_start3A_98 = tpu.memref_slice %arg3[%add3A_97] : memref<327680xi32, #tpu.memory_space<hbm>> -> memref<128xi32, #tpu.memory_space<hbm>>
        %dma_start3A_99 = tpu.memref_slice %arg3[%add3A_97] : memref<327680xi32, #tpu.memory_space<hbm>> -> memref<128xi32, #tpu.memory_space<hbm>>
        tpu.enqueue_dma source(%dma_start3A_99 : memref<128xi32, #tpu.memory_space<hbm>>) target(%arg7 : memref<128xi32, #tpu.memory_space<vmem>>) target_semaphore(%arg14 : memref<!tpu.dma_semaphore, #tpu.memory_space<semaphore_mem>>)
      } else {
      }
      %add3A_90 = arith.constant 1 : i32
      %add3A_91 = arith.addi %mul3A_56, %add3A_90 : i32
      "tpu.region"() ({
        %run_scoped3A = tpu.sem_alloc : memref<!tpu.dma_semaphore, #tpu.memory_space<semaphore_mem>>
        %dma_start3A_93 = arith.constant 0 : i32
        %dma_start3A_94 = tpu.memref_slice %arg8[%add3A_91, %dma_start3A_93] : memref<80x128xi32, #tpu.memory_space<vmem>> -> memref<1x128xi32, #tpu.memory_space<vmem>>
        %dma_start3A_95 = tpu.memref_squeeze %dma_start3A_94 : memref<1x128xi32, #tpu.memory_space<vmem>> -> memref<128xi32, #tpu.memory_space<vmem>>
        %dma_start3A_96 = arith.constant 0 : i32
        %dma_start3A_97 = arith.constant 0 : i32
        %dma_start3A_98 = tpu.memref_slice %arg12[%dma_start3A_96, %dma_start3A_97] : memref<10240x128xf32, #tpu.memory_space<vmem_shared>> -> memref<10240x128xf32, #tpu.memory_space<vmem_shared>>
        tpu.enqueue_indirect_dma source(%arg10 : memref<128x128xf32, #tpu.memory_space<vmem>>) target(%dma_start3A_98 : memref<10240x128xf32, #tpu.memory_space<vmem_shared>>) offsets(%dma_start3A_95 : memref<128xi32, #tpu.memory_space<vmem>>) semaphore(%run_scoped3A : memref<!tpu.dma_semaphore, #tpu.memory_space<semaphore_mem>>) {add = true}
        %dma_wait3A_99 = arith.constant 0 : i32
        %dma_wait3A_100 = tpu.memref_slice %arg8[%add3A_91, %dma_wait3A_99] : memref<80x128xi32, #tpu.memory_space<vmem>> -> memref<1x128xi32, #tpu.memory_space<vmem>>
        %dma_wait3A_101 = tpu.memref_squeeze %dma_wait3A_100 : memref<1x128xi32, #tpu.memory_space<vmem>> -> memref<128xi32, #tpu.memory_space<vmem>>
        %dma_wait3A_102 = arith.constant 0 : i32
        %dma_wait3A_103 = arith.constant 0 : i32
        %dma_wait3A_104 = tpu.memref_slice %arg12[%dma_wait3A_102, %dma_wait3A_103] : memref<10240x128xf32, #tpu.memory_space<vmem_shared>> -> memref<10240x128xf32, #tpu.memory_space<vmem_shared>>
        tpu.wait_indirect_dma semaphore(%run_scoped3A : memref<!tpu.dma_semaphore, #tpu.memory_space<semaphore_mem>>) src(%arg10 : memref<128x128xf32, #tpu.memory_space<vmem>>) dst(%dma_wait3A_104 : memref<10240x128xf32, #tpu.memory_space<vmem_shared>>)
        tpu.yield
      }) : () -> ()
      %scan3A_92 = arith.constant 0 : i32
      scf.yield %scan3A_92 : i32
    }
    %scan3A_44 = arith.constant 40 : i32
    %barrier3A_45 = arith.constant 0 : index
    tpu.barrier barrier_id(%barrier3A_45)
    %mul3A_46 = arith.constant 640 : i32
    %mul3A_47 = arith.muli %arg1, %mul3A_46 : i32
    %mul3A_48 = arith.constant 10240 : i32
    %mul3A_49 = arith.muli %arg0, %mul3A_48 : i32
    %mul3A_50 = arith.constant 640 : i32
    %mul3A_51 = arith.muli %arg1, %mul3A_50 : i32
    %add3A_52 = arith.addi %mul3A_49, %mul3A_51 : i32
    "tpu.region"() ({
      %run_scoped3A = tpu.sem_alloc : memref<!tpu.dma_semaphore, #tpu.memory_space<semaphore_mem>>
      %dma_start3A_53 = arith.constant 0 : i32
      %dma_start3A_54 = tpu.memref_slice %arg5[%add3A_52, %dma_start3A_53] : memref<20480x128xf32, #tpu.memory_space<hbm>> -> memref<640x128xf32, #tpu.memory_space<hbm>>
      %dma_start3A_55 = arith.constant 0 : i32
      %dma_start3A_56 = tpu.memref_slice %arg12[%mul3A_47, %dma_start3A_55] : memref<10240x128xf32, #tpu.memory_space<vmem_shared>> -> memref<640x128xf32, #tpu.memory_space<vmem_shared>>
      tpu.enqueue_dma source(%dma_start3A_56 : memref<640x128xf32, #tpu.memory_space<vmem_shared>>) target(%dma_start3A_54 : memref<640x128xf32, #tpu.memory_space<hbm>>) target_semaphore(%run_scoped3A : memref<!tpu.dma_semaphore, #tpu.memory_space<semaphore_mem>>)
      %dma_wait3A_57 = arith.constant 0 : i32
      %dma_wait3A_58 = tpu.memref_slice %arg5[%add3A_52, %dma_wait3A_57] : memref<20480x128xf32, #tpu.memory_space<hbm>> -> memref<640x128xf32, #tpu.memory_space<hbm>>
      %dma_wait3A_59 = arith.constant 0 : i32
      %dma_wait3A_60 = tpu.memref_slice %arg12[%mul3A_47, %dma_wait3A_59] : memref<10240x128xf32, #tpu.memory_space<vmem_shared>> -> memref<640x128xf32, #tpu.memory_space<vmem_shared>>
      tpu.wait_dma2 semaphore(%run_scoped3A : memref<!tpu.dma_semaphore, #tpu.memory_space<semaphore_mem>>) src(%dma_wait3A_60 : memref<640x128xf32, #tpu.memory_space<vmem_shared>>) dst(%dma_wait3A_58 : memref<640x128xf32, #tpu.memory_space<hbm>>)
      tpu.yield
    }) : () -> ()
    return
  }
}

module attributes {stable_mosaic.version = 14 : i64} {
  func.func @_tc1_body(%arg0: memref<10000x128xf32, #tpu.memory_space<vmem>>, %arg1: memref<128x128xf32, #tpu.memory_space<vmem>>, %arg2: memref<1x128xf32, #tpu.memory_space<vmem>>, %arg3: memref<128x128xf32, #tpu.memory_space<vmem>>, %arg4: memref<2x10240x1xf32, #tpu.memory_space<vmem>>, %arg5: memref<10000x128xf32, #tpu.memory_space<vmem>>, %arg6: memref<10000x1xf32, #tpu.memory_space<vmem>>) attributes {dimension_semantics = [], scalar_prefetch = 0 : i64, scratch_operands = 0 : i64, tpu.core_type = #tpu.core_type<tc>} {
    %get3A = arith.constant 0 : index
    %get3A_0 = arith.constant 0 : index
    %get3A_1 = arith.constant 0 : index
    %get3A_2 = vector.load %arg4[%get3A, %get3A_0, %get3A_1] : memref<2x10240x1xf32, #tpu.memory_space<vmem>>, vector<1x10000x1xf32>
    %get3A_3 = vector.shape_cast %get3A_2 : vector<1x10000x1xf32> to vector<10000x1xf32>
    %get3A_4 = arith.constant 1 : index
    %get3A_5 = arith.constant 0 : index
    %get3A_6 = arith.constant 0 : index
    %get3A_7 = vector.load %arg4[%get3A_4, %get3A_5, %get3A_6] : memref<2x10240x1xf32, #tpu.memory_space<vmem>>, vector<1x10000x1xf32>
    %get3A_8 = vector.shape_cast %get3A_7 : vector<1x10000x1xf32> to vector<10000x1xf32>
    %add3A = arith.addf %get3A_3, %get3A_8 : vector<10000x1xf32>
    %add3A_9 = arith.constant 1.000000e+00 : f32
    %add3A_10 = vector.broadcast %add3A_9 : f32 to vector<10000x1xf32>
    %add3A_11 = arith.addf %add3A, %add3A_10 : vector<10000x1xf32>
    %rsqrt3A = math.rsqrt %add3A_11 : vector<10000x1xf32>
    %swap3A = arith.constant 0 : index
    %swap3A_12 = arith.constant 0 : index
    %swap3A_13 = vector.load %arg6[%swap3A, %swap3A_12] : memref<10000x1xf32, #tpu.memory_space<vmem>>, vector<10000x1xf32>
    tpu.vector_store %arg6[%swap3A, %swap3A_12], %rsqrt3A {strides = array<i32>} : memref<10000x1xf32, #tpu.memory_space<vmem>>, vector<10000x1xf32>,
    %get3A_14 = arith.constant 0 : index
    %get3A_15 = arith.constant 0 : index
    %get3A_16 = vector.load %arg0[%get3A_14, %get3A_15] : memref<10000x128xf32, #tpu.memory_space<vmem>>, vector<10000x128xf32>
    %get3A_17 = arith.constant 0 : index
    %get3A_18 = arith.constant 0 : index
    %get3A_19 = vector.load %arg1[%get3A_17, %get3A_18] : memref<128x128xf32, #tpu.memory_space<vmem>>, vector<128x128xf32>
    %dot_general3A = arith.constant dense<0.000000e+00> : vector<10000x128xf32>
    %dot_general3A_20 = tpu.matmul %get3A_16, %get3A_19, %dot_general3A {dimension_numbers = #tpu.dot_dimension_numbers<[1], [0], [0], [1], [0, 0, 1, 1], [], []>, transpose_lhs_hint = false} : vector<10000x128xf32>, vector<128x128xf32>, vector<10000x128xf32> -> vector<10000x128xf32>
    %get3A_21 = arith.constant 0 : index
    %get3A_22 = arith.constant 0 : index
    %get3A_23 = vector.load %arg2[%get3A_21, %get3A_22] : memref<1x128xf32, #tpu.memory_space<vmem>>, vector<1x128xf32>
    %add3A_24 = vector.broadcast %get3A_23 : vector<1x128xf32> to vector<10000x128xf32>
    %add3A_25 = arith.addf %dot_general3A_20, %add3A_24 : vector<10000x128xf32>
    %get3A_26 = arith.constant 0 : index
    %get3A_27 = arith.constant 0 : index
    %get3A_28 = vector.load %arg3[%get3A_26, %get3A_27] : memref<128x128xf32, #tpu.memory_space<vmem>>, vector<128x128xf32>
    %dot_general3A_29 = arith.constant dense<0.000000e+00> : vector<10000x128xf32>
    %dot_general3A_30 = tpu.matmul %add3A_25, %get3A_28, %dot_general3A_29 {dimension_numbers = #tpu.dot_dimension_numbers<[1], [0], [0], [1], [0, 0, 1, 1], [], []>, transpose_lhs_hint = false} : vector<10000x128xf32>, vector<128x128xf32>, vector<10000x128xf32> -> vector<10000x128xf32>
    %mul3A = vector.broadcast %rsqrt3A : vector<10000x1xf32> to vector<10000x128xf32>
    %mul3A_31 = arith.mulf %dot_general3A_30, %mul3A : vector<10000x128xf32>
    %swap3A_32 = arith.constant 0 : index
    %swap3A_33 = arith.constant 0 : index
    %swap3A_34 = vector.load %arg5[%swap3A_32, %swap3A_33] : memref<10000x128xf32, #tpu.memory_space<vmem>>, vector<10000x128xf32>
    tpu.vector_store %arg5[%swap3A_32, %swap3A_33], %mul3A_31 {strides = array<i32>} : memref<10000x128xf32, #tpu.memory_space<vmem>>, vector<10000x128xf32>,
    return
  }
}

module attributes {stable_mosaic.version = 14 : i64} {
  func.func @_tc2_body(%arg0: memref<2x10240x128xf32, #tpu.memory_space<vmem>>, %arg1: memref<10000x1xf32, #tpu.memory_space<vmem>>, %arg2: memref<1x128xf32, #tpu.memory_space<vmem>>, %arg3: memref<128x128xf32, #tpu.memory_space<vmem>>, %arg4: memref<10000x128xf32, #tpu.memory_space<vmem>>) attributes {dimension_semantics = [], scalar_prefetch = 0 : i64, scratch_operands = 0 : i64, tpu.core_type = #tpu.core_type<tc>} {
    %get3A = arith.constant 0 : index
    %get3A_0 = arith.constant 0 : index
    %get3A_1 = arith.constant 0 : index
    %get3A_2 = vector.load %arg0[%get3A, %get3A_0, %get3A_1] : memref<2x10240x128xf32, #tpu.memory_space<vmem>>, vector<1x10000x128xf32>
    %get3A_3 = vector.shape_cast %get3A_2 : vector<1x10000x128xf32> to vector<10000x128xf32>
    %get3A_4 = arith.constant 1 : index
    %get3A_5 = arith.constant 0 : index
    %get3A_6 = arith.constant 0 : index
    %get3A_7 = vector.load %arg0[%get3A_4, %get3A_5, %get3A_6] : memref<2x10240x128xf32, #tpu.memory_space<vmem>>, vector<1x10000x128xf32>
    %get3A_8 = vector.shape_cast %get3A_7 : vector<1x10000x128xf32> to vector<10000x128xf32>
    %add3A = arith.addf %get3A_3, %get3A_8 : vector<10000x128xf32>
    %get3A_9 = arith.constant 0 : index
    %get3A_10 = arith.constant 0 : index
    %get3A_11 = vector.load %arg1[%get3A_9, %get3A_10] : memref<10000x1xf32, #tpu.memory_space<vmem>>, vector<10000x1xf32>
    %mul3A = vector.broadcast %get3A_11 : vector<10000x1xf32> to vector<10000x128xf32>
    %mul3A_12 = arith.mulf %add3A, %mul3A : vector<10000x128xf32>
    %get3A_13 = arith.constant 0 : index
    %get3A_14 = arith.constant 0 : index
    %get3A_15 = vector.load %arg2[%get3A_13, %get3A_14] : memref<1x128xf32, #tpu.memory_space<vmem>>, vector<1x128xf32>
    %add3A_16 = vector.broadcast %get3A_15 : vector<1x128xf32> to vector<10000x128xf32>
    %add3A_17 = arith.addf %mul3A_12, %add3A_16 : vector<10000x128xf32>
    %max3A = arith.constant 0.000000e+00 : f32
    %max3A_18 = vector.broadcast %max3A : f32 to vector<10000x128xf32>
    %max3A_19 = arith.maximumf %add3A_17, %max3A_18 : vector<10000x128xf32>
    %get3A_20 = arith.constant 0 : index
    %get3A_21 = arith.constant 0 : index
    %get3A_22 = vector.load %arg3[%get3A_20, %get3A_21] : memref<128x128xf32, #tpu.memory_space<vmem>>, vector<128x128xf32>
    %dot_general3A = arith.constant dense<0.000000e+00> : vector<10000x128xf32>
    %dot_general3A_23 = tpu.matmul %max3A_19, %get3A_22, %dot_general3A {dimension_numbers = #tpu.dot_dimension_numbers<[1], [0], [0], [1], [0, 0, 1, 1], [], []>, transpose_lhs_hint = false} : vector<10000x128xf32>, vector<128x128xf32>, vector<10000x128xf32> -> vector<10000x128xf32>
    %mul3A_24 = vector.broadcast %get3A_11 : vector<10000x1xf32> to vector<10000x128xf32>
    %mul3A_25 = arith.mulf %dot_general3A_23, %mul3A_24 : vector<10000x128xf32>
    %swap3A = arith.constant 0 : index
    %swap3A_26 = arith.constant 0 : index
    %swap3A_27 = vector.load %arg4[%swap3A, %swap3A_26] : memref<10000x128xf32, #tpu.memory_space<vmem>>, vector<10000x128xf32>
    tpu.vector_store %arg4[%swap3A, %swap3A_26], %mul3A_25 {strides = array<i32>} : memref<10000x128xf32, #tpu.memory_space<vmem>>, vector<10000x128xf32>,
    return
  }
}

module attributes {stable_mosaic.version = 14 : i64} {
  func.func @_tc3_body(%arg0: memref<2x10240x128xf32, #tpu.memory_space<vmem>>, %arg1: memref<10000x1xf32, #tpu.memory_space<vmem>>, %arg2: memref<1x128xf32, #tpu.memory_space<vmem>>, %arg3: memref<1x10000xi32, #tpu.memory_space<vmem>>, %arg4: memref<64x128xf32, #tpu.memory_space<vmem>>) attributes {dimension_semantics = [], scalar_prefetch = 0 : i64, scratch_operands = 0 : i64, tpu.core_type = #tpu.core_type<tc>} {
    %get3A = arith.constant 0 : index
    %get3A_0 = arith.constant 0 : index
    %get3A_1 = arith.constant 0 : index
    %get3A_2 = vector.load %arg0[%get3A, %get3A_0, %get3A_1] : memref<2x10240x128xf32, #tpu.memory_space<vmem>>, vector<1x10000x128xf32>
    %get3A_3 = vector.shape_cast %get3A_2 : vector<1x10000x128xf32> to vector<10000x128xf32>
    %get3A_4 = arith.constant 1 : index
    %get3A_5 = arith.constant 0 : index
    %get3A_6 = arith.constant 0 : index
    %get3A_7 = vector.load %arg0[%get3A_4, %get3A_5, %get3A_6] : memref<2x10240x128xf32, #tpu.memory_space<vmem>>, vector<1x10000x128xf32>
    %get3A_8 = vector.shape_cast %get3A_7 : vector<1x10000x128xf32> to vector<10000x128xf32>
    %add3A = arith.addf %get3A_3, %get3A_8 : vector<10000x128xf32>
    %get3A_9 = arith.constant 0 : index
    %get3A_10 = arith.constant 0 : index
    %get3A_11 = vector.load %arg1[%get3A_9, %get3A_10] : memref<10000x1xf32, #tpu.memory_space<vmem>>, vector<10000x1xf32>
    %mul3A = vector.broadcast %get3A_11 : vector<10000x1xf32> to vector<10000x128xf32>
    %mul3A_12 = arith.mulf %add3A, %mul3A : vector<10000x128xf32>
    %get3A_13 = arith.constant 0 : index
    %get3A_14 = arith.constant 0 : index
    %get3A_15 = vector.load %arg2[%get3A_13, %get3A_14] : memref<1x128xf32, #tpu.memory_space<vmem>>, vector<1x128xf32>
    %add3A_16 = vector.broadcast %get3A_15 : vector<1x128xf32> to vector<10000x128xf32>
    %add3A_17 = arith.addf %mul3A_12, %add3A_16 : vector<10000x128xf32>
    %max3A = arith.constant 0.000000e+00 : f32
    %max3A_18 = vector.broadcast %max3A : f32 to vector<10000x128xf32>
    %max3A_19 = arith.maximumf %add3A_17, %max3A_18 : vector<10000x128xf32>
    %iota3A = tpu.iota {dimensions = array<i32: 0>} : vector<64x10000xi32>
    %get3A_20 = arith.constant 0 : index
    %get3A_21 = arith.constant 0 : index
    %get3A_22 = vector.load %arg3[%get3A_20, %get3A_21] : memref<1x10000xi32, #tpu.memory_space<vmem>>, vector<1x10000xi32>
    %broadcast_in_dim3A = vector.shape_cast %get3A_22 : vector<1x10000xi32> to vector<1x10000xi32>
    %broadcast_in_dim3A_23 = vector.broadcast %broadcast_in_dim3A : vector<1x10000xi32> to vector<64x10000xi32>
    %eq3A = arith.cmpi eq, %iota3A, %broadcast_in_dim3A_23 : vector<64x10000xi32>
    %convert_element_type3A = arith.extui %eq3A : vector<64x10000xi1> to vector<64x10000xi32>
    %convert_element_type3A_24 = arith.sitofp %convert_element_type3A : vector<64x10000xi32> to vector<64x10000xf32>
    %dot_general3A = arith.constant dense<0.000000e+00> : vector<64x128xf32>
    %dot_general3A_25 = tpu.matmul %convert_element_type3A_24, %max3A_19, %dot_general3A {dimension_numbers = #tpu.dot_dimension_numbers<[1], [0], [0], [1], [0, 0, 1, 1], [], []>, transpose_lhs_hint = false} : vector<64x10000xf32>, vector<10000x128xf32>, vector<64x128xf32> -> vector<64x128xf32>
    %reduce_sum3A = arith.constant dense<0.000000e+00> : vector<64xf32>
    %reduce_sum3A_26 = vector.multi_reduction <add>, %convert_element_type3A_24, %reduce_sum3A [1] : vector<64x10000xf32> to vector<64xf32>
    %broadcast_in_dim3A_27 = vector.shape_cast %reduce_sum3A_26 : vector<64xf32> to vector<64x1xf32>
    %max3A_28 = arith.constant 1.000000e+00 : f32
    %max3A_29 = vector.broadcast %max3A_28 : f32 to vector<64x1xf32>
    %max3A_30 = arith.maximumf %broadcast_in_dim3A_27, %max3A_29 : vector<64x1xf32>
    %div3A = vector.broadcast %max3A_30 : vector<64x1xf32> to vector<64x128xf32>
    %div3A_31 = arith.divf %dot_general3A_25, %div3A : vector<64x128xf32>
    %swap3A = arith.constant 0 : index
    %swap3A_32 = arith.constant 0 : index
    %swap3A_33 = vector.load %arg4[%swap3A, %swap3A_32] : memref<64x128xf32, #tpu.memory_space<vmem>>, vector<64x128xf32>
    tpu.vector_store %arg4[%swap3A, %swap3A_32], %div3A_31 {strides = array<i32>} : memref<64x128xf32, #tpu.memory_space<vmem>>, vector<64x128xf32>,
    return
  }
}

</mosaic_0001>

<sc_bundles>
// kernel: kernel.11.cloned.1.call-start
scs
__scs_entry_jumppad:
0x0: {  	(pc) =	sbr.rel $0x88, $3  }
0x1: {  	(tag) =	ssettag $0x0;
	lr =	simm.s32 $0x1  }
0x2: {  	[smem:$0x3F98] =	sst lr;
	_ =	strace $0xD0000000  }
0x3: {  	_ = 	snop  }
0x4: {  	_ = 	snop  }
0x5: {  	_ = 	snop  }
0x6: {  	_ = 	snop  }
0x7: {  	_ = 	snop  }
__scs_overlays_trampoline_lowered:
0x8: {  	[smem:$0x3FA7] =	sst s0  }
0x9: {  	[smem:$0x3FA8] =	sst s1  }
0xa: {  	[smem:$0x3FA9] =	sst s2  }
0xb: {  	[smem:$0x3FAA] =	sst s3  }
0xc: {  	[smem:$0x3FAB] =	sst s4  }
0xd: {  	[smem:$0x3FAC] =	sst s5  }
0xe: {  	[smem:$0x3FAD] =	sst s6  }
0xf: {  	[smem:$0x3FAE] =	sst s7  }
0x10: {  	[smem:$0x3FAF] =	sst s8  }
0x11: {  	[smem:$0x3FB0] =	sst s9;
	s0 =	simm.s32 @!p0 $0x0  }
0x12: {  	s1 =	sld [smem:$0x3F96];
	s0 =	simm.s32 @p0 $0x1  }
0x13: {  	[smem:$0x3FB1] =	sst s0;
	s0 =	simm.s32 @!p1 $0x0  }
0x14: {  	s2 =	sld [smem:$0x3F95];
	s0 =	simm.s32 @p1 $0x1  }
0x15: {  	[smem:$0x3FB2] =	sst s0;
	s0 =	simm.s32 @!p2 $0x0  }
0x16: {  	s3 =	sld [smem:$0x3FDB];
	s0 =	simm.s32 @p2 $0x1  }
0x17: {  	s4 =	simm.s32 $0x1BF5;
	[smem:$0x3FB4] =	sst s0  }
0x18: {  	s0 =	sld [smem:$0x3F97];
	_ =	swait.ge [sflag:s4], $0x0  }
0x19: {  	s7 =	sld [smem:$0x3F98]  }
0x1a: {  	s8 =	sadd.s32 $0xFFFFE003, lr  }
0x1b: {  	s9 =	sadd.s32 $0xFFFFFEF7, lr;
	s5 =	simm.s32 $0xFFFFFFFF;
	p2 =	slt.u32 s8, $0xFFFFF086  }
0x1c: {  	p1 =	slt.u32 s9, $0xF7A;
	s5 =	simm.s32 @!p2 $0x0  }
0x1d: {  	s5 =	simm.s32 @p1 $0x1;
	p0 =	seq.s32 s7, s2  }
0x1e: {  	s7 =	smul.u32 @!p0 $0xF7A, s2;
	p2 =	seq.s32 @!p0 s5, $0x0  }
0x1f: {  	s9 =	smul.u32 $0xF7A, s1;
	s8 =	simm.s32 @!p0 $0x1BF5;
	p2 =	por !p2, p0  }
0x20: {  	[sflag:s8] =	ssyncset.s32 @!p0 $0xFFFFF086;
	s6 =	sadd.s32 @!p0 s3, s7;
	s7 =	simm.s32 @!p0 $0x108  }
0x21: {  	s3 =	sadd.s32 s3, s9;
	s6 =	sadd.s32 @!p0 $0x88, s6;
	s7 =	simm.s32 @p2 $0x1082  }
0x22: {  	[simem:s7], [sflag:s8] =	dma.local @!p0 [hbm:s6], $0xF7A  }
0x23: {  	s9 =	sor.u32 $0xD0000000, s2;
	s6 =	simm.s32 $0x108;
	_ =	swait.ge @!p0 [sflag:s8], $0x0  }
0x24: {  	s3 =	sadd.s32 $0x88, s3;
	s6 =	simm.s32 @!p1 $0x1082;
	[sflag:s4] =	ssyncset.s32 $0xFFFFF086  }
0x25: {  	[simem:s6], [sflag:s4] =	dma.local [hbm:s3], $0xF7A  }
0x26: {  	[smem:$0x3F98] =	sst s1;
	(tag) =	ssettag s2;
	_ =	strace s9  }
0x27: {  	s1 =	sld [smem:$0x3FA8]  }
0x28: {  	s2 =	sld [smem:$0x3FA9]  }
0x29: {  	s4 =	sld [smem:$0x3FAB]  }
0x2a: {  	p0 =	seq.s32 s5, $0x0;
	s5 =	sld [smem:$0x3FAC]  }
0x2b: {  	s6 =	sld [smem:$0x3FAD]  }
0x2c: {  	s7 =	sld [smem:$0x3FAE]  }
0x2d: {  	s3 =	simm.s32 $0x108;
	s8 =	sld [smem:$0x3FAF]  }
0x2e: {  	s3 =	simm.s32 @!p0 $0x1082;
	s9 =	sld [smem:$0x3FB0]  }
0x2f: {  	lr =	sadd.s32 s0, s3;
	s0 =	sld [smem:$0x3FA7]  }
0x30: {  	s3 =	sld [smem:$0x3FAA]  }
0x31: {  	[smem:$0x3FB3] =	sst s10  }
0x32: {  	s10 =	sld [smem:$0x3FB1];
	_ =	sdelay $0x3  }
0x33: {  	p0 =	seq.s32 s10, $0x1;
	s10 =	sld [smem:$0x3FB3];
	_ =	sdelay $0x3  }
0x34: {  	[smem:$0x3FB3] =	sst s10  }
0x35: {  	s10 =	sld [smem:$0x3FB2];
	_ =	sdelay $0x3  }
0x36: {  	p1 =	seq.s32 s10, $0x1;
	s10 =	sld [smem:$0x3FB3];
	_ =	sdelay $0x3  }
0x37: {  	[smem:$0x3FB3] =	sst s10  }
0x38: {  	s10 =	sld [smem:$0x3FB4]  }
0x39: {  	_ = 	snop;
	(pc) =	sbr.ind lr, $3  }
0x3a: {  	_ = 	snop  }
0x3b: {  	_ = 	snop  }
0x3c: {  	p2 =	seq.s32 s10, $0x1;
	s10 =	sld [smem:$0x3FB3]  }
0x3d: {  	_ =	shalt  }
0x3e: {  	_ =	shalt  }
0x3f: {  	_ =	shalt  }
0x40: {  	_ =	shalt  }
0x41: {  	_ =	shalt  }
0x42: {  	_ =	shalt  }
0x43: {  	_ =	shalt  }
0x44: {  	_ =	shalt  }
0x45: {  	_ =	shalt  }
0x46: {  	_ =	shalt  }
0x47: {  	_ =	shalt  }
0x48: {  	_ =	shalt  }
0x49: {  	_ =	shalt  }
0x4a: {  	_ =	shalt  }
0x4b: {  	_ =	shalt  }
0x4c: {  	_ =	shalt  }
0x4d: {  	_ =	shalt  }
0x4e: {  	_ =	shalt  }
0x4f: {  	_ =	shalt  }
0x50: {  	_ =	shalt  }
0x51: {  	_ =	shalt  }
0x52: {  	_ =	shalt  }
0x53: {  	_ =	shalt  }
0x54: {  	_ =	shalt  }
0x55: {  	_ =	shalt  }
0x56: {  	_ =	shalt  }
0x57: {  	_ =	shalt  }
0x58: {  	_ =	shalt  }
0x59: {  	_ =	shalt  }
0x5a: {  	_ =	shalt  }
0x5b: {  	_ =	shalt  }
0x5c: {  	_ =	shalt  }
0x5d: {  	_ =	shalt  }
0x5e: {  	_ =	shalt  }
0x5f: {  	_ =	shalt  }
0x60: {  	_ =	shalt  }
0x61: {  	_ =	shalt  }
0x62: {  	_ =	shalt  }
0x63: {  	_ =	shalt  }
0x64: {  	_ =	shalt  }
0x65: {  	_ =	shalt  }
0x66: {  	_ =	shalt  }
0x67: {  	_ =	shalt  }
0x68: {  	_ =	shalt  }
0x69: {  	_ =	shalt  }
0x6a: {  	_ =	shalt  }
0x6b: {  	_ =	shalt  }
0x6c: {  	_ =	shalt  }
0x6d: {  	_ =	shalt  }
0x6e: {  	_ =	shalt  }
0x6f: {  	_ =	shalt  }
0x70: {  	_ =	shalt  }
0x71: {  	_ =	shalt  }
0x72: {  	_ =	shalt  }
0x73: {  	_ =	shalt  }
0x74: {  	_ =	shalt  }
0x75: {  	_ =	shalt  }
0x76: {  	_ =	shalt  }
0x77: {  	_ =	shalt  }
0x78: {  	_ =	shalt  }
0x79: {  	_ =	shalt  }
0x7a: {  	_ =	shalt  }
0x7b: {  	_ =	shalt  }
0x7c: {  	_ =	shalt  }
0x7d: {  	_ =	shalt  }
0x7e: {  	_ =	shalt  }
0x7f: {  	_ =	shalt  }
0x80: {  	_ =	shalt  }
0x81: {  	_ =	shalt  }
0x82: {  	_ =	shalt  }
0x83: {  	_ =	shalt  }
0x84: {  	_ =	shalt  }
0x85: {  	_ =	shalt  }
0x86: {  	_ =	shalt  }
0x87: {  	_ =	shalt  }
.Lfunc_end0:
.L_simem_size_0:
called_computation.1_lowered:
.L_overlay_start_0:
0x88: {  	s2 =	sld [smem:$0x3FD9]  }
0x89: {  	s3 =	sld [smem:$0x3FFE];
	_ =	sdelay $0x1  }
0x8a: {  	s1 =	srdreg.scid  }
0x8b: {  	s0 =	sand.u32 $0x1, s1  }
0x8c: {  	s16 =	sshll.u32 s0, $0xA;
	s2 =	sadd.s32 s3, s2  }
0x8d: {  	s2 =	sadd.s32 s2, s16  }
0x8e: {  	[smem:$0x3FBF] =	sst s2  }
0x8f: {  	_ = 	snop  }
0x90: {  	(tm) =	ssettm $0x1  }
0x91: {  	s17 =	sld [smem:$0x3FFB];
	_ =	sdelay $0x3  }
0x92: {  	_ =	strace s17  }
0x93: {  	s2 =	sld [smem:$0x3FFC];
	_ =	sdelay $0x3  }
0x94: {  	_ =	strace s2  }
0x95: {  	s2 =	sld [smem:$0x3FFD];
	_ =	sdelay $0x3  }
0x96: {  	_ =	strace s2  }
0x97: {  	_ =	strace $0x8FFFFFFF  }
0x98: {  	s18 =	sld [smem:$0x3FDB];
	_ =	sdelay $0x1  }
0x99: {  	s19 =	simm.s32 $_scs_section_size  }
0x9a: {  	s4 =	simm.s32 $_size__tile_overlayer_lowered;
	s5 =	simm.s32 $_tile_overlayer_lowered  }
0x9b: {  	s22 =	simm.s32 $0x1BFF;
	s21 =	sshll.u32 s5, $0x1;
	s2 =	sadd.s32 s19, s18  }
0x9c: {  	s6 =	simm.s32 $0x0;
	s20 =	sshll.u32 s4, $0x1;
	s4 =	sadd.s32 s21, s2  }
0x9d: {  	[timem:s6], [sflag:s22] =	dma.local [hbm:s4], s20  }
0x9e: {  	_ =	swait.ge [sflag:s22], s20  }
0x9f: {  	s3 =	ssub.s32 $0x0, s20;
	[sflag:s22] =	ssyncset.done $0x0  }
0xa0: {  	[sflag:s22] =	ssyncadd.s32 s3;
	_ =	sdelay $0x1  }
0xa1: {  	s23 =	simm.s32 $0x1B8B  }
0xa2: {  	_ =	swait.ge [sflag:s23], $0x1  }
0xa3: {  	[sflag:s23] =	ssyncset.done $0x0  }
0xa4: {  	s25 =	simm.s32 $0x1B8E;
	s24 =	sld [smem:$0x3FFE];
	[sflag:s23] =	ssyncadd.s32 $0xFFFFFFFF  }
0xa5: {  	s26 =	simm.s32 $execute0_lowered;
	[smem:$0x3FD2] =	sst s25  }
0xa6: {  	s4 =	sshll.u32 s26, $0x1;
	_ =	strace $0x80000049;
	[dreg:$0x1] =	wrdreg $0xFFFFFFFF  }
0xa7: {  	s28 =	simm.s32 $_size_execute0_lowered;
	s2 =	sadd.s32 s2, s4;
	[dreg:$0x0] =	wrdreg $0x0  }
0xa8: {  	s4 =	sshll.u32 s28, $0x1;
	[dreg:$0x2] =	wrdreg s2  }
0xa9: {  	[dreg:$0x3] =	wrdreg s4  }
0xaa: {  	[dreg:$0x4] =	wrdreg $0xC0  }
0xab: {  	_ =	task [dreg:s6], $0x5FFFF  }
0xac: {  	[dreg:$0x1] =	wrdreg $0xFFFFFFFF  }
0xad: {  	[dreg:$0x0] =	wrdreg $0x60  }
0xae: {  	[dreg:$0x2] =	wrdreg s24  }
0xaf: {  	[dreg:$0x3] =	wrdreg $0xB9000  }
0xb0: {  	[dreg:$0x4] =	wrdreg $0x9  }
0xb1: {  	_ =	task.clear_ibuf [dreg:s6], $0x5FFFF;
	_ =	strace $0x90000049  }
0xb2: {  	s29 =	simm.s32 $0x9;
	_ =	strace $0x8000004B  }
0xb3: {  	_ =	swait.ge [sflag:s29], $0x1  }
0xb4: {  	[sflag:s29] =	ssyncadd.s32 $0xFFFFFFFF  }
0xb5: {  	_ =	strace $0x9000004B  }
0xb6: {  	_ =	sfence  }
0xb7: {  	s30 =	sld [smem:$0x0];
	_ =	sdelay $0x2  }
0xb8: {  	s31 =	sshll.u32 s1, $0xD;
	s1 =	sshrl.u32 s1, $0x2  }
0xb9: {  	s3 =	sand.u32 $0x4000, s31;
	s1 =	sadd.s32 s1, s30  }
0xba: {  	s0 =	sor.u32 s3, s0;
	s1 =	sshll.u32 s1, $0x11  }
0xbb: {  	s0 =	sor.u32 s1, s0  }
0xbc: {  	s0 =	sadd.s32 $0x8F2B, s0  }
0xbd: {  	[sflag:s0] =	ssyncadd.remote.s32 $0x1  }
0xbe: {  	_ =	sfence.sel $0xFFFF  }
0xbf: {  	[dreg:$0x0] =	wrdreg $0xFFFFFFFF;
	(pc) =	sbr.abs _section_cstart, $3  }
0xc0: {  	[dreg:$0x1] =	wrdreg $0xFFFFFFFF  }
0xc1: {  	_ =	task.clear_ibuf [dreg:s6], $0x2FFFF;
	_ =	strace $0x9FFFFFFF  }
0xc2: {  	(tm) =	ssettm $0x7FFFFFFF  }
0xc3: {  	_ =	shalt  }
tec
execute0_lowered:
.L_overlay_start_1:
0x0: {  	(tag) =	ssettag $0x1  }
0x1: {  	s0 =	srdreg.scid  }
0x2: {  	s1 =	sand.u32 $0x1, s0;
	s0 =	stileid.u32  }
0x3: {  	s7 =	rddreg [dreg:$0x0];
	s8 =	smul.u32 $0x2800, s0  }
0x4: {  	s2 =	rddreg [dreg:$0x1];
	s6 =	smul.u32 $0x28000, s1  }
0x5: {  	s3 =	sshll.u32 s1, $0x4;
	s28 =	ssub.s32 $0x2, s1;
	s12 =	smul.u32 $0x50000, s0  }
0x6: {  	p0 =	seq.s32 s1, $0x1;
	s1 =	sadd.s32 $0x12C000, s2;
	p1 =	seq.s32 s0, $0xF  }
0x7: {  	s4 =	sor.u32 s0, s3;
	s3 =	simm.s32 $0x0;
	s1 =	sshrl.u32 @p1 s1, $0x3  }
0x8: {  	s5 =	smul.u32 $0x2800, s4;
	[smem:$0x7FF] =	sst s3;
	s4 =	sadd.s32 $0x16600, s7  }
0x9: {  	s11 =	sadd.s32 s8, s6;
	s30 =	sshrl.u32 s12, $0x2;
	_ =	strace $0x8000004A  }
0xa: {  	s6 =	sadd.s32 s30, s2;
	s31 =	sadd.s32 s4, s8;
	[dreg:$0x10] =	wrdreg s1  }
0xb: {  	[dreg:$0x3] =	wrdreg s31;
	s8 =	sadd.s32 $0x1000, s6  }
0xc: {  	s12 =	sadd.s32 $0x2000, s6;
	[dreg:$0x5] =	wrdreg s8  }
0xd: {  	s9 =	sadd.s32 $0xC600, s7;
	s16 =	sadd.s32 $0x4000, s6;
	[dreg:$0x6] =	wrdreg s12  }
0xe: {  	s29 =	sshrl.u32 s28, $0x1;
	s17 =	sadd.s32 $0x5000, s6;
	[dreg:$0x8] =	wrdreg s16  }
0xf: {  	s15 =	ssub.s32 s28, s29;
	s18 =	sadd.s32 $0x6000, s6;
	[dreg:$0x9] =	wrdreg s17  }
0x10: {  	s14 =	sadd.s32 s11, s7;
	s19 =	sadd.s32 $0x7000, s6;
	[dreg:$0xa] =	wrdreg s18  }
0x11: {  	s22 =	sor.u32 $0x180, s11;
	s20 =	sadd.s32 $0x8000, s6;
	[dreg:$0xb] =	wrdreg s19  }
0x12: {  	s23 =	sor.u32 $0x100, s11;
	s21 =	sadd.s32 $0x9000, s6;
	[dreg:$0xc] =	wrdreg s20  }
0x13: {  	s11 =	simm.s32 $0xA900;
	s24 =	sadd.s32 $0xA000, s6;
	[dreg:$0xd] =	wrdreg s21  }
0x14: {  	s10 =	sshrl.u32 s5, $0x3;
	s25 =	sadd.s32 $0xB000, s6;
	[dreg:$0xe] =	wrdreg s24  }
0x15: {  	s26 =	sadd.s32 $0xC000, s6;
	s28 =	sadd.s32 $0xD000, s6;
	[dreg:$0xf] =	wrdreg s25  }
0x16: {  	s29 =	sadd.s32 $0xE000, s6;
	s30 =	sadd.s32 $0xF000, s6;
	[dreg:$0x11] =	wrdreg s26  }
0x17: {  	s31 =	sadd.s32 $0x10000, s6;
	s1 =	sadd.s32 $0x11000, s6;
	[dreg:$0x12] =	wrdreg s28  }
0x18: {  	s13 =	sadd.s32 s10, s7;
	s7 =	sadd.s32 $0x3BE00, s7;
	[dreg:$0x13] =	wrdreg s29  }
0x19: {  	s8 =	sshrl.u32 s23, $0x3;
	s19 =	sadd.s32 s9, s10;
	[dreg:$0x14] =	wrdreg s30  }
0x1a: {  	s23 =	sadd.s32 $0x3D800, s14;
	s24 =	smax.u32 s15, $0x1;
	[dreg:$0x15] =	wrdreg s31  }
0x1b: {  	s12 =	simm.s32 $0x5;
	s14 =	simm.s32 $0x1;
	s15 =	simm.s32 $0x80  }
0x1c: {  	s16 =	simm.s32 $0x2900;
	s17 =	simm.s32 $0x2;
	s18 =	simm.s32 $0x6900  }
0x1d: {  	s25 =	simm.s32 $0x2800;
	s10 =	simm.s32 $0x2880;
	s26 =	simm.s32 $0x0  }
0x1e: {  	s5 =	sadd.s32 $0x2600, s13;
	[dreg:$0x4] =	wrdreg s7;
	s13 =	sadd.s32 $0x3000, s6  }
0x1f: {  	s7 =	sshrl.u32 s22, $0x3;
	s21 =	sadd.s32 s8, s9;
	s8 =	sadd.s32 $0x13000, s6  }
0x20: {  	s22 =	simm.s32 $0x3;
	[dreg:$0x7] =	wrdreg s13;
	s20 =	sadd.s32 s7, s9  }
0x21: {  	v0 =	vimm.f32 $0.0e+00;
	s7 =	sadd.s32 $0x12000, s6;
	s9 =	sadd.s32 $0x10, s19;
	s13 =	simm.s32 $0x4  }
.LBB2_1:
.Ltmp0:
0x22: {  	(pc) =	sbr.rel @!p0 .LBB2_2-.Ltmp0, $3  }
0x23: {  	_ =	sdelay $0x1  }
0x24: {  	s28 =	simm.s32 $0x100  }
0x25: {  	[tilespmem:s28], [sflag:$0x4] =	stream.linear.gather [hbm4b:s5+s3], $0x2800, $0x38;
	[tilespmem:$0x1F900] =	vst v63  }
0x26: {  	s28 =	sand.u32 $0x3E00, s3  }
0x27: {  	s29 =	sand.u32 $0x70, s3;
	s30 =	sshrl.u32 s28, $0x2  }
0x28: {  	s28 =	simm.s32 $0x40;
	s30 =	sor.u32 s29, s30;
	s29 =	simm.s32 $0x0  }
.LBB2_4:
0x29: {  	p2 =	sne.s32 s28, $0x3FC0  }
0x2a: {  	[tilespmem:s30+$0xA900] =	vst v0;
	s29 =	sadd.s32 $0x10, s29;
	s30 =	smov.u32 s28;
	s28 =	sadd.s32 $0x40, s28  }
.Ltmp1:
0x2b: {  	(pc) =	sbr.rel @p2 .LBB2_4-.Ltmp1, $4  }
0x2c: {  	_ = 	snop  }
0x2d: {  	s30 =	sand.u32 $0x3E00, s30  }
0x2e: {  	s31 =	sand.u32 $0x70, s29;
	s30 =	sshrl.u32 s30, $0x2  }
0x2f: {  	s30 =	sor.u32 s31, s30  }
0x30: {  	[tilespmem:s30+$0xA900] =	vst v0  }
0x31: {  	[spmem:s6] =	stream.linear.scatter [tilespmem:s11], [sflag:$0x5], $0x1000, $0x38;
	[tilespmem:$0x1F900] =	vst v63  }
0x32: {  	_ =	swait.ge [sflag:s12], $0x1000  }
0x33: {  	[sflag:s12] =	ssyncset.done $0x0  }
0x34: {  	s28 =	rddreg [dreg:$0x5];
	[sflag:s12] =	ssyncadd.s32 $0xFFFFF000  }
0x35: {  	[spmem:s28] =	stream.linear.scatter [tilespmem:s11], [sflag:$0x5], $0x1000, $0x38;
	[tilespmem:$0x1F900] =	vst v63  }
0x36: {  	_ =	swait.ge [sflag:s12], $0x1000  }
0x37: {  	[sflag:s12] =	ssyncset.done $0x0  }
0x38: {  	s29 =	rddreg [dreg:$0x6];
	[sflag:s12] =	ssyncadd.s32 $0xFFFFF000  }
0x39: {  	[spmem:s29] =	stream.linear.scatter [tilespmem:s11], [sflag:$0x5], $0x1000, $0x38;
	[tilespmem:$0x1F900] =	vst v63  }
0x3a: {  	_ =	swait.ge [sflag:s12], $0x1000  }
0x3b: {  	[sflag:s12] =	ssyncset.done $0x0  }
0x3c: {  	s30 =	rddreg [dreg:$0x7];
	[sflag:s12] =	ssyncadd.s32 $0xFFFFF000  }
0x3d: {  	[spmem:s30] =	stream.linear.scatter [tilespmem:s11], [sflag:$0x5], $0x1000, $0x38;
	[tilespmem:$0x1F900] =	vst v63  }
0x3e: {  	_ =	swait.ge [sflag:s12], $0x1000  }
0x3f: {  	[sflag:s12] =	ssyncset.done $0x0  }
0x40: {  	s31 =	rddreg [dreg:$0x8];
	[sflag:s12] =	ssyncadd.s32 $0xFFFFF000  }
0x41: {  	[spmem:s31] =	stream.linear.scatter [tilespmem:s11], [sflag:$0x5], $0x1000, $0x38;
	[tilespmem:$0x1F900] =	vst v63  }
0x42: {  	_ =	swait.ge [sflag:s12], $0x1000  }
0x43: {  	[sflag:s12] =	ssyncset.done $0x0  }
0x44: {  	s29 =	rddreg [dreg:$0x9];
	[sflag:s12] =	ssyncadd.s32 $0xFFFFF000  }
0x45: {  	[spmem:s29] =	stream.linear.scatter [tilespmem:s11], [sflag:$0x5], $0x1000, $0x38;
	[tilespmem:$0x1F900] =	vst v63  }
0x46: {  	_ =	swait.ge [sflag:s12], $0x1000  }
0x47: {  	[sflag:s12] =	ssyncset.done $0x0  }
0x48: {  	s30 =	rddreg [dreg:$0xa];
	[sflag:s12] =	ssyncadd.s32 $0xFFFFF000  }
0x49: {  	[spmem:s30] =	stream.linear.scatter [tilespmem:s11], [sflag:$0x5], $0x1000, $0x38;
	[tilespmem:$0x1F900] =	vst v63  }
0x4a: {  	_ =	swait.ge [sflag:s12], $0x1000  }
0x4b: {  	[sflag:s12] =	ssyncset.done $0x0  }
0x4c: {  	s31 =	rddreg [dreg:$0xb];
	[sflag:s12] =	ssyncadd.s32 $0xFFFFF000  }
0x4d: {  	[spmem:s31] =	stream.linear.scatter [tilespmem:s11], [sflag:$0x5], $0x1000, $0x38;
	[tilespmem:$0x1F900] =	vst v63  }
0x4e: {  	_ =	swait.ge [sflag:s12], $0x1000  }
0x4f: {  	[sflag:s12] =	ssyncset.done $0x0  }
0x50: {  	s29 =	rddreg [dreg:$0xc];
	[sflag:s12] =	ssyncadd.s32 $0xFFFFF000  }
0x51: {  	[spmem:s29] =	stream.linear.scatter [tilespmem:s11], [sflag:$0x5], $0x1000, $0x38;
	[tilespmem:$0x1F900] =	vst v63  }
0x52: {  	_ =	swait.ge [sflag:s12], $0x1000  }
0x53: {  	[sflag:s12] =	ssyncset.done $0x0  }
0x54: {  	s30 =	rddreg [dreg:$0xd];
	[sflag:s12] =	ssyncadd.s32 $0xFFFFF000  }
0x55: {  	[spmem:s30] =	stream.linear.scatter [tilespmem:s11], [sflag:$0x5], $0x1000, $0x38;
	[tilespmem:$0x1F900] =	vst v63  }
0x56: {  	_ =	swait.ge [sflag:s12], $0x1000  }
0x57: {  	[sflag:s12] =	ssyncset.done $0x0  }
0x58: {  	s31 =	rddreg [dreg:$0xe];
	[sflag:s12] =	ssyncadd.s32 $0xFFFFF000  }
0x59: {  	[spmem:s31] =	stream.linear.scatter [tilespmem:s11], [sflag:$0x5], $0x1000, $0x38;
	[tilespmem:$0x1F900] =	vst v63  }
0x5a: {  	_ =	swait.ge [sflag:s12], $0x1000  }
0x5b: {  	[sflag:s12] =	ssyncset.done $0x0  }
0x5c: {  	s29 =	rddreg [dreg:$0xf];
	[sflag:s12] =	ssyncadd.s32 $0xFFFFF000  }
0x5d: {  	[spmem:s29] =	stream.linear.scatter [tilespmem:s11], [sflag:$0x5], $0x1000, $0x38;
	[tilespmem:$0x1F900] =	vst v63  }
0x5e: {  	_ =	swait.ge [sflag:s12], $0x1000  }
0x5f: {  	[sflag:s12] =	ssyncset.done $0x0  }
0x60: {  	s30 =	rddreg [dreg:$0x11];
	[sflag:s12] =	ssyncadd.s32 $0xFFFFF000  }
0x61: {  	[spmem:s30] =	stream.linear.scatter [tilespmem:s11], [sflag:$0x5], $0x1000, $0x38;
	[tilespmem:$0x1F900] =	vst v63  }
0x62: {  	_ =	swait.ge [sflag:s12], $0x1000  }
0x63: {  	[sflag:s12] =	ssyncset.done $0x0  }
0x64: {  	s31 =	rddreg [dreg:$0x12];
	[sflag:s12] =	ssyncadd.s32 $0xFFFFF000  }
0x65: {  	[spmem:s31] =	stream.linear.scatter [tilespmem:s11], [sflag:$0x5], $0x1000, $0x38;
	[tilespmem:$0x1F900] =	vst v63  }
0x66: {  	_ =	swait.ge [sflag:s12], $0x1000  }
0x67: {  	[sflag:s12] =	ssyncset.done $0x0  }
0x68: {  	s29 =	rddreg [dreg:$0x13];
	[sflag:s12] =	ssyncadd.s32 $0xFFFFF000  }
0x69: {  	[spmem:s29] =	stream.linear.scatter [tilespmem:s11], [sflag:$0x5], $0x1000, $0x38;
	[tilespmem:$0x1F900] =	vst v63  }
0x6a: {  	_ =	swait.ge [sflag:s12], $0x1000  }
0x6b: {  	[sflag:s12] =	ssyncset.done $0x0  }
0x6c: {  	s30 =	rddreg [dreg:$0x14];
	[sflag:s12] =	ssyncadd.s32 $0xFFFFF000  }
0x6d: {  	[spmem:s30] =	stream.linear.scatter [tilespmem:s11], [sflag:$0x5], $0x1000, $0x38;
	[tilespmem:$0x1F900] =	vst v63  }
0x6e: {  	_ =	swait.ge [sflag:s12], $0x1000  }
0x6f: {  	[sflag:s12] =	ssyncset.done $0x0  }
0x70: {  	s31 =	rddreg [dreg:$0x15];
	[sflag:s12] =	ssyncadd.s32 $0xFFFFF000  }
0x71: {  	[spmem:s31] =	stream.linear.scatter [tilespmem:s11], [sflag:$0x5], $0x1000, $0x38;
	[tilespmem:$0x1F900] =	vst v63  }
0x72: {  	_ =	swait.ge [sflag:s12], $0x1000  }
0x73: {  	[sflag:s12] =	ssyncset.done $0x0  }
0x74: {  	[sflag:s12] =	ssyncadd.s32 $0xFFFFF000  }
0x75: {  	[spmem:s1] =	stream.linear.scatter [tilespmem:s11], [sflag:$0x5], $0x1000, $0x38;
	[tilespmem:$0x1F900] =	vst v63  }
0x76: {  	_ =	swait.ge [sflag:s12], $0x1000  }
0x77: {  	[sflag:s12] =	ssyncset.done $0x0  }
0x78: {  	[sflag:s12] =	ssyncadd.s32 $0xFFFFF000  }
0x79: {  	[spmem:s7] =	stream.linear.scatter [tilespmem:s11], [sflag:$0x5], $0x1000, $0x38;
	[tilespmem:$0x1F900] =	vst v63  }
0x7a: {  	_ =	swait.ge [sflag:s12], $0x1000  }
0x7b: {  	[sflag:s12] =	ssyncset.done $0x0  }
.Ltmp2:
0x7c: {  	[sflag:s12] =	ssyncadd.s32 $0xFFFFF000;
	(pc) =	sbr.rel .LBB2_6-.Ltmp2, $4  }
0x7d: {  	[spmem:s8] =	stream.linear.scatter [tilespmem:s11], [sflag:$0x5], $0x1000, $0x38;
	[tilespmem:$0x1F900] =	vst v63  }
0x7e: {  	_ =	swait.ge [sflag:s12], $0x1000  }
0x7f: {  	[sflag:s12] =	ssyncset.done $0x0  }
0x80: {  	[sflag:s12] =	ssyncadd.s32 $0xFFFFF000  }
.LBB2_2:
0x81: {  	s29 =	rddreg [dreg:$0x4]  }
0x82: {  	s28 =	simm.s32 @p1 $0x1FC5;
	s30 =	rddreg [dreg:$0x10]  }
0x83: {  	[spmem:s30], [sflag:s28] =	dma.local @p1 [hbm:s29], $0x1900  }
0x84: {  	s28 =	simm.s32 @p1 $0x5  }
0x85: {  	_ =	swait.ge @p1 [sflag:s28], $0x1900  }
0x86: {  	s29 =	sshll.u32 @!p1 s0, $0x6;
	[sflag:s28] =	ssyncset.done @p1 $0x0;
	s30 =	rddreg [dreg:$0x3]  }
0x87: {  	[sflag:s28] =	ssyncadd.s32 @p1 $0xFFFFE700;
	s28 =	sor.u32 @!p1 $0x1C05, s29;
	s29 =	sshrl.u32 @!p1 s6, $0x3  }
0x88: {  	[spmem:s29], [sflag:s28] =	dma.local @!p1 [hbm:s30], $0x2800  }
0x89: {  	s28 =	simm.s32 @!p1 $0x5  }
0x8a: {  	_ =	swait.ge @!p1 [sflag:s28], $0x2800  }
0x8b: {  	[sflag:s28] =	ssyncset.done @!p1 $0x0  }
0x8c: {  	[sflag:s28] =	ssyncadd.s32 @!p1 $0xFFFFD800  }
.LBB2_6:
0x8d: {  	_ =	swait.ge [sflag:s13], $0x2800  }
0x8e: {  	[sflag:s13] =	ssyncset.done $0x0  }
0x8f: {  	[sflag:s13] =	ssyncadd.s32 $0xFFFFD800  }
0x90: {  	s28 =	simm.s32 $0x0;
	[bflag:$0x0] =	sbarrier.arrive $0xFFFF  }
0x91: {  	[tilespmem:s28], [sflag:$0x1] =	stream.linear.gather [hbm4b:s19+s28], $0x80, $0x38;
	[tilespmem:$0x1F900] =	vst v63  }
0x92: {  	_ =	swait.ge [sflag:s14], $0x80  }
0x93: {  	[sflag:s14] =	ssyncset.done $0x0  }
0x94: {  	[sflag:s14] =	ssyncadd.s32 $0xFFFFFF80  }
0x95: {  	[tilespmem:s16], [sflag:$0x3] =	stream.indirect.gather [hbm4b:s4+s15], $0x80, s28, s15, $0xb8;
	[tilespmem:$0x1F900] =	vst v63  }
0x96: {  	_ = 	snop  }
0x97: {  	[tilespmem:s15], [sflag:$0x2] =	stream.linear.gather [hbm4b:s9+s28], $0x80, $0x38;
	[tilespmem:$0x1F900] =	vst v63  }
0x98: {  	_ =	swait.ge [sflag:s17], $0x80  }
0x99: {  	[sflag:s17] =	ssyncset.done $0x0  }
0x9a: {  	[sflag:s17] =	ssyncadd.s32 $0xFFFFFF80  }
0x9b: {  	[tilespmem:s18], [sflag:$0x4] =	stream.indirect.gather [hbm4b:s4+s15], $0x80, s15, s15, $0xb8;
	[tilespmem:$0x1F900] =	vst v63  }
0x9c: {  	_ =	swait.ge [sflag:s22], $0x4000  }
0x9d: {  	[sflag:s22] =	ssyncset.done $0x0  }
0x9e: {  	s28 =	sadd.s32 $0x0, s21;
	[sflag:s22] =	ssyncadd.s32 $0xFFFFC000  }
0x9f: {  	[tilespmem:s3], [sflag:$0x1] =	stream.linear.gather [hbm4b:s28+s3], $0x80, $0x38;
	[tilespmem:$0x1F900] =	vst v63  }
0xa0: {  	s28 =	simm.s32 $0x100  }
0xa1: {  	[spmem:s2] =	stream.indirect.scatter.add.f32 [tilespmem:s16], [sflag:$0x5], $0x80, s28, s15, $0xb8;
	[tilespmem:$0x1F900] =	vst v63  }
0xa2: {  	_ =	swait.ge [sflag:s12], $0x4000  }
0xa3: {  	[sflag:s12] =	ssyncset.done $0x0  }
0xa4: {  	[sflag:s12] =	ssyncadd.s32 $0xFFFFC000  }
0xa5: {  	_ =	swait.ge [sflag:s14], $0x80  }
0xa6: {  	[sflag:s14] =	ssyncset.done $0x0  }
0xa7: {  	[sflag:s14] =	ssyncadd.s32 $0xFFFFFF80  }
0xa8: {  	[tilespmem:s16], [sflag:$0x3] =	stream.indirect.gather [hbm4b:s4+s15], $0x80, s3, s15, $0xb8;
	[tilespmem:$0x1F900] =	vst v63  }
0xa9: {  	_ =	swait.ge [sflag:s13], $0x4000  }
0xaa: {  	[sflag:s13] =	ssyncset.done $0x0  }
0xab: {  	s28 =	sadd.s32 $0x0, s20;
	[sflag:s13] =	ssyncadd.s32 $0xFFFFC000  }
0xac: {  	[tilespmem:s15], [sflag:$0x2] =	stream.linear.gather [hbm4b:s28+s3], $0x80, $0x38;
	[tilespmem:$0x1F900] =	vst v63  }
0xad: {  	s28 =	simm.s32 $0x180  }
0xae: {  	[spmem:s2] =	stream.indirect.scatter.add.f32 [tilespmem:s18], [sflag:$0x5], $0x80, s28, s15, $0xb8;
	[tilespmem:$0x1F900] =	vst v63  }
0xaf: {  	_ =	swait.ge [sflag:s12], $0x4000  }
0xb0: {  	s29 =	simm.s32 $0x20;
	[sflag:s12] =	ssyncset.done $0x0  }
.LBB2_7:
0xb1: {  	p2 =	sne.s32 s29, $0x4C0;
	[sflag:s12] =	ssyncadd.s32 $0xFFFFC000;
	s28 =	sadd.s32 $0x100, s28  }
0xb2: {  	s30 =	smov.u32 s29;
	s29 =	sadd.s32 $0x20, s29  }
0xb3: {  	_ =	swait.ge [sflag:s17], $0x80  }
0xb4: {  	[sflag:s17] =	ssyncset.done $0x0  }
0xb5: {  	[sflag:s17] =	ssyncadd.s32 $0xFFFFFF80  }
0xb6: {  	[tilespmem:s18], [sflag:$0x4] =	stream.indirect.gather [hbm4b:s4+s15], $0x80, s15, s15, $0xb8;
	[tilespmem:$0x1F900] =	vst v63  }
0xb7: {  	_ =	swait.ge [sflag:s22], $0x4000  }
0xb8: {  	[sflag:s22] =	ssyncset.done $0x0  }
0xb9: {  	s31 =	sadd.s32 s30, s21;
	[sflag:s22] =	ssyncadd.s32 $0xFFFFC000  }
0xba: {  	[tilespmem:s3], [sflag:$0x1] =	stream.linear.gather [hbm4b:s31+s3], $0x80, $0x38;
	[tilespmem:$0x1F900] =	vst v63  }
0xbb: {  	s31 =	sadd.s32 $0xFFFFFF80, s28  }
0xbc: {  	[spmem:s2] =	stream.indirect.scatter.add.f32 [tilespmem:s16], [sflag:$0x5], $0x80, s31, s15, $0xb8;
	[tilespmem:$0x1F900] =	vst v63  }
0xbd: {  	_ =	swait.ge [sflag:s12], $0x4000  }
0xbe: {  	[sflag:s12] =	ssyncset.done $0x0  }
0xbf: {  	[sflag:s12] =	ssyncadd.s32 $0xFFFFC000  }
0xc0: {  	_ =	swait.ge [sflag:s14], $0x80  }
0xc1: {  	[sflag:s14] =	ssyncset.done $0x0  }
0xc2: {  	[sflag:s14] =	ssyncadd.s32 $0xFFFFFF80  }
0xc3: {  	[tilespmem:s16], [sflag:$0x3] =	stream.indirect.gather [hbm4b:s4+s15], $0x80, s3, s15, $0xb8;
	[tilespmem:$0x1F900] =	vst v63  }
0xc4: {  	_ =	swait.ge [sflag:s13], $0x4000  }
0xc5: {  	[sflag:s13] =	ssyncset.done $0x0  }
0xc6: {  	s30 =	sadd.s32 s30, s20;
	[sflag:s13] =	ssyncadd.s32 $0xFFFFC000  }
0xc7: {  	[tilespmem:s15], [sflag:$0x2] =	stream.linear.gather [hbm4b:s30+s3], $0x80, $0x38;
	[tilespmem:$0x1F900] =	vst v63  }
.Ltmp3:
0xc8: {  	_ = 	snop;
	(pc) =	sbr.rel @p2 .LBB2_7-.Ltmp3, $4  }
0xc9: {  	_ = 	snop  }
0xca: {  	[spmem:s2] =	stream.indirect.scatter.add.f32 [tilespmem:s18], [sflag:$0x5], $0x80, s28, s15, $0xb8;
	[tilespmem:$0x1F900] =	vst v63  }
0xcb: {  	_ =	swait.ge [sflag:s12], $0x4000  }
0xcc: {  	[sflag:s12] =	ssyncset.done $0x0  }
0xcd: {  	[sflag:s12] =	ssyncadd.s32 $0xFFFFC000  }
0xce: {  	_ =	swait.ge [sflag:s17], $0x80  }
0xcf: {  	[sflag:s17] =	ssyncset.done $0x0  }
0xd0: {  	[sflag:s17] =	ssyncadd.s32 $0xFFFFFF80  }
0xd1: {  	[tilespmem:s18], [sflag:$0x4] =	stream.indirect.gather [hbm4b:s4+s15], $0x80, s15, s15, $0xb8;
	[tilespmem:$0x1F900] =	vst v63  }
0xd2: {  	_ =	swait.ge [sflag:s22], $0x4000  }
0xd3: {  	[sflag:s22] =	ssyncset.done $0x0  }
0xd4: {  	[sflag:s22] =	ssyncadd.s32 $0xFFFFC000  }
0xd5: {  	[spmem:s2] =	stream.indirect.scatter.add.f32 [tilespmem:s16], [sflag:$0x5], $0x80, s25, s15, $0xb8;
	[tilespmem:$0x1F900] =	vst v63  }
0xd6: {  	_ =	swait.ge [sflag:s12], $0x4000  }
0xd7: {  	[sflag:s12] =	ssyncset.done $0x0  }
0xd8: {  	[sflag:s12] =	ssyncadd.s32 $0xFFFFC000  }
0xd9: {  	_ =	swait.ge [sflag:s13], $0x4000  }
0xda: {  	[sflag:s13] =	ssyncset.done $0x0  }
0xdb: {  	[sflag:s13] =	ssyncadd.s32 $0xFFFFC000  }
0xdc: {  	[spmem:s2] =	stream.indirect.scatter.add.f32 [tilespmem:s18], [sflag:$0x5], $0x80, s10, s15, $0xb8;
	[tilespmem:$0x1F900] =	vst v63  }
0xdd: {  	_ =	swait.ge [sflag:s12], $0x4000  }
0xde: {  	s28 =	sshll.u32 s0, $0x6;
	s26 =	sadd.s32 $0x1, s26;
	[sflag:s12] =	ssyncset.done $0x0  }
0xdf: {  	s29 =	sshrl.u32 s6, $0x3;
	p2 =	sne.s32 s26, s24;
	[sflag:s12] =	ssyncadd.s32 $0xFFFFC000  }
.Ltmp4:
0xe0: {  	s28 =	sor.u32 $0x1C05, s28;
	[bflag:$0x0] =	sbarrier.arrive $0xFFFF;
	(pc) =	sbr.rel @p2 .LBB2_1-.Ltmp4, $4  }
0xe1: {  	[hbm:s23], [sflag:s28] =	dma.local [spmem:s29], $0x2800  }
0xe2: {  	_ =	swait.ge [sflag:s12], $0x2800  }
0xe3: {  	[sflag:s12] =	ssyncset.done $0x0  }
0xe4: {  	[sflag:s12] =	ssyncadd.s32 $0xFFFFD800  }
0xe5: {  	_ =	sfence.sel $0x180000  }
0xe6: {  	[bflag:$0x0] =	sbarrier.arrive $0xFFFF  }
0xe7: {  	_ =	strace $0x9000004A  }
0xe8: {  	[bflag:$0x2] =	sbarrier.arrive $0xFFFF  }
0xe9: {  	p0 =	sne.s32 s0, $0x0;
	s0 =	rddreg [dreg:$0x2]  }
0xea: {  	s0 =	sadd.s32 @!p0 $0x100000, s0  }
0xeb: {  	[sflag:s0] =	ssyncadd.tile.s32 @!p0 $0x1;
	_ =	shalt  }
.Lfunc_end2:
_tile_overlayer_lowered:
.L_overlay_start_2:
0xec: {  	(tag) =	ssettag $0x2  }
0xed: {  	s0 =	rddreg [dreg:$0x0];
	s2 =	stileid.u32  }
0xee: {  	s1 =	rddreg [dreg:$0x1];
	p0 =	sne.s32 s2, $0x0  }
0xef: {  	s3 =	rddreg [dreg:$0x2];
	[bflag:$0x3] =	sbarrier.arrive $0xFFFF;
	s2 =	simm.s32 @!p0 $0x1C05  }
0xf0: {  	[timem:s3], [sflag:s2] =	dma.local @!p0 [hbm:s0], s1  }
0xf1: {  	s0 =	simm.s32 @!p0 $0x5  }
0xf2: {  	_ =	swait.ge @!p0 [sflag:s0], s1  }
0xf3: {  	s1 =	ssub.s32 @!p0 $0x0, s1;
	[sflag:s0] =	ssyncset.done @!p0 $0x0  }
0xf4: {  	[sflag:s0] =	ssyncadd.s32 @!p0 s1  }
0xf5: {  	[bflag:$0x3] =	sbarrier.arrive $0xFFFF  }
0xf6: {  	_ =	shalt  }

// kernel: kernel.14.cloned.1.call-start
scs
__scs_entry_jumppad:
0x0: {  	(pc) =	sbr.rel $0x88, $3  }
0x1: {  	(tag) =	ssettag $0x0;
	lr =	simm.s32 $0x1  }
0x2: {  	[smem:$0x3F98] =	sst lr;
	_ =	strace $0xD0000000  }
0x3: {  	_ = 	snop  }
0x4: {  	_ = 	snop  }
0x5: {  	_ = 	snop  }
0x6: {  	_ = 	snop  }
0x7: {  	_ = 	snop  }
__scs_overlays_trampoline_lowered:
0x8: {  	[smem:$0x3FA7] =	sst s0  }
0x9: {  	[smem:$0x3FA8] =	sst s1  }
0xa: {  	[smem:$0x3FA9] =	sst s2  }
0xb: {  	[smem:$0x3FAA] =	sst s3  }
0xc: {  	[smem:$0x3FAB] =	sst s4  }
0xd: {  	[smem:$0x3FAC] =	sst s5  }
0xe: {  	[smem:$0x3FAD] =	sst s6  }
0xf: {  	[smem:$0x3FAE] =	sst s7  }
0x10: {  	[smem:$0x3FAF] =	sst s8  }
0x11: {  	[smem:$0x3FB0] =	sst s9;
	s0 =	simm.s32 @!p0 $0x0  }
0x12: {  	s1 =	sld [smem:$0x3F96];
	s0 =	simm.s32 @p0 $0x1  }
0x13: {  	[smem:$0x3FB1] =	sst s0;
	s0 =	simm.s32 @!p1 $0x0  }
0x14: {  	s2 =	sld [smem:$0x3F95];
	s0 =	simm.s32 @p1 $0x1  }
0x15: {  	[smem:$0x3FB2] =	sst s0;
	s0 =	simm.s32 @!p2 $0x0  }
0x16: {  	s3 =	sld [smem:$0x3FDB];
	s0 =	simm.s32 @p2 $0x1  }
0x17: {  	s4 =	simm.s32 $0x1BF5;
	[smem:$0x3FB4] =	sst s0  }
0x18: {  	s0 =	sld [smem:$0x3F97];
	_ =	swait.ge [sflag:s4], $0x0  }
0x19: {  	s7 =	sld [smem:$0x3F98]  }
0x1a: {  	s8 =	sadd.s32 $0xFFFFE003, lr  }
0x1b: {  	s9 =	sadd.s32 $0xFFFFFEF7, lr;
	s5 =	simm.s32 $0xFFFFFFFF;
	p2 =	slt.u32 s8, $0xFFFFF086  }
0x1c: {  	p1 =	slt.u32 s9, $0xF7A;
	s5 =	simm.s32 @!p2 $0x0  }
0x1d: {  	s5 =	simm.s32 @p1 $0x1;
	p0 =	seq.s32 s7, s2  }
0x1e: {  	s7 =	smul.u32 @!p0 $0xF7A, s2;
	p2 =	seq.s32 @!p0 s5, $0x0  }
0x1f: {  	s9 =	smul.u32 $0xF7A, s1;
	s8 =	simm.s32 @!p0 $0x1BF5;
	p2 =	por !p2, p0  }
0x20: {  	[sflag:s8] =	ssyncset.s32 @!p0 $0xFFFFF086;
	s6 =	sadd.s32 @!p0 s3, s7;
	s7 =	simm.s32 @!p0 $0x108  }
0x21: {  	s3 =	sadd.s32 s3, s9;
	s6 =	sadd.s32 @!p0 $0x88, s6;
	s7 =	simm.s32 @p2 $0x1082  }
0x22: {  	[simem:s7], [sflag:s8] =	dma.local @!p0 [hbm:s6], $0xF7A  }
0x23: {  	s9 =	sor.u32 $0xD0000000, s2;
	s6 =	simm.s32 $0x108;
	_ =	swait.ge @!p0 [sflag:s8], $0x0  }
0x24: {  	s3 =	sadd.s32 $0x88, s3;
	s6 =	simm.s32 @!p1 $0x1082;
	[sflag:s4] =	ssyncset.s32 $0xFFFFF086  }
0x25: {  	[simem:s6], [sflag:s4] =	dma.local [hbm:s3], $0xF7A  }
0x26: {  	[smem:$0x3F98] =	sst s1;
	(tag) =	ssettag s2;
	_ =	strace s9  }
0x27: {  	s1 =	sld [smem:$0x3FA8]  }
0x28: {  	s2 =	sld [smem:$0x3FA9]  }
0x29: {  	s4 =	sld [smem:$0x3FAB]  }
0x2a: {  	p0 =	seq.s32 s5, $0x0;
	s5 =	sld [smem:$0x3FAC]  }
0x2b: {  	s6 =	sld [smem:$0x3FAD]  }
0x2c: {  	s7 =	sld [smem:$0x3FAE]  }
0x2d: {  	s3 =	simm.s32 $0x108;
	s8 =	sld [smem:$0x3FAF]  }
0x2e: {  	s3 =	simm.s32 @!p0 $0x1082;
	s9 =	sld [smem:$0x3FB0]  }
0x2f: {  	lr =	sadd.s32 s0, s3;
	s0 =	sld [smem:$0x3FA7]  }
0x30: {  	s3 =	sld [smem:$0x3FAA]  }
0x31: {  	[smem:$0x3FB3] =	sst s10  }
0x32: {  	s10 =	sld [smem:$0x3FB1];
	_ =	sdelay $0x3  }
0x33: {  	p0 =	seq.s32 s10, $0x1;
	s10 =	sld [smem:$0x3FB3];
	_ =	sdelay $0x3  }
0x34: {  	[smem:$0x3FB3] =	sst s10  }
0x35: {  	s10 =	sld [smem:$0x3FB2];
	_ =	sdelay $0x3  }
0x36: {  	p1 =	seq.s32 s10, $0x1;
	s10 =	sld [smem:$0x3FB3];
	_ =	sdelay $0x3  }
0x37: {  	[smem:$0x3FB3] =	sst s10  }
0x38: {  	s10 =	sld [smem:$0x3FB4]  }
0x39: {  	_ = 	snop;
	(pc) =	sbr.ind lr, $3  }
0x3a: {  	_ = 	snop  }
0x3b: {  	_ = 	snop  }
0x3c: {  	p2 =	seq.s32 s10, $0x1;
	s10 =	sld [smem:$0x3FB3]  }
0x3d: {  	_ =	shalt  }
0x3e: {  	_ =	shalt  }
0x3f: {  	_ =	shalt  }
0x40: {  	_ =	shalt  }
0x41: {  	_ =	shalt  }
0x42: {  	_ =	shalt  }
0x43: {  	_ =	shalt  }
0x44: {  	_ =	shalt  }
0x45: {  	_ =	shalt  }
0x46: {  	_ =	shalt  }
0x47: {  	_ =	shalt  }
0x48: {  	_ =	shalt  }
0x49: {  	_ =	shalt  }
0x4a: {  	_ =	shalt  }
0x4b: {  	_ =	shalt  }
0x4c: {  	_ =	shalt  }
0x4d: {  	_ =	shalt  }
0x4e: {  	_ =	shalt  }
0x4f: {  	_ =	shalt  }
0x50: {  	_ =	shalt  }
0x51: {  	_ =	shalt  }
0x52: {  	_ =	shalt  }
0x53: {  	_ =	shalt  }
0x54: {  	_ =	shalt  }
0x55: {  	_ =	shalt  }
0x56: {  	_ =	shalt  }
0x57: {  	_ =	shalt  }
0x58: {  	_ =	shalt  }
0x59: {  	_ =	shalt  }
0x5a: {  	_ =	shalt  }
0x5b: {  	_ =	shalt  }
0x5c: {  	_ =	shalt  }
0x5d: {  	_ =	shalt  }
0x5e: {  	_ =	shalt  }
0x5f: {  	_ =	shalt  }
0x60: {  	_ =	shalt  }
0x61: {  	_ =	shalt  }
0x62: {  	_ =	shalt  }
0x63: {  	_ =	shalt  }
0x64: {  	_ =	shalt  }
0x65: {  	_ =	shalt  }
0x66: {  	_ =	shalt  }
0x67: {  	_ =	shalt  }
0x68: {  	_ =	shalt  }
0x69: {  	_ =	shalt  }
0x6a: {  	_ =	shalt  }
0x6b: {  	_ =	shalt  }
0x6c: {  	_ =	shalt  }
0x6d: {  	_ =	shalt  }
0x6e: {  	_ =	shalt  }
0x6f: {  	_ =	shalt  }
0x70: {  	_ =	shalt  }
0x71: {  	_ =	shalt  }
0x72: {  	_ =	shalt  }
0x73: {  	_ =	shalt  }
0x74: {  	_ =	shalt  }
0x75: {  	_ =	shalt  }
0x76: {  	_ =	shalt  }
0x77: {  	_ =	shalt  }
0x78: {  	_ =	shalt  }
0x79: {  	_ =	shalt  }
0x7a: {  	_ =	shalt  }
0x7b: {  	_ =	shalt  }
0x7c: {  	_ =	shalt  }
0x7d: {  	_ =	shalt  }
0x7e: {  	_ =	shalt  }
0x7f: {  	_ =	shalt  }
0x80: {  	_ =	shalt  }
0x81: {  	_ =	shalt  }
0x82: {  	_ =	shalt  }
0x83: {  	_ =	shalt  }
0x84: {  	_ =	shalt  }
0x85: {  	_ =	shalt  }
0x86: {  	_ =	shalt  }
0x87: {  	_ =	shalt  }
.Lfunc_end0:
.L_simem_size_0:
called_computation.2_lowered:
.L_overlay_start_0:
0x88: {  	s2 =	sld [smem:$0x3FD9]  }
0x89: {  	s3 =	sld [smem:$0x3FFE];
	_ =	sdelay $0x1  }
0x8a: {  	s1 =	srdreg.scid  }
0x8b: {  	s0 =	sand.u32 $0x1, s1  }
0x8c: {  	s16 =	sshll.u32 s0, $0xA;
	s2 =	sadd.s32 s3, s2  }
0x8d: {  	s2 =	sadd.s32 s2, s16  }
0x8e: {  	[smem:$0x3FBF] =	sst s2  }
0x8f: {  	_ = 	snop  }
0x90: {  	(tm) =	ssettm $0x1  }
0x91: {  	s17 =	sld [smem:$0x3FFB];
	_ =	sdelay $0x3  }
0x92: {  	_ =	strace s17  }
0x93: {  	s2 =	sld [smem:$0x3FFC];
	_ =	sdelay $0x3  }
0x94: {  	_ =	strace s2  }
0x95: {  	s2 =	sld [smem:$0x3FFD];
	_ =	sdelay $0x3  }
0x96: {  	_ =	strace s2  }
0x97: {  	_ =	strace $0x8FFFFFFF  }
0x98: {  	s18 =	sld [smem:$0x3FDB];
	_ =	sdelay $0x1  }
0x99: {  	s19 =	simm.s32 $_scs_section_size  }
0x9a: {  	s4 =	simm.s32 $_size__tile_overlayer_lowered;
	s5 =	simm.s32 $_tile_overlayer_lowered  }
0x9b: {  	s22 =	simm.s32 $0x1BFF;
	s21 =	sshll.u32 s5, $0x1;
	s2 =	sadd.s32 s19, s18  }
0x9c: {  	s6 =	simm.s32 $0x0;
	s20 =	sshll.u32 s4, $0x1;
	s4 =	sadd.s32 s21, s2  }
0x9d: {  	[timem:s6], [sflag:s22] =	dma.local [hbm:s4], s20  }
0x9e: {  	_ =	swait.ge [sflag:s22], s20  }
0x9f: {  	s3 =	ssub.s32 $0x0, s20;
	[sflag:s22] =	ssyncset.done $0x0  }
0xa0: {  	[sflag:s22] =	ssyncadd.s32 s3;
	_ =	sdelay $0x1  }
0xa1: {  	s23 =	simm.s32 $0x1B8B  }
0xa2: {  	_ =	swait.ge [sflag:s23], $0x1  }
0xa3: {  	[sflag:s23] =	ssyncset.done $0x0  }
0xa4: {  	s25 =	simm.s32 $0x1B8E;
	s24 =	sld [smem:$0x3FFE];
	[sflag:s23] =	ssyncadd.s32 $0xFFFFFFFF  }
0xa5: {  	s26 =	simm.s32 $execute0_lowered;
	[smem:$0x3FD2] =	sst s25  }
0xa6: {  	s4 =	sshll.u32 s26, $0x1;
	_ =	strace $0x8000004C;
	[dreg:$0x1] =	wrdreg $0xFFFFFFFF  }
0xa7: {  	s28 =	simm.s32 $_size_execute0_lowered;
	s2 =	sadd.s32 s2, s4;
	[dreg:$0x0] =	wrdreg $0x0  }
0xa8: {  	s4 =	sshll.u32 s28, $0x1;
	[dreg:$0x2] =	wrdreg s2  }
0xa9: {  	[dreg:$0x3] =	wrdreg s4  }
0xaa: {  	[dreg:$0x4] =	wrdreg $0xC0  }
0xab: {  	_ =	task [dreg:s6], $0x5FFFF  }
0xac: {  	[dreg:$0x1] =	wrdreg $0xFFFFFFFF  }
0xad: {  	[dreg:$0x0] =	wrdreg $0x60  }
0xae: {  	[dreg:$0x2] =	wrdreg s24  }
0xaf: {  	[dreg:$0x3] =	wrdreg $0xB9000  }
0xb0: {  	[dreg:$0x4] =	wrdreg $0x9  }
0xb1: {  	_ =	task.clear_ibuf [dreg:s6], $0x5FFFF;
	_ =	strace $0x9000004C  }
0xb2: {  	s29 =	simm.s32 $0x9;
	_ =	strace $0x8000004E  }
0xb3: {  	_ =	swait.ge [sflag:s29], $0x1  }
0xb4: {  	[sflag:s29] =	ssyncadd.s32 $0xFFFFFFFF  }
0xb5: {  	_ =	strace $0x9000004E  }
0xb6: {  	_ =	sfence  }
0xb7: {  	s30 =	sld [smem:$0x0];
	_ =	sdelay $0x2  }
0xb8: {  	s31 =	sshll.u32 s1, $0xD;
	s1 =	sshrl.u32 s1, $0x2  }
0xb9: {  	s3 =	sand.u32 $0x4000, s31;
	s1 =	sadd.s32 s1, s30  }
0xba: {  	s0 =	sor.u32 s3, s0;
	s1 =	sshll.u32 s1, $0x11  }
0xbb: {  	s0 =	sor.u32 s1, s0  }
0xbc: {  	s0 =	sadd.s32 $0x8F2B, s0  }
0xbd: {  	[sflag:s0] =	ssyncadd.remote.s32 $0x1  }
0xbe: {  	_ =	sfence.sel $0xFFFF  }
0xbf: {  	[dreg:$0x0] =	wrdreg $0xFFFFFFFF;
	(pc) =	sbr.abs _section_cstart, $3  }
0xc0: {  	[dreg:$0x1] =	wrdreg $0xFFFFFFFF  }
0xc1: {  	_ =	task.clear_ibuf [dreg:s6], $0x2FFFF;
	_ =	strace $0x9FFFFFFF  }
0xc2: {  	(tm) =	ssettm $0x7FFFFFFF  }
0xc3: {  	_ =	shalt  }
tec
execute0_lowered:
.L_overlay_start_1:
0x0: {  	(tag) =	ssettag $0x1  }
0x1: {  	s0 =	srdreg.scid  }
0x2: {  	s1 =	sand.u32 $0x1, s0;
	s0 =	stileid.u32  }
0x3: {  	s7 =	rddreg [dreg:$0x0];
	s8 =	smul.u32 $0x2800, s0  }
0x4: {  	s2 =	rddreg [dreg:$0x1];
	s6 =	smul.u32 $0x28000, s1  }
0x5: {  	s3 =	sshll.u32 s1, $0x4;
	s28 =	ssub.s32 $0x2, s1;
	s12 =	smul.u32 $0x50000, s0  }
0x6: {  	p0 =	seq.s32 s1, $0x1;
	s1 =	sadd.s32 $0x12C000, s2;
	p1 =	seq.s32 s0, $0xF  }
0x7: {  	s4 =	sor.u32 s0, s3;
	s3 =	simm.s32 $0x0;
	s1 =	sshrl.u32 @p1 s1, $0x3  }
0x8: {  	s5 =	smul.u32 $0x2800, s4;
	[smem:$0x7FF] =	sst s3;
	s4 =	sadd.s32 $0x16600, s7  }
0x9: {  	s11 =	sadd.s32 s8, s6;
	s30 =	sshrl.u32 s12, $0x2;
	_ =	strace $0x8000004D  }
0xa: {  	s6 =	sadd.s32 s30, s2;
	s31 =	sadd.s32 s4, s8;
	[dreg:$0x10] =	wrdreg s1  }
0xb: {  	[dreg:$0x3] =	wrdreg s31;
	s8 =	sadd.s32 $0x1000, s6  }
0xc: {  	s12 =	sadd.s32 $0x2000, s6;
	[dreg:$0x5] =	wrdreg s8  }
0xd: {  	s9 =	sadd.s32 $0xC600, s7;
	s16 =	sadd.s32 $0x4000, s6;
	[dreg:$0x6] =	wrdreg s12  }
0xe: {  	s29 =	sshrl.u32 s28, $0x1;
	s17 =	sadd.s32 $0x5000, s6;
	[dreg:$0x8] =	wrdreg s16  }
0xf: {  	s15 =	ssub.s32 s28, s29;
	s18 =	sadd.s32 $0x6000, s6;
	[dreg:$0x9] =	wrdreg s17  }
0x10: {  	s14 =	sadd.s32 s11, s7;
	s19 =	sadd.s32 $0x7000, s6;
	[dreg:$0xa] =	wrdreg s18  }
0x11: {  	s22 =	sor.u32 $0x180, s11;
	s20 =	sadd.s32 $0x8000, s6;
	[dreg:$0xb] =	wrdreg s19  }
0x12: {  	s23 =	sor.u32 $0x100, s11;
	s21 =	sadd.s32 $0x9000, s6;
	[dreg:$0xc] =	wrdreg s20  }
0x13: {  	s11 =	simm.s32 $0xA900;
	s24 =	sadd.s32 $0xA000, s6;
	[dreg:$0xd] =	wrdreg s21  }
0x14: {  	s10 =	sshrl.u32 s5, $0x3;
	s25 =	sadd.s32 $0xB000, s6;
	[dreg:$0xe] =	wrdreg s24  }
0x15: {  	s26 =	sadd.s32 $0xC000, s6;
	s28 =	sadd.s32 $0xD000, s6;
	[dreg:$0xf] =	wrdreg s25  }
0x16: {  	s29 =	sadd.s32 $0xE000, s6;
	s30 =	sadd.s32 $0xF000, s6;
	[dreg:$0x11] =	wrdreg s26  }
0x17: {  	s31 =	sadd.s32 $0x10000, s6;
	s1 =	sadd.s32 $0x11000, s6;
	[dreg:$0x12] =	wrdreg s28  }
0x18: {  	s13 =	sadd.s32 s10, s7;
	s7 =	sadd.s32 $0x3BE00, s7;
	[dreg:$0x13] =	wrdreg s29  }
0x19: {  	s8 =	sshrl.u32 s23, $0x3;
	s19 =	sadd.s32 s9, s10;
	[dreg:$0x14] =	wrdreg s30  }
0x1a: {  	s23 =	sadd.s32 $0x3D800, s14;
	s24 =	smax.u32 s15, $0x1;
	[dreg:$0x15] =	wrdreg s31  }
0x1b: {  	s12 =	simm.s32 $0x5;
	s14 =	simm.s32 $0x1;
	s15 =	simm.s32 $0x80  }
0x1c: {  	s16 =	simm.s32 $0x2900;
	s17 =	simm.s32 $0x2;
	s18 =	simm.s32 $0x6900  }
0x1d: {  	s25 =	simm.s32 $0x2800;
	s10 =	simm.s32 $0x2880;
	s26 =	simm.s32 $0x0  }
0x1e: {  	s5 =	sadd.s32 $0x2600, s13;
	[dreg:$0x4] =	wrdreg s7;
	s13 =	sadd.s32 $0x3000, s6  }
0x1f: {  	s7 =	sshrl.u32 s22, $0x3;
	s21 =	sadd.s32 s8, s9;
	s8 =	sadd.s32 $0x13000, s6  }
0x20: {  	s22 =	simm.s32 $0x3;
	[dreg:$0x7] =	wrdreg s13;
	s20 =	sadd.s32 s7, s9  }
0x21: {  	v0 =	vimm.f32 $0.0e+00;
	s7 =	sadd.s32 $0x12000, s6;
	s9 =	sadd.s32 $0x10, s19;
	s13 =	simm.s32 $0x4  }
.LBB2_1:
.Ltmp0:
0x22: {  	(pc) =	sbr.rel @!p0 .LBB2_2-.Ltmp0, $3  }
0x23: {  	_ =	sdelay $0x1  }
0x24: {  	s28 =	simm.s32 $0x100  }
0x25: {  	[tilespmem:s28], [sflag:$0x4] =	stream.linear.gather [hbm4b:s5+s3], $0x2800, $0x38;
	[tilespmem:$0x1F900] =	vst v63  }
0x26: {  	s28 =	sand.u32 $0x3E00, s3  }
0x27: {  	s29 =	sand.u32 $0x70, s3;
	s30 =	sshrl.u32 s28, $0x2  }
0x28: {  	s28 =	simm.s32 $0x40;
	s30 =	sor.u32 s29, s30;
	s29 =	simm.s32 $0x0  }
.LBB2_4:
0x29: {  	p2 =	sne.s32 s28, $0x3FC0  }
0x2a: {  	[tilespmem:s30+$0xA900] =	vst v0;
	s29 =	sadd.s32 $0x10, s29;
	s30 =	smov.u32 s28;
	s28 =	sadd.s32 $0x40, s28  }
.Ltmp1:
0x2b: {  	(pc) =	sbr.rel @p2 .LBB2_4-.Ltmp1, $4  }
0x2c: {  	_ = 	snop  }
0x2d: {  	s30 =	sand.u32 $0x3E00, s30  }
0x2e: {  	s31 =	sand.u32 $0x70, s29;
	s30 =	sshrl.u32 s30, $0x2  }
0x2f: {  	s30 =	sor.u32 s31, s30  }
0x30: {  	[tilespmem:s30+$0xA900] =	vst v0  }
0x31: {  	[spmem:s6] =	stream.linear.scatter [tilespmem:s11], [sflag:$0x5], $0x1000, $0x38;
	[tilespmem:$0x1F900] =	vst v63  }
0x32: {  	_ =	swait.ge [sflag:s12], $0x1000  }
0x33: {  	[sflag:s12] =	ssyncset.done $0x0  }
0x34: {  	s28 =	rddreg [dreg:$0x5];
	[sflag:s12] =	ssyncadd.s32 $0xFFFFF000  }
0x35: {  	[spmem:s28] =	stream.linear.scatter [tilespmem:s11], [sflag:$0x5], $0x1000, $0x38;
	[tilespmem:$0x1F900] =	vst v63  }
0x36: {  	_ =	swait.ge [sflag:s12], $0x1000  }
0x37: {  	[sflag:s12] =	ssyncset.done $0x0  }
0x38: {  	s29 =	rddreg [dreg:$0x6];
	[sflag:s12] =	ssyncadd.s32 $0xFFFFF000  }
0x39: {  	[spmem:s29] =	stream.linear.scatter [tilespmem:s11], [sflag:$0x5], $0x1000, $0x38;
	[tilespmem:$0x1F900] =	vst v63  }
0x3a: {  	_ =	swait.ge [sflag:s12], $0x1000  }
0x3b: {  	[sflag:s12] =	ssyncset.done $0x0  }
0x3c: {  	s30 =	rddreg [dreg:$0x7];
	[sflag:s12] =	ssyncadd.s32 $0xFFFFF000  }
0x3d: {  	[spmem:s30] =	stream.linear.scatter [tilespmem:s11], [sflag:$0x5], $0x1000, $0x38;
	[tilespmem:$0x1F900] =	vst v63  }
0x3e: {  	_ =	swait.ge [sflag:s12], $0x1000  }
0x3f: {  	[sflag:s12] =	ssyncset.done $0x0  }
0x40: {  	s31 =	rddreg [dreg:$0x8];
	[sflag:s12] =	ssyncadd.s32 $0xFFFFF000  }
0x41: {  	[spmem:s31] =	stream.linear.scatter [tilespmem:s11], [sflag:$0x5], $0x1000, $0x38;
	[tilespmem:$0x1F900] =	vst v63  }
0x42: {  	_ =	swait.ge [sflag:s12], $0x1000  }
0x43: {  	[sflag:s12] =	ssyncset.done $0x0  }
0x44: {  	s29 =	rddreg [dreg:$0x9];
	[sflag:s12] =	ssyncadd.s32 $0xFFFFF000  }
0x45: {  	[spmem:s29] =	stream.linear.scatter [tilespmem:s11], [sflag:$0x5], $0x1000, $0x38;
	[tilespmem:$0x1F900] =	vst v63  }
0x46: {  	_ =	swait.ge [sflag:s12], $0x1000  }
0x47: {  	[sflag:s12] =	ssyncset.done $0x0  }
0x48: {  	s30 =	rddreg [dreg:$0xa];
	[sflag:s12] =	ssyncadd.s32 $0xFFFFF000  }
0x49: {  	[spmem:s30] =	stream.linear.scatter [tilespmem:s11], [sflag:$0x5], $0x1000, $0x38;
	[tilespmem:$0x1F900] =	vst v63  }
0x4a: {  	_ =	swait.ge [sflag:s12], $0x1000  }
0x4b: {  	[sflag:s12] =	ssyncset.done $0x0  }
0x4c: {  	s31 =	rddreg [dreg:$0xb];
	[sflag:s12] =	ssyncadd.s32 $0xFFFFF000  }
0x4d: {  	[spmem:s31] =	stream.linear.scatter [tilespmem:s11], [sflag:$0x5], $0x1000, $0x38;
	[tilespmem:$0x1F900] =	vst v63  }
0x4e: {  	_ =	swait.ge [sflag:s12], $0x1000  }
0x4f: {  	[sflag:s12] =	ssyncset.done $0x0  }
0x50: {  	s29 =	rddreg [dreg:$0xc];
	[sflag:s12] =	ssyncadd.s32 $0xFFFFF000  }
0x51: {  	[spmem:s29] =	stream.linear.scatter [tilespmem:s11], [sflag:$0x5], $0x1000, $0x38;
	[tilespmem:$0x1F900] =	vst v63  }
0x52: {  	_ =	swait.ge [sflag:s12], $0x1000  }
0x53: {  	[sflag:s12] =	ssyncset.done $0x0  }
0x54: {  	s30 =	rddreg [dreg:$0xd];
	[sflag:s12] =	ssyncadd.s32 $0xFFFFF000  }
0x55: {  	[spmem:s30] =	stream.linear.scatter [tilespmem:s11], [sflag:$0x5], $0x1000, $0x38;
	[tilespmem:$0x1F900] =	vst v63  }
0x56: {  	_ =	swait.ge [sflag:s12], $0x1000  }
0x57: {  	[sflag:s12] =	ssyncset.done $0x0  }
0x58: {  	s31 =	rddreg [dreg:$0xe];
	[sflag:s12] =	ssyncadd.s32 $0xFFFFF000  }
0x59: {  	[spmem:s31] =	stream.linear.scatter [tilespmem:s11], [sflag:$0x5], $0x1000, $0x38;
	[tilespmem:$0x1F900] =	vst v63  }
0x5a: {  	_ =	swait.ge [sflag:s12], $0x1000  }
0x5b: {  	[sflag:s12] =	ssyncset.done $0x0  }
0x5c: {  	s29 =	rddreg [dreg:$0xf];
	[sflag:s12] =	ssyncadd.s32 $0xFFFFF000  }
0x5d: {  	[spmem:s29] =	stream.linear.scatter [tilespmem:s11], [sflag:$0x5], $0x1000, $0x38;
	[tilespmem:$0x1F900] =	vst v63  }
0x5e: {  	_ =	swait.ge [sflag:s12], $0x1000  }
0x5f: {  	[sflag:s12] =	ssyncset.done $0x0  }
0x60: {  	s30 =	rddreg [dreg:$0x11];
	[sflag:s12] =	ssyncadd.s32 $0xFFFFF000  }
0x61: {  	[spmem:s30] =	stream.linear.scatter [tilespmem:s11], [sflag:$0x5], $0x1000, $0x38;
	[tilespmem:$0x1F900] =	vst v63  }
0x62: {  	_ =	swait.ge [sflag:s12], $0x1000  }
0x63: {  	[sflag:s12] =	ssyncset.done $0x0  }
0x64: {  	s31 =	rddreg [dreg:$0x12];
	[sflag:s12] =	ssyncadd.s32 $0xFFFFF000  }
0x65: {  	[spmem:s31] =	stream.linear.scatter [tilespmem:s11], [sflag:$0x5], $0x1000, $0x38;
	[tilespmem:$0x1F900] =	vst v63  }
0x66: {  	_ =	swait.ge [sflag:s12], $0x1000  }
0x67: {  	[sflag:s12] =	ssyncset.done $0x0  }
0x68: {  	s29 =	rddreg [dreg:$0x13];
	[sflag:s12] =	ssyncadd.s32 $0xFFFFF000  }
0x69: {  	[spmem:s29] =	stream.linear.scatter [tilespmem:s11], [sflag:$0x5], $0x1000, $0x38;
	[tilespmem:$0x1F900] =	vst v63  }
0x6a: {  	_ =	swait.ge [sflag:s12], $0x1000  }
0x6b: {  	[sflag:s12] =	ssyncset.done $0x0  }
0x6c: {  	s30 =	rddreg [dreg:$0x14];
	[sflag:s12] =	ssyncadd.s32 $0xFFFFF000  }
0x6d: {  	[spmem:s30] =	stream.linear.scatter [tilespmem:s11], [sflag:$0x5], $0x1000, $0x38;
	[tilespmem:$0x1F900] =	vst v63  }
0x6e: {  	_ =	swait.ge [sflag:s12], $0x1000  }
0x6f: {  	[sflag:s12] =	ssyncset.done $0x0  }
0x70: {  	s31 =	rddreg [dreg:$0x15];
	[sflag:s12] =	ssyncadd.s32 $0xFFFFF000  }
0x71: {  	[spmem:s31] =	stream.linear.scatter [tilespmem:s11], [sflag:$0x5], $0x1000, $0x38;
	[tilespmem:$0x1F900] =	vst v63  }
0x72: {  	_ =	swait.ge [sflag:s12], $0x1000  }
0x73: {  	[sflag:s12] =	ssyncset.done $0x0  }
0x74: {  	[sflag:s12] =	ssyncadd.s32 $0xFFFFF000  }
0x75: {  	[spmem:s1] =	stream.linear.scatter [tilespmem:s11], [sflag:$0x5], $0x1000, $0x38;
	[tilespmem:$0x1F900] =	vst v63  }
0x76: {  	_ =	swait.ge [sflag:s12], $0x1000  }
0x77: {  	[sflag:s12] =	ssyncset.done $0x0  }
0x78: {  	[sflag:s12] =	ssyncadd.s32 $0xFFFFF000  }
0x79: {  	[spmem:s7] =	stream.linear.scatter [tilespmem:s11], [sflag:$0x5], $0x1000, $0x38;
	[tilespmem:$0x1F900] =	vst v63  }
0x7a: {  	_ =	swait.ge [sflag:s12], $0x1000  }
0x7b: {  	[sflag:s12] =	ssyncset.done $0x0  }
.Ltmp2:
0x7c: {  	[sflag:s12] =	ssyncadd.s32 $0xFFFFF000;
	(pc) =	sbr.rel .LBB2_6-.Ltmp2, $4  }
0x7d: {  	[spmem:s8] =	stream.linear.scatter [tilespmem:s11], [sflag:$0x5], $0x1000, $0x38;
	[tilespmem:$0x1F900] =	vst v63  }
0x7e: {  	_ =	swait.ge [sflag:s12], $0x1000  }
0x7f: {  	[sflag:s12] =	ssyncset.done $0x0  }
0x80: {  	[sflag:s12] =	ssyncadd.s32 $0xFFFFF000  }
.LBB2_2:
0x81: {  	s29 =	rddreg [dreg:$0x4]  }
0x82: {  	s28 =	simm.s32 @p1 $0x1FC5;
	s30 =	rddreg [dreg:$0x10]  }
0x83: {  	[spmem:s30], [sflag:s28] =	dma.local @p1 [hbm:s29], $0x1900  }
0x84: {  	s28 =	simm.s32 @p1 $0x5  }
0x85: {  	_ =	swait.ge @p1 [sflag:s28], $0x1900  }
0x86: {  	s29 =	sshll.u32 @!p1 s0, $0x6;
	[sflag:s28] =	ssyncset.done @p1 $0x0;
	s30 =	rddreg [dreg:$0x3]  }
0x87: {  	[sflag:s28] =	ssyncadd.s32 @p1 $0xFFFFE700;
	s28 =	sor.u32 @!p1 $0x1C05, s29;
	s29 =	sshrl.u32 @!p1 s6, $0x3  }
0x88: {  	[spmem:s29], [sflag:s28] =	dma.local @!p1 [hbm:s30], $0x2800  }
0x89: {  	s28 =	simm.s32 @!p1 $0x5  }
0x8a: {  	_ =	swait.ge @!p1 [sflag:s28], $0x2800  }
0x8b: {  	[sflag:s28] =	ssyncset.done @!p1 $0x0  }
0x8c: {  	[sflag:s28] =	ssyncadd.s32 @!p1 $0xFFFFD800  }
.LBB2_6:
0x8d: {  	_ =	swait.ge [sflag:s13], $0x2800  }
0x8e: {  	[sflag:s13] =	ssyncset.done $0x0  }
0x8f: {  	[sflag:s13] =	ssyncadd.s32 $0xFFFFD800  }
0x90: {  	s28 =	simm.s32 $0x0;
	[bflag:$0x0] =	sbarrier.arrive $0xFFFF  }
0x91: {  	[tilespmem:s28], [sflag:$0x1] =	stream.linear.gather [hbm4b:s19+s28], $0x80, $0x38;
	[tilespmem:$0x1F900] =	vst v63  }
0x92: {  	_ =	swait.ge [sflag:s14], $0x80  }
0x93: {  	[sflag:s14] =	ssyncset.done $0x0  }
0x94: {  	[sflag:s14] =	ssyncadd.s32 $0xFFFFFF80  }
0x95: {  	[tilespmem:s16], [sflag:$0x3] =	stream.indirect.gather [hbm4b:s4+s15], $0x80, s28, s15, $0xb8;
	[tilespmem:$0x1F900] =	vst v63  }
0x96: {  	_ = 	snop  }
0x97: {  	[tilespmem:s15], [sflag:$0x2] =	stream.linear.gather [hbm4b:s9+s28], $0x80, $0x38;
	[tilespmem:$0x1F900] =	vst v63  }
0x98: {  	_ =	swait.ge [sflag:s17], $0x80  }
0x99: {  	[sflag:s17] =	ssyncset.done $0x0  }
0x9a: {  	[sflag:s17] =	ssyncadd.s32 $0xFFFFFF80  }
0x9b: {  	[tilespmem:s18], [sflag:$0x4] =	stream.indirect.gather [hbm4b:s4+s15], $0x80, s15, s15, $0xb8;
	[tilespmem:$0x1F900] =	vst v63  }
0x9c: {  	_ =	swait.ge [sflag:s22], $0x4000  }
0x9d: {  	[sflag:s22] =	ssyncset.done $0x0  }
0x9e: {  	s28 =	sadd.s32 $0x0, s21;
	[sflag:s22] =	ssyncadd.s32 $0xFFFFC000  }
0x9f: {  	[tilespmem:s3], [sflag:$0x1] =	stream.linear.gather [hbm4b:s28+s3], $0x80, $0x38;
	[tilespmem:$0x1F900] =	vst v63  }
0xa0: {  	s28 =	simm.s32 $0x100  }
0xa1: {  	[spmem:s2] =	stream.indirect.scatter.add.f32 [tilespmem:s16], [sflag:$0x5], $0x80, s28, s15, $0xb8;
	[tilespmem:$0x1F900] =	vst v63  }
0xa2: {  	_ =	swait.ge [sflag:s12], $0x4000  }
0xa3: {  	[sflag:s12] =	ssyncset.done $0x0  }
0xa4: {  	[sflag:s12] =	ssyncadd.s32 $0xFFFFC000  }
0xa5: {  	_ =	swait.ge [sflag:s14], $0x80  }
0xa6: {  	[sflag:s14] =	ssyncset.done $0x0  }
0xa7: {  	[sflag:s14] =	ssyncadd.s32 $0xFFFFFF80  }
0xa8: {  	[tilespmem:s16], [sflag:$0x3] =	stream.indirect.gather [hbm4b:s4+s15], $0x80, s3, s15, $0xb8;
	[tilespmem:$0x1F900] =	vst v63  }
0xa9: {  	_ =	swait.ge [sflag:s13], $0x4000  }
0xaa: {  	[sflag:s13] =	ssyncset.done $0x0  }
0xab: {  	s28 =	sadd.s32 $0x0, s20;
	[sflag:s13] =	ssyncadd.s32 $0xFFFFC000  }
0xac: {  	[tilespmem:s15], [sflag:$0x2] =	stream.linear.gather [hbm4b:s28+s3], $0x80, $0x38;
	[tilespmem:$0x1F900] =	vst v63  }
0xad: {  	s28 =	simm.s32 $0x180  }
0xae: {  	[spmem:s2] =	stream.indirect.scatter.add.f32 [tilespmem:s18], [sflag:$0x5], $0x80, s28, s15, $0xb8;
	[tilespmem:$0x1F900] =	vst v63  }
0xaf: {  	_ =	swait.ge [sflag:s12], $0x4000  }
0xb0: {  	s29 =	simm.s32 $0x20;
	[sflag:s12] =	ssyncset.done $0x0  }
.LBB2_7:
0xb1: {  	p2 =	sne.s32 s29, $0x4C0;
	[sflag:s12] =	ssyncadd.s32 $0xFFFFC000;
	s28 =	sadd.s32 $0x100, s28  }
0xb2: {  	s30 =	smov.u32 s29;
	s29 =	sadd.s32 $0x20, s29  }
0xb3: {  	_ =	swait.ge [sflag:s17], $0x80  }
0xb4: {  	[sflag:s17] =	ssyncset.done $0x0  }
0xb5: {  	[sflag:s17] =	ssyncadd.s32 $0xFFFFFF80  }
0xb6: {  	[tilespmem:s18], [sflag:$0x4] =	stream.indirect.gather [hbm4b:s4+s15], $0x80, s15, s15, $0xb8;
	[tilespmem:$0x1F900] =	vst v63  }
0xb7: {  	_ =	swait.ge [sflag:s22], $0x4000  }
0xb8: {  	[sflag:s22] =	ssyncset.done $0x0  }
0xb9: {  	s31 =	sadd.s32 s30, s21;
	[sflag:s22] =	ssyncadd.s32 $0xFFFFC000  }
0xba: {  	[tilespmem:s3], [sflag:$0x1] =	stream.linear.gather [hbm4b:s31+s3], $0x80, $0x38;
	[tilespmem:$0x1F900] =	vst v63  }
0xbb: {  	s31 =	sadd.s32 $0xFFFFFF80, s28  }
0xbc: {  	[spmem:s2] =	stream.indirect.scatter.add.f32 [tilespmem:s16], [sflag:$0x5], $0x80, s31, s15, $0xb8;
	[tilespmem:$0x1F900] =	vst v63  }
0xbd: {  	_ =	swait.ge [sflag:s12], $0x4000  }
0xbe: {  	[sflag:s12] =	ssyncset.done $0x0  }
0xbf: {  	[sflag:s12] =	ssyncadd.s32 $0xFFFFC000  }
0xc0: {  	_ =	swait.ge [sflag:s14], $0x80  }
0xc1: {  	[sflag:s14] =	ssyncset.done $0x0  }
0xc2: {  	[sflag:s14] =	ssyncadd.s32 $0xFFFFFF80  }
0xc3: {  	[tilespmem:s16], [sflag:$0x3] =	stream.indirect.gather [hbm4b:s4+s15], $0x80, s3, s15, $0xb8;
	[tilespmem:$0x1F900] =	vst v63  }
0xc4: {  	_ =	swait.ge [sflag:s13], $0x4000  }
0xc5: {  	[sflag:s13] =	ssyncset.done $0x0  }
0xc6: {  	s30 =	sadd.s32 s30, s20;
	[sflag:s13] =	ssyncadd.s32 $0xFFFFC000  }
0xc7: {  	[tilespmem:s15], [sflag:$0x2] =	stream.linear.gather [hbm4b:s30+s3], $0x80, $0x38;
	[tilespmem:$0x1F900] =	vst v63  }
.Ltmp3:
0xc8: {  	_ = 	snop;
	(pc) =	sbr.rel @p2 .LBB2_7-.Ltmp3, $4  }
0xc9: {  	_ = 	snop  }
0xca: {  	[spmem:s2] =	stream.indirect.scatter.add.f32 [tilespmem:s18], [sflag:$0x5], $0x80, s28, s15, $0xb8;
	[tilespmem:$0x1F900] =	vst v63  }
0xcb: {  	_ =	swait.ge [sflag:s12], $0x4000  }
0xcc: {  	[sflag:s12] =	ssyncset.done $0x0  }
0xcd: {  	[sflag:s12] =	ssyncadd.s32 $0xFFFFC000  }
0xce: {  	_ =	swait.ge [sflag:s17], $0x80  }
0xcf: {  	[sflag:s17] =	ssyncset.done $0x0  }
0xd0: {  	[sflag:s17] =	ssyncadd.s32 $0xFFFFFF80  }
0xd1: {  	[tilespmem:s18], [sflag:$0x4] =	stream.indirect.gather [hbm4b:s4+s15], $0x80, s15, s15, $0xb8;
	[tilespmem:$0x1F900] =	vst v63  }
0xd2: {  	_ =	swait.ge [sflag:s22], $0x4000  }
0xd3: {  	[sflag:s22] =	ssyncset.done $0x0  }
0xd4: {  	[sflag:s22] =	ssyncadd.s32 $0xFFFFC000  }
0xd5: {  	[spmem:s2] =	stream.indirect.scatter.add.f32 [tilespmem:s16], [sflag:$0x5], $0x80, s25, s15, $0xb8;
	[tilespmem:$0x1F900] =	vst v63  }
0xd6: {  	_ =	swait.ge [sflag:s12], $0x4000  }
0xd7: {  	[sflag:s12] =	ssyncset.done $0x0  }
0xd8: {  	[sflag:s12] =	ssyncadd.s32 $0xFFFFC000  }
0xd9: {  	_ =	swait.ge [sflag:s13], $0x4000  }
0xda: {  	[sflag:s13] =	ssyncset.done $0x0  }
0xdb: {  	[sflag:s13] =	ssyncadd.s32 $0xFFFFC000  }
0xdc: {  	[spmem:s2] =	stream.indirect.scatter.add.f32 [tilespmem:s18], [sflag:$0x5], $0x80, s10, s15, $0xb8;
	[tilespmem:$0x1F900] =	vst v63  }
0xdd: {  	_ =	swait.ge [sflag:s12], $0x4000  }
0xde: {  	s28 =	sshll.u32 s0, $0x6;
	s26 =	sadd.s32 $0x1, s26;
	[sflag:s12] =	ssyncset.done $0x0  }
0xdf: {  	s29 =	sshrl.u32 s6, $0x3;
	p2 =	sne.s32 s26, s24;
	[sflag:s12] =	ssyncadd.s32 $0xFFFFC000  }
.Ltmp4:
0xe0: {  	s28 =	sor.u32 $0x1C05, s28;
	[bflag:$0x0] =	sbarrier.arrive $0xFFFF;
	(pc) =	sbr.rel @p2 .LBB2_1-.Ltmp4, $4  }
0xe1: {  	[hbm:s23], [sflag:s28] =	dma.local [spmem:s29], $0x2800  }
0xe2: {  	_ =	swait.ge [sflag:s12], $0x2800  }
0xe3: {  	[sflag:s12] =	ssyncset.done $0x0  }
0xe4: {  	[sflag:s12] =	ssyncadd.s32 $0xFFFFD800  }
0xe5: {  	_ =	sfence.sel $0x180000  }
0xe6: {  	[bflag:$0x0] =	sbarrier.arrive $0xFFFF  }
0xe7: {  	_ =	strace $0x9000004D  }
0xe8: {  	[bflag:$0x2] =	sbarrier.arrive $0xFFFF  }
0xe9: {  	p0 =	sne.s32 s0, $0x0;
	s0 =	rddreg [dreg:$0x2]  }
0xea: {  	s0 =	sadd.s32 @!p0 $0x100000, s0  }
0xeb: {  	[sflag:s0] =	ssyncadd.tile.s32 @!p0 $0x1;
	_ =	shalt  }
.Lfunc_end2:
_tile_overlayer_lowered:
.L_overlay_start_2:
0xec: {  	(tag) =	ssettag $0x2  }
0xed: {  	s0 =	rddreg [dreg:$0x0];
	s2 =	stileid.u32  }
0xee: {  	s1 =	rddreg [dreg:$0x1];
	p0 =	sne.s32 s2, $0x0  }
0xef: {  	s3 =	rddreg [dreg:$0x2];
	[bflag:$0x3] =	sbarrier.arrive $0xFFFF;
	s2 =	simm.s32 @!p0 $0x1C05  }
0xf0: {  	[timem:s3], [sflag:s2] =	dma.local @!p0 [hbm:s0], s1  }
0xf1: {  	s0 =	simm.s32 @!p0 $0x5  }
0xf2: {  	_ =	swait.ge @!p0 [sflag:s0], s1  }
0xf3: {  	s1 =	ssub.s32 @!p0 $0x0, s1;
	[sflag:s0] =	ssyncset.done @!p0 $0x0  }
0xf4: {  	[sflag:s0] =	ssyncadd.s32 @!p0 s1  }
0xf5: {  	[bflag:$0x3] =	sbarrier.arrive $0xFFFF  }
0xf6: {  	_ =	shalt  }

// kernel: kernel.8.cloned.1.call-start
scs
__scs_entry_jumppad:
0x0: {  	(pc) =	sbr.rel $0x88, $3  }
0x1: {  	(tag) =	ssettag $0x0;
	lr =	simm.s32 $0x1  }
0x2: {  	[smem:$0x3F98] =	sst lr;
	_ =	strace $0xD0000000  }
0x3: {  	_ = 	snop  }
0x4: {  	_ = 	snop  }
0x5: {  	_ = 	snop  }
0x6: {  	_ = 	snop  }
0x7: {  	_ = 	snop  }
__scs_overlays_trampoline_lowered:
0x8: {  	[smem:$0x3FA7] =	sst s0  }
0x9: {  	[smem:$0x3FA8] =	sst s1  }
0xa: {  	[smem:$0x3FA9] =	sst s2  }
0xb: {  	[smem:$0x3FAA] =	sst s3  }
0xc: {  	[smem:$0x3FAB] =	sst s4  }
0xd: {  	[smem:$0x3FAC] =	sst s5  }
0xe: {  	[smem:$0x3FAD] =	sst s6  }
0xf: {  	[smem:$0x3FAE] =	sst s7  }
0x10: {  	[smem:$0x3FAF] =	sst s8  }
0x11: {  	[smem:$0x3FB0] =	sst s9;
	s0 =	simm.s32 @!p0 $0x0  }
0x12: {  	s1 =	sld [smem:$0x3F96];
	s0 =	simm.s32 @p0 $0x1  }
0x13: {  	[smem:$0x3FB1] =	sst s0;
	s0 =	simm.s32 @!p1 $0x0  }
0x14: {  	s2 =	sld [smem:$0x3F95];
	s0 =	simm.s32 @p1 $0x1  }
0x15: {  	[smem:$0x3FB2] =	sst s0;
	s0 =	simm.s32 @!p2 $0x0  }
0x16: {  	s3 =	sld [smem:$0x3FDB];
	s0 =	simm.s32 @p2 $0x1  }
0x17: {  	s4 =	simm.s32 $0x1BF5;
	[smem:$0x3FB4] =	sst s0  }
0x18: {  	s0 =	sld [smem:$0x3F97];
	_ =	swait.ge [sflag:s4], $0x0  }
0x19: {  	s7 =	sld [smem:$0x3F98]  }
0x1a: {  	s8 =	sadd.s32 $0xFFFFE003, lr  }
0x1b: {  	s9 =	sadd.s32 $0xFFFFFEF7, lr;
	s5 =	simm.s32 $0xFFFFFFFF;
	p2 =	slt.u32 s8, $0xFFFFF086  }
0x1c: {  	p1 =	slt.u32 s9, $0xF7A;
	s5 =	simm.s32 @!p2 $0x0  }
0x1d: {  	s5 =	simm.s32 @p1 $0x1;
	p0 =	seq.s32 s7, s2  }
0x1e: {  	s7 =	smul.u32 @!p0 $0xF7A, s2;
	p2 =	seq.s32 @!p0 s5, $0x0  }
0x1f: {  	s9 =	smul.u32 $0xF7A, s1;
	s8 =	simm.s32 @!p0 $0x1BF5;
	p2 =	por !p2, p0  }
0x20: {  	[sflag:s8] =	ssyncset.s32 @!p0 $0xFFFFF086;
	s6 =	sadd.s32 @!p0 s3, s7;
	s7 =	simm.s32 @!p0 $0x108  }
0x21: {  	s3 =	sadd.s32 s3, s9;
	s6 =	sadd.s32 @!p0 $0x88, s6;
	s7 =	simm.s32 @p2 $0x1082  }
0x22: {  	[simem:s7], [sflag:s8] =	dma.local @!p0 [hbm:s6], $0xF7A  }
0x23: {  	s9 =	sor.u32 $0xD0000000, s2;
	s6 =	simm.s32 $0x108;
	_ =	swait.ge @!p0 [sflag:s8], $0x0  }
0x24: {  	s3 =	sadd.s32 $0x88, s3;
	s6 =	simm.s32 @!p1 $0x1082;
	[sflag:s4] =	ssyncset.s32 $0xFFFFF086  }
0x25: {  	[simem:s6], [sflag:s4] =	dma.local [hbm:s3], $0xF7A  }
0x26: {  	[smem:$0x3F98] =	sst s1;
	(tag) =	ssettag s2;
	_ =	strace s9  }
0x27: {  	s1 =	sld [smem:$0x3FA8]  }
0x28: {  	s2 =	sld [smem:$0x3FA9]  }
0x29: {  	s4 =	sld [smem:$0x3FAB]  }
0x2a: {  	p0 =	seq.s32 s5, $0x0;
	s5 =	sld [smem:$0x3FAC]  }
0x2b: {  	s6 =	sld [smem:$0x3FAD]  }
0x2c: {  	s7 =	sld [smem:$0x3FAE]  }
0x2d: {  	s3 =	simm.s32 $0x108;
	s8 =	sld [smem:$0x3FAF]  }
0x2e: {  	s3 =	simm.s32 @!p0 $0x1082;
	s9 =	sld [smem:$0x3FB0]  }
0x2f: {  	lr =	sadd.s32 s0, s3;
	s0 =	sld [smem:$0x3FA7]  }
0x30: {  	s3 =	sld [smem:$0x3FAA]  }
0x31: {  	[smem:$0x3FB3] =	sst s10  }
0x32: {  	s10 =	sld [smem:$0x3FB1];
	_ =	sdelay $0x3  }
0x33: {  	p0 =	seq.s32 s10, $0x1;
	s10 =	sld [smem:$0x3FB3];
	_ =	sdelay $0x3  }
0x34: {  	[smem:$0x3FB3] =	sst s10  }
0x35: {  	s10 =	sld [smem:$0x3FB2];
	_ =	sdelay $0x3  }
0x36: {  	p1 =	seq.s32 s10, $0x1;
	s10 =	sld [smem:$0x3FB3];
	_ =	sdelay $0x3  }
0x37: {  	[smem:$0x3FB3] =	sst s10  }
0x38: {  	s10 =	sld [smem:$0x3FB4]  }
0x39: {  	_ = 	snop;
	(pc) =	sbr.ind lr, $3  }
0x3a: {  	_ = 	snop  }
0x3b: {  	_ = 	snop  }
0x3c: {  	p2 =	seq.s32 s10, $0x1;
	s10 =	sld [smem:$0x3FB3]  }
0x3d: {  	_ =	shalt  }
0x3e: {  	_ =	shalt  }
0x3f: {  	_ =	shalt  }
0x40: {  	_ =	shalt  }
0x41: {  	_ =	shalt  }
0x42: {  	_ =	shalt  }
0x43: {  	_ =	shalt  }
0x44: {  	_ =	shalt  }
0x45: {  	_ =	shalt  }
0x46: {  	_ =	shalt  }
0x47: {  	_ =	shalt  }
0x48: {  	_ =	shalt  }
0x49: {  	_ =	shalt  }
0x4a: {  	_ =	shalt  }
0x4b: {  	_ =	shalt  }
0x4c: {  	_ =	shalt  }
0x4d: {  	_ =	shalt  }
0x4e: {  	_ =	shalt  }
0x4f: {  	_ =	shalt  }
0x50: {  	_ =	shalt  }
0x51: {  	_ =	shalt  }
0x52: {  	_ =	shalt  }
0x53: {  	_ =	shalt  }
0x54: {  	_ =	shalt  }
0x55: {  	_ =	shalt  }
0x56: {  	_ =	shalt  }
0x57: {  	_ =	shalt  }
0x58: {  	_ =	shalt  }
0x59: {  	_ =	shalt  }
0x5a: {  	_ =	shalt  }
0x5b: {  	_ =	shalt  }
0x5c: {  	_ =	shalt  }
0x5d: {  	_ =	shalt  }
0x5e: {  	_ =	shalt  }
0x5f: {  	_ =	shalt  }
0x60: {  	_ =	shalt  }
0x61: {  	_ =	shalt  }
0x62: {  	_ =	shalt  }
0x63: {  	_ =	shalt  }
0x64: {  	_ =	shalt  }
0x65: {  	_ =	shalt  }
0x66: {  	_ =	shalt  }
0x67: {  	_ =	shalt  }
0x68: {  	_ =	shalt  }
0x69: {  	_ =	shalt  }
0x6a: {  	_ =	shalt  }
0x6b: {  	_ =	shalt  }
0x6c: {  	_ =	shalt  }
0x6d: {  	_ =	shalt  }
0x6e: {  	_ =	shalt  }
0x6f: {  	_ =	shalt  }
0x70: {  	_ =	shalt  }
0x71: {  	_ =	shalt  }
0x72: {  	_ =	shalt  }
0x73: {  	_ =	shalt  }
0x74: {  	_ =	shalt  }
0x75: {  	_ =	shalt  }
0x76: {  	_ =	shalt  }
0x77: {  	_ =	shalt  }
0x78: {  	_ =	shalt  }
0x79: {  	_ =	shalt  }
0x7a: {  	_ =	shalt  }
0x7b: {  	_ =	shalt  }
0x7c: {  	_ =	shalt  }
0x7d: {  	_ =	shalt  }
0x7e: {  	_ =	shalt  }
0x7f: {  	_ =	shalt  }
0x80: {  	_ =	shalt  }
0x81: {  	_ =	shalt  }
0x82: {  	_ =	shalt  }
0x83: {  	_ =	shalt  }
0x84: {  	_ =	shalt  }
0x85: {  	_ =	shalt  }
0x86: {  	_ =	shalt  }
0x87: {  	_ =	shalt  }
.Lfunc_end0:
.L_simem_size_0:
called_computation_lowered:
.L_overlay_start_0:
0x88: {  	s2 =	sld [smem:$0x3FD9]  }
0x89: {  	s3 =	sld [smem:$0x3FFE];
	_ =	sdelay $0x1  }
0x8a: {  	s1 =	srdreg.scid  }
0x8b: {  	s0 =	sand.u32 $0x1, s1  }
0x8c: {  	s16 =	sshll.u32 s0, $0xA;
	s2 =	sadd.s32 s3, s2  }
0x8d: {  	s2 =	sadd.s32 s2, s16  }
0x8e: {  	[smem:$0x3FBF] =	sst s2  }
0x8f: {  	_ = 	snop  }
0x90: {  	(tm) =	ssettm $0x1  }
0x91: {  	s17 =	sld [smem:$0x3FFB];
	_ =	sdelay $0x3  }
0x92: {  	_ =	strace s17  }
0x93: {  	s2 =	sld [smem:$0x3FFC];
	_ =	sdelay $0x3  }
0x94: {  	_ =	strace s2  }
0x95: {  	s2 =	sld [smem:$0x3FFD];
	_ =	sdelay $0x3  }
0x96: {  	_ =	strace s2  }
0x97: {  	_ =	strace $0x8FFFFFFF  }
0x98: {  	s18 =	sld [smem:$0x3FDB];
	_ =	sdelay $0x1  }
0x99: {  	s19 =	simm.s32 $_scs_section_size  }
0x9a: {  	s4 =	simm.s32 $_size__tile_overlayer_lowered;
	s5 =	simm.s32 $_tile_overlayer_lowered  }
0x9b: {  	s22 =	simm.s32 $0x1BFF;
	s21 =	sshll.u32 s5, $0x1;
	s2 =	sadd.s32 s19, s18  }
0x9c: {  	s6 =	simm.s32 $0x0;
	s20 =	sshll.u32 s4, $0x1;
	s4 =	sadd.s32 s21, s2  }
0x9d: {  	[timem:s6], [sflag:s22] =	dma.local [hbm:s4], s20  }
0x9e: {  	_ =	swait.ge [sflag:s22], s20  }
0x9f: {  	s3 =	ssub.s32 $0x0, s20;
	[sflag:s22] =	ssyncset.done $0x0  }
0xa0: {  	[sflag:s22] =	ssyncadd.s32 s3;
	_ =	sdelay $0x1  }
0xa1: {  	s23 =	simm.s32 $0x1B8B  }
0xa2: {  	_ =	swait.ge [sflag:s23], $0x1  }
0xa3: {  	[sflag:s23] =	ssyncset.done $0x0  }
0xa4: {  	s25 =	simm.s32 $0x1B8E;
	s24 =	sld [smem:$0x3FFE];
	[sflag:s23] =	ssyncadd.s32 $0xFFFFFFFF  }
0xa5: {  	s26 =	simm.s32 $execute0_lowered;
	[smem:$0x3FD2] =	sst s25  }
0xa6: {  	s4 =	sshll.u32 s26, $0x1;
	_ =	strace $0x80000046;
	[dreg:$0x1] =	wrdreg $0xFFFFFFFF  }
0xa7: {  	s28 =	simm.s32 $_size_execute0_lowered;
	s2 =	sadd.s32 s2, s4;
	[dreg:$0x0] =	wrdreg $0x0  }
0xa8: {  	s4 =	sshll.u32 s28, $0x1;
	[dreg:$0x2] =	wrdreg s2  }
0xa9: {  	[dreg:$0x3] =	wrdreg s4  }
0xaa: {  	[dreg:$0x4] =	wrdreg $0xC0  }
0xab: {  	_ =	task [dreg:s6], $0x5FFFF  }
0xac: {  	[dreg:$0x1] =	wrdreg $0xFFFFFFFF  }
0xad: {  	[dreg:$0x0] =	wrdreg $0x60  }
0xae: {  	[dreg:$0x2] =	wrdreg s24  }
0xaf: {  	[dreg:$0x3] =	wrdreg $0x7A800  }
0xb0: {  	[dreg:$0x4] =	wrdreg $0x9  }
0xb1: {  	_ =	task.clear_ibuf [dreg:s6], $0x5FFFF;
	_ =	strace $0x90000046  }
0xb2: {  	s29 =	simm.s32 $0x9;
	_ =	strace $0x80000048  }
0xb3: {  	_ =	swait.ge [sflag:s29], $0x1  }
0xb4: {  	[sflag:s29] =	ssyncadd.s32 $0xFFFFFFFF  }
0xb5: {  	_ =	strace $0x90000048  }
0xb6: {  	_ =	sfence  }
0xb7: {  	s30 =	sld [smem:$0x0];
	_ =	sdelay $0x2  }
0xb8: {  	s31 =	sshll.u32 s1, $0xD;
	s1 =	sshrl.u32 s1, $0x2  }
0xb9: {  	s3 =	sand.u32 $0x4000, s31;
	s1 =	sadd.s32 s1, s30  }
0xba: {  	s0 =	sor.u32 s3, s0;
	s1 =	sshll.u32 s1, $0x11  }
0xbb: {  	s0 =	sor.u32 s1, s0  }
0xbc: {  	s0 =	sadd.s32 $0x8F2B, s0  }
0xbd: {  	[sflag:s0] =	ssyncadd.remote.s32 $0x1  }
0xbe: {  	_ =	sfence.sel $0xFFFF  }
0xbf: {  	[dreg:$0x0] =	wrdreg $0xFFFFFFFF;
	(pc) =	sbr.abs _section_cstart, $3  }
0xc0: {  	[dreg:$0x1] =	wrdreg $0xFFFFFFFF  }
0xc1: {  	_ =	task.clear_ibuf [dreg:s6], $0x2FFFF;
	_ =	strace $0x9FFFFFFF  }
0xc2: {  	(tm) =	ssettm $0x7FFFFFFF  }
0xc3: {  	_ =	shalt  }
tec
execute0_lowered:
.L_overlay_start_1:
0x0: {  	(tag) =	ssettag $0x1  }
0x1: {  	s0 =	srdreg.scid  }
0x2: {  	s7 =	stileid.u32;
	s2 =	rddreg [dreg:$0x0]  }
0x3: {  	s3 =	rddreg [dreg:$0x1];
	s5 =	simm.s32 $0x0;
	s4 =	smul.u32 $0x280, s7  }
0x4: {  	s0 =	sand.u32 $0x1, s0;
	[smem:$0x7FF] =	sst s5;
	s6 =	smul.u32 $0x5000, s7  }
0x5: {  	s11 =	sshrl.u32 s7, $0x3;
	s13 =	sshll.u32 s7, $0x7;
	s10 =	smul.u32 $0x2800, s0  }
0x6: {  	s1 =	sshll.u32 s0, $0x4;
	s0 =	ssub.s32 $0x2, s0;
	s5 =	smul.u32 $0x50000, s11  }
0x7: {  	_ =	strace $0x80000047;
	s1 =	sor.u32 s7, s1;
	s12 =	sshrl.u32 s0, $0x1  }
0x8: {  	s1 =	smul.u32 $0x500, s1;
	s4 =	sadd.s32 s4, s10;
	s5 =	sshrl.u32 s5, $0x2  }
0x9: {  	s0 =	ssub.s32 s0, s12;
	s4 =	sshrl.u32 s4, $0x3;
	s5 =	sadd.s32 s5, s3  }
0xa: {  	s0 =	smax.u32 s0, $0x1;
	s1 =	sadd.s32 s1, s2;
	s2 =	sadd.s32 s4, s2  }
0xb: {  	s4 =	sand.u32 $0x380, s13;
	[dreg:$0x15] =	wrdreg s0;
	s1 =	sadd.s32 $0x2600, s1  }
0xc: {  	s6 =	sshrl.u32 s6, $0x2;
	s14 =	sadd.s32 s4, s5;
	[dreg:$0x3] =	wrdreg s1  }
0xd: {  	s5 =	sadd.s32 s6, s3;
	s7 =	sadd.s32 $0x16600, s2;
	[dreg:$0x4] =	wrdreg s14  }
0xe: {  	s15 =	sadd.s32 $0x80, s5;
	[dreg:$0x14] =	wrdreg s7  }
0xf: {  	s16 =	sadd.s32 $0x100, s5;
	[dreg:$0x5] =	wrdreg s15  }
0x10: {  	s17 =	sadd.s32 $0x180, s5;
	[dreg:$0x6] =	wrdreg s16  }
0x11: {  	s18 =	sadd.s32 $0x200, s5;
	[dreg:$0x7] =	wrdreg s17  }
0x12: {  	s19 =	sadd.s32 $0x280, s5;
	[dreg:$0x8] =	wrdreg s18  }
0x13: {  	s20 =	sadd.s32 $0x300, s5;
	[dreg:$0x9] =	wrdreg s19  }
0x14: {  	s21 =	sadd.s32 $0x380, s5;
	[dreg:$0xa] =	wrdreg s20  }
0x15: {  	s22 =	sadd.s32 $0x14000, s5;
	[dreg:$0xb] =	wrdreg s21  }
0x16: {  	s23 =	sadd.s32 $0x14080, s5;
	[dreg:$0xc] =	wrdreg s22  }
0x17: {  	s24 =	sadd.s32 $0x14100, s5;
	[dreg:$0xd] =	wrdreg s23  }
0x18: {  	s25 =	sadd.s32 $0x14180, s5;
	[dreg:$0xe] =	wrdreg s24  }
0x19: {  	s26 =	sadd.s32 $0x14200, s5;
	[dreg:$0xf] =	wrdreg s25  }
0x1a: {  	s3 =	sadd.s32 $0x14280, s5;
	[dreg:$0x10] =	wrdreg s26  }
0x1b: {  	s4 =	sadd.s32 $0x14300, s5;
	[dreg:$0x11] =	wrdreg s3  }
0x1c: {  	s6 =	sadd.s32 $0x14380, s5;
	[dreg:$0x12] =	wrdreg s4  }
0x1d: {  	s8 =	sadd.s32 $0x400, s5;
	[dreg:$0x13] =	wrdreg s6  }
0x1e: {  	s9 =	sadd.s32 $0x800, s5;
	[dreg:$0x16] =	wrdreg s8  }
0x1f: {  	s10 =	sadd.s32 $0xC00, s5;
	[dreg:$0x17] =	wrdreg s9  }
0x20: {  	s11 =	sadd.s32 $0x1000, s5;
	[dreg:$0x18] =	wrdreg s10  }
0x21: {  	s12 =	sadd.s32 $0x480, s5;
	[dreg:$0x19] =	wrdreg s11  }
0x22: {  	s13 =	sadd.s32 $0x880, s5;
	[dreg:$0x1a] =	wrdreg s12  }
0x23: {  	s14 =	sadd.s32 $0xC80, s5;
	[dreg:$0x1b] =	wrdreg s13  }
0x24: {  	s2 =	sadd.s32 $0x1200, s5;
	[dreg:$0x1c] =	wrdreg s14  }
0x25: {  	s7 =	sadd.s32 $0x1280, s5;
	[smem:$0x7E6] =	sst s2  }
0x26: {  	s15 =	sadd.s32 $0x1080, s5;
	[smem:$0x7EA] =	sst s7  }
0x27: {  	s16 =	sadd.s32 $0x500, s5;
	[dreg:$0x1d] =	wrdreg s15  }
0x28: {  	s17 =	sadd.s32 $0x900, s5;
	[dreg:$0x1e] =	wrdreg s16  }
0x29: {  	s18 =	sadd.s32 $0xD00, s5;
	[dreg:$0x1f] =	wrdreg s17  }
0x2a: {  	s19 =	sadd.s32 $0x1100, s5;
	[smem:$0x7DD] =	sst s18  }
0x2b: {  	s20 =	sadd.s32 $0x580, s5;
	[smem:$0x7DE] =	sst s19  }
0x2c: {  	s21 =	sadd.s32 $0x980, s5;
	[smem:$0x7DF] =	sst s20  }
0x2d: {  	s22 =	sadd.s32 $0xD80, s5;
	[smem:$0x7E0] =	sst s21  }
0x2e: {  	s23 =	sadd.s32 $0x1180, s5;
	[smem:$0x7E1] =	sst s22  }
0x2f: {  	s24 =	sadd.s32 $0x600, s5;
	[smem:$0x7E2] =	sst s23  }
0x30: {  	s25 =	sadd.s32 $0xA00, s5;
	[smem:$0x7E3] =	sst s24  }
0x31: {  	s26 =	sadd.s32 $0xE00, s5;
	[smem:$0x7E4] =	sst s25  }
0x32: {  	s3 =	sadd.s32 $0x680, s5;
	[smem:$0x7E5] =	sst s26  }
0x33: {  	s4 =	sadd.s32 $0xA80, s5;
	[smem:$0x7E7] =	sst s3  }
0x34: {  	s6 =	sadd.s32 $0xE80, s5;
	[smem:$0x7E8] =	sst s4  }
0x35: {  	s8 =	sadd.s32 $0x700, s5;
	[smem:$0x7E9] =	sst s6  }
0x36: {  	s9 =	sadd.s32 $0xB00, s5;
	[smem:$0x7EB] =	sst s8  }
0x37: {  	s10 =	sadd.s32 $0xF00, s5;
	[smem:$0x7EC] =	sst s9  }
0x38: {  	s11 =	sadd.s32 $0x1300, s5;
	[smem:$0x7ED] =	sst s10  }
0x39: {  	s12 =	sadd.s32 $0x780, s5;
	[smem:$0x7EE] =	sst s11  }
0x3a: {  	s13 =	sadd.s32 $0xB80, s5;
	[smem:$0x7EF] =	sst s12  }
0x3b: {  	s14 =	sadd.s32 $0xF80, s5;
	[smem:$0x7F0] =	sst s13  }
0x3c: {  	s28 =	simm.s32 $0x1;
	[smem:$0x7F1] =	sst s14;
	s15 =	sadd.s32 $0x1380, s5  }
0x3d: {  	s29 =	simm.s32 $0x2800;
	s16 =	sadd.s32 $0x14400, s5;
	[smem:$0x7F2] =	sst s15  }
0x3e: {  	s30 =	simm.s32 $0x2;
	s17 =	sadd.s32 $0x14800, s5;
	[smem:$0x7F3] =	sst s16  }
0x3f: {  	s31 =	simm.s32 $0x0;
	s18 =	sadd.s32 $0x14C00, s5;
	[smem:$0x7F4] =	sst s17  }
0x40: {  	s0 =	simm.s32 $0x0;
	s19 =	sadd.s32 $0x15000, s5;
	[smem:$0x7F5] =	sst s18  }
0x41: {  	s7 =	sadd.s32 $0x14580, s5;
	s20 =	sadd.s32 $0x14480, s5;
	[smem:$0x7F6] =	sst s19  }
0x42: {  	s21 =	sadd.s32 $0x14880, s5;
	s22 =	sadd.s32 $0x14C80, s5;
	[smem:$0x7F7] =	sst s20  }
0x43: {  	s23 =	sadd.s32 $0x15080, s5;
	s24 =	sadd.s32 $0x14500, s5;
	[smem:$0x7F8] =	sst s21  }
0x44: {  	s25 =	sadd.s32 $0x14900, s5;
	s26 =	sadd.s32 $0x14D00, s5;
	[smem:$0x7F9] =	sst s22  }
0x45: {  	s6 =	sadd.s32 $0x15100, s5;
	s8 =	sadd.s32 $0x14980, s5;
	[smem:$0x7FA] =	sst s23  }
0x46: {  	s9 =	sadd.s32 $0x14D80, s5;
	s10 =	sadd.s32 $0x15180, s5;
	[smem:$0x7FB] =	sst s24  }
0x47: {  	s11 =	sadd.s32 $0x14600, s5;
	s12 =	sadd.s32 $0x14A00, s5;
	[smem:$0x7FC] =	sst s25  }
0x48: {  	s13 =	sadd.s32 $0x14E00, s5;
	s14 =	sadd.s32 $0x15200, s5;
	[smem:$0x7FD] =	sst s26  }
0x49: {  	s15 =	sadd.s32 $0x14680, s5;
	s16 =	sadd.s32 $0x14A80, s5;
	s17 =	sadd.s32 $0x14E80, s5  }
0x4a: {  	s18 =	sadd.s32 $0x15280, s5;
	s19 =	sadd.s32 $0x14700, s5;
	s20 =	sadd.s32 $0x14B00, s5  }
0x4b: {  	s21 =	sadd.s32 $0x14F00, s5;
	s22 =	sadd.s32 $0x15300, s5;
	s23 =	sadd.s32 $0x14780, s5  }
0x4c: {  	v0 =	vimm.f32 $0.0e+00;
	v1 =	vimm.f32 $1.000000000e+00;
	s24 =	sadd.s32 $0x14B80, s5;
	s25 =	sadd.s32 $0x14F80, s5;
	s26 =	sadd.s32 $0x15380, s5  }
.LBB2_1:
0x4d: {  	s1 =	rddreg [dreg:$0x3]  }
0x4e: {  	[tilespmem:s0], [sflag:$0x1] =	stream.linear.gather [hbm4b:s1+s0], $0x2800, $0x38;
	[tilespmem:$0xA280] =	vst v63  }
0x4f: {  	s0 =	simm.s32 $0x40;
	s1 =	simm.s32 $0x0  }
.LBB2_2:
0x50: {  	p0 =	sne.s32 s0, $0x9FC0;
	[tilespmem:s1+$0x2800] =	vst v0;
	s1 =	smov.u32 s0;
	s0 =	sadd.s32 $0x40, s0  }
.Ltmp0:
0x51: {  	(pc) =	sbr.rel @p0 .LBB2_2-.Ltmp0, $2  }
0x52: {  	_ =	sdelay $0x2  }
0x53: {  	s1 =	sshra.s32 s1, $0x2  }
0x54: {  	[tilespmem:s1+$0x2800] =	vst v0;
	s0 =	simm.s32 $0x0  }
0x55: {  	_ =	swait.ge [sflag:s28], $0x2800;
	s4 =	sand.u32 $0xFE00, s0  }
0x56: {  	s0 =	sand.u32 $0x70, s0;
	[sflag:s28] =	ssyncset.done $0x0;
	s1 =	sshrl.u32 s4, $0x2  }
0x57: {  	[sflag:s28] =	ssyncadd.s32 $0xFFFFD800;
	s0 =	sor.u32 s0, s1  }
0x58: {  	v2 =	vld [tilespmem:s0+$0x0];
	_ =	sdelay $0x4  }
0x59: {  	s2 =	simm.s32 $0x40  }
0x5a: {  	s2 =	sand.u32 $0xFE00, s2;
	s1 =	simm.s32 $0x80;
	s0 =	simm.s32 $0x10  }
.LBB2_4:
0x5b: {  	p0 =	sne.s32 s1, $0x9FC0;
	s3 =	sand.u32 $0x70, s0;
	s2 =	sshrl.u32 s2, $0x2  }
0x5c: {  	s2 =	sor.u32 s3, s2;
	[tilespmem:v2+s29+$0x0] =	vst.idx.add.f32.msk $0xffff, v1  }
0x5d: {  	v2 =	vld [tilespmem:s2+$0x0];
	_ =	sdelay $0x1  }
.Ltmp1:
0x5e: {  	(pc) =	sbr.rel @p0 .LBB2_4-.Ltmp1, $2  }
0x5f: {  	_ =	sdelay $0x2  }
0x60: {  	s0 =	sadd.s32 $0x10, s0;
	s2 =	sand.u32 $0xFE00, s1;
	s1 =	sadd.s32 $0x40, s1  }
0x61: {  	_ =	sdelay $0x2  }
0x62: {  	s0 =	sand.u32 $0x70, s0;
	s1 =	sshrl.u32 s2, $0x2  }
0x63: {  	[tilespmem:v2+s29+$0x0] =	vst.idx.add.f32.msk $0xffff, v1;
	s0 =	sor.u32 s0, s1  }
0x64: {  	v2 =	vld [tilespmem:s0+$0x0];
	_ =	sdelay $0x7  }
0x65: {  	s2 =	rddreg [dreg:$0x4];
	s3 =	simm.s32 $0x80;
	s4 =	simm.s32 $0x400;
	[tilespmem:v2+s29+$0x0] =	vst.idx.add.f32.msk $0xffff, v1  }
0x66: {  	[spmem:s2] =	stream.strided.scatter [tilespmem:s29], [sflag:$0x2], $0x2800, s4, s3, $0x38;
	[tilespmem:$0xA280] =	vst v63  }
0x67: {  	_ =	swait.ge [sflag:s30], $0x2800  }
0x68: {  	[sflag:s30] =	ssyncset.done $0x0  }
0x69: {  	[sflag:s30] =	ssyncadd.s32 $0xFFFFD800  }
0x6a: {  	s2 =	simm.s32 $0x5000;
	[bflag:$0x0] =	sbarrier.arrive $0xFFFF  }
0x6b: {  	[tilespmem:s2], [sflag:$0x2] =	stream.linear.gather [spmem:s5], $0x80, $0x38;
	[tilespmem:$0xA280] =	vst v63  }
0x6c: {  	s4 =	simm.s32 $0x5400;
	s3 =	rddreg [dreg:$0x16]  }
0x6d: {  	[tilespmem:s4], [sflag:$0x2] =	stream.linear.gather [spmem:s3], $0x80, $0x38;
	[tilespmem:$0xA280] =	vst v63  }
0x6e: {  	s1 =	rddreg [dreg:$0x17];
	s2 =	simm.s32 $0x5800  }
0x6f: {  	[tilespmem:s2], [sflag:$0x2] =	stream.linear.gather [spmem:s1], $0x80, $0x38;
	[tilespmem:$0xA280] =	vst v63  }
0x70: {  	s3 =	rddreg [dreg:$0x18];
	s4 =	simm.s32 $0x5C00  }
0x71: {  	[tilespmem:s4], [sflag:$0x2] =	stream.linear.gather [spmem:s3], $0x80, $0x38;
	[tilespmem:$0xA280] =	vst v63  }
0x72: {  	s1 =	rddreg [dreg:$0x19];
	s2 =	simm.s32 $0x6000  }
0x73: {  	[tilespmem:s2], [sflag:$0x2] =	stream.linear.gather [spmem:s1], $0x80, $0x38;
	[tilespmem:$0xA280] =	vst v63  }
0x74: {  	_ =	swait.ge [sflag:s30], $0x280  }
0x75: {  	[sflag:s30] =	ssyncset.done $0x0  }
0x76: {  	s4 =	simm.s32 $0x5080;
	s3 =	rddreg [dreg:$0x5];
	[sflag:s30] =	ssyncadd.s32 $0xFFFFFD80  }
0x77: {  	[tilespmem:s4], [sflag:$0x2] =	stream.linear.gather [spmem:s3], $0x80, $0x38;
	[tilespmem:$0xA280] =	vst v63  }
0x78: {  	s2 =	simm.s32 $0x5480;
	s1 =	rddreg [dreg:$0x1a]  }
0x79: {  	[tilespmem:s2], [sflag:$0x2] =	stream.linear.gather [spmem:s1], $0x80, $0x38;
	[tilespmem:$0xA280] =	vst v63  }
0x7a: {  	s3 =	rddreg [dreg:$0x1b];
	s4 =	simm.s32 $0x5880  }
0x7b: {  	[tilespmem:s4], [sflag:$0x2] =	stream.linear.gather [spmem:s3], $0x80, $0x38;
	[tilespmem:$0xA280] =	vst v63  }
0x7c: {  	s1 =	rddreg [dreg:$0x1c];
	s2 =	simm.s32 $0x5C80  }
0x7d: {  	[tilespmem:s2], [sflag:$0x2] =	stream.linear.gather [spmem:s1], $0x80, $0x38;
	[tilespmem:$0xA280] =	vst v63  }
0x7e: {  	s3 =	rddreg [dreg:$0x1d];
	s4 =	simm.s32 $0x6080  }
0x7f: {  	[tilespmem:s4], [sflag:$0x2] =	stream.linear.gather [spmem:s3], $0x80, $0x38;
	[tilespmem:$0xA280] =	vst v63  }
0x80: {  	_ =	swait.ge [sflag:s30], $0x280  }
0x81: {  	[sflag:s30] =	ssyncset.done $0x0;
	s1 =	rddreg [dreg:$0x6]  }
0x82: {  	s2 =	simm.s32 $0x5100;
	s3 =	rddreg [dreg:$0x1e];
	[sflag:s30] =	ssyncadd.s32 $0xFFFFFD80  }
0x83: {  	[tilespmem:s2], [sflag:$0x2] =	stream.linear.gather [spmem:s1], $0x80, $0x38;
	[tilespmem:$0xA280] =	vst v63  }
0x84: {  	s4 =	simm.s32 $0x5500;
	s1 =	rddreg [dreg:$0x1f]  }
0x85: {  	[tilespmem:s4], [sflag:$0x2] =	stream.linear.gather [spmem:s3], $0x80, $0x38;
	[tilespmem:$0xA280] =	vst v63  }
0x86: {  	s2 =	simm.s32 $0x5900;
	s3 =	sld [smem:$0x7DD]  }
0x87: {  	[tilespmem:s2], [sflag:$0x2] =	stream.linear.gather [spmem:s1], $0x80, $0x38;
	[tilespmem:$0xA280] =	vst v63  }
0x88: {  	s4 =	simm.s32 $0x5D00;
	s1 =	sld [smem:$0x7DE]  }
0x89: {  	[tilespmem:s4], [sflag:$0x2] =	stream.linear.gather [spmem:s3], $0x80, $0x38;
	[tilespmem:$0xA280] =	vst v63  }
0x8a: {  	s2 =	simm.s32 $0x6100  }
0x8b: {  	[tilespmem:s2], [sflag:$0x2] =	stream.linear.gather [spmem:s1], $0x80, $0x38;
	[tilespmem:$0xA280] =	vst v63  }
0x8c: {  	_ =	swait.ge [sflag:s30], $0x280  }
0x8d: {  	[sflag:s30] =	ssyncset.done $0x0;
	s3 =	rddreg [dreg:$0x7]  }
0x8e: {  	s4 =	simm.s32 $0x5180;
	s1 =	sld [smem:$0x7DF];
	[sflag:s30] =	ssyncadd.s32 $0xFFFFFD80  }
0x8f: {  	[tilespmem:s4], [sflag:$0x2] =	stream.linear.gather [spmem:s3], $0x80, $0x38;
	[tilespmem:$0xA280] =	vst v63  }
0x90: {  	s2 =	simm.s32 $0x5580;
	s3 =	sld [smem:$0x7E0]  }
0x91: {  	[tilespmem:s2], [sflag:$0x2] =	stream.linear.gather [spmem:s1], $0x80, $0x38;
	[tilespmem:$0xA280] =	vst v63  }
0x92: {  	s4 =	simm.s32 $0x5980;
	s1 =	sld [smem:$0x7E1]  }
0x93: {  	[tilespmem:s4], [sflag:$0x2] =	stream.linear.gather [spmem:s3], $0x80, $0x38;
	[tilespmem:$0xA280] =	vst v63  }
0x94: {  	s2 =	simm.s32 $0x5D80;
	s3 =	sld [smem:$0x7E2]  }
0x95: {  	[tilespmem:s2], [sflag:$0x2] =	stream.linear.gather [spmem:s1], $0x80, $0x38;
	[tilespmem:$0xA280] =	vst v63  }
0x96: {  	s4 =	simm.s32 $0x6180  }
0x97: {  	[tilespmem:s4], [sflag:$0x2] =	stream.linear.gather [spmem:s3], $0x80, $0x38;
	[tilespmem:$0xA280] =	vst v63  }
0x98: {  	_ =	swait.ge [sflag:s30], $0x280  }
0x99: {  	[sflag:s30] =	ssyncset.done $0x0;
	s1 =	rddreg [dreg:$0x8]  }
0x9a: {  	s2 =	simm.s32 $0x5200;
	s3 =	sld [smem:$0x7E3];
	[sflag:s30] =	ssyncadd.s32 $0xFFFFFD80  }
0x9b: {  	[tilespmem:s2], [sflag:$0x2] =	stream.linear.gather [spmem:s1], $0x80, $0x38;
	[tilespmem:$0xA280] =	vst v63  }
0x9c: {  	s4 =	simm.s32 $0x5600;
	s1 =	sld [smem:$0x7E4]  }
0x9d: {  	[tilespmem:s4], [sflag:$0x2] =	stream.linear.gather [spmem:s3], $0x80, $0x38;
	[tilespmem:$0xA280] =	vst v63  }
0x9e: {  	s2 =	simm.s32 $0x5A00;
	s3 =	sld [smem:$0x7E5]  }
0x9f: {  	[tilespmem:s2], [sflag:$0x2] =	stream.linear.gather [spmem:s1], $0x80, $0x38;
	[tilespmem:$0xA280] =	vst v63  }
0xa0: {  	s4 =	simm.s32 $0x5E00;
	s1 =	sld [smem:$0x7E6]  }
0xa1: {  	[tilespmem:s4], [sflag:$0x2] =	stream.linear.gather [spmem:s3], $0x80, $0x38;
	[tilespmem:$0xA280] =	vst v63  }
0xa2: {  	s2 =	simm.s32 $0x6200  }
0xa3: {  	[tilespmem:s2], [sflag:$0x2] =	stream.linear.gather [spmem:s1], $0x80, $0x38;
	[tilespmem:$0xA280] =	vst v63  }
0xa4: {  	_ =	swait.ge [sflag:s30], $0x280  }
0xa5: {  	[sflag:s30] =	ssyncset.done $0x0;
	s3 =	rddreg [dreg:$0x9]  }
0xa6: {  	s4 =	simm.s32 $0x5280;
	s1 =	sld [smem:$0x7E7];
	[sflag:s30] =	ssyncadd.s32 $0xFFFFFD80  }
0xa7: {  	[tilespmem:s4], [sflag:$0x2] =	stream.linear.gather [spmem:s3], $0x80, $0x38;
	[tilespmem:$0xA280] =	vst v63  }
0xa8: {  	s2 =	simm.s32 $0x5680;
	s3 =	sld [smem:$0x7E8]  }
0xa9: {  	[tilespmem:s2], [sflag:$0x2] =	stream.linear.gather [spmem:s1], $0x80, $0x38;
	[tilespmem:$0xA280] =	vst v63  }
0xaa: {  	s4 =	simm.s32 $0x5A80;
	s1 =	sld [smem:$0x7E9]  }
0xab: {  	[tilespmem:s4], [sflag:$0x2] =	stream.linear.gather [spmem:s3], $0x80, $0x38;
	[tilespmem:$0xA280] =	vst v63  }
0xac: {  	s2 =	simm.s32 $0x5E80;
	s3 =	sld [smem:$0x7EA]  }
0xad: {  	[tilespmem:s2], [sflag:$0x2] =	stream.linear.gather [spmem:s1], $0x80, $0x38;
	[tilespmem:$0xA280] =	vst v63  }
0xae: {  	s4 =	simm.s32 $0x6280  }
0xaf: {  	[tilespmem:s4], [sflag:$0x2] =	stream.linear.gather [spmem:s3], $0x80, $0x38;
	[tilespmem:$0xA280] =	vst v63  }
0xb0: {  	_ =	swait.ge [sflag:s30], $0x280  }
0xb1: {  	[sflag:s30] =	ssyncset.done $0x0;
	s1 =	rddreg [dreg:$0xa]  }
0xb2: {  	s2 =	simm.s32 $0x5300;
	s3 =	sld [smem:$0x7EB];
	[sflag:s30] =	ssyncadd.s32 $0xFFFFFD80  }
0xb3: {  	[tilespmem:s2], [sflag:$0x2] =	stream.linear.gather [spmem:s1], $0x80, $0x38;
	[tilespmem:$0xA280] =	vst v63  }
0xb4: {  	s4 =	simm.s32 $0x5700;
	s1 =	sld [smem:$0x7EC]  }
0xb5: {  	[tilespmem:s4], [sflag:$0x2] =	stream.linear.gather [spmem:s3], $0x80, $0x38;
	[tilespmem:$0xA280] =	vst v63  }
0xb6: {  	s2 =	simm.s32 $0x5B00;
	s3 =	sld [smem:$0x7ED]  }
0xb7: {  	[tilespmem:s2], [sflag:$0x2] =	stream.linear.gather [spmem:s1], $0x80, $0x38;
	[tilespmem:$0xA280] =	vst v63  }
0xb8: {  	s4 =	simm.s32 $0x5F00;
	s1 =	sld [smem:$0x7EE]  }
0xb9: {  	[tilespmem:s4], [sflag:$0x2] =	stream.linear.gather [spmem:s3], $0x80, $0x38;
	[tilespmem:$0xA280] =	vst v63  }
0xba: {  	s2 =	simm.s32 $0x6300  }
0xbb: {  	[tilespmem:s2], [sflag:$0x2] =	stream.linear.gather [spmem:s1], $0x80, $0x38;
	[tilespmem:$0xA280] =	vst v63  }
0xbc: {  	_ =	swait.ge [sflag:s30], $0x280  }
0xbd: {  	[sflag:s30] =	ssyncset.done $0x0;
	s3 =	rddreg [dreg:$0xb]  }
0xbe: {  	s4 =	simm.s32 $0x5380;
	s1 =	sld [smem:$0x7EF];
	[sflag:s30] =	ssyncadd.s32 $0xFFFFFD80  }
0xbf: {  	[tilespmem:s4], [sflag:$0x2] =	stream.linear.gather [spmem:s3], $0x80, $0x38;
	[tilespmem:$0xA280] =	vst v63  }
0xc0: {  	s2 =	simm.s32 $0x5780;
	s3 =	sld [smem:$0x7F0]  }
0xc1: {  	[tilespmem:s2], [sflag:$0x2] =	stream.linear.gather [spmem:s1], $0x80, $0x38;
	[tilespmem:$0xA280] =	vst v63  }
0xc2: {  	s4 =	simm.s32 $0x5B80;
	s1 =	sld [smem:$0x7F1]  }
0xc3: {  	[tilespmem:s4], [sflag:$0x2] =	stream.linear.gather [spmem:s3], $0x80, $0x38;
	[tilespmem:$0xA280] =	vst v63  }
0xc4: {  	s2 =	simm.s32 $0x5F80;
	s3 =	sld [smem:$0x7F2]  }
0xc5: {  	[tilespmem:s2], [sflag:$0x2] =	stream.linear.gather [spmem:s1], $0x80, $0x38;
	[tilespmem:$0xA280] =	vst v63  }
0xc6: {  	s4 =	simm.s32 $0x6380  }
0xc7: {  	[tilespmem:s4], [sflag:$0x2] =	stream.linear.gather [spmem:s3], $0x80, $0x38;
	[tilespmem:$0xA280] =	vst v63  }
0xc8: {  	_ =	swait.ge [sflag:s30], $0x280  }
0xc9: {  	[sflag:s30] =	ssyncset.done $0x0;
	s1 =	rddreg [dreg:$0xc]  }
0xca: {  	s2 =	simm.s32 $0x6400;
	s3 =	sld [smem:$0x7F3];
	[sflag:s30] =	ssyncadd.s32 $0xFFFFFD80  }
0xcb: {  	[tilespmem:s2], [sflag:$0x2] =	stream.linear.gather [spmem:s1], $0x80, $0x38;
	[tilespmem:$0xA280] =	vst v63  }
0xcc: {  	s4 =	simm.s32 $0x6800;
	s1 =	sld [smem:$0x7F4]  }
0xcd: {  	[tilespmem:s4], [sflag:$0x2] =	stream.linear.gather [spmem:s3], $0x80, $0x38;
	[tilespmem:$0xA280] =	vst v63  }
0xce: {  	s2 =	simm.s32 $0x6C00;
	s3 =	sld [smem:$0x7F5]  }
0xcf: {  	[tilespmem:s2], [sflag:$0x2] =	stream.linear.gather [spmem:s1], $0x80, $0x38;
	[tilespmem:$0xA280] =	vst v63  }
0xd0: {  	s4 =	simm.s32 $0x7000;
	s1 =	sld [smem:$0x7F6]  }
0xd1: {  	[tilespmem:s4], [sflag:$0x2] =	stream.linear.gather [spmem:s3], $0x80, $0x38;
	[tilespmem:$0xA280] =	vst v63  }
0xd2: {  	s2 =	simm.s32 $0x7400  }
0xd3: {  	[tilespmem:s2], [sflag:$0x2] =	stream.linear.gather [spmem:s1], $0x80, $0x38;
	[tilespmem:$0xA280] =	vst v63  }
0xd4: {  	_ =	swait.ge [sflag:s30], $0x280  }
0xd5: {  	[sflag:s30] =	ssyncset.done $0x0;
	s3 =	rddreg [dreg:$0xd]  }
0xd6: {  	s4 =	simm.s32 $0x6480;
	s1 =	sld [smem:$0x7F7];
	[sflag:s30] =	ssyncadd.s32 $0xFFFFFD80  }
0xd7: {  	[tilespmem:s4], [sflag:$0x2] =	stream.linear.gather [spmem:s3], $0x80, $0x38;
	[tilespmem:$0xA280] =	vst v63  }
0xd8: {  	s2 =	simm.s32 $0x6880;
	s3 =	sld [smem:$0x7F8]  }
0xd9: {  	[tilespmem:s2], [sflag:$0x2] =	stream.linear.gather [spmem:s1], $0x80, $0x38;
	[tilespmem:$0xA280] =	vst v63  }
0xda: {  	s4 =	simm.s32 $0x6C80;
	s1 =	sld [smem:$0x7F9]  }
0xdb: {  	[tilespmem:s4], [sflag:$0x2] =	stream.linear.gather [spmem:s3], $0x80, $0x38;
	[tilespmem:$0xA280] =	vst v63  }
0xdc: {  	s2 =	simm.s32 $0x7080;
	s3 =	sld [smem:$0x7FA]  }
0xdd: {  	[tilespmem:s2], [sflag:$0x2] =	stream.linear.gather [spmem:s1], $0x80, $0x38;
	[tilespmem:$0xA280] =	vst v63  }
0xde: {  	s4 =	simm.s32 $0x7480  }
0xdf: {  	[tilespmem:s4], [sflag:$0x2] =	stream.linear.gather [spmem:s3], $0x80, $0x38;
	[tilespmem:$0xA280] =	vst v63  }
0xe0: {  	_ =	swait.ge [sflag:s30], $0x280  }
0xe1: {  	[sflag:s30] =	ssyncset.done $0x0;
	s1 =	rddreg [dreg:$0xe]  }
0xe2: {  	s2 =	simm.s32 $0x6500;
	s3 =	sld [smem:$0x7FB];
	[sflag:s30] =	ssyncadd.s32 $0xFFFFFD80  }
0xe3: {  	[tilespmem:s2], [sflag:$0x2] =	stream.linear.gather [spmem:s1], $0x80, $0x38;
	[tilespmem:$0xA280] =	vst v63  }
0xe4: {  	s4 =	simm.s32 $0x6900;
	s1 =	sld [smem:$0x7FC]  }
0xe5: {  	[tilespmem:s4], [sflag:$0x2] =	stream.linear.gather [spmem:s3], $0x80, $0x38;
	[tilespmem:$0xA280] =	vst v63  }
0xe6: {  	s2 =	simm.s32 $0x6D00;
	s3 =	sld [smem:$0x7FD]  }
0xe7: {  	[tilespmem:s2], [sflag:$0x2] =	stream.linear.gather [spmem:s1], $0x80, $0x38;
	[tilespmem:$0xA280] =	vst v63  }
0xe8: {  	s4 =	simm.s32 $0x7100  }
0xe9: {  	[tilespmem:s4], [sflag:$0x2] =	stream.linear.gather [spmem:s3], $0x80, $0x38;
	[tilespmem:$0xA280] =	vst v63  }
0xea: {  	s2 =	simm.s32 $0x7500  }
0xeb: {  	[tilespmem:s2], [sflag:$0x2] =	stream.linear.gather [spmem:s6], $0x80, $0x38;
	[tilespmem:$0xA280] =	vst v63  }
0xec: {  	_ =	swait.ge [sflag:s30], $0x280  }
0xed: {  	[sflag:s30] =	ssyncset.done $0x0  }
0xee: {  	s4 =	simm.s32 $0x6580;
	s3 =	rddreg [dreg:$0xf];
	[sflag:s30] =	ssyncadd.s32 $0xFFFFFD80  }
0xef: {  	[tilespmem:s4], [sflag:$0x2] =	stream.linear.gather [spmem:s3], $0x80, $0x38;
	[tilespmem:$0xA280] =	vst v63  }
0xf0: {  	s1 =	simm.s32 $0x6980  }
0xf1: {  	[tilespmem:s1], [sflag:$0x2] =	stream.linear.gather [spmem:s7], $0x80, $0x38;
	[tilespmem:$0xA280] =	vst v63  }
0xf2: {  	s2 =	simm.s32 $0x6D80  }
0xf3: {  	[tilespmem:s2], [sflag:$0x2] =	stream.linear.gather [spmem:s8], $0x80, $0x38;
	[tilespmem:$0xA280] =	vst v63  }
0xf4: {  	s3 =	simm.s32 $0x7180  }
0xf5: {  	[tilespmem:s3], [sflag:$0x2] =	stream.linear.gather [spmem:s9], $0x80, $0x38;
	[tilespmem:$0xA280] =	vst v63  }
0xf6: {  	s4 =	simm.s32 $0x7580  }
0xf7: {  	[tilespmem:s4], [sflag:$0x2] =	stream.linear.gather [spmem:s10], $0x80, $0x38;
	[tilespmem:$0xA280] =	vst v63  }
0xf8: {  	_ =	swait.ge [sflag:s30], $0x280  }
0xf9: {  	[sflag:s30] =	ssyncset.done $0x0  }
0xfa: {  	s2 =	simm.s32 $0x6600;
	s1 =	rddreg [dreg:$0x10];
	[sflag:s30] =	ssyncadd.s32 $0xFFFFFD80  }
0xfb: {  	[tilespmem:s2], [sflag:$0x2] =	stream.linear.gather [spmem:s1], $0x80, $0x38;
	[tilespmem:$0xA280] =	vst v63  }
0xfc: {  	s3 =	simm.s32 $0x6A00  }
0xfd: {  	[tilespmem:s3], [sflag:$0x2] =	stream.linear.gather [spmem:s11], $0x80, $0x38;
	[tilespmem:$0xA280] =	vst v63  }
0xfe: {  	s4 =	simm.s32 $0x6E00  }
0xff: {  	[tilespmem:s4], [sflag:$0x2] =	stream.linear.gather [spmem:s12], $0x80, $0x38;
	[tilespmem:$0xA280] =	vst v63  }
0x100: {  	s1 =	simm.s32 $0x7200  }
0x101: {  	[tilespmem:s1], [sflag:$0x2] =	stream.linear.gather [spmem:s13], $0x80, $0x38;
	[tilespmem:$0xA280] =	vst v63  }
0x102: {  	s2 =	simm.s32 $0x7600  }
0x103: {  	[tilespmem:s2], [sflag:$0x2] =	stream.linear.gather [spmem:s14], $0x80, $0x38;
	[tilespmem:$0xA280] =	vst v63  }
0x104: {  	_ =	swait.ge [sflag:s30], $0x280  }
0x105: {  	[sflag:s30] =	ssyncset.done $0x0  }
0x106: {  	s4 =	simm.s32 $0x6680;
	s3 =	rddreg [dreg:$0x11];
	[sflag:s30] =	ssyncadd.s32 $0xFFFFFD80  }
0x107: {  	[tilespmem:s4], [sflag:$0x2] =	stream.linear.gather [spmem:s3], $0x80, $0x38;
	[tilespmem:$0xA280] =	vst v63  }
0x108: {  	s1 =	simm.s32 $0x6A80  }
0x109: {  	[tilespmem:s1], [sflag:$0x2] =	stream.linear.gather [spmem:s15], $0x80, $0x38;
	[tilespmem:$0xA280] =	vst v63  }
0x10a: {  	s2 =	simm.s32 $0x6E80  }
0x10b: {  	[tilespmem:s2], [sflag:$0x2] =	stream.linear.gather [spmem:s16], $0x80, $0x38;
	[tilespmem:$0xA280] =	vst v63  }
0x10c: {  	s3 =	simm.s32 $0x7280  }
0x10d: {  	[tilespmem:s3], [sflag:$0x2] =	stream.linear.gather [spmem:s17], $0x80, $0x38;
	[tilespmem:$0xA280] =	vst v63  }
0x10e: {  	s4 =	simm.s32 $0x7680  }
0x10f: {  	[tilespmem:s4], [sflag:$0x2] =	stream.linear.gather [spmem:s18], $0x80, $0x38;
	[tilespmem:$0xA280] =	vst v63  }
0x110: {  	_ =	swait.ge [sflag:s30], $0x280  }
0x111: {  	[sflag:s30] =	ssyncset.done $0x0  }
0x112: {  	s2 =	simm.s32 $0x6700;
	s1 =	rddreg [dreg:$0x12];
	[sflag:s30] =	ssyncadd.s32 $0xFFFFFD80  }
0x113: {  	[tilespmem:s2], [sflag:$0x2] =	stream.linear.gather [spmem:s1], $0x80, $0x38;
	[tilespmem:$0xA280] =	vst v63  }
0x114: {  	s3 =	simm.s32 $0x6B00  }
0x115: {  	[tilespmem:s3], [sflag:$0x2] =	stream.linear.gather [spmem:s19], $0x80, $0x38;
	[tilespmem:$0xA280] =	vst v63  }
0x116: {  	s4 =	simm.s32 $0x6F00  }
0x117: {  	[tilespmem:s4], [sflag:$0x2] =	stream.linear.gather [spmem:s20], $0x80, $0x38;
	[tilespmem:$0xA280] =	vst v63  }
0x118: {  	s1 =	simm.s32 $0x7300  }
0x119: {  	[tilespmem:s1], [sflag:$0x2] =	stream.linear.gather [spmem:s21], $0x80, $0x38;
	[tilespmem:$0xA280] =	vst v63  }
0x11a: {  	s2 =	simm.s32 $0x7700  }
0x11b: {  	[tilespmem:s2], [sflag:$0x2] =	stream.linear.gather [spmem:s22], $0x80, $0x38;
	[tilespmem:$0xA280] =	vst v63  }
0x11c: {  	_ =	swait.ge [sflag:s30], $0x280  }
0x11d: {  	[sflag:s30] =	ssyncset.done $0x0  }
0x11e: {  	s4 =	simm.s32 $0x6780;
	s3 =	rddreg [dreg:$0x13];
	[sflag:s30] =	ssyncadd.s32 $0xFFFFFD80  }
0x11f: {  	[tilespmem:s4], [sflag:$0x2] =	stream.linear.gather [spmem:s3], $0x80, $0x38;
	[tilespmem:$0xA280] =	vst v63  }
0x120: {  	s2 =	simm.s32 $0x6B80  }
0x121: {  	[tilespmem:s2], [sflag:$0x2] =	stream.linear.gather [spmem:s23], $0x80, $0x38;
	[tilespmem:$0xA280] =	vst v63  }
0x122: {  	s3 =	simm.s32 $0x6F80  }
0x123: {  	[tilespmem:s3], [sflag:$0x2] =	stream.linear.gather [spmem:s24], $0x80, $0x38;
	[tilespmem:$0xA280] =	vst v63  }
0x124: {  	s4 =	simm.s32 $0x7380  }
0x125: {  	[tilespmem:s4], [sflag:$0x2] =	stream.linear.gather [spmem:s25], $0x80, $0x38;
	[tilespmem:$0xA280] =	vst v63  }
0x126: {  	s1 =	simm.s32 $0x7780  }
0x127: {  	[tilespmem:s1], [sflag:$0x2] =	stream.linear.gather [spmem:s26], $0x80, $0x38;
	[tilespmem:$0xA280] =	vst v63  }
0x128: {  	s2 =	simm.s32 $0x0;
	_ =	swait.ge [sflag:s30], $0x280  }
0x129: {  	s0 =	sand.u32 $0x1C00, s2;
	s3 =	sand.u32 $0x70, s2;
	[sflag:s30] =	ssyncset.done $0x0  }
0x12a: {  	s0 =	sor.u32 s3, s0;
	[sflag:s30] =	ssyncadd.s32 $0xFFFFFD80  }
0x12b: {  	v2 =	vld [tilespmem:s0+$0x5000];
	_ =	sdelay $0x1  }
0x12c: {  	v3 =	vld [tilespmem:s0+$0x5080];
	_ =	sdelay $0x1  }
0x12d: {  	v4 =	vld [tilespmem:s0+$0x5100]  }
0x12e: {  	v2 =	vadd.f32 $0.0e+00, v2  }
0x12f: {  	v5 =	vld [tilespmem:s0+$0x5180]  }
0x130: {  	v2 =	vadd.f32 v3, v2  }
0x131: {  	v3 =	vld [tilespmem:s0+$0x5200]  }
0x132: {  	v2 =	vadd.f32 v4, v2  }
0x133: {  	v56 =	vld [tilespmem:s0+$0x5280]  }
0x134: {  	v2 =	vadd.f32 v5, v2  }
0x135: {  	v57 =	vld [tilespmem:s0+$0x5300]  }
0x136: {  	v2 =	vadd.f32 v3, v2  }
0x137: {  	v3 =	vld [tilespmem:s0+$0x5380]  }
0x138: {  	v2 =	vadd.f32 v56, v2  }
0x139: {  	v58 =	vld [tilespmem:s0+$0x6400]  }
0x13a: {  	v2 =	vadd.f32 v57, v2  }
0x13b: {  	v59 =	vld [tilespmem:s0+$0x6480]  }
0x13c: {  	v2 =	vadd.f32 v3, v2  }
0x13d: {  	v3 =	vld [tilespmem:s0+$0x6500]  }
0x13e: {  	v2 =	vadd.f32 v58, v2  }
0x13f: {  	v60 =	vld [tilespmem:s0+$0x6580]  }
0x140: {  	v2 =	vadd.f32 v59, v2  }
0x141: {  	v61 =	vld [tilespmem:s0+$0x6600]  }
0x142: {  	v2 =	vadd.f32 v3, v2  }
0x143: {  	v3 =	vld [tilespmem:s0+$0x6680]  }
0x144: {  	v2 =	vadd.f32 v60, v2  }
0x145: {  	v62 =	vld [tilespmem:s0+$0x6700]  }
0x146: {  	v2 =	vadd.f32 v61, v2  }
0x147: {  	v63 =	vld [tilespmem:s0+$0x6780]  }
0x148: {  	v2 =	vadd.f32 v3, v2;
	_ =	sdelay $0x1  }
0x149: {  	v2 =	vadd.f32 v62, v2;
	_ =	sdelay $0x1  }
0x14a: {  	s2 =	simm.s32 $0x20;
	s4 =	simm.s32 $0x10;
	s0 =	simm.s32 $0x80;
	v2 =	vadd.f32 v63, v2  }
0x14b: {  	s3 =	sand.u32 $0x70, s4;
	s1 =	simm.s32 $0x7800;
	s4 =	sand.u32 $0x1C00, s0  }
.LBB2_6:
0x14c: {  	p0 =	sne.s32 s2, $0x270;
	s3 =	sor.u32 s3, s4;
	[tilespmem:s1+$0x0] =	vst v2  }
0x14d: {  	v2 =	vld [tilespmem:s3+$0x5000];
	_ =	sdelay $0x1  }
0x14e: {  	v3 =	vld [tilespmem:s3+$0x5080];
	_ =	sdelay $0x1  }
0x14f: {  	v4 =	vld [tilespmem:s3+$0x5100]  }
0x150: {  	v2 =	vadd.f32 $0.0e+00, v2  }
0x151: {  	v5 =	vld [tilespmem:s3+$0x5180]  }
0x152: {  	v2 =	vadd.f32 v3, v2  }
0x153: {  	v3 =	vld [tilespmem:s3+$0x5200]  }
0x154: {  	v2 =	vadd.f32 v4, v2  }
0x155: {  	v4 =	vld [tilespmem:s3+$0x5280]  }
0x156: {  	v2 =	vadd.f32 v5, v2  }
0x157: {  	v5 =	vld [tilespmem:s3+$0x5300]  }
0x158: {  	v2 =	vadd.f32 v3, v2  }
0x159: {  	v3 =	vld [tilespmem:s3+$0x5380]  }
0x15a: {  	v2 =	vadd.f32 v4, v2  }
0x15b: {  	v4 =	vld [tilespmem:s3+$0x6400]  }
0x15c: {  	v2 =	vadd.f32 v5, v2  }
0x15d: {  	v5 =	vld [tilespmem:s3+$0x6480]  }
0x15e: {  	v2 =	vadd.f32 v3, v2  }
0x15f: {  	v3 =	vld [tilespmem:s3+$0x6500]  }
0x160: {  	v2 =	vadd.f32 v4, v2  }
0x161: {  	v4 =	vld [tilespmem:s3+$0x6580]  }
0x162: {  	v2 =	vadd.f32 v5, v2  }
0x163: {  	v5 =	vld [tilespmem:s3+$0x6600]  }
0x164: {  	v2 =	vadd.f32 v3, v2  }
0x165: {  	v3 =	vld [tilespmem:s3+$0x6680]  }
0x166: {  	v2 =	vadd.f32 v4, v2  }
0x167: {  	v4 =	vld [tilespmem:s3+$0x6700]  }
0x168: {  	v2 =	vadd.f32 v5, v2  }
0x169: {  	v5 =	vld [tilespmem:s3+$0x6780]  }
0x16a: {  	v2 =	vadd.f32 v3, v2  }
.Ltmp2:
0x16b: {  	(pc) =	sbr.rel @p0 .LBB2_6-.Ltmp2, $3  }
0x16c: {  	v2 =	vadd.f32 v4, v2;
	_ =	sdelay $0x1  }
0x16d: {  	s0 =	sadd.s32 $0x80, s0;
	s1 =	sadd.s32 $0x10, s1;
	v2 =	vadd.f32 v5, v2  }
0x16e: {  	s4 =	sand.u32 $0x1C00, s0;
	s3 =	sand.u32 $0x70, s2;
	s2 =	sadd.s32 $0x10, s2  }
0x16f: {  	s0 =	sor.u32 s3, s4;
	[tilespmem:s1+$0x0] =	vst v2  }
0x170: {  	v2 =	vld [tilespmem:s0+$0x5000];
	_ =	sdelay $0x1  }
0x171: {  	v3 =	vld [tilespmem:s0+$0x5080];
	_ =	sdelay $0x1  }
0x172: {  	v4 =	vld [tilespmem:s0+$0x5100]  }
0x173: {  	v2 =	vadd.f32 $0.0e+00, v2  }
0x174: {  	v5 =	vld [tilespmem:s0+$0x5180]  }
0x175: {  	v2 =	vadd.f32 v3, v2  }
0x176: {  	v3 =	vld [tilespmem:s0+$0x5200]  }
0x177: {  	v2 =	vadd.f32 v4, v2  }
0x178: {  	v56 =	vld [tilespmem:s0+$0x5280]  }
0x179: {  	v2 =	vadd.f32 v5, v2  }
0x17a: {  	v57 =	vld [tilespmem:s0+$0x5300]  }
0x17b: {  	v2 =	vadd.f32 v3, v2  }
0x17c: {  	v3 =	vld [tilespmem:s0+$0x5380]  }
0x17d: {  	v2 =	vadd.f32 v56, v2  }
0x17e: {  	v58 =	vld [tilespmem:s0+$0x6400]  }
0x17f: {  	v2 =	vadd.f32 v57, v2  }
0x180: {  	v59 =	vld [tilespmem:s0+$0x6480]  }
0x181: {  	v2 =	vadd.f32 v3, v2  }
0x182: {  	v3 =	vld [tilespmem:s0+$0x6500]  }
0x183: {  	v2 =	vadd.f32 v58, v2  }
0x184: {  	v60 =	vld [tilespmem:s0+$0x6580]  }
0x185: {  	v2 =	vadd.f32 v59, v2  }
0x186: {  	v61 =	vld [tilespmem:s0+$0x6600]  }
0x187: {  	v2 =	vadd.f32 v3, v2  }
0x188: {  	v3 =	vld [tilespmem:s0+$0x6680]  }
0x189: {  	v2 =	vadd.f32 v60, v2  }
0x18a: {  	v62 =	vld [tilespmem:s0+$0x6700]  }
0x18b: {  	v2 =	vadd.f32 v61, v2  }
0x18c: {  	v63 =	vld [tilespmem:s0+$0x6780]  }
0x18d: {  	v2 =	vadd.f32 v3, v2;
	_ =	sdelay $0x1  }
0x18e: {  	v2 =	vadd.f32 v62, v2;
	_ =	sdelay $0x1  }
0x18f: {  	v2 =	vadd.f32 v63, v2  }
0x190: {  	s2 =	sadd.s32 $0x10, s1  }
0x191: {  	s3 =	rddreg [dreg:$0x14];
	s0 =	simm.s32 $0x0;
	[tilespmem:s2+$0x0] =	vst v2;
	s2 =	simm.s32 $0x7800  }
0x192: {  	[hbm4b:s3+s0] =	stream.linear.scatter [tilespmem:s2], [sflag:$0x2], $0x280, $0x38;
	[tilespmem:$0xA280] =	vst v63  }
0x193: {  	_ =	swait.ge [sflag:s30], $0x280  }
0x194: {  	s31 =	sadd.s32 $0x1, s31;
	s4 =	rddreg [dreg:$0x15]  }
0x195: {  	p0 =	sne.s32 s31, s4  }
.Ltmp3:
0x196: {  	_ = 	snop;
	(pc) =	sbr.rel @p0 .LBB2_1-.Ltmp3, $3  }
0x197: {  	_ =	sdelay $0x1  }
0x198: {  	[sflag:s30] =	ssyncset.done $0x0  }
0x199: {  	[sflag:s30] =	ssyncadd.s32 $0xFFFFFD80  }
0x19a: {  	_ =	sfence.sel $0x180000  }
0x19b: {  	[bflag:$0x0] =	sbarrier.arrive $0xFFFF  }
0x19c: {  	_ =	strace $0x90000047  }
0x19d: {  	s0 =	stileid.u32;
	[bflag:$0x2] =	sbarrier.arrive $0xFFFF  }
0x19e: {  	p0 =	sne.s32 s0, $0x0;
	s0 =	rddreg [dreg:$0x2]  }
0x19f: {  	s0 =	sadd.s32 @!p0 $0x100000, s0  }
0x1a0: {  	[sflag:s0] =	ssyncadd.tile.s32 @!p0 $0x1;
	_ =	shalt  }
.Lfunc_end2:
_tile_overlayer_lowered:
.L_overlay_start_2:
0x1a1: {  	(tag) =	ssettag $0x2  }
0x1a2: {  	s0 =	rddreg [dreg:$0x0];
	s2 =	stileid.u32  }
0x1a3: {  	s1 =	rddreg [dreg:$0x1];
	p0 =	sne.s32 s2, $0x0  }
0x1a4: {  	s3 =	rddreg [dreg:$0x2];
	[bflag:$0x3] =	sbarrier.arrive $0xFFFF;
	s2 =	simm.s32 @!p0 $0x1C02  }
0x1a5: {  	[timem:s3], [sflag:s2] =	dma.local @!p0 [hbm:s0], s1  }
0x1a6: {  	s0 =	simm.s32 @!p0 $0x2  }
0x1a7: {  	_ =	swait.ge @!p0 [sflag:s0], s1  }
0x1a8: {  	s1 =	ssub.s32 @!p0 $0x0, s1;
	[sflag:s0] =	ssyncset.done @!p0 $0x0  }
0x1a9: {  	[sflag:s0] =	ssyncadd.s32 @!p0 s1  }
0x1aa: {  	[bflag:$0x3] =	sbarrier.arrive $0xFFFF  }
0x1ab: {  	_ =	shalt  }

</sc_bundles>
